<compile_context>
chip_gen: v7x
topology: tpu7x:2x2x1
jax: 0.10.2.dev20260603
libtpu: 0.0.44.dev20260713+nightly
codegen_flags: <defaults>
</compile_context>

<pallas_src>
import functools

import jax
import jax.numpy as jnp
from jax import lax
from jax.experimental import pallas as pl
from jax.experimental.pallas import tpu as pltpu
from jax.experimental.pallas import tpu_sc as plsc

N = 10000
D = 128
H = 8
HD = 16
NCLS = 40

NP = 10240
NC = 2
NS = 16
NW = NC * NS
CH = 112
DS = 144
DD = 16
ROWS_PER_TILE = NP // NS


def _edge_pass(src_tab, dst_tab, ids2, nch0, nch1):
  assert nch0 % 2 == 1 and nch1 % 2 == 1 and min(nch0, nch1) >= 3
  mesh = plsc.VectorSubcoreMesh(core_axis_name="c", subcore_axis_name="s")

  @functools.partial(
      pl.kernel,
      out_type=jax.ShapeDtypeStruct((NC, NP, DS), jnp.float32),
      mesh=mesh,
      compiler_params=pltpu.CompilerParams(use_tc_tiling_on_sc=False),
      scratch_types=[
          pltpu.VMEM((2, CH), jnp.int32),
          pltpu.VMEM((2, CH), jnp.int32),
          pltpu.VMEM((CH, DS), jnp.float32),
          pltpu.VMEM((CH, DS), jnp.float32),
          pltpu.VMEM((CH, DD), jnp.float32),
          pltpu.VMEM((CH, DD), jnp.float32),
          pltpu.VMEM_SHARED((NP, DS), jnp.float32),
          pltpu.SemaphoreType.DMA,
          pltpu.SemaphoreType.DMA,
          pltpu.SemaphoreType.DMA,
          pltpu.SemaphoreType.DMA,
          pltpu.SemaphoreType.DMA,
          pltpu.SemaphoreType.DMA,
      ],
  )
  def k(stab, dtab, idh, out, ibA, ibB, rowsA, rowsB, drowsA, drowsB, acc,
        siA, siB, sgA, sgB, sdA, sdB):
    c = lax.axis_index("c")
    s = lax.axis_index("s")
    cbase = jnp.where(c == 0, s * nch0, NS * nch0 + s * nch1)
    nch = jnp.where(c == 0, nch0, nch1)

    pltpu.async_copy(idh.at[cbase + 0], ibA, siA)
    pltpu.async_copy(idh.at[cbase + 1], ibB, siB)

    zero = jnp.zeros((16,), jnp.float32)

    def zrow(r, carry):
      for j in range(DS // 16):
        rowsA[r, pl.ds(j * 16, 16)] = zero
      return carry

    lax.fori_loop(0, CH, zrow, 0)
    rbase = s * ROWS_PER_TILE
    for kk in range(ROWS_PER_TILE // CH):
      pltpu.sync_copy(rowsA, acc.at[pl.ds(rbase + kk * CH, CH)])
    rem = ROWS_PER_TILE % CH
    if rem:
      pltpu.sync_copy(rowsA.at[pl.ds(0, rem)],
                      acc.at[pl.ds(rbase + ROWS_PER_TILE - rem, rem)])
    plsc.subcore_barrier()

    def start_idx(i, ib, si):
      pltpu.async_copy(idh.at[cbase + i], ib, si)

    def wait_idx(i, ib, si):
      pltpu.make_async_copy(idh.at[cbase + i], ib, si).wait()

    def start_g(ib, rows, drows, sg, sd):
      pltpu.async_copy(stab.at[ib.at[0]], rows, sg)
      pltpu.async_copy(dtab.at[ib.at[1]], drows, sd)

    def wait_g(ib, rows, drows, sg, sd):
      pltpu.make_async_copy(stab.at[ib.at[0]], rows, sg).wait()
      pltpu.make_async_copy(dtab.at[ib.at[1]], drows, sd).wait()

    def compute(rows, drows):
      def edge(e, ecarry):
        av = rows[e, pl.ds(D, 16)]
        dv = drows[e, :]
        t = av + dv
        t = jnp.maximum(t, t * jnp.float32(0.2))
        ex = jnp.exp(t)
        rows[e, pl.ds(D, 16)] = ex
        for h in range(H):
          rows[e, pl.ds(h * HD, HD)] = rows[e, pl.ds(h * HD, HD)] * ex[h]
        return ecarry

      lax.fori_loop(0, CH, edge, 0)

    def scatter(rows, ib):
      pltpu.sync_copy(rows, acc.at[ib.at[1]], add=True)

    wait_idx(0, ibA, siA)
    start_g(ibA, rowsA, drowsA, sgA, sdA)

    nj = (nch - 1) // 2

    def body(j, carry):
      ka = 2 * j
      wait_idx(ka + 1, ibB, siB)
      start_g(ibB, rowsB, drowsB, sgB, sdB)
      wait_g(ibA, rowsA, drowsA, sgA, sdA)
      compute(rowsA, drowsA)
      scatter(rowsA, ibA)
      start_idx(ka + 2, ibA, siA)
      wait_idx(ka + 2, ibA, siA)
      start_g(ibA, rowsA, drowsA, sgA, sdA)
      wait_g(ibB, rowsB, drowsB, sgB, sdB)
      compute(rowsB, drowsB)
      scatter(rowsB, ibB)

      @pl.when(j < nj - 1)
      def _():
        start_idx(ka + 3, ibB, siB)

      return carry

    lax.fori_loop(0, nj, body, 0)

    wait_g(ibA, rowsA, drowsA, sgA, sdA)
    compute(rowsA, drowsA)
    scatter(rowsA, ibA)

    plsc.subcore_barrier()
    pltpu.sync_copy(acc.at[pl.ds(s * ROWS_PER_TILE, ROWS_PER_TILE)],
                    out.at[c, pl.ds(s * ROWS_PER_TILE, ROWS_PER_TILE)])

  return k(src_tab, dst_tab, ids2)


def _tc_tables(xp, Wa, Wb):

  def body(x_ref, wa_ref, wb_ref, o1_ref, o2_ref):
    x = x_ref[...]
    o1_ref[...] = jnp.dot(x, wa_ref[...], preferred_element_type=jnp.float32)
    o2_ref[...] = jnp.dot(x, wb_ref[...], preferred_element_type=jnp.float32)

  return pl.pallas_call(
      body,
      grid=(NP // 256,),
      in_specs=[
          pl.BlockSpec((256, D), lambda i: (i, 0)),
          pl.BlockSpec((D, DS), lambda i: (0, 0)),
          pl.BlockSpec((D, DD), lambda i: (0, 0)),
      ],
      out_specs=[
          pl.BlockSpec((256, DS), lambda i: (i, 0)),
          pl.BlockSpec((256, DD), lambda i: (i, 0)),
      ],
      out_shape=[
          jax.ShapeDtypeStruct((NP, DS), jnp.float32),
          jax.ShapeDtypeStruct((NP, DD), jnp.float32),
      ],
  )(xp, Wa, Wb)


def _tc_mid(P, R, Wa, Wb):

  def body(p0_ref, p1_ref, r_ref, wa_ref, wb_ref, o1_ref, o2_ref):
    p0 = p0_ref[0]
    p1 = p1_ref[0]
    m = p0[:, :D] + p1[:, :D]
    sden = p0[:, D:D + H] + p1[:, D:D + H] + jnp.float32(1e-16)
    den = jnp.dot(sden, r_ref[...], preferred_element_type=jnp.float32)
    h = jnp.maximum(m / den, 0.0)
    o1_ref[...] = jnp.dot(h, wa_ref[...], preferred_element_type=jnp.float32)
    o2_ref[...] = jnp.dot(h, wb_ref[...], preferred_element_type=jnp.float32)

  return pl.pallas_call(
      body,
      grid=(NP // 256,),
      in_specs=[
          pl.BlockSpec((1, 256, DS), lambda i: (0, i, 0)),
          pl.BlockSpec((1, 256, DS), lambda i: (1, i, 0)),
          pl.BlockSpec((H, D), lambda i: (0, 0)),
          pl.BlockSpec((D, DS), lambda i: (0, 0)),
          pl.BlockSpec((D, DD), lambda i: (0, 0)),
      ],
      out_specs=[
          pl.BlockSpec((256, DS), lambda i: (i, 0)),
          pl.BlockSpec((256, DD), lambda i: (i, 0)),
      ],
      out_shape=[
          jax.ShapeDtypeStruct((NP, DS), jnp.float32),
          jax.ShapeDtypeStruct((NP, DD), jnp.float32),
      ],
  )(P, P, R, Wa, Wb)


def _tc_head(P, R, Wfc, bfc):

  def body(p0_ref, p1_ref, r_ref, w_ref, b_ref, o_ref):
    p0 = p0_ref[0]
    p1 = p1_ref[0]
    m = p0[:, :D] + p1[:, :D]
    sden = p0[:, D:D + H] + p1[:, D:D + H] + jnp.float32(1e-16)
    den = jnp.dot(sden, r_ref[...], preferred_element_type=jnp.float32)
    h = jnp.maximum(m / den, 0.0)
    logits = jnp.dot(h, w_ref[...], preferred_element_type=jnp.float32)
    logits = logits + b_ref[...]
    mx = jnp.max(logits, axis=1, keepdims=True)
    e = jnp.exp(logits - mx)
    lse = jnp.log(jnp.sum(e, axis=1, keepdims=True)) + mx
    o_ref[...] = logits - lse

  return pl.pallas_call(
      body,
      grid=(NP // 256,),
      in_specs=[
          pl.BlockSpec((1, 256, DS), lambda i: (0, i, 0)),
          pl.BlockSpec((1, 256, DS), lambda i: (1, i, 0)),
          pl.BlockSpec((H, D), lambda i: (0, 0)),
          pl.BlockSpec((D, NCLS), lambda i: (0, 0)),
          pl.BlockSpec((1, NCLS), lambda i: (0, 0)),
      ],
      out_specs=pl.BlockSpec((256, NCLS), lambda i: (i, 0)),
      out_shape=jax.ShapeDtypeStruct((NP, NCLS), jnp.float32),
  )(P, P, R, Wfc, bfc)


def kernel(x, edge_index, W1, a1_src, a1_dst, W2, a2_src, a2_dst, Wfc, bfc):
  E = edge_index.shape[1]
  nch = -(-E // (NW * CH))
  if nch % 2 == 0:
    nch += 1
  epad = nch * CH * NW
  delta = 20
  nch0, nch1 = nch + delta, nch - delta

  src = edge_index[0].astype(jnp.int32)
  dst = edge_index[1].astype(jnp.int32)
  if epad > E:
    pad = jnp.full((epad - E,), N, jnp.int32)
    src = jnp.concatenate([src, pad])
    dst = jnp.concatenate([dst, pad])
  ids2 = jnp.stack([src.reshape(-1, CH), dst.reshape(-1, CH)], axis=1)
  xp = jnp.pad(x, ((0, NP - N), (0, 0)))

  rep = jnp.repeat(jnp.eye(H, dtype=jnp.float32), HD, axis=0)
  z8 = jnp.zeros((D, H), jnp.float32)
  As1 = a1_src.reshape(-1, 1) * rep
  Ad1 = a1_dst.reshape(-1, 1) * rep
  Wa1 = jnp.concatenate([W1, W1 @ As1, z8], axis=1)
  Wb1 = jnp.concatenate([W1 @ Ad1, z8], axis=1)
  As2 = a2_src.reshape(-1, 1) * rep
  Ad2 = a2_dst.reshape(-1, 1) * rep
  Wa2 = jnp.concatenate([W2, W2 @ As2, z8], axis=1)
  Wb2 = jnp.concatenate([W2 @ Ad2, z8], axis=1)
  R = jnp.repeat(jnp.eye(H, dtype=jnp.float32), HD, axis=1)

  t1, d1 = _tc_tables(xp, Wa1, Wb1)
  P1 = _edge_pass(t1, d1, ids2, nch0, nch1)
  t2, d2 = _tc_mid(P1, R, Wa2, Wb2)
  P2 = _edge_pass(t2, d2, ids2, nch0, nch1)
  out = _tc_head(P2, R, Wfc, bfc.reshape(1, NCLS))
  return out[:N]

# --- scband reference (transcript-rebuilt; emitter-appended) ---
"""Pipeline reference for scband-gnnexpert-18554258719474 (READ-ONLY COPY).

The authoritative reference and input builder live on the scoring server;
editing this copy changes nothing except your own understanding.
"""

import jax, jax.numpy as jnp
import numpy as np

N = 10000
E = 320000
D_IN = 128
HEADS = 8
HID = 16
NUM_CLASSES = 40


def setup_inputs(seed: int = 0) -> dict:
    key = jax.random.key(seed)
    ks = jax.random.split(key, 10)
    x = jax.random.normal(ks[0], (N, D_IN), dtype=jnp.float32)
    edge_index = jax.random.randint(ks[1], (2, E), 0, N, dtype=jnp.int64)
    # GATConv1: in=128 -> heads*hid = 8*16 = 128
    W1 = jax.random.normal(ks[2], (D_IN, HEADS * HID), dtype=jnp.float32) * 0.05
    a1_src = jax.random.normal(ks[3], (HEADS, HID), dtype=jnp.float32) * 0.05
    a1_dst = jax.random.normal(ks[4], (HEADS, HID), dtype=jnp.float32) * 0.05
    # GATConv2: in=128 -> heads*hid = 128
    W2 = jax.random.normal(ks[5], (HEADS * HID, HEADS * HID), dtype=jnp.float32) * 0.05
    a2_src = jax.random.normal(ks[6], (HEADS, HID), dtype=jnp.float32) * 0.05
    a2_dst = jax.random.normal(ks[7], (HEADS, HID), dtype=jnp.float32) * 0.05
    # final linear: heads*hid -> num_classes
    Wfc = jax.random.normal(ks[8], (HEADS * HID, NUM_CLASSES), dtype=jnp.float32) * 0.05
    bfc = jnp.zeros((NUM_CLASSES,), dtype=jnp.float32)
    return {"x": x, "edge_index": edge_index, "W1": W1, "a1_src": a1_src,
            "a1_dst": a1_dst, "W2": W2, "a2_src": a2_src, "a2_dst": a2_dst,
            "Wfc": Wfc, "bfc": bfc}


def _gat_conv(x, src, dst, W, a_src, a_dst):
    # x: [N, d_in], W: [d_in, H*HD], a_src/a_dst: [H, HD]
    xw = (x @ W).reshape(-1, HEADS, HID)            # [N, H, HD]
    alpha_s = jnp.sum(xw * a_src[None, :, :], axis=-1)  # [N, H]
    alpha_d = jnp.sum(xw * a_dst[None, :, :], axis=-1)  # [N, H]
    e = alpha_s[src] + alpha_d[dst]                 # [E, H] gather
    e = jax.nn.leaky_relu(e, negative_slope=0.2)
    # numerically stable segment softmax over incoming edges per dst node
    emax = jax.ops.segment_max(e, dst, num_segments=N)
    emax = jnp.where(jnp.isfinite(emax), emax, 0.0)
    emax = jax.lax.stop_gradient(emax)
    ex = jnp.exp(e - emax[dst])
    denom = jax.ops.segment_sum(ex, dst, num_segments=N)
    alpha = ex / (denom[dst] + 1e-16)               # [E, H]
    msg = xw[src] * alpha[:, :, None]               # [E, H, HD] gather
    out = jax.ops.segment_sum(msg, dst, num_segments=N)  # scatter-add
    return out.reshape(-1, HEADS * HID)


def reference(x, edge_index, W1, a1_src, a1_dst, W2, a2_src, a2_dst, Wfc, bfc):
    src = edge_index[0]
    dst = edge_index[1]
    h = jax.nn.relu(_gat_conv(x, src, dst, W1, a1_src, a1_dst))
    # original code's simd_attention call is broken (undefined fn / self.fc2);
    # treated as identity pass-through of h
    h = jax.nn.relu(_gat_conv(h, src, dst, W2, a2_src, a2_dst))
    # dropout in eval mode = identity
    logits = h @ Wfc + bfc
    return jax.nn.log_softmax(logits, axis=1)

if __name__ == "__main__":
    import jax
    _d = setup_inputs()
    print(jax.jit(kernel)(*tuple(_d.values())))

</pallas_src>

<mosaic_0001>
#map = affine_map<(d0, d1) -> (0, 0)>
#map1 = affine_map<(d0, d1) -> (0, 0, 0)>
module attributes {stable_mosaic.version = 14 : i64} {
  func.func @k(%arg0: i32, %arg1: i32, %arg2: memref<10240x144xf32, #tpu.memory_space<hbm>>, %arg3: memref<10240x16xf32, #tpu.memory_space<hbm>>, %arg4: memref<2912x2x112xi32, #tpu.memory_space<hbm>>, %arg5: memref<2x10240x144xf32, #tpu.memory_space<hbm>>, %arg6: memref<2x112xi32, #tpu.memory_space<vmem>>, %arg7: memref<2x112xi32, #tpu.memory_space<vmem>>, %arg8: memref<112x144xf32, #tpu.memory_space<vmem>>, %arg9: memref<112x144xf32, #tpu.memory_space<vmem>>, %arg10: memref<112x16xf32, #tpu.memory_space<vmem>>, %arg11: memref<112x16xf32, #tpu.memory_space<vmem>>, %arg12: memref<10240x144xf32, #tpu.memory_space<vmem_shared>>, %arg13: memref<!tpu.dma_semaphore, #tpu.memory_space<semaphore_mem>>, %arg14: memref<!tpu.dma_semaphore, #tpu.memory_space<semaphore_mem>>, %arg15: memref<!tpu.dma_semaphore, #tpu.memory_space<semaphore_mem>>, %arg16: memref<!tpu.dma_semaphore, #tpu.memory_space<semaphore_mem>>, %arg17: memref<!tpu.dma_semaphore, #tpu.memory_space<semaphore_mem>>, %arg18: memref<!tpu.dma_semaphore, #tpu.memory_space<semaphore_mem>>) attributes {dimension_semantics = [#tpu.dimension_semantics<core_parallel>, #tpu.dimension_semantics<subcore_parallel>], iteration_bounds = array<i64: 2, 16>, scalar_prefetch = 0 : i64, scratch_operands = 13 : i64, tpu.core_type = #tpu.core_type<sc_vector_subcore>, window_params = [{transform_indices = #map}, {transform_indices = #map}, {transform_indices = #map1}, {transform_indices = #map1}]} {
    %eq3A = arith.constant 0 : i32
    %eq3A_0 = arith.cmpi eq, %arg0, %eq3A : i32
    %mul3A = arith.constant 111 : i32
    %mul3A_1 = arith.muli %arg1, %mul3A : i32
    %mul3A_2 = arith.constant 71 : i32
    %mul3A_3 = arith.muli %arg1, %mul3A_2 : i32
    %add3A = arith.constant 1776 : i32
    %add3A_4 = arith.addi %add3A, %mul3A_3 : i32
    %select_n3A = arith.select %eq3A_0, %mul3A_1, %add3A_4 : i32
    %eq3A_5 = arith.constant 0 : i32
    %eq3A_6 = arith.cmpi eq, %arg0, %eq3A_5 : i32
    %jit3A = arith.constant 111 : i32
    %jit3A_7 = arith.constant 71 : i32
    %select_n3A_8 = arith.select %eq3A_6, %jit3A, %jit3A_7 : i32
    %add3A_9 = arith.constant 0 : i32
    %add3A_10 = arith.addi %select_n3A, %add3A_9 : i32
    %dma_start3A = arith.constant 0 : i32
    %dma_start3A_11 = arith.constant 0 : i32
    %dma_start3A_12 = tpu.memref_slice %arg4[%add3A_10, %dma_start3A, %dma_start3A_11] : memref<2912x2x112xi32, #tpu.memory_space<hbm>> -> memref<1x2x112xi32, #tpu.memory_space<hbm>>
    %dma_start3A_13 = tpu.memref_squeeze %dma_start3A_12 : memref<1x2x112xi32, #tpu.memory_space<hbm>> -> memref<2x112xi32, #tpu.memory_space<hbm>>
    %dma_start3A_14 = arith.constant 0 : i32
    %dma_start3A_15 = arith.constant 0 : i32
    %dma_start3A_16 = tpu.memref_slice %arg4[%add3A_10, %dma_start3A_14, %dma_start3A_15] : memref<2912x2x112xi32, #tpu.memory_space<hbm>> -> memref<1x2x112xi32, #tpu.memory_space<hbm>>
    %dma_start3A_17 = tpu.memref_squeeze %dma_start3A_16 : memref<1x2x112xi32, #tpu.memory_space<hbm>> -> memref<2x112xi32, #tpu.memory_space<hbm>>
    tpu.enqueue_dma source(%dma_start3A_17 : memref<2x112xi32, #tpu.memory_space<hbm>>) target(%arg6 : memref<2x112xi32, #tpu.memory_space<vmem>>) target_semaphore(%arg13 : memref<!tpu.dma_semaphore, #tpu.memory_space<semaphore_mem>>)
    %add3A_18 = arith.constant 1 : i32
    %add3A_19 = arith.addi %select_n3A, %add3A_18 : i32
    %dma_start3A_20 = arith.constant 0 : i32
    %dma_start3A_21 = arith.constant 0 : i32
    %dma_start3A_22 = tpu.memref_slice %arg4[%add3A_19, %dma_start3A_20, %dma_start3A_21] : memref<2912x2x112xi32, #tpu.memory_space<hbm>> -> memref<1x2x112xi32, #tpu.memory_space<hbm>>
    %dma_start3A_23 = tpu.memref_squeeze %dma_start3A_22 : memref<1x2x112xi32, #tpu.memory_space<hbm>> -> memref<2x112xi32, #tpu.memory_space<hbm>>
    %dma_start3A_24 = arith.constant 0 : i32
    %dma_start3A_25 = arith.constant 0 : i32
    %dma_start3A_26 = tpu.memref_slice %arg4[%add3A_19, %dma_start3A_24, %dma_start3A_25] : memref<2912x2x112xi32, #tpu.memory_space<hbm>> -> memref<1x2x112xi32, #tpu.memory_space<hbm>>
    %dma_start3A_27 = tpu.memref_squeeze %dma_start3A_26 : memref<1x2x112xi32, #tpu.memory_space<hbm>> -> memref<2x112xi32, #tpu.memory_space<hbm>>
    tpu.enqueue_dma source(%dma_start3A_27 : memref<2x112xi32, #tpu.memory_space<hbm>>) target(%arg7 : memref<2x112xi32, #tpu.memory_space<vmem>>) target_semaphore(%arg14 : memref<!tpu.dma_semaphore, #tpu.memory_space<semaphore_mem>>)
    %broadcast_in_dim3A = arith.constant 0.000000e+00 : f32
    %broadcast_in_dim3A_28 = vector.broadcast %broadcast_in_dim3A : f32 to vector<16xf32>
    %scan3A = arith.constant 0 : i32
    %scan3A_29 = arith.constant 0 : i32
    %scan3A_30 = arith.constant 112 : i32
    %scan3A_31 = arith.addi %scan3A_29, %scan3A_30 : i32
    %scan3A_32 = arith.constant 1 : i32
    scf.for %scan3A_127 = %scan3A_29 to %scan3A_31 step %scan3A_32  : i32 {
      %swap3A = arith.index_cast %scan3A_127 : i32 to index
      %swap3A_128 = arith.constant 0 : index
      %swap3A_129 = tpu.vector_load %arg8[%swap3A, %swap3A_128] {strides = array<i32>} : memref<112x144xf32, #tpu.memory_space<vmem>>, vector<1x16xf32>,
      %swap3A_130 = vector.shape_cast %swap3A_129 : vector<1x16xf32> to vector<16xf32>
      %swap3A_131 = vector.shape_cast %broadcast_in_dim3A_28 : vector<16xf32> to vector<1x16xf32>
      tpu.vector_store %arg8[%swap3A, %swap3A_128], %swap3A_131 {strides = array<i32>} : memref<112x144xf32, #tpu.memory_space<vmem>>, vector<1x16xf32>,
      %swap3A_132 = arith.index_cast %scan3A_127 : i32 to index
      %swap3A_133 = arith.constant 16 : index
      %swap3A_134 = tpu.vector_load %arg8[%swap3A_132, %swap3A_133] {strides = array<i32>} : memref<112x144xf32, #tpu.memory_space<vmem>>, vector<1x16xf32>,
      %swap3A_135 = vector.shape_cast %swap3A_134 : vector<1x16xf32> to vector<16xf32>
      %swap3A_136 = vector.shape_cast %broadcast_in_dim3A_28 : vector<16xf32> to vector<1x16xf32>
      tpu.vector_store %arg8[%swap3A_132, %swap3A_133], %swap3A_136 {strides = array<i32>} : memref<112x144xf32, #tpu.memory_space<vmem>>, vector<1x16xf32>,
      %swap3A_137 = arith.index_cast %scan3A_127 : i32 to index
      %swap3A_138 = arith.constant 32 : index
      %swap3A_139 = tpu.vector_load %arg8[%swap3A_137, %swap3A_138] {strides = array<i32>} : memref<112x144xf32, #tpu.memory_space<vmem>>, vector<1x16xf32>,
      %swap3A_140 = vector.shape_cast %swap3A_139 : vector<1x16xf32> to vector<16xf32>
      %swap3A_141 = vector.shape_cast %broadcast_in_dim3A_28 : vector<16xf32> to vector<1x16xf32>
      tpu.vector_store %arg8[%swap3A_137, %swap3A_138], %swap3A_141 {strides = array<i32>} : memref<112x144xf32, #tpu.memory_space<vmem>>, vector<1x16xf32>,
      %swap3A_142 = arith.index_cast %scan3A_127 : i32 to index
      %swap3A_143 = arith.constant 48 : index
      %swap3A_144 = tpu.vector_load %arg8[%swap3A_142, %swap3A_143] {strides = array<i32>} : memref<112x144xf32, #tpu.memory_space<vmem>>, vector<1x16xf32>,
      %swap3A_145 = vector.shape_cast %swap3A_144 : vector<1x16xf32> to vector<16xf32>
      %swap3A_146 = vector.shape_cast %broadcast_in_dim3A_28 : vector<16xf32> to vector<1x16xf32>
      tpu.vector_store %arg8[%swap3A_142, %swap3A_143], %swap3A_146 {strides = array<i32>} : memref<112x144xf32, #tpu.memory_space<vmem>>, vector<1x16xf32>,
      %swap3A_147 = arith.index_cast %scan3A_127 : i32 to index
      %swap3A_148 = arith.constant 64 : index
      %swap3A_149 = tpu.vector_load %arg8[%swap3A_147, %swap3A_148] {strides = array<i32>} : memref<112x144xf32, #tpu.memory_space<vmem>>, vector<1x16xf32>,
      %swap3A_150 = vector.shape_cast %swap3A_149 : vector<1x16xf32> to vector<16xf32>
      %swap3A_151 = vector.shape_cast %broadcast_in_dim3A_28 : vector<16xf32> to vector<1x16xf32>
      tpu.vector_store %arg8[%swap3A_147, %swap3A_148], %swap3A_151 {strides = array<i32>} : memref<112x144xf32, #tpu.memory_space<vmem>>, vector<1x16xf32>,
      %swap3A_152 = arith.index_cast %scan3A_127 : i32 to index
      %swap3A_153 = arith.constant 80 : index
      %swap3A_154 = tpu.vector_load %arg8[%swap3A_152, %swap3A_153] {strides = array<i32>} : memref<112x144xf32, #tpu.memory_space<vmem>>, vector<1x16xf32>,
      %swap3A_155 = vector.shape_cast %swap3A_154 : vector<1x16xf32> to vector<16xf32>
      %swap3A_156 = vector.shape_cast %broadcast_in_dim3A_28 : vector<16xf32> to vector<1x16xf32>
      tpu.vector_store %arg8[%swap3A_152, %swap3A_153], %swap3A_156 {strides = array<i32>} : memref<112x144xf32, #tpu.memory_space<vmem>>, vector<1x16xf32>,
      %swap3A_157 = arith.index_cast %scan3A_127 : i32 to index
      %swap3A_158 = arith.constant 96 : index
      %swap3A_159 = tpu.vector_load %arg8[%swap3A_157, %swap3A_158] {strides = array<i32>} : memref<112x144xf32, #tpu.memory_space<vmem>>, vector<1x16xf32>,
      %swap3A_160 = vector.shape_cast %swap3A_159 : vector<1x16xf32> to vector<16xf32>
      %swap3A_161 = vector.shape_cast %broadcast_in_dim3A_28 : vector<16xf32> to vector<1x16xf32>
      tpu.vector_store %arg8[%swap3A_157, %swap3A_158], %swap3A_161 {strides = array<i32>} : memref<112x144xf32, #tpu.memory_space<vmem>>, vector<1x16xf32>,
      %swap3A_162 = arith.index_cast %scan3A_127 : i32 to index
      %swap3A_163 = arith.constant 112 : index
      %swap3A_164 = tpu.vector_load %arg8[%swap3A_162, %swap3A_163] {strides = array<i32>} : memref<112x144xf32, #tpu.memory_space<vmem>>, vector<1x16xf32>,
      %swap3A_165 = vector.shape_cast %swap3A_164 : vector<1x16xf32> to vector<16xf32>
      %swap3A_166 = vector.shape_cast %broadcast_in_dim3A_28 : vector<16xf32> to vector<1x16xf32>
      tpu.vector_store %arg8[%swap3A_162, %swap3A_163], %swap3A_166 {strides = array<i32>} : memref<112x144xf32, #tpu.memory_space<vmem>>, vector<1x16xf32>,
      %swap3A_167 = arith.index_cast %scan3A_127 : i32 to index
      %swap3A_168 = arith.constant 128 : index
      %swap3A_169 = tpu.vector_load %arg8[%swap3A_167, %swap3A_168] {strides = array<i32>} : memref<112x144xf32, #tpu.memory_space<vmem>>, vector<1x16xf32>,
      %swap3A_170 = vector.shape_cast %swap3A_169 : vector<1x16xf32> to vector<16xf32>
      %swap3A_171 = vector.shape_cast %broadcast_in_dim3A_28 : vector<16xf32> to vector<1x16xf32>
      tpu.vector_store %arg8[%swap3A_167, %swap3A_168], %swap3A_171 {strides = array<i32>} : memref<112x144xf32, #tpu.memory_space<vmem>>, vector<1x16xf32>,
    }
    %scan3A_33 = arith.constant 112 : i32
    %mul3A_34 = arith.constant 640 : i32
    %mul3A_35 = arith.muli %arg1, %mul3A_34 : i32
    %add3A_36 = arith.constant 0 : i32
    %add3A_37 = arith.addi %mul3A_35, %add3A_36 : i32
    "tpu.region"() ({
      %run_scoped3A_127 = tpu.sem_alloc : memref<!tpu.dma_semaphore, #tpu.memory_space<semaphore_mem>>
      %dma_start3A_128 = arith.constant 0 : i32
      %dma_start3A_129 = tpu.memref_slice %arg12[%add3A_37, %dma_start3A_128] : memref<10240x144xf32, #tpu.memory_space<vmem_shared>> -> memref<112x144xf32, #tpu.memory_space<vmem_shared>>
      %dma_start3A_130 = arith.constant 0 : i32
      %dma_start3A_131 = tpu.memref_slice %arg12[%add3A_37, %dma_start3A_130] : memref<10240x144xf32, #tpu.memory_space<vmem_shared>> -> memref<112x144xf32, #tpu.memory_space<vmem_shared>>
      tpu.enqueue_dma source(%arg8 : memref<112x144xf32, #tpu.memory_space<vmem>>) target(%dma_start3A_131 : memref<112x144xf32, #tpu.memory_space<vmem_shared>>) target_semaphore(%run_scoped3A_127 : memref<!tpu.dma_semaphore, #tpu.memory_space<semaphore_mem>>)
      %dma_wait3A_132 = arith.constant 0 : i32
      %dma_wait3A_133 = tpu.memref_slice %arg12[%add3A_37, %dma_wait3A_132] : memref<10240x144xf32, #tpu.memory_space<vmem_shared>> -> memref<112x144xf32, #tpu.memory_space<vmem_shared>>
      %dma_wait3A_134 = arith.constant 0 : i32
      %dma_wait3A_135 = tpu.memref_slice %arg12[%add3A_37, %dma_wait3A_134] : memref<10240x144xf32, #tpu.memory_space<vmem_shared>> -> memref<112x144xf32, #tpu.memory_space<vmem_shared>>
      tpu.wait_dma2 semaphore(%run_scoped3A_127 : memref<!tpu.dma_semaphore, #tpu.memory_space<semaphore_mem>>) src(%arg8 : memref<112x144xf32, #tpu.memory_space<vmem>>) dst(%dma_wait3A_135 : memref<112x144xf32, #tpu.memory_space<vmem_shared>>)
      tpu.yield
    }) : () -> ()
    %add3A_38 = arith.constant 112 : i32
    %add3A_39 = arith.addi %mul3A_35, %add3A_38 : i32
    "tpu.region"() ({
      %run_scoped3A_127 = tpu.sem_alloc : memref<!tpu.dma_semaphore, #tpu.memory_space<semaphore_mem>>
      %dma_start3A_128 = arith.constant 0 : i32
      %dma_start3A_129 = tpu.memref_slice %arg12[%add3A_39, %dma_start3A_128] : memref<10240x144xf32, #tpu.memory_space<vmem_shared>> -> memref<112x144xf32, #tpu.memory_space<vmem_shared>>
      %dma_start3A_130 = arith.constant 0 : i32
      %dma_start3A_131 = tpu.memref_slice %arg12[%add3A_39, %dma_start3A_130] : memref<10240x144xf32, #tpu.memory_space<vmem_shared>> -> memref<112x144xf32, #tpu.memory_space<vmem_shared>>
      tpu.enqueue_dma source(%arg8 : memref<112x144xf32, #tpu.memory_space<vmem>>) target(%dma_start3A_131 : memref<112x144xf32, #tpu.memory_space<vmem_shared>>) target_semaphore(%run_scoped3A_127 : memref<!tpu.dma_semaphore, #tpu.memory_space<semaphore_mem>>)
      %dma_wait3A_132 = arith.constant 0 : i32
      %dma_wait3A_133 = tpu.memref_slice %arg12[%add3A_39, %dma_wait3A_132] : memref<10240x144xf32, #tpu.memory_space<vmem_shared>> -> memref<112x144xf32, #tpu.memory_space<vmem_shared>>
      %dma_wait3A_134 = arith.constant 0 : i32
      %dma_wait3A_135 = tpu.memref_slice %arg12[%add3A_39, %dma_wait3A_134] : memref<10240x144xf32, #tpu.memory_space<vmem_shared>> -> memref<112x144xf32, #tpu.memory_space<vmem_shared>>
      tpu.wait_dma2 semaphore(%run_scoped3A_127 : memref<!tpu.dma_semaphore, #tpu.memory_space<semaphore_mem>>) src(%arg8 : memref<112x144xf32, #tpu.memory_space<vmem>>) dst(%dma_wait3A_135 : memref<112x144xf32, #tpu.memory_space<vmem_shared>>)
      tpu.yield
    }) : () -> ()
    %add3A_40 = arith.constant 224 : i32
    %add3A_41 = arith.addi %mul3A_35, %add3A_40 : i32
    "tpu.region"() ({
      %run_scoped3A_127 = tpu.sem_alloc : memref<!tpu.dma_semaphore, #tpu.memory_space<semaphore_mem>>
      %dma_start3A_128 = arith.constant 0 : i32
      %dma_start3A_129 = tpu.memref_slice %arg12[%add3A_41, %dma_start3A_128] : memref<10240x144xf32, #tpu.memory_space<vmem_shared>> -> memref<112x144xf32, #tpu.memory_space<vmem_shared>>
      %dma_start3A_130 = arith.constant 0 : i32
      %dma_start3A_131 = tpu.memref_slice %arg12[%add3A_41, %dma_start3A_130] : memref<10240x144xf32, #tpu.memory_space<vmem_shared>> -> memref<112x144xf32, #tpu.memory_space<vmem_shared>>
      tpu.enqueue_dma source(%arg8 : memref<112x144xf32, #tpu.memory_space<vmem>>) target(%dma_start3A_131 : memref<112x144xf32, #tpu.memory_space<vmem_shared>>) target_semaphore(%run_scoped3A_127 : memref<!tpu.dma_semaphore, #tpu.memory_space<semaphore_mem>>)
      %dma_wait3A_132 = arith.constant 0 : i32
      %dma_wait3A_133 = tpu.memref_slice %arg12[%add3A_41, %dma_wait3A_132] : memref<10240x144xf32, #tpu.memory_space<vmem_shared>> -> memref<112x144xf32, #tpu.memory_space<vmem_shared>>
      %dma_wait3A_134 = arith.constant 0 : i32
      %dma_wait3A_135 = tpu.memref_slice %arg12[%add3A_41, %dma_wait3A_134] : memref<10240x144xf32, #tpu.memory_space<vmem_shared>> -> memref<112x144xf32, #tpu.memory_space<vmem_shared>>
      tpu.wait_dma2 semaphore(%run_scoped3A_127 : memref<!tpu.dma_semaphore, #tpu.memory_space<semaphore_mem>>) src(%arg8 : memref<112x144xf32, #tpu.memory_space<vmem>>) dst(%dma_wait3A_135 : memref<112x144xf32, #tpu.memory_space<vmem_shared>>)
      tpu.yield
    }) : () -> ()
    %add3A_42 = arith.constant 336 : i32
    %add3A_43 = arith.addi %mul3A_35, %add3A_42 : i32
    "tpu.region"() ({
      %run_scoped3A_127 = tpu.sem_alloc : memref<!tpu.dma_semaphore, #tpu.memory_space<semaphore_mem>>
      %dma_start3A_128 = arith.constant 0 : i32
      %dma_start3A_129 = tpu.memref_slice %arg12[%add3A_43, %dma_start3A_128] : memref<10240x144xf32, #tpu.memory_space<vmem_shared>> -> memref<112x144xf32, #tpu.memory_space<vmem_shared>>
      %dma_start3A_130 = arith.constant 0 : i32
      %dma_start3A_131 = tpu.memref_slice %arg12[%add3A_43, %dma_start3A_130] : memref<10240x144xf32, #tpu.memory_space<vmem_shared>> -> memref<112x144xf32, #tpu.memory_space<vmem_shared>>
      tpu.enqueue_dma source(%arg8 : memref<112x144xf32, #tpu.memory_space<vmem>>) target(%dma_start3A_131 : memref<112x144xf32, #tpu.memory_space<vmem_shared>>) target_semaphore(%run_scoped3A_127 : memref<!tpu.dma_semaphore, #tpu.memory_space<semaphore_mem>>)
      %dma_wait3A_132 = arith.constant 0 : i32
      %dma_wait3A_133 = tpu.memref_slice %arg12[%add3A_43, %dma_wait3A_132] : memref<10240x144xf32, #tpu.memory_space<vmem_shared>> -> memref<112x144xf32, #tpu.memory_space<vmem_shared>>
      %dma_wait3A_134 = arith.constant 0 : i32
      %dma_wait3A_135 = tpu.memref_slice %arg12[%add3A_43, %dma_wait3A_134] : memref<10240x144xf32, #tpu.memory_space<vmem_shared>> -> memref<112x144xf32, #tpu.memory_space<vmem_shared>>
      tpu.wait_dma2 semaphore(%run_scoped3A_127 : memref<!tpu.dma_semaphore, #tpu.memory_space<semaphore_mem>>) src(%arg8 : memref<112x144xf32, #tpu.memory_space<vmem>>) dst(%dma_wait3A_135 : memref<112x144xf32, #tpu.memory_space<vmem_shared>>)
      tpu.yield
    }) : () -> ()
    %add3A_44 = arith.constant 448 : i32
    %add3A_45 = arith.addi %mul3A_35, %add3A_44 : i32
    "tpu.region"() ({
      %run_scoped3A_127 = tpu.sem_alloc : memref<!tpu.dma_semaphore, #tpu.memory_space<semaphore_mem>>
      %dma_start3A_128 = arith.constant 0 : i32
      %dma_start3A_129 = tpu.memref_slice %arg12[%add3A_45, %dma_start3A_128] : memref<10240x144xf32, #tpu.memory_space<vmem_shared>> -> memref<112x144xf32, #tpu.memory_space<vmem_shared>>
      %dma_start3A_130 = arith.constant 0 : i32
      %dma_start3A_131 = tpu.memref_slice %arg12[%add3A_45, %dma_start3A_130] : memref<10240x144xf32, #tpu.memory_space<vmem_shared>> -> memref<112x144xf32, #tpu.memory_space<vmem_shared>>
      tpu.enqueue_dma source(%arg8 : memref<112x144xf32, #tpu.memory_space<vmem>>) target(%dma_start3A_131 : memref<112x144xf32, #tpu.memory_space<vmem_shared>>) target_semaphore(%run_scoped3A_127 : memref<!tpu.dma_semaphore, #tpu.memory_space<semaphore_mem>>)
      %dma_wait3A_132 = arith.constant 0 : i32
      %dma_wait3A_133 = tpu.memref_slice %arg12[%add3A_45, %dma_wait3A_132] : memref<10240x144xf32, #tpu.memory_space<vmem_shared>> -> memref<112x144xf32, #tpu.memory_space<vmem_shared>>
      %dma_wait3A_134 = arith.constant 0 : i32
      %dma_wait3A_135 = tpu.memref_slice %arg12[%add3A_45, %dma_wait3A_134] : memref<10240x144xf32, #tpu.memory_space<vmem_shared>> -> memref<112x144xf32, #tpu.memory_space<vmem_shared>>
      tpu.wait_dma2 semaphore(%run_scoped3A_127 : memref<!tpu.dma_semaphore, #tpu.memory_space<semaphore_mem>>) src(%arg8 : memref<112x144xf32, #tpu.memory_space<vmem>>) dst(%dma_wait3A_135 : memref<112x144xf32, #tpu.memory_space<vmem_shared>>)
      tpu.yield
    }) : () -> ()
    %add3A_46 = arith.constant 640 : i32
    %add3A_47 = arith.addi %mul3A_35, %add3A_46 : i32
    %sub3A = arith.constant 80 : i32
    %sub3A_48 = arith.subi %add3A_47, %sub3A : i32
    "tpu.region"() ({
      %run_scoped3A_127 = tpu.sem_alloc : memref<!tpu.dma_semaphore, #tpu.memory_space<semaphore_mem>>
      %dma_start3A_128 = arith.constant 0 : i32
      %dma_start3A_129 = arith.constant 0 : i32
      %dma_start3A_130 = tpu.memref_slice %arg8[%dma_start3A_128, %dma_start3A_129] : memref<112x144xf32, #tpu.memory_space<vmem>> -> memref<80x144xf32, #tpu.memory_space<vmem>>
      %dma_start3A_131 = arith.constant 0 : i32
      %dma_start3A_132 = tpu.memref_slice %arg12[%sub3A_48, %dma_start3A_131] : memref<10240x144xf32, #tpu.memory_space<vmem_shared>> -> memref<80x144xf32, #tpu.memory_space<vmem_shared>>
      %dma_start3A_133 = arith.constant 0 : i32
      %dma_start3A_134 = tpu.memref_slice %arg12[%sub3A_48, %dma_start3A_133] : memref<10240x144xf32, #tpu.memory_space<vmem_shared>> -> memref<80x144xf32, #tpu.memory_space<vmem_shared>>
      %dma_start3A_135 = arith.constant 0 : i32
      %dma_start3A_136 = arith.constant 0 : i32
      %dma_start3A_137 = tpu.memref_slice %arg8[%dma_start3A_135, %dma_start3A_136] : memref<112x144xf32, #tpu.memory_space<vmem>> -> memref<80x144xf32, #tpu.memory_space<vmem>>
      tpu.enqueue_dma source(%dma_start3A_137 : memref<80x144xf32, #tpu.memory_space<vmem>>) target(%dma_start3A_134 : memref<80x144xf32, #tpu.memory_space<vmem_shared>>) target_semaphore(%run_scoped3A_127 : memref<!tpu.dma_semaphore, #tpu.memory_space<semaphore_mem>>)
      %dma_wait3A_138 = arith.constant 0 : i32
      %dma_wait3A_139 = arith.constant 0 : i32
      %dma_wait3A_140 = tpu.memref_slice %arg8[%dma_wait3A_138, %dma_wait3A_139] : memref<112x144xf32, #tpu.memory_space<vmem>> -> memref<80x144xf32, #tpu.memory_space<vmem>>
      %dma_wait3A_141 = arith.constant 0 : i32
      %dma_wait3A_142 = tpu.memref_slice %arg12[%sub3A_48, %dma_wait3A_141] : memref<10240x144xf32, #tpu.memory_space<vmem_shared>> -> memref<80x144xf32, #tpu.memory_space<vmem_shared>>
      %dma_wait3A_143 = arith.constant 0 : i32
      %dma_wait3A_144 = tpu.memref_slice %arg12[%sub3A_48, %dma_wait3A_143] : memref<10240x144xf32, #tpu.memory_space<vmem_shared>> -> memref<80x144xf32, #tpu.memory_space<vmem_shared>>
      %dma_wait3A_145 = arith.constant 0 : i32
      %dma_wait3A_146 = arith.constant 0 : i32
      %dma_wait3A_147 = tpu.memref_slice %arg8[%dma_wait3A_145, %dma_wait3A_146] : memref<112x144xf32, #tpu.memory_space<vmem>> -> memref<80x144xf32, #tpu.memory_space<vmem>>
      tpu.wait_dma2 semaphore(%run_scoped3A_127 : memref<!tpu.dma_semaphore, #tpu.memory_space<semaphore_mem>>) src(%dma_wait3A_147 : memref<80x144xf32, #tpu.memory_space<vmem>>) dst(%dma_wait3A_144 : memref<80x144xf32, #tpu.memory_space<vmem_shared>>)
      tpu.yield
    }) : () -> ()
    %barrier3A = arith.constant 0 : index
    tpu.barrier barrier_id(%barrier3A)
    %add3A_49 = arith.constant 0 : i32
    %add3A_50 = arith.addi %select_n3A, %add3A_49 : i32
    %dma_wait3A = arith.constant 0 : i32
    %dma_wait3A_51 = arith.constant 0 : i32
    %dma_wait3A_52 = tpu.memref_slice %arg4[%add3A_50, %dma_wait3A, %dma_wait3A_51] : memref<2912x2x112xi32, #tpu.memory_space<hbm>> -> memref<1x2x112xi32, #tpu.memory_space<hbm>>
    %dma_wait3A_53 = tpu.memref_squeeze %dma_wait3A_52 : memref<1x2x112xi32, #tpu.memory_space<hbm>> -> memref<2x112xi32, #tpu.memory_space<hbm>>
    %dma_wait3A_54 = arith.constant 0 : i32
    %dma_wait3A_55 = arith.constant 0 : i32
    %dma_wait3A_56 = tpu.memref_slice %arg4[%add3A_50, %dma_wait3A_54, %dma_wait3A_55] : memref<2912x2x112xi32, #tpu.memory_space<hbm>> -> memref<1x2x112xi32, #tpu.memory_space<hbm>>
    %dma_wait3A_57 = tpu.memref_squeeze %dma_wait3A_56 : memref<1x2x112xi32, #tpu.memory_space<hbm>> -> memref<2x112xi32, #tpu.memory_space<hbm>>
    tpu.wait_dma2 semaphore(%arg13 : memref<!tpu.dma_semaphore, #tpu.memory_space<semaphore_mem>>) src(%dma_wait3A_57 : memref<2x112xi32, #tpu.memory_space<hbm>>) dst(%arg6 : memref<2x112xi32, #tpu.memory_space<vmem>>)
    %dma_start3A_58 = arith.constant 0 : i32
    %dma_start3A_59 = arith.constant 0 : i32
    %dma_start3A_60 = tpu.memref_slice %arg6[%dma_start3A_58, %dma_start3A_59] : memref<2x112xi32, #tpu.memory_space<vmem>> -> memref<1x112xi32, #tpu.memory_space<vmem>>
    %dma_start3A_61 = tpu.memref_squeeze %dma_start3A_60 : memref<1x112xi32, #tpu.memory_space<vmem>> -> memref<112xi32, #tpu.memory_space<vmem>>
    %dma_start3A_62 = arith.constant 0 : i32
    %dma_start3A_63 = arith.constant 0 : i32
    %dma_start3A_64 = tpu.memref_slice %arg2[%dma_start3A_62, %dma_start3A_63] : memref<10240x144xf32, #tpu.memory_space<hbm>> -> memref<10240x144xf32, #tpu.memory_space<hbm>>
    tpu.enqueue_indirect_dma source(%dma_start3A_64 : memref<10240x144xf32, #tpu.memory_space<hbm>>) target(%arg8 : memref<112x144xf32, #tpu.memory_space<vmem>>) offsets(%dma_start3A_61 : memref<112xi32, #tpu.memory_space<vmem>>) semaphore(%arg15 : memref<!tpu.dma_semaphore, #tpu.memory_space<semaphore_mem>>)
    %dma_start3A_65 = arith.constant 1 : i32
    %dma_start3A_66 = arith.constant 0 : i32
    %dma_start3A_67 = tpu.memref_slice %arg6[%dma_start3A_65, %dma_start3A_66] : memref<2x112xi32, #tpu.memory_space<vmem>> -> memref<1x112xi32, #tpu.memory_space<vmem>>
    %dma_start3A_68 = tpu.memref_squeeze %dma_start3A_67 : memref<1x112xi32, #tpu.memory_space<vmem>> -> memref<112xi32, #tpu.memory_space<vmem>>
    %dma_start3A_69 = arith.constant 0 : i32
    %dma_start3A_70 = arith.constant 0 : i32
    %dma_start3A_71 = tpu.memref_slice %arg3[%dma_start3A_69, %dma_start3A_70] : memref<10240x16xf32, #tpu.memory_space<hbm>> -> memref<10240x16xf32, #tpu.memory_space<hbm>>
    tpu.enqueue_indirect_dma source(%dma_start3A_71 : memref<10240x16xf32, #tpu.memory_space<hbm>>) target(%arg10 : memref<112x16xf32, #tpu.memory_space<vmem>>) offsets(%dma_start3A_68 : memref<112xi32, #tpu.memory_space<vmem>>) semaphore(%arg17 : memref<!tpu.dma_semaphore, #tpu.memory_space<semaphore_mem>>)
    %sub3A_72 = arith.constant 1 : i32
    %sub3A_73 = arith.subi %select_n3A_8, %sub3A_72 : i32
    %jit3A_74 = arith.constant 2 : i32
    %div3A = arith.divsi %sub3A_73, %jit3A_74 : i32
    %sign3A = arith.constant 0 : i32
    %sign3A_75 = arith.cmpi sgt, %sub3A_73, %sign3A : i32
    %sign3A_76 = arith.extui %sign3A_75 : i1 to i32
    %sign3A_77 = arith.constant 0 : i32
    %sign3A_78 = arith.cmpi slt, %sub3A_73, %sign3A_77 : i32
    %sign3A_79 = arith.extui %sign3A_78 : i1 to i32
    %sign3A_80 = arith.subi %sign3A_76, %sign3A_79 : i32
    %sign3A_81 = arith.constant 0 : i32
    %sign3A_82 = arith.cmpi sgt, %jit3A_74, %sign3A_81 : i32
    %sign3A_83 = arith.extui %sign3A_82 : i1 to i32
    %sign3A_84 = arith.constant 0 : i32
    %sign3A_85 = arith.cmpi slt, %jit3A_74, %sign3A_84 : i32
    %sign3A_86 = arith.extui %sign3A_85 : i1 to i32
    %sign3A_87 = arith.subi %sign3A_83, %sign3A_86 : i32
    %ne3A = arith.cmpi ne, %sign3A_80, %sign3A_87 : i32
    %rem3A = arith.remsi %sub3A_73, %jit3A_74 : i32
    %ne3A_88 = arith.constant 0 : i32
    %ne3A_89 = arith.cmpi ne, %rem3A, %ne3A_88 : i32
    %and3A = arith.andi %ne3A, %ne3A_89 : i1
    %sub3A_90 = arith.constant 1 : i32
    %sub3A_91 = arith.subi %div3A, %sub3A_90 : i32
    %select_n3A_92 = arith.select %and3A, %sub3A_91, %div3A : i32
    %while3A = arith.constant 0 : i32
    %while3A_93 = arith.constant 0 : i32
    %while3A_94 = arith.subi %select_n3A_92, %while3A_93 : i32
    %while3A_95 = arith.addi %while3A_93, %while3A_94 : i32
    %while3A_96 = arith.constant 1 : i32
    %while3A_97 = arith.divsi %while3A_94, %while3A_96 : i32
    %while3A_98 = arith.muli %while3A_97, %while3A_96 : i32
    %while3A_99 = arith.addi %while3A_93, %while3A_98 : i32
    %while3A_100 = arith.constant 1 : i32
    scf.for %while3A_127 = %while3A_93 to %while3A_99 step %while3A_100  : i32 {
      %mul3A_128 = arith.constant 2 : i32
      %mul3A_129 = arith.muli %mul3A_128, %while3A_127 : i32
      %add3A_130 = arith.constant 1 : i32
      %add3A_131 = arith.addi %mul3A_129, %add3A_130 : i32
      %add3A_132 = arith.addi %select_n3A, %add3A_131 : i32
      %dma_wait3A_133 = arith.constant 0 : i32
      %dma_wait3A_134 = arith.constant 0 : i32
      %dma_wait3A_135 = tpu.memref_slice %arg4[%add3A_132, %dma_wait3A_133, %dma_wait3A_134] : memref<2912x2x112xi32, #tpu.memory_space<hbm>> -> memref<1x2x112xi32, #tpu.memory_space<hbm>>
      %dma_wait3A_136 = tpu.memref_squeeze %dma_wait3A_135 : memref<1x2x112xi32, #tpu.memory_space<hbm>> -> memref<2x112xi32, #tpu.memory_space<hbm>>
      %dma_wait3A_137 = arith.constant 0 : i32
      %dma_wait3A_138 = arith.constant 0 : i32
      %dma_wait3A_139 = tpu.memref_slice %arg4[%add3A_132, %dma_wait3A_137, %dma_wait3A_138] : memref<2912x2x112xi32, #tpu.memory_space<hbm>> -> memref<1x2x112xi32, #tpu.memory_space<hbm>>
      %dma_wait3A_140 = tpu.memref_squeeze %dma_wait3A_139 : memref<1x2x112xi32, #tpu.memory_space<hbm>> -> memref<2x112xi32, #tpu.memory_space<hbm>>
      tpu.wait_dma2 semaphore(%arg14 : memref<!tpu.dma_semaphore, #tpu.memory_space<semaphore_mem>>) src(%dma_wait3A_140 : memref<2x112xi32, #tpu.memory_space<hbm>>) dst(%arg7 : memref<2x112xi32, #tpu.memory_space<vmem>>)
      %dma_start3A_141 = arith.constant 0 : i32
      %dma_start3A_142 = arith.constant 0 : i32
      %dma_start3A_143 = tpu.memref_slice %arg7[%dma_start3A_141, %dma_start3A_142] : memref<2x112xi32, #tpu.memory_space<vmem>> -> memref<1x112xi32, #tpu.memory_space<vmem>>
      %dma_start3A_144 = tpu.memref_squeeze %dma_start3A_143 : memref<1x112xi32, #tpu.memory_space<vmem>> -> memref<112xi32, #tpu.memory_space<vmem>>
      %dma_start3A_145 = arith.constant 0 : i32
      %dma_start3A_146 = arith.constant 0 : i32
      %dma_start3A_147 = tpu.memref_slice %arg2[%dma_start3A_145, %dma_start3A_146] : memref<10240x144xf32, #tpu.memory_space<hbm>> -> memref<10240x144xf32, #tpu.memory_space<hbm>>
      tpu.enqueue_indirect_dma source(%dma_start3A_147 : memref<10240x144xf32, #tpu.memory_space<hbm>>) target(%arg9 : memref<112x144xf32, #tpu.memory_space<vmem>>) offsets(%dma_start3A_144 : memref<112xi32, #tpu.memory_space<vmem>>) semaphore(%arg16 : memref<!tpu.dma_semaphore, #tpu.memory_space<semaphore_mem>>)
      %dma_start3A_148 = arith.constant 1 : i32
      %dma_start3A_149 = arith.constant 0 : i32
      %dma_start3A_150 = tpu.memref_slice %arg7[%dma_start3A_148, %dma_start3A_149] : memref<2x112xi32, #tpu.memory_space<vmem>> -> memref<1x112xi32, #tpu.memory_space<vmem>>
      %dma_start3A_151 = tpu.memref_squeeze %dma_start3A_150 : memref<1x112xi32, #tpu.memory_space<vmem>> -> memref<112xi32, #tpu.memory_space<vmem>>
      %dma_start3A_152 = arith.constant 0 : i32
      %dma_start3A_153 = arith.constant 0 : i32
      %dma_start3A_154 = tpu.memref_slice %arg3[%dma_start3A_152, %dma_start3A_153] : memref<10240x16xf32, #tpu.memory_space<hbm>> -> memref<10240x16xf32, #tpu.memory_space<hbm>>
      tpu.enqueue_indirect_dma source(%dma_start3A_154 : memref<10240x16xf32, #tpu.memory_space<hbm>>) target(%arg11 : memref<112x16xf32, #tpu.memory_space<vmem>>) offsets(%dma_start3A_151 : memref<112xi32, #tpu.memory_space<vmem>>) semaphore(%arg18 : memref<!tpu.dma_semaphore, #tpu.memory_space<semaphore_mem>>)
      %dma_wait3A_155 = arith.constant 0 : i32
      %dma_wait3A_156 = arith.constant 0 : i32
      %dma_wait3A_157 = tpu.memref_slice %arg6[%dma_wait3A_155, %dma_wait3A_156] : memref<2x112xi32, #tpu.memory_space<vmem>> -> memref<1x112xi32, #tpu.memory_space<vmem>>
      %dma_wait3A_158 = tpu.memref_squeeze %dma_wait3A_157 : memref<1x112xi32, #tpu.memory_space<vmem>> -> memref<112xi32, #tpu.memory_space<vmem>>
      %dma_wait3A_159 = arith.constant 0 : i32
      %dma_wait3A_160 = arith.constant 0 : i32
      %dma_wait3A_161 = tpu.memref_slice %arg2[%dma_wait3A_159, %dma_wait3A_160] : memref<10240x144xf32, #tpu.memory_space<hbm>> -> memref<10240x144xf32, #tpu.memory_space<hbm>>
      tpu.wait_indirect_dma semaphore(%arg15 : memref<!tpu.dma_semaphore, #tpu.memory_space<semaphore_mem>>) src(%dma_wait3A_161 : memref<10240x144xf32, #tpu.memory_space<hbm>>) dst(%arg8 : memref<112x144xf32, #tpu.memory_space<vmem>>)
      %dma_wait3A_162 = arith.constant 1 : i32
      %dma_wait3A_163 = arith.constant 0 : i32
      %dma_wait3A_164 = tpu.memref_slice %arg6[%dma_wait3A_162, %dma_wait3A_163] : memref<2x112xi32, #tpu.memory_space<vmem>> -> memref<1x112xi32, #tpu.memory_space<vmem>>
      %dma_wait3A_165 = tpu.memref_squeeze %dma_wait3A_164 : memref<1x112xi32, #tpu.memory_space<vmem>> -> memref<112xi32, #tpu.memory_space<vmem>>
      %dma_wait3A_166 = arith.constant 0 : i32
      %dma_wait3A_167 = arith.constant 0 : i32
      %dma_wait3A_168 = tpu.memref_slice %arg3[%dma_wait3A_166, %dma_wait3A_167] : memref<10240x16xf32, #tpu.memory_space<hbm>> -> memref<10240x16xf32, #tpu.memory_space<hbm>>
      tpu.wait_indirect_dma semaphore(%arg17 : memref<!tpu.dma_semaphore, #tpu.memory_space<semaphore_mem>>) src(%dma_wait3A_168 : memref<10240x16xf32, #tpu.memory_space<hbm>>) dst(%arg10 : memref<112x16xf32, #tpu.memory_space<vmem>>)
      %scan3A_169 = arith.constant 0 : i32
      %scan3A_170 = arith.constant 0 : i32
      %scan3A_171 = arith.constant 112 : i32
      %scan3A_172 = arith.addi %scan3A_170, %scan3A_171 : i32
      %scan3A_173 = arith.constant 1 : i32
      scf.for %scan3A_236 = %scan3A_170 to %scan3A_172 step %scan3A_173  : i32 {
        %get3A = arith.index_cast %scan3A_236 : i32 to index
        %get3A_237 = arith.constant 128 : index
        %get3A_238 = tpu.vector_load %arg8[%get3A, %get3A_237] {strides = array<i32>} : memref<112x144xf32, #tpu.memory_space<vmem>>, vector<1x16xf32>,
        %get3A_239 = vector.shape_cast %get3A_238 : vector<1x16xf32> to vector<16xf32>
        %get3A_240 = arith.index_cast %scan3A_236 : i32 to index
        %get3A_241 = arith.constant 0 : index
        %get3A_242 = tpu.vector_load %arg10[%get3A_240, %get3A_241] {strides = array<i32>} : memref<112x16xf32, #tpu.memory_space<vmem>>, vector<1x16xf32>,
        %get3A_243 = vector.shape_cast %get3A_242 : vector<1x16xf32> to vector<16xf32>
        %add3A_244 = arith.addf %get3A_239, %get3A_243 : vector<16xf32>
        %mul3A_245 = arith.constant 2.000000e-01 : f32
        %mul3A_246 = vector.broadcast %mul3A_245 : f32 to vector<16xf32>
        %mul3A_247 = arith.mulf %add3A_244, %mul3A_246 : vector<16xf32>
        %max3A = arith.maximumf %add3A_244, %mul3A_247 : vector<16xf32>
        %exp3A = math.exp %max3A : vector<16xf32>
        %swap3A = arith.index_cast %scan3A_236 : i32 to index
        %swap3A_248 = arith.constant 128 : index
        %swap3A_249 = tpu.vector_load %arg8[%swap3A, %swap3A_248] {strides = array<i32>} : memref<112x144xf32, #tpu.memory_space<vmem>>, vector<1x16xf32>,
        %swap3A_250 = vector.shape_cast %swap3A_249 : vector<1x16xf32> to vector<16xf32>
        %swap3A_251 = vector.shape_cast %exp3A : vector<16xf32> to vector<1x16xf32>
        tpu.vector_store %arg8[%swap3A, %swap3A_248], %swap3A_251 {strides = array<i32>} : memref<112x144xf32, #tpu.memory_space<vmem>>, vector<1x16xf32>,
        %get3A_252 = arith.index_cast %scan3A_236 : i32 to index
        %get3A_253 = arith.constant 0 : index
        %get3A_254 = tpu.vector_load %arg8[%get3A_252, %get3A_253] {strides = array<i32>} : memref<112x144xf32, #tpu.memory_space<vmem>>, vector<1x16xf32>,
        %get3A_255 = vector.shape_cast %get3A_254 : vector<1x16xf32> to vector<16xf32>
        %slice3A = vector.extract_strided_slice %exp3A {offsets = [0], sizes = [1], strides = [1]} : vector<16xf32> to vector<1xf32>
        %squeeze3A = vector.extract %slice3A[0] : f32 from vector<1xf32>
        %mul3A_256 = vector.broadcast %squeeze3A : f32 to vector<16xf32>
        %mul3A_257 = arith.mulf %get3A_255, %mul3A_256 : vector<16xf32>
        %swap3A_258 = arith.index_cast %scan3A_236 : i32 to index
        %swap3A_259 = arith.constant 0 : index
        %swap3A_260 = tpu.vector_load %arg8[%swap3A_258, %swap3A_259] {strides = array<i32>} : memref<112x144xf32, #tpu.memory_space<vmem>>, vector<1x16xf32>,
        %swap3A_261 = vector.shape_cast %swap3A_260 : vector<1x16xf32> to vector<16xf32>
        %swap3A_262 = vector.shape_cast %mul3A_257 : vector<16xf32> to vector<1x16xf32>
        tpu.vector_store %arg8[%swap3A_258, %swap3A_259], %swap3A_262 {strides = array<i32>} : memref<112x144xf32, #tpu.memory_space<vmem>>, vector<1x16xf32>,
        %get3A_263 = arith.index_cast %scan3A_236 : i32 to index
        %get3A_264 = arith.constant 16 : index
        %get3A_265 = tpu.vector_load %arg8[%get3A_263, %get3A_264] {strides = array<i32>} : memref<112x144xf32, #tpu.memory_space<vmem>>, vector<1x16xf32>,
        %get3A_266 = vector.shape_cast %get3A_265 : vector<1x16xf32> to vector<16xf32>
        %slice3A_267 = vector.extract_strided_slice %exp3A {offsets = [1], sizes = [1], strides = [1]} : vector<16xf32> to vector<1xf32>
        %squeeze3A_268 = vector.extract %slice3A_267[0] : f32 from vector<1xf32>
        %mul3A_269 = vector.broadcast %squeeze3A_268 : f32 to vector<16xf32>
        %mul3A_270 = arith.mulf %get3A_266, %mul3A_269 : vector<16xf32>
        %swap3A_271 = arith.index_cast %scan3A_236 : i32 to index
        %swap3A_272 = arith.constant 16 : index
        %swap3A_273 = tpu.vector_load %arg8[%swap3A_271, %swap3A_272] {strides = array<i32>} : memref<112x144xf32, #tpu.memory_space<vmem>>, vector<1x16xf32>,
        %swap3A_274 = vector.shape_cast %swap3A_273 : vector<1x16xf32> to vector<16xf32>
        %swap3A_275 = vector.shape_cast %mul3A_270 : vector<16xf32> to vector<1x16xf32>
        tpu.vector_store %arg8[%swap3A_271, %swap3A_272], %swap3A_275 {strides = array<i32>} : memref<112x144xf32, #tpu.memory_space<vmem>>, vector<1x16xf32>,
        %get3A_276 = arith.index_cast %scan3A_236 : i32 to index
        %get3A_277 = arith.constant 32 : index
        %get3A_278 = tpu.vector_load %arg8[%get3A_276, %get3A_277] {strides = array<i32>} : memref<112x144xf32, #tpu.memory_space<vmem>>, vector<1x16xf32>,
        %get3A_279 = vector.shape_cast %get3A_278 : vector<1x16xf32> to vector<16xf32>
        %slice3A_280 = vector.extract_strided_slice %exp3A {offsets = [2], sizes = [1], strides = [1]} : vector<16xf32> to vector<1xf32>
        %squeeze3A_281 = vector.extract %slice3A_280[0] : f32 from vector<1xf32>
        %mul3A_282 = vector.broadcast %squeeze3A_281 : f32 to vector<16xf32>
        %mul3A_283 = arith.mulf %get3A_279, %mul3A_282 : vector<16xf32>
        %swap3A_284 = arith.index_cast %scan3A_236 : i32 to index
        %swap3A_285 = arith.constant 32 : index
        %swap3A_286 = tpu.vector_load %arg8[%swap3A_284, %swap3A_285] {strides = array<i32>} : memref<112x144xf32, #tpu.memory_space<vmem>>, vector<1x16xf32>,
        %swap3A_287 = vector.shape_cast %swap3A_286 : vector<1x16xf32> to vector<16xf32>
        %swap3A_288 = vector.shape_cast %mul3A_283 : vector<16xf32> to vector<1x16xf32>
        tpu.vector_store %arg8[%swap3A_284, %swap3A_285], %swap3A_288 {strides = array<i32>} : memref<112x144xf32, #tpu.memory_space<vmem>>, vector<1x16xf32>,
        %get3A_289 = arith.index_cast %scan3A_236 : i32 to index
        %get3A_290 = arith.constant 48 : index
        %get3A_291 = tpu.vector_load %arg8[%get3A_289, %get3A_290] {strides = array<i32>} : memref<112x144xf32, #tpu.memory_space<vmem>>, vector<1x16xf32>,
        %get3A_292 = vector.shape_cast %get3A_291 : vector<1x16xf32> to vector<16xf32>
        %slice3A_293 = vector.extract_strided_slice %exp3A {offsets = [3], sizes = [1], strides = [1]} : vector<16xf32> to vector<1xf32>
        %squeeze3A_294 = vector.extract %slice3A_293[0] : f32 from vector<1xf32>
        %mul3A_295 = vector.broadcast %squeeze3A_294 : f32 to vector<16xf32>
        %mul3A_296 = arith.mulf %get3A_292, %mul3A_295 : vector<16xf32>
        %swap3A_297 = arith.index_cast %scan3A_236 : i32 to index
        %swap3A_298 = arith.constant 48 : index
        %swap3A_299 = tpu.vector_load %arg8[%swap3A_297, %swap3A_298] {strides = array<i32>} : memref<112x144xf32, #tpu.memory_space<vmem>>, vector<1x16xf32>,
        %swap3A_300 = vector.shape_cast %swap3A_299 : vector<1x16xf32> to vector<16xf32>
        %swap3A_301 = vector.shape_cast %mul3A_296 : vector<16xf32> to vector<1x16xf32>
        tpu.vector_store %arg8[%swap3A_297, %swap3A_298], %swap3A_301 {strides = array<i32>} : memref<112x144xf32, #tpu.memory_space<vmem>>, vector<1x16xf32>,
        %get3A_302 = arith.index_cast %scan3A_236 : i32 to index
        %get3A_303 = arith.constant 64 : index
        %get3A_304 = tpu.vector_load %arg8[%get3A_302, %get3A_303] {strides = array<i32>} : memref<112x144xf32, #tpu.memory_space<vmem>>, vector<1x16xf32>,
        %get3A_305 = vector.shape_cast %get3A_304 : vector<1x16xf32> to vector<16xf32>
        %slice3A_306 = vector.extract_strided_slice %exp3A {offsets = [4], sizes = [1], strides = [1]} : vector<16xf32> to vector<1xf32>
        %squeeze3A_307 = vector.extract %slice3A_306[0] : f32 from vector<1xf32>
        %mul3A_308 = vector.broadcast %squeeze3A_307 : f32 to vector<16xf32>
        %mul3A_309 = arith.mulf %get3A_305, %mul3A_308 : vector<16xf32>
        %swap3A_310 = arith.index_cast %scan3A_236 : i32 to index
        %swap3A_311 = arith.constant 64 : index
        %swap3A_312 = tpu.vector_load %arg8[%swap3A_310, %swap3A_311] {strides = array<i32>} : memref<112x144xf32, #tpu.memory_space<vmem>>, vector<1x16xf32>,
        %swap3A_313 = vector.shape_cast %swap3A_312 : vector<1x16xf32> to vector<16xf32>
        %swap3A_314 = vector.shape_cast %mul3A_309 : vector<16xf32> to vector<1x16xf32>
        tpu.vector_store %arg8[%swap3A_310, %swap3A_311], %swap3A_314 {strides = array<i32>} : memref<112x144xf32, #tpu.memory_space<vmem>>, vector<1x16xf32>,
        %get3A_315 = arith.index_cast %scan3A_236 : i32 to index
        %get3A_316 = arith.constant 80 : index
        %get3A_317 = tpu.vector_load %arg8[%get3A_315, %get3A_316] {strides = array<i32>} : memref<112x144xf32, #tpu.memory_space<vmem>>, vector<1x16xf32>,
        %get3A_318 = vector.shape_cast %get3A_317 : vector<1x16xf32> to vector<16xf32>
        %slice3A_319 = vector.extract_strided_slice %exp3A {offsets = [5], sizes = [1], strides = [1]} : vector<16xf32> to vector<1xf32>
        %squeeze3A_320 = vector.extract %slice3A_319[0] : f32 from vector<1xf32>
        %mul3A_321 = vector.broadcast %squeeze3A_320 : f32 to vector<16xf32>
        %mul3A_322 = arith.mulf %get3A_318, %mul3A_321 : vector<16xf32>
        %swap3A_323 = arith.index_cast %scan3A_236 : i32 to index
        %swap3A_324 = arith.constant 80 : index
        %swap3A_325 = tpu.vector_load %arg8[%swap3A_323, %swap3A_324] {strides = array<i32>} : memref<112x144xf32, #tpu.memory_space<vmem>>, vector<1x16xf32>,
        %swap3A_326 = vector.shape_cast %swap3A_325 : vector<1x16xf32> to vector<16xf32>
        %swap3A_327 = vector.shape_cast %mul3A_322 : vector<16xf32> to vector<1x16xf32>
        tpu.vector_store %arg8[%swap3A_323, %swap3A_324], %swap3A_327 {strides = array<i32>} : memref<112x144xf32, #tpu.memory_space<vmem>>, vector<1x16xf32>,
        %get3A_328 = arith.index_cast %scan3A_236 : i32 to index
        %get3A_329 = arith.constant 96 : index
        %get3A_330 = tpu.vector_load %arg8[%get3A_328, %get3A_329] {strides = array<i32>} : memref<112x144xf32, #tpu.memory_space<vmem>>, vector<1x16xf32>,
        %get3A_331 = vector.shape_cast %get3A_330 : vector<1x16xf32> to vector<16xf32>
        %slice3A_332 = vector.extract_strided_slice %exp3A {offsets = [6], sizes = [1], strides = [1]} : vector<16xf32> to vector<1xf32>
        %squeeze3A_333 = vector.extract %slice3A_332[0] : f32 from vector<1xf32>
        %mul3A_334 = vector.broadcast %squeeze3A_333 : f32 to vector<16xf32>
        %mul3A_335 = arith.mulf %get3A_331, %mul3A_334 : vector<16xf32>
        %swap3A_336 = arith.index_cast %scan3A_236 : i32 to index
        %swap3A_337 = arith.constant 96 : index
        %swap3A_338 = tpu.vector_load %arg8[%swap3A_336, %swap3A_337] {strides = array<i32>} : memref<112x144xf32, #tpu.memory_space<vmem>>, vector<1x16xf32>,
        %swap3A_339 = vector.shape_cast %swap3A_338 : vector<1x16xf32> to vector<16xf32>
        %swap3A_340 = vector.shape_cast %mul3A_335 : vector<16xf32> to vector<1x16xf32>
        tpu.vector_store %arg8[%swap3A_336, %swap3A_337], %swap3A_340 {strides = array<i32>} : memref<112x144xf32, #tpu.memory_space<vmem>>, vector<1x16xf32>,
        %get3A_341 = arith.index_cast %scan3A_236 : i32 to index
        %get3A_342 = arith.constant 112 : index
        %get3A_343 = tpu.vector_load %arg8[%get3A_341, %get3A_342] {strides = array<i32>} : memref<112x144xf32, #tpu.memory_space<vmem>>, vector<1x16xf32>,
        %get3A_344 = vector.shape_cast %get3A_343 : vector<1x16xf32> to vector<16xf32>
        %slice3A_345 = vector.extract_strided_slice %exp3A {offsets = [7], sizes = [1], strides = [1]} : vector<16xf32> to vector<1xf32>
        %squeeze3A_346 = vector.extract %slice3A_345[0] : f32 from vector<1xf32>
        %mul3A_347 = vector.broadcast %squeeze3A_346 : f32 to vector<16xf32>
        %mul3A_348 = arith.mulf %get3A_344, %mul3A_347 : vector<16xf32>
        %swap3A_349 = arith.index_cast %scan3A_236 : i32 to index
        %swap3A_350 = arith.constant 112 : index
        %swap3A_351 = tpu.vector_load %arg8[%swap3A_349, %swap3A_350] {strides = array<i32>} : memref<112x144xf32, #tpu.memory_space<vmem>>, vector<1x16xf32>,
        %swap3A_352 = vector.shape_cast %swap3A_351 : vector<1x16xf32> to vector<16xf32>
        %swap3A_353 = vector.shape_cast %mul3A_348 : vector<16xf32> to vector<1x16xf32>
        tpu.vector_store %arg8[%swap3A_349, %swap3A_350], %swap3A_353 {strides = array<i32>} : memref<112x144xf32, #tpu.memory_space<vmem>>, vector<1x16xf32>,
      }
      %scan3A_174 = arith.constant 112 : i32
      %run_scoped3A_175 = arith.constant 1 : i32
      "tpu.region"() ({
        %run_scoped3A_236 = tpu.sem_alloc : memref<!tpu.dma_semaphore, #tpu.memory_space<semaphore_mem>>
        %dma_start3A_237 = arith.constant 0 : i32
        %dma_start3A_238 = tpu.memref_slice %arg6[%run_scoped3A_175, %dma_start3A_237] : memref<2x112xi32, #tpu.memory_space<vmem>> -> memref<1x112xi32, #tpu.memory_space<vmem>>
        %dma_start3A_239 = tpu.memref_squeeze %dma_start3A_238 : memref<1x112xi32, #tpu.memory_space<vmem>> -> memref<112xi32, #tpu.memory_space<vmem>>
        %dma_start3A_240 = arith.constant 0 : i32
        %dma_start3A_241 = arith.constant 0 : i32
        %dma_start3A_242 = tpu.memref_slice %arg12[%dma_start3A_240, %dma_start3A_241] : memref<10240x144xf32, #tpu.memory_space<vmem_shared>> -> memref<10240x144xf32, #tpu.memory_space<vmem_shared>>
        tpu.enqueue_indirect_dma source(%arg8 : memref<112x144xf32, #tpu.memory_space<vmem>>) target(%dma_start3A_242 : memref<10240x144xf32, #tpu.memory_space<vmem_shared>>) offsets(%dma_start3A_239 : memref<112xi32, #tpu.memory_space<vmem>>) semaphore(%run_scoped3A_236 : memref<!tpu.dma_semaphore, #tpu.memory_space<semaphore_mem>>) {add = true}
        %dma_wait3A_243 = arith.constant 0 : i32
        %dma_wait3A_244 = tpu.memref_slice %arg6[%run_scoped3A_175, %dma_wait3A_243] : memref<2x112xi32, #tpu.memory_space<vmem>> -> memref<1x112xi32, #tpu.memory_space<vmem>>
        %dma_wait3A_245 = tpu.memref_squeeze %dma_wait3A_244 : memref<1x112xi32, #tpu.memory_space<vmem>> -> memref<112xi32, #tpu.memory_space<vmem>>
        %dma_wait3A_246 = arith.constant 0 : i32
        %dma_wait3A_247 = arith.constant 0 : i32
        %dma_wait3A_248 = tpu.memref_slice %arg12[%dma_wait3A_246, %dma_wait3A_247] : memref<10240x144xf32, #tpu.memory_space<vmem_shared>> -> memref<10240x144xf32, #tpu.memory_space<vmem_shared>>
        tpu.wait_indirect_dma semaphore(%run_scoped3A_236 : memref<!tpu.dma_semaphore, #tpu.memory_space<semaphore_mem>>) src(%arg8 : memref<112x144xf32, #tpu.memory_space<vmem>>) dst(%dma_wait3A_248 : memref<10240x144xf32, #tpu.memory_space<vmem_shared>>)
        tpu.yield
      }) : () -> ()
      %add3A_176 = arith.constant 2 : i32
      %add3A_177 = arith.addi %mul3A_129, %add3A_176 : i32
      %add3A_178 = arith.addi %select_n3A, %add3A_177 : i32
      %dma_start3A_179 = arith.constant 0 : i32
      %dma_start3A_180 = arith.constant 0 : i32
      %dma_start3A_181 = tpu.memref_slice %arg4[%add3A_178, %dma_start3A_179, %dma_start3A_180] : memref<2912x2x112xi32, #tpu.memory_space<hbm>> -> memref<1x2x112xi32, #tpu.memory_space<hbm>>
      %dma_start3A_182 = tpu.memref_squeeze %dma_start3A_181 : memref<1x2x112xi32, #tpu.memory_space<hbm>> -> memref<2x112xi32, #tpu.memory_space<hbm>>
      %dma_start3A_183 = arith.constant 0 : i32
      %dma_start3A_184 = arith.constant 0 : i32
      %dma_start3A_185 = tpu.memref_slice %arg4[%add3A_178, %dma_start3A_183, %dma_start3A_184] : memref<2912x2x112xi32, #tpu.memory_space<hbm>> -> memref<1x2x112xi32, #tpu.memory_space<hbm>>
      %dma_start3A_186 = tpu.memref_squeeze %dma_start3A_185 : memref<1x2x112xi32, #tpu.memory_space<hbm>> -> memref<2x112xi32, #tpu.memory_space<hbm>>
      tpu.enqueue_dma source(%dma_start3A_186 : memref<2x112xi32, #tpu.memory_space<hbm>>) target(%arg6 : memref<2x112xi32, #tpu.memory_space<vmem>>) target_semaphore(%arg13 : memref<!tpu.dma_semaphore, #tpu.memory_space<semaphore_mem>>)
      %add3A_187 = arith.constant 2 : i32
      %add3A_188 = arith.addi %mul3A_129, %add3A_187 : i32
      %add3A_189 = arith.addi %select_n3A, %add3A_188 : i32
      %dma_wait3A_190 = arith.constant 0 : i32
      %dma_wait3A_191 = arith.constant 0 : i32
      %dma_wait3A_192 = tpu.memref_slice %arg4[%add3A_189, %dma_wait3A_190, %dma_wait3A_191] : memref<2912x2x112xi32, #tpu.memory_space<hbm>> -> memref<1x2x112xi32, #tpu.memory_space<hbm>>
      %dma_wait3A_193 = tpu.memref_squeeze %dma_wait3A_192 : memref<1x2x112xi32, #tpu.memory_space<hbm>> -> memref<2x112xi32, #tpu.memory_space<hbm>>
      %dma_wait3A_194 = arith.constant 0 : i32
      %dma_wait3A_195 = arith.constant 0 : i32
      %dma_wait3A_196 = tpu.memref_slice %arg4[%add3A_189, %dma_wait3A_194, %dma_wait3A_195] : memref<2912x2x112xi32, #tpu.memory_space<hbm>> -> memref<1x2x112xi32, #tpu.memory_space<hbm>>
      %dma_wait3A_197 = tpu.memref_squeeze %dma_wait3A_196 : memref<1x2x112xi32, #tpu.memory_space<hbm>> -> memref<2x112xi32, #tpu.memory_space<hbm>>
      tpu.wait_dma2 semaphore(%arg13 : memref<!tpu.dma_semaphore, #tpu.memory_space<semaphore_mem>>) src(%dma_wait3A_197 : memref<2x112xi32, #tpu.memory_space<hbm>>) dst(%arg6 : memref<2x112xi32, #tpu.memory_space<vmem>>)
      %dma_start3A_198 = arith.constant 0 : i32
      %dma_start3A_199 = arith.constant 0 : i32
      %dma_start3A_200 = tpu.memref_slice %arg6[%dma_start3A_198, %dma_start3A_199] : memref<2x112xi32, #tpu.memory_space<vmem>> -> memref<1x112xi32, #tpu.memory_space<vmem>>
      %dma_start3A_201 = tpu.memref_squeeze %dma_start3A_200 : memref<1x112xi32, #tpu.memory_space<vmem>> -> memref<112xi32, #tpu.memory_space<vmem>>
      %dma_start3A_202 = arith.constant 0 : i32
      %dma_start3A_203 = arith.constant 0 : i32
      %dma_start3A_204 = tpu.memref_slice %arg2[%dma_start3A_202, %dma_start3A_203] : memref<10240x144xf32, #tpu.memory_space<hbm>> -> memref<10240x144xf32, #tpu.memory_space<hbm>>
      tpu.enqueue_indirect_dma source(%dma_start3A_204 : memref<10240x144xf32, #tpu.memory_space<hbm>>) target(%arg8 : memref<112x144xf32, #tpu.memory_space<vmem>>) offsets(%dma_start3A_201 : memref<112xi32, #tpu.memory_space<vmem>>) semaphore(%arg15 : memref<!tpu.dma_semaphore, #tpu.memory_space<semaphore_mem>>)
      %dma_start3A_205 = arith.constant 1 : i32
      %dma_start3A_206 = arith.constant 0 : i32
      %dma_start3A_207 = tpu.memref_slice %arg6[%dma_start3A_205, %dma_start3A_206] : memref<2x112xi32, #tpu.memory_space<vmem>> -> memref<1x112xi32, #tpu.memory_space<vmem>>
      %dma_start3A_208 = tpu.memref_squeeze %dma_start3A_207 : memref<1x112xi32, #tpu.memory_space<vmem>> -> memref<112xi32, #tpu.memory_space<vmem>>
      %dma_start3A_209 = arith.constant 0 : i32
      %dma_start3A_210 = arith.constant 0 : i32
      %dma_start3A_211 = tpu.memref_slice %arg3[%dma_start3A_209, %dma_start3A_210] : memref<10240x16xf32, #tpu.memory_space<hbm>> -> memref<10240x16xf32, #tpu.memory_space<hbm>>
      tpu.enqueue_indirect_dma source(%dma_start3A_211 : memref<10240x16xf32, #tpu.memory_space<hbm>>) target(%arg10 : memref<112x16xf32, #tpu.memory_space<vmem>>) offsets(%dma_start3A_208 : memref<112xi32, #tpu.memory_space<vmem>>) semaphore(%arg17 : memref<!tpu.dma_semaphore, #tpu.memory_space<semaphore_mem>>)
      %dma_wait3A_212 = arith.constant 0 : i32
      %dma_wait3A_213 = arith.constant 0 : i32
      %dma_wait3A_214 = tpu.memref_slice %arg7[%dma_wait3A_212, %dma_wait3A_213] : memref<2x112xi32, #tpu.memory_space<vmem>> -> memref<1x112xi32, #tpu.memory_space<vmem>>
      %dma_wait3A_215 = tpu.memref_squeeze %dma_wait3A_214 : memref<1x112xi32, #tpu.memory_space<vmem>> -> memref<112xi32, #tpu.memory_space<vmem>>
      %dma_wait3A_216 = arith.constant 0 : i32
      %dma_wait3A_217 = arith.constant 0 : i32
      %dma_wait3A_218 = tpu.memref_slice %arg2[%dma_wait3A_216, %dma_wait3A_217] : memref<10240x144xf32, #tpu.memory_space<hbm>> -> memref<10240x144xf32, #tpu.memory_space<hbm>>
      tpu.wait_indirect_dma semaphore(%arg16 : memref<!tpu.dma_semaphore, #tpu.memory_space<semaphore_mem>>) src(%dma_wait3A_218 : memref<10240x144xf32, #tpu.memory_space<hbm>>) dst(%arg9 : memref<112x144xf32, #tpu.memory_space<vmem>>)
      %dma_wait3A_219 = arith.constant 1 : i32
      %dma_wait3A_220 = arith.constant 0 : i32
      %dma_wait3A_221 = tpu.memref_slice %arg7[%dma_wait3A_219, %dma_wait3A_220] : memref<2x112xi32, #tpu.memory_space<vmem>> -> memref<1x112xi32, #tpu.memory_space<vmem>>
      %dma_wait3A_222 = tpu.memref_squeeze %dma_wait3A_221 : memref<1x112xi32, #tpu.memory_space<vmem>> -> memref<112xi32, #tpu.memory_space<vmem>>
      %dma_wait3A_223 = arith.constant 0 : i32
      %dma_wait3A_224 = arith.constant 0 : i32
      %dma_wait3A_225 = tpu.memref_slice %arg3[%dma_wait3A_223, %dma_wait3A_224] : memref<10240x16xf32, #tpu.memory_space<hbm>> -> memref<10240x16xf32, #tpu.memory_space<hbm>>
      tpu.wait_indirect_dma semaphore(%arg18 : memref<!tpu.dma_semaphore, #tpu.memory_space<semaphore_mem>>) src(%dma_wait3A_225 : memref<10240x16xf32, #tpu.memory_space<hbm>>) dst(%arg11 : memref<112x16xf32, #tpu.memory_space<vmem>>)
      %scan3A_226 = arith.constant 0 : i32
      %scan3A_227 = arith.constant 0 : i32
      %scan3A_228 = arith.constant 112 : i32
      %scan3A_229 = arith.addi %scan3A_227, %scan3A_228 : i32
      %scan3A_230 = arith.constant 1 : i32
      scf.for %scan3A_236 = %scan3A_227 to %scan3A_229 step %scan3A_230  : i32 {
        %get3A = arith.index_cast %scan3A_236 : i32 to index
        %get3A_237 = arith.constant 128 : index
        %get3A_238 = tpu.vector_load %arg9[%get3A, %get3A_237] {strides = array<i32>} : memref<112x144xf32, #tpu.memory_space<vmem>>, vector<1x16xf32>,
        %get3A_239 = vector.shape_cast %get3A_238 : vector<1x16xf32> to vector<16xf32>
        %get3A_240 = arith.index_cast %scan3A_236 : i32 to index
        %get3A_241 = arith.constant 0 : index
        %get3A_242 = tpu.vector_load %arg11[%get3A_240, %get3A_241] {strides = array<i32>} : memref<112x16xf32, #tpu.memory_space<vmem>>, vector<1x16xf32>,
        %get3A_243 = vector.shape_cast %get3A_242 : vector<1x16xf32> to vector<16xf32>
        %add3A_244 = arith.addf %get3A_239, %get3A_243 : vector<16xf32>
        %mul3A_245 = arith.constant 2.000000e-01 : f32
        %mul3A_246 = vector.broadcast %mul3A_245 : f32 to vector<16xf32>
        %mul3A_247 = arith.mulf %add3A_244, %mul3A_246 : vector<16xf32>
        %max3A = arith.maximumf %add3A_244, %mul3A_247 : vector<16xf32>
        %exp3A = math.exp %max3A : vector<16xf32>
        %swap3A = arith.index_cast %scan3A_236 : i32 to index
        %swap3A_248 = arith.constant 128 : index
        %swap3A_249 = tpu.vector_load %arg9[%swap3A, %swap3A_248] {strides = array<i32>} : memref<112x144xf32, #tpu.memory_space<vmem>>, vector<1x16xf32>,
        %swap3A_250 = vector.shape_cast %swap3A_249 : vector<1x16xf32> to vector<16xf32>
        %swap3A_251 = vector.shape_cast %exp3A : vector<16xf32> to vector<1x16xf32>
        tpu.vector_store %arg9[%swap3A, %swap3A_248], %swap3A_251 {strides = array<i32>} : memref<112x144xf32, #tpu.memory_space<vmem>>, vector<1x16xf32>,
        %get3A_252 = arith.index_cast %scan3A_236 : i32 to index
        %get3A_253 = arith.constant 0 : index
        %get3A_254 = tpu.vector_load %arg9[%get3A_252, %get3A_253] {strides = array<i32>} : memref<112x144xf32, #tpu.memory_space<vmem>>, vector<1x16xf32>,
        %get3A_255 = vector.shape_cast %get3A_254 : vector<1x16xf32> to vector<16xf32>
        %slice3A = vector.extract_strided_slice %exp3A {offsets = [0], sizes = [1], strides = [1]} : vector<16xf32> to vector<1xf32>
        %squeeze3A = vector.extract %slice3A[0] : f32 from vector<1xf32>
        %mul3A_256 = vector.broadcast %squeeze3A : f32 to vector<16xf32>
        %mul3A_257 = arith.mulf %get3A_255, %mul3A_256 : vector<16xf32>
        %swap3A_258 = arith.index_cast %scan3A_236 : i32 to index
        %swap3A_259 = arith.constant 0 : index
        %swap3A_260 = tpu.vector_load %arg9[%swap3A_258, %swap3A_259] {strides = array<i32>} : memref<112x144xf32, #tpu.memory_space<vmem>>, vector<1x16xf32>,
        %swap3A_261 = vector.shape_cast %swap3A_260 : vector<1x16xf32> to vector<16xf32>
        %swap3A_262 = vector.shape_cast %mul3A_257 : vector<16xf32> to vector<1x16xf32>
        tpu.vector_store %arg9[%swap3A_258, %swap3A_259], %swap3A_262 {strides = array<i32>} : memref<112x144xf32, #tpu.memory_space<vmem>>, vector<1x16xf32>,
        %get3A_263 = arith.index_cast %scan3A_236 : i32 to index
        %get3A_264 = arith.constant 16 : index
        %get3A_265 = tpu.vector_load %arg9[%get3A_263, %get3A_264] {strides = array<i32>} : memref<112x144xf32, #tpu.memory_space<vmem>>, vector<1x16xf32>,
        %get3A_266 = vector.shape_cast %get3A_265 : vector<1x16xf32> to vector<16xf32>
        %slice3A_267 = vector.extract_strided_slice %exp3A {offsets = [1], sizes = [1], strides = [1]} : vector<16xf32> to vector<1xf32>
        %squeeze3A_268 = vector.extract %slice3A_267[0] : f32 from vector<1xf32>
        %mul3A_269 = vector.broadcast %squeeze3A_268 : f32 to vector<16xf32>
        %mul3A_270 = arith.mulf %get3A_266, %mul3A_269 : vector<16xf32>
        %swap3A_271 = arith.index_cast %scan3A_236 : i32 to index
        %swap3A_272 = arith.constant 16 : index
        %swap3A_273 = tpu.vector_load %arg9[%swap3A_271, %swap3A_272] {strides = array<i32>} : memref<112x144xf32, #tpu.memory_space<vmem>>, vector<1x16xf32>,
        %swap3A_274 = vector.shape_cast %swap3A_273 : vector<1x16xf32> to vector<16xf32>
        %swap3A_275 = vector.shape_cast %mul3A_270 : vector<16xf32> to vector<1x16xf32>
        tpu.vector_store %arg9[%swap3A_271, %swap3A_272], %swap3A_275 {strides = array<i32>} : memref<112x144xf32, #tpu.memory_space<vmem>>, vector<1x16xf32>,
        %get3A_276 = arith.index_cast %scan3A_236 : i32 to index
        %get3A_277 = arith.constant 32 : index
        %get3A_278 = tpu.vector_load %arg9[%get3A_276, %get3A_277] {strides = array<i32>} : memref<112x144xf32, #tpu.memory_space<vmem>>, vector<1x16xf32>,
        %get3A_279 = vector.shape_cast %get3A_278 : vector<1x16xf32> to vector<16xf32>
        %slice3A_280 = vector.extract_strided_slice %exp3A {offsets = [2], sizes = [1], strides = [1]} : vector<16xf32> to vector<1xf32>
        %squeeze3A_281 = vector.extract %slice3A_280[0] : f32 from vector<1xf32>
        %mul3A_282 = vector.broadcast %squeeze3A_281 : f32 to vector<16xf32>
        %mul3A_283 = arith.mulf %get3A_279, %mul3A_282 : vector<16xf32>
        %swap3A_284 = arith.index_cast %scan3A_236 : i32 to index
        %swap3A_285 = arith.constant 32 : index
        %swap3A_286 = tpu.vector_load %arg9[%swap3A_284, %swap3A_285] {strides = array<i32>} : memref<112x144xf32, #tpu.memory_space<vmem>>, vector<1x16xf32>,
        %swap3A_287 = vector.shape_cast %swap3A_286 : vector<1x16xf32> to vector<16xf32>
        %swap3A_288 = vector.shape_cast %mul3A_283 : vector<16xf32> to vector<1x16xf32>
        tpu.vector_store %arg9[%swap3A_284, %swap3A_285], %swap3A_288 {strides = array<i32>} : memref<112x144xf32, #tpu.memory_space<vmem>>, vector<1x16xf32>,
        %get3A_289 = arith.index_cast %scan3A_236 : i32 to index
        %get3A_290 = arith.constant 48 : index
        %get3A_291 = tpu.vector_load %arg9[%get3A_289, %get3A_290] {strides = array<i32>} : memref<112x144xf32, #tpu.memory_space<vmem>>, vector<1x16xf32>,
        %get3A_292 = vector.shape_cast %get3A_291 : vector<1x16xf32> to vector<16xf32>
        %slice3A_293 = vector.extract_strided_slice %exp3A {offsets = [3], sizes = [1], strides = [1]} : vector<16xf32> to vector<1xf32>
        %squeeze3A_294 = vector.extract %slice3A_293[0] : f32 from vector<1xf32>
        %mul3A_295 = vector.broadcast %squeeze3A_294 : f32 to vector<16xf32>
        %mul3A_296 = arith.mulf %get3A_292, %mul3A_295 : vector<16xf32>
        %swap3A_297 = arith.index_cast %scan3A_236 : i32 to index
        %swap3A_298 = arith.constant 48 : index
        %swap3A_299 = tpu.vector_load %arg9[%swap3A_297, %swap3A_298] {strides = array<i32>} : memref<112x144xf32, #tpu.memory_space<vmem>>, vector<1x16xf32>,
        %swap3A_300 = vector.shape_cast %swap3A_299 : vector<1x16xf32> to vector<16xf32>
        %swap3A_301 = vector.shape_cast %mul3A_296 : vector<16xf32> to vector<1x16xf32>
        tpu.vector_store %arg9[%swap3A_297, %swap3A_298], %swap3A_301 {strides = array<i32>} : memref<112x144xf32, #tpu.memory_space<vmem>>, vector<1x16xf32>,
        %get3A_302 = arith.index_cast %scan3A_236 : i32 to index
        %get3A_303 = arith.constant 64 : index
        %get3A_304 = tpu.vector_load %arg9[%get3A_302, %get3A_303] {strides = array<i32>} : memref<112x144xf32, #tpu.memory_space<vmem>>, vector<1x16xf32>,
        %get3A_305 = vector.shape_cast %get3A_304 : vector<1x16xf32> to vector<16xf32>
        %slice3A_306 = vector.extract_strided_slice %exp3A {offsets = [4], sizes = [1], strides = [1]} : vector<16xf32> to vector<1xf32>
        %squeeze3A_307 = vector.extract %slice3A_306[0] : f32 from vector<1xf32>
        %mul3A_308 = vector.broadcast %squeeze3A_307 : f32 to vector<16xf32>
        %mul3A_309 = arith.mulf %get3A_305, %mul3A_308 : vector<16xf32>
        %swap3A_310 = arith.index_cast %scan3A_236 : i32 to index
        %swap3A_311 = arith.constant 64 : index
        %swap3A_312 = tpu.vector_load %arg9[%swap3A_310, %swap3A_311] {strides = array<i32>} : memref<112x144xf32, #tpu.memory_space<vmem>>, vector<1x16xf32>,
        %swap3A_313 = vector.shape_cast %swap3A_312 : vector<1x16xf32> to vector<16xf32>
        %swap3A_314 = vector.shape_cast %mul3A_309 : vector<16xf32> to vector<1x16xf32>
        tpu.vector_store %arg9[%swap3A_310, %swap3A_311], %swap3A_314 {strides = array<i32>} : memref<112x144xf32, #tpu.memory_space<vmem>>, vector<1x16xf32>,
        %get3A_315 = arith.index_cast %scan3A_236 : i32 to index
        %get3A_316 = arith.constant 80 : index
        %get3A_317 = tpu.vector_load %arg9[%get3A_315, %get3A_316] {strides = array<i32>} : memref<112x144xf32, #tpu.memory_space<vmem>>, vector<1x16xf32>,
        %get3A_318 = vector.shape_cast %get3A_317 : vector<1x16xf32> to vector<16xf32>
        %slice3A_319 = vector.extract_strided_slice %exp3A {offsets = [5], sizes = [1], strides = [1]} : vector<16xf32> to vector<1xf32>
        %squeeze3A_320 = vector.extract %slice3A_319[0] : f32 from vector<1xf32>
        %mul3A_321 = vector.broadcast %squeeze3A_320 : f32 to vector<16xf32>
        %mul3A_322 = arith.mulf %get3A_318, %mul3A_321 : vector<16xf32>
        %swap3A_323 = arith.index_cast %scan3A_236 : i32 to index
        %swap3A_324 = arith.constant 80 : index
        %swap3A_325 = tpu.vector_load %arg9[%swap3A_323, %swap3A_324] {strides = array<i32>} : memref<112x144xf32, #tpu.memory_space<vmem>>, vector<1x16xf32>,
        %swap3A_326 = vector.shape_cast %swap3A_325 : vector<1x16xf32> to vector<16xf32>
        %swap3A_327 = vector.shape_cast %mul3A_322 : vector<16xf32> to vector<1x16xf32>
        tpu.vector_store %arg9[%swap3A_323, %swap3A_324], %swap3A_327 {strides = array<i32>} : memref<112x144xf32, #tpu.memory_space<vmem>>, vector<1x16xf32>,
        %get3A_328 = arith.index_cast %scan3A_236 : i32 to index
        %get3A_329 = arith.constant 96 : index
        %get3A_330 = tpu.vector_load %arg9[%get3A_328, %get3A_329] {strides = array<i32>} : memref<112x144xf32, #tpu.memory_space<vmem>>, vector<1x16xf32>,
        %get3A_331 = vector.shape_cast %get3A_330 : vector<1x16xf32> to vector<16xf32>
        %slice3A_332 = vector.extract_strided_slice %exp3A {offsets = [6], sizes = [1], strides = [1]} : vector<16xf32> to vector<1xf32>
        %squeeze3A_333 = vector.extract %slice3A_332[0] : f32 from vector<1xf32>
        %mul3A_334 = vector.broadcast %squeeze3A_333 : f32 to vector<16xf32>
        %mul3A_335 = arith.mulf %get3A_331, %mul3A_334 : vector<16xf32>
        %swap3A_336 = arith.index_cast %scan3A_236 : i32 to index
        %swap3A_337 = arith.constant 96 : index
        %swap3A_338 = tpu.vector_load %arg9[%swap3A_336, %swap3A_337] {strides = array<i32>} : memref<112x144xf32, #tpu.memory_space<vmem>>, vector<1x16xf32>,
        %swap3A_339 = vector.shape_cast %swap3A_338 : vector<1x16xf32> to vector<16xf32>
        %swap3A_340 = vector.shape_cast %mul3A_335 : vector<16xf32> to vector<1x16xf32>
        tpu.vector_store %arg9[%swap3A_336, %swap3A_337], %swap3A_340 {strides = array<i32>} : memref<112x144xf32, #tpu.memory_space<vmem>>, vector<1x16xf32>,
        %get3A_341 = arith.index_cast %scan3A_236 : i32 to index
        %get3A_342 = arith.constant 112 : index
        %get3A_343 = tpu.vector_load %arg9[%get3A_341, %get3A_342] {strides = array<i32>} : memref<112x144xf32, #tpu.memory_space<vmem>>, vector<1x16xf32>,
        %get3A_344 = vector.shape_cast %get3A_343 : vector<1x16xf32> to vector<16xf32>
        %slice3A_345 = vector.extract_strided_slice %exp3A {offsets = [7], sizes = [1], strides = [1]} : vector<16xf32> to vector<1xf32>
        %squeeze3A_346 = vector.extract %slice3A_345[0] : f32 from vector<1xf32>
        %mul3A_347 = vector.broadcast %squeeze3A_346 : f32 to vector<16xf32>
        %mul3A_348 = arith.mulf %get3A_344, %mul3A_347 : vector<16xf32>
        %swap3A_349 = arith.index_cast %scan3A_236 : i32 to index
        %swap3A_350 = arith.constant 112 : index
        %swap3A_351 = tpu.vector_load %arg9[%swap3A_349, %swap3A_350] {strides = array<i32>} : memref<112x144xf32, #tpu.memory_space<vmem>>, vector<1x16xf32>,
        %swap3A_352 = vector.shape_cast %swap3A_351 : vector<1x16xf32> to vector<16xf32>
        %swap3A_353 = vector.shape_cast %mul3A_348 : vector<16xf32> to vector<1x16xf32>
        tpu.vector_store %arg9[%swap3A_349, %swap3A_350], %swap3A_353 {strides = array<i32>} : memref<112x144xf32, #tpu.memory_space<vmem>>, vector<1x16xf32>,
      }
      %scan3A_231 = arith.constant 112 : i32
      %run_scoped3A_232 = arith.constant 1 : i32
      "tpu.region"() ({
        %run_scoped3A_236 = tpu.sem_alloc : memref<!tpu.dma_semaphore, #tpu.memory_space<semaphore_mem>>
        %dma_start3A_237 = arith.constant 0 : i32
        %dma_start3A_238 = tpu.memref_slice %arg7[%run_scoped3A_232, %dma_start3A_237] : memref<2x112xi32, #tpu.memory_space<vmem>> -> memref<1x112xi32, #tpu.memory_space<vmem>>
        %dma_start3A_239 = tpu.memref_squeeze %dma_start3A_238 : memref<1x112xi32, #tpu.memory_space<vmem>> -> memref<112xi32, #tpu.memory_space<vmem>>
        %dma_start3A_240 = arith.constant 0 : i32
        %dma_start3A_241 = arith.constant 0 : i32
        %dma_start3A_242 = tpu.memref_slice %arg12[%dma_start3A_240, %dma_start3A_241] : memref<10240x144xf32, #tpu.memory_space<vmem_shared>> -> memref<10240x144xf32, #tpu.memory_space<vmem_shared>>
        tpu.enqueue_indirect_dma source(%arg9 : memref<112x144xf32, #tpu.memory_space<vmem>>) target(%dma_start3A_242 : memref<10240x144xf32, #tpu.memory_space<vmem_shared>>) offsets(%dma_start3A_239 : memref<112xi32, #tpu.memory_space<vmem>>) semaphore(%run_scoped3A_236 : memref<!tpu.dma_semaphore, #tpu.memory_space<semaphore_mem>>) {add = true}
        %dma_wait3A_243 = arith.constant 0 : i32
        %dma_wait3A_244 = tpu.memref_slice %arg7[%run_scoped3A_232, %dma_wait3A_243] : memref<2x112xi32, #tpu.memory_space<vmem>> -> memref<1x112xi32, #tpu.memory_space<vmem>>
        %dma_wait3A_245 = tpu.memref_squeeze %dma_wait3A_244 : memref<1x112xi32, #tpu.memory_space<vmem>> -> memref<112xi32, #tpu.memory_space<vmem>>
        %dma_wait3A_246 = arith.constant 0 : i32
        %dma_wait3A_247 = arith.constant 0 : i32
        %dma_wait3A_248 = tpu.memref_slice %arg12[%dma_wait3A_246, %dma_wait3A_247] : memref<10240x144xf32, #tpu.memory_space<vmem_shared>> -> memref<10240x144xf32, #tpu.memory_space<vmem_shared>>
        tpu.wait_indirect_dma semaphore(%run_scoped3A_236 : memref<!tpu.dma_semaphore, #tpu.memory_space<semaphore_mem>>) src(%arg9 : memref<112x144xf32, #tpu.memory_space<vmem>>) dst(%dma_wait3A_248 : memref<10240x144xf32, #tpu.memory_space<vmem_shared>>)
        tpu.yield
      }) : () -> ()
      %sub3A_233 = arith.constant 1 : i32
      %sub3A_234 = arith.subi %select_n3A_92, %sub3A_233 : i32
      %lt3A = arith.cmpi slt, %while3A_127, %sub3A_234 : i32
      %convert_element_type3A = arith.extui %lt3A : i1 to i32
      %cond3A = arith.constant 0 : i32
      %cond3A_235 = arith.cmpi ne, %convert_element_type3A, %cond3A : i32
      scf.if %cond3A_235 {
        %add3A_236 = arith.constant 3 : i32
        %add3A_237 = arith.addi %mul3A_129, %add3A_236 : i32
        %add3A_238 = arith.addi %select_n3A, %add3A_237 : i32
        %dma_start3A_239 = arith.constant 0 : i32
        %dma_start3A_240 = arith.constant 0 : i32
        %dma_start3A_241 = tpu.memref_slice %arg4[%add3A_238, %dma_start3A_239, %dma_start3A_240] : memref<2912x2x112xi32, #tpu.memory_space<hbm>> -> memref<1x2x112xi32, #tpu.memory_space<hbm>>
        %dma_start3A_242 = tpu.memref_squeeze %dma_start3A_241 : memref<1x2x112xi32, #tpu.memory_space<hbm>> -> memref<2x112xi32, #tpu.memory_space<hbm>>
        %dma_start3A_243 = arith.constant 0 : i32
        %dma_start3A_244 = arith.constant 0 : i32
        %dma_start3A_245 = tpu.memref_slice %arg4[%add3A_238, %dma_start3A_243, %dma_start3A_244] : memref<2912x2x112xi32, #tpu.memory_space<hbm>> -> memref<1x2x112xi32, #tpu.memory_space<hbm>>
        %dma_start3A_246 = tpu.memref_squeeze %dma_start3A_245 : memref<1x2x112xi32, #tpu.memory_space<hbm>> -> memref<2x112xi32, #tpu.memory_space<hbm>>
        tpu.enqueue_dma source(%dma_start3A_246 : memref<2x112xi32, #tpu.memory_space<hbm>>) target(%arg7 : memref<2x112xi32, #tpu.memory_space<vmem>>) target_semaphore(%arg14 : memref<!tpu.dma_semaphore, #tpu.memory_space<semaphore_mem>>)
      } else {
      }
    }
    %while3A_101 = arith.constant 1 : i32
    scf.for %while3A_127 = %while3A_99 to %while3A_95 step %while3A_101  : i32 {
      %mul3A_128 = arith.constant 2 : i32
      %mul3A_129 = arith.muli %mul3A_128, %while3A_127 : i32
      %add3A_130 = arith.constant 1 : i32
      %add3A_131 = arith.addi %mul3A_129, %add3A_130 : i32
      %add3A_132 = arith.addi %select_n3A, %add3A_131 : i32
      %dma_wait3A_133 = arith.constant 0 : i32
      %dma_wait3A_134 = arith.constant 0 : i32
      %dma_wait3A_135 = tpu.memref_slice %arg4[%add3A_132, %dma_wait3A_133, %dma_wait3A_134] : memref<2912x2x112xi32, #tpu.memory_space<hbm>> -> memref<1x2x112xi32, #tpu.memory_space<hbm>>
      %dma_wait3A_136 = tpu.memref_squeeze %dma_wait3A_135 : memref<1x2x112xi32, #tpu.memory_space<hbm>> -> memref<2x112xi32, #tpu.memory_space<hbm>>
      %dma_wait3A_137 = arith.constant 0 : i32
      %dma_wait3A_138 = arith.constant 0 : i32
      %dma_wait3A_139 = tpu.memref_slice %arg4[%add3A_132, %dma_wait3A_137, %dma_wait3A_138] : memref<2912x2x112xi32, #tpu.memory_space<hbm>> -> memref<1x2x112xi32, #tpu.memory_space<hbm>>
      %dma_wait3A_140 = tpu.memref_squeeze %dma_wait3A_139 : memref<1x2x112xi32, #tpu.memory_space<hbm>> -> memref<2x112xi32, #tpu.memory_space<hbm>>
      tpu.wait_dma2 semaphore(%arg14 : memref<!tpu.dma_semaphore, #tpu.memory_space<semaphore_mem>>) src(%dma_wait3A_140 : memref<2x112xi32, #tpu.memory_space<hbm>>) dst(%arg7 : memref<2x112xi32, #tpu.memory_space<vmem>>)
      %dma_start3A_141 = arith.constant 0 : i32
      %dma_start3A_142 = arith.constant 0 : i32
      %dma_start3A_143 = tpu.memref_slice %arg7[%dma_start3A_141, %dma_start3A_142] : memref<2x112xi32, #tpu.memory_space<vmem>> -> memref<1x112xi32, #tpu.memory_space<vmem>>
      %dma_start3A_144 = tpu.memref_squeeze %dma_start3A_143 : memref<1x112xi32, #tpu.memory_space<vmem>> -> memref<112xi32, #tpu.memory_space<vmem>>
      %dma_start3A_145 = arith.constant 0 : i32
      %dma_start3A_146 = arith.constant 0 : i32
      %dma_start3A_147 = tpu.memref_slice %arg2[%dma_start3A_145, %dma_start3A_146] : memref<10240x144xf32, #tpu.memory_space<hbm>> -> memref<10240x144xf32, #tpu.memory_space<hbm>>
      tpu.enqueue_indirect_dma source(%dma_start3A_147 : memref<10240x144xf32, #tpu.memory_space<hbm>>) target(%arg9 : memref<112x144xf32, #tpu.memory_space<vmem>>) offsets(%dma_start3A_144 : memref<112xi32, #tpu.memory_space<vmem>>) semaphore(%arg16 : memref<!tpu.dma_semaphore, #tpu.memory_space<semaphore_mem>>)
      %dma_start3A_148 = arith.constant 1 : i32
      %dma_start3A_149 = arith.constant 0 : i32
      %dma_start3A_150 = tpu.memref_slice %arg7[%dma_start3A_148, %dma_start3A_149] : memref<2x112xi32, #tpu.memory_space<vmem>> -> memref<1x112xi32, #tpu.memory_space<vmem>>
      %dma_start3A_151 = tpu.memref_squeeze %dma_start3A_150 : memref<1x112xi32, #tpu.memory_space<vmem>> -> memref<112xi32, #tpu.memory_space<vmem>>
      %dma_start3A_152 = arith.constant 0 : i32
      %dma_start3A_153 = arith.constant 0 : i32
      %dma_start3A_154 = tpu.memref_slice %arg3[%dma_start3A_152, %dma_start3A_153] : memref<10240x16xf32, #tpu.memory_space<hbm>> -> memref<10240x16xf32, #tpu.memory_space<hbm>>
      tpu.enqueue_indirect_dma source(%dma_start3A_154 : memref<10240x16xf32, #tpu.memory_space<hbm>>) target(%arg11 : memref<112x16xf32, #tpu.memory_space<vmem>>) offsets(%dma_start3A_151 : memref<112xi32, #tpu.memory_space<vmem>>) semaphore(%arg18 : memref<!tpu.dma_semaphore, #tpu.memory_space<semaphore_mem>>)
      %dma_wait3A_155 = arith.constant 0 : i32
      %dma_wait3A_156 = arith.constant 0 : i32
      %dma_wait3A_157 = tpu.memref_slice %arg6[%dma_wait3A_155, %dma_wait3A_156] : memref<2x112xi32, #tpu.memory_space<vmem>> -> memref<1x112xi32, #tpu.memory_space<vmem>>
      %dma_wait3A_158 = tpu.memref_squeeze %dma_wait3A_157 : memref<1x112xi32, #tpu.memory_space<vmem>> -> memref<112xi32, #tpu.memory_space<vmem>>
      %dma_wait3A_159 = arith.constant 0 : i32
      %dma_wait3A_160 = arith.constant 0 : i32
      %dma_wait3A_161 = tpu.memref_slice %arg2[%dma_wait3A_159, %dma_wait3A_160] : memref<10240x144xf32, #tpu.memory_space<hbm>> -> memref<10240x144xf32, #tpu.memory_space<hbm>>
      tpu.wait_indirect_dma semaphore(%arg15 : memref<!tpu.dma_semaphore, #tpu.memory_space<semaphore_mem>>) src(%dma_wait3A_161 : memref<10240x144xf32, #tpu.memory_space<hbm>>) dst(%arg8 : memref<112x144xf32, #tpu.memory_space<vmem>>)
      %dma_wait3A_162 = arith.constant 1 : i32
      %dma_wait3A_163 = arith.constant 0 : i32
      %dma_wait3A_164 = tpu.memref_slice %arg6[%dma_wait3A_162, %dma_wait3A_163] : memref<2x112xi32, #tpu.memory_space<vmem>> -> memref<1x112xi32, #tpu.memory_space<vmem>>
      %dma_wait3A_165 = tpu.memref_squeeze %dma_wait3A_164 : memref<1x112xi32, #tpu.memory_space<vmem>> -> memref<112xi32, #tpu.memory_space<vmem>>
      %dma_wait3A_166 = arith.constant 0 : i32
      %dma_wait3A_167 = arith.constant 0 : i32
      %dma_wait3A_168 = tpu.memref_slice %arg3[%dma_wait3A_166, %dma_wait3A_167] : memref<10240x16xf32, #tpu.memory_space<hbm>> -> memref<10240x16xf32, #tpu.memory_space<hbm>>
      tpu.wait_indirect_dma semaphore(%arg17 : memref<!tpu.dma_semaphore, #tpu.memory_space<semaphore_mem>>) src(%dma_wait3A_168 : memref<10240x16xf32, #tpu.memory_space<hbm>>) dst(%arg10 : memref<112x16xf32, #tpu.memory_space<vmem>>)
      %scan3A_169 = arith.constant 0 : i32
      %scan3A_170 = arith.constant 0 : i32
      %scan3A_171 = arith.constant 112 : i32
      %scan3A_172 = arith.addi %scan3A_170, %scan3A_171 : i32
      %scan3A_173 = arith.constant 1 : i32
      scf.for %scan3A_236 = %scan3A_170 to %scan3A_172 step %scan3A_173  : i32 {
        %get3A = arith.index_cast %scan3A_236 : i32 to index
        %get3A_237 = arith.constant 128 : index
        %get3A_238 = tpu.vector_load %arg8[%get3A, %get3A_237] {strides = array<i32>} : memref<112x144xf32, #tpu.memory_space<vmem>>, vector<1x16xf32>,
        %get3A_239 = vector.shape_cast %get3A_238 : vector<1x16xf32> to vector<16xf32>
        %get3A_240 = arith.index_cast %scan3A_236 : i32 to index
        %get3A_241 = arith.constant 0 : index
        %get3A_242 = tpu.vector_load %arg10[%get3A_240, %get3A_241] {strides = array<i32>} : memref<112x16xf32, #tpu.memory_space<vmem>>, vector<1x16xf32>,
        %get3A_243 = vector.shape_cast %get3A_242 : vector<1x16xf32> to vector<16xf32>
        %add3A_244 = arith.addf %get3A_239, %get3A_243 : vector<16xf32>
        %mul3A_245 = arith.constant 2.000000e-01 : f32
        %mul3A_246 = vector.broadcast %mul3A_245 : f32 to vector<16xf32>
        %mul3A_247 = arith.mulf %add3A_244, %mul3A_246 : vector<16xf32>
        %max3A = arith.maximumf %add3A_244, %mul3A_247 : vector<16xf32>
        %exp3A = math.exp %max3A : vector<16xf32>
        %swap3A = arith.index_cast %scan3A_236 : i32 to index
        %swap3A_248 = arith.constant 128 : index
        %swap3A_249 = tpu.vector_load %arg8[%swap3A, %swap3A_248] {strides = array<i32>} : memref<112x144xf32, #tpu.memory_space<vmem>>, vector<1x16xf32>,
        %swap3A_250 = vector.shape_cast %swap3A_249 : vector<1x16xf32> to vector<16xf32>
        %swap3A_251 = vector.shape_cast %exp3A : vector<16xf32> to vector<1x16xf32>
        tpu.vector_store %arg8[%swap3A, %swap3A_248], %swap3A_251 {strides = array<i32>} : memref<112x144xf32, #tpu.memory_space<vmem>>, vector<1x16xf32>,
        %get3A_252 = arith.index_cast %scan3A_236 : i32 to index
        %get3A_253 = arith.constant 0 : index
        %get3A_254 = tpu.vector_load %arg8[%get3A_252, %get3A_253] {strides = array<i32>} : memref<112x144xf32, #tpu.memory_space<vmem>>, vector<1x16xf32>,
        %get3A_255 = vector.shape_cast %get3A_254 : vector<1x16xf32> to vector<16xf32>
        %slice3A = vector.extract_strided_slice %exp3A {offsets = [0], sizes = [1], strides = [1]} : vector<16xf32> to vector<1xf32>
        %squeeze3A = vector.extract %slice3A[0] : f32 from vector<1xf32>
        %mul3A_256 = vector.broadcast %squeeze3A : f32 to vector<16xf32>
        %mul3A_257 = arith.mulf %get3A_255, %mul3A_256 : vector<16xf32>
        %swap3A_258 = arith.index_cast %scan3A_236 : i32 to index
        %swap3A_259 = arith.constant 0 : index
        %swap3A_260 = tpu.vector_load %arg8[%swap3A_258, %swap3A_259] {strides = array<i32>} : memref<112x144xf32, #tpu.memory_space<vmem>>, vector<1x16xf32>,
        %swap3A_261 = vector.shape_cast %swap3A_260 : vector<1x16xf32> to vector<16xf32>
        %swap3A_262 = vector.shape_cast %mul3A_257 : vector<16xf32> to vector<1x16xf32>
        tpu.vector_store %arg8[%swap3A_258, %swap3A_259], %swap3A_262 {strides = array<i32>} : memref<112x144xf32, #tpu.memory_space<vmem>>, vector<1x16xf32>,
        %get3A_263 = arith.index_cast %scan3A_236 : i32 to index
        %get3A_264 = arith.constant 16 : index
        %get3A_265 = tpu.vector_load %arg8[%get3A_263, %get3A_264] {strides = array<i32>} : memref<112x144xf32, #tpu.memory_space<vmem>>, vector<1x16xf32>,
        %get3A_266 = vector.shape_cast %get3A_265 : vector<1x16xf32> to vector<16xf32>
        %slice3A_267 = vector.extract_strided_slice %exp3A {offsets = [1], sizes = [1], strides = [1]} : vector<16xf32> to vector<1xf32>
        %squeeze3A_268 = vector.extract %slice3A_267[0] : f32 from vector<1xf32>
        %mul3A_269 = vector.broadcast %squeeze3A_268 : f32 to vector<16xf32>
        %mul3A_270 = arith.mulf %get3A_266, %mul3A_269 : vector<16xf32>
        %swap3A_271 = arith.index_cast %scan3A_236 : i32 to index
        %swap3A_272 = arith.constant 16 : index
        %swap3A_273 = tpu.vector_load %arg8[%swap3A_271, %swap3A_272] {strides = array<i32>} : memref<112x144xf32, #tpu.memory_space<vmem>>, vector<1x16xf32>,
        %swap3A_274 = vector.shape_cast %swap3A_273 : vector<1x16xf32> to vector<16xf32>
        %swap3A_275 = vector.shape_cast %mul3A_270 : vector<16xf32> to vector<1x16xf32>
        tpu.vector_store %arg8[%swap3A_271, %swap3A_272], %swap3A_275 {strides = array<i32>} : memref<112x144xf32, #tpu.memory_space<vmem>>, vector<1x16xf32>,
        %get3A_276 = arith.index_cast %scan3A_236 : i32 to index
        %get3A_277 = arith.constant 32 : index
        %get3A_278 = tpu.vector_load %arg8[%get3A_276, %get3A_277] {strides = array<i32>} : memref<112x144xf32, #tpu.memory_space<vmem>>, vector<1x16xf32>,
        %get3A_279 = vector.shape_cast %get3A_278 : vector<1x16xf32> to vector<16xf32>
        %slice3A_280 = vector.extract_strided_slice %exp3A {offsets = [2], sizes = [1], strides = [1]} : vector<16xf32> to vector<1xf32>
        %squeeze3A_281 = vector.extract %slice3A_280[0] : f32 from vector<1xf32>
        %mul3A_282 = vector.broadcast %squeeze3A_281 : f32 to vector<16xf32>
        %mul3A_283 = arith.mulf %get3A_279, %mul3A_282 : vector<16xf32>
        %swap3A_284 = arith.index_cast %scan3A_236 : i32 to index
        %swap3A_285 = arith.constant 32 : index
        %swap3A_286 = tpu.vector_load %arg8[%swap3A_284, %swap3A_285] {strides = array<i32>} : memref<112x144xf32, #tpu.memory_space<vmem>>, vector<1x16xf32>,
        %swap3A_287 = vector.shape_cast %swap3A_286 : vector<1x16xf32> to vector<16xf32>
        %swap3A_288 = vector.shape_cast %mul3A_283 : vector<16xf32> to vector<1x16xf32>
        tpu.vector_store %arg8[%swap3A_284, %swap3A_285], %swap3A_288 {strides = array<i32>} : memref<112x144xf32, #tpu.memory_space<vmem>>, vector<1x16xf32>,
        %get3A_289 = arith.index_cast %scan3A_236 : i32 to index
        %get3A_290 = arith.constant 48 : index
        %get3A_291 = tpu.vector_load %arg8[%get3A_289, %get3A_290] {strides = array<i32>} : memref<112x144xf32, #tpu.memory_space<vmem>>, vector<1x16xf32>,
        %get3A_292 = vector.shape_cast %get3A_291 : vector<1x16xf32> to vector<16xf32>
        %slice3A_293 = vector.extract_strided_slice %exp3A {offsets = [3], sizes = [1], strides = [1]} : vector<16xf32> to vector<1xf32>
        %squeeze3A_294 = vector.extract %slice3A_293[0] : f32 from vector<1xf32>
        %mul3A_295 = vector.broadcast %squeeze3A_294 : f32 to vector<16xf32>
        %mul3A_296 = arith.mulf %get3A_292, %mul3A_295 : vector<16xf32>
        %swap3A_297 = arith.index_cast %scan3A_236 : i32 to index
        %swap3A_298 = arith.constant 48 : index
        %swap3A_299 = tpu.vector_load %arg8[%swap3A_297, %swap3A_298] {strides = array<i32>} : memref<112x144xf32, #tpu.memory_space<vmem>>, vector<1x16xf32>,
        %swap3A_300 = vector.shape_cast %swap3A_299 : vector<1x16xf32> to vector<16xf32>
        %swap3A_301 = vector.shape_cast %mul3A_296 : vector<16xf32> to vector<1x16xf32>
        tpu.vector_store %arg8[%swap3A_297, %swap3A_298], %swap3A_301 {strides = array<i32>} : memref<112x144xf32, #tpu.memory_space<vmem>>, vector<1x16xf32>,
        %get3A_302 = arith.index_cast %scan3A_236 : i32 to index
        %get3A_303 = arith.constant 64 : index
        %get3A_304 = tpu.vector_load %arg8[%get3A_302, %get3A_303] {strides = array<i32>} : memref<112x144xf32, #tpu.memory_space<vmem>>, vector<1x16xf32>,
        %get3A_305 = vector.shape_cast %get3A_304 : vector<1x16xf32> to vector<16xf32>
        %slice3A_306 = vector.extract_strided_slice %exp3A {offsets = [4], sizes = [1], strides = [1]} : vector<16xf32> to vector<1xf32>
        %squeeze3A_307 = vector.extract %slice3A_306[0] : f32 from vector<1xf32>
        %mul3A_308 = vector.broadcast %squeeze3A_307 : f32 to vector<16xf32>
        %mul3A_309 = arith.mulf %get3A_305, %mul3A_308 : vector<16xf32>
        %swap3A_310 = arith.index_cast %scan3A_236 : i32 to index
        %swap3A_311 = arith.constant 64 : index
        %swap3A_312 = tpu.vector_load %arg8[%swap3A_310, %swap3A_311] {strides = array<i32>} : memref<112x144xf32, #tpu.memory_space<vmem>>, vector<1x16xf32>,
        %swap3A_313 = vector.shape_cast %swap3A_312 : vector<1x16xf32> to vector<16xf32>
        %swap3A_314 = vector.shape_cast %mul3A_309 : vector<16xf32> to vector<1x16xf32>
        tpu.vector_store %arg8[%swap3A_310, %swap3A_311], %swap3A_314 {strides = array<i32>} : memref<112x144xf32, #tpu.memory_space<vmem>>, vector<1x16xf32>,
        %get3A_315 = arith.index_cast %scan3A_236 : i32 to index
        %get3A_316 = arith.constant 80 : index
        %get3A_317 = tpu.vector_load %arg8[%get3A_315, %get3A_316] {strides = array<i32>} : memref<112x144xf32, #tpu.memory_space<vmem>>, vector<1x16xf32>,
        %get3A_318 = vector.shape_cast %get3A_317 : vector<1x16xf32> to vector<16xf32>
        %slice3A_319 = vector.extract_strided_slice %exp3A {offsets = [5], sizes = [1], strides = [1]} : vector<16xf32> to vector<1xf32>
        %squeeze3A_320 = vector.extract %slice3A_319[0] : f32 from vector<1xf32>
        %mul3A_321 = vector.broadcast %squeeze3A_320 : f32 to vector<16xf32>
        %mul3A_322 = arith.mulf %get3A_318, %mul3A_321 : vector<16xf32>
        %swap3A_323 = arith.index_cast %scan3A_236 : i32 to index
        %swap3A_324 = arith.constant 80 : index
        %swap3A_325 = tpu.vector_load %arg8[%swap3A_323, %swap3A_324] {strides = array<i32>} : memref<112x144xf32, #tpu.memory_space<vmem>>, vector<1x16xf32>,
        %swap3A_326 = vector.shape_cast %swap3A_325 : vector<1x16xf32> to vector<16xf32>
        %swap3A_327 = vector.shape_cast %mul3A_322 : vector<16xf32> to vector<1x16xf32>
        tpu.vector_store %arg8[%swap3A_323, %swap3A_324], %swap3A_327 {strides = array<i32>} : memref<112x144xf32, #tpu.memory_space<vmem>>, vector<1x16xf32>,
        %get3A_328 = arith.index_cast %scan3A_236 : i32 to index
        %get3A_329 = arith.constant 96 : index
        %get3A_330 = tpu.vector_load %arg8[%get3A_328, %get3A_329] {strides = array<i32>} : memref<112x144xf32, #tpu.memory_space<vmem>>, vector<1x16xf32>,
        %get3A_331 = vector.shape_cast %get3A_330 : vector<1x16xf32> to vector<16xf32>
        %slice3A_332 = vector.extract_strided_slice %exp3A {offsets = [6], sizes = [1], strides = [1]} : vector<16xf32> to vector<1xf32>
        %squeeze3A_333 = vector.extract %slice3A_332[0] : f32 from vector<1xf32>
        %mul3A_334 = vector.broadcast %squeeze3A_333 : f32 to vector<16xf32>
        %mul3A_335 = arith.mulf %get3A_331, %mul3A_334 : vector<16xf32>
        %swap3A_336 = arith.index_cast %scan3A_236 : i32 to index
        %swap3A_337 = arith.constant 96 : index
        %swap3A_338 = tpu.vector_load %arg8[%swap3A_336, %swap3A_337] {strides = array<i32>} : memref<112x144xf32, #tpu.memory_space<vmem>>, vector<1x16xf32>,
        %swap3A_339 = vector.shape_cast %swap3A_338 : vector<1x16xf32> to vector<16xf32>
        %swap3A_340 = vector.shape_cast %mul3A_335 : vector<16xf32> to vector<1x16xf32>
        tpu.vector_store %arg8[%swap3A_336, %swap3A_337], %swap3A_340 {strides = array<i32>} : memref<112x144xf32, #tpu.memory_space<vmem>>, vector<1x16xf32>,
        %get3A_341 = arith.index_cast %scan3A_236 : i32 to index
        %get3A_342 = arith.constant 112 : index
        %get3A_343 = tpu.vector_load %arg8[%get3A_341, %get3A_342] {strides = array<i32>} : memref<112x144xf32, #tpu.memory_space<vmem>>, vector<1x16xf32>,
        %get3A_344 = vector.shape_cast %get3A_343 : vector<1x16xf32> to vector<16xf32>
        %slice3A_345 = vector.extract_strided_slice %exp3A {offsets = [7], sizes = [1], strides = [1]} : vector<16xf32> to vector<1xf32>
        %squeeze3A_346 = vector.extract %slice3A_345[0] : f32 from vector<1xf32>
        %mul3A_347 = vector.broadcast %squeeze3A_346 : f32 to vector<16xf32>
        %mul3A_348 = arith.mulf %get3A_344, %mul3A_347 : vector<16xf32>
        %swap3A_349 = arith.index_cast %scan3A_236 : i32 to index
        %swap3A_350 = arith.constant 112 : index
        %swap3A_351 = tpu.vector_load %arg8[%swap3A_349, %swap3A_350] {strides = array<i32>} : memref<112x144xf32, #tpu.memory_space<vmem>>, vector<1x16xf32>,
        %swap3A_352 = vector.shape_cast %swap3A_351 : vector<1x16xf32> to vector<16xf32>
        %swap3A_353 = vector.shape_cast %mul3A_348 : vector<16xf32> to vector<1x16xf32>
        tpu.vector_store %arg8[%swap3A_349, %swap3A_350], %swap3A_353 {strides = array<i32>} : memref<112x144xf32, #tpu.memory_space<vmem>>, vector<1x16xf32>,
      }
      %scan3A_174 = arith.constant 112 : i32
      %run_scoped3A_175 = arith.constant 1 : i32
      "tpu.region"() ({
        %run_scoped3A_236 = tpu.sem_alloc : memref<!tpu.dma_semaphore, #tpu.memory_space<semaphore_mem>>
        %dma_start3A_237 = arith.constant 0 : i32
        %dma_start3A_238 = tpu.memref_slice %arg6[%run_scoped3A_175, %dma_start3A_237] : memref<2x112xi32, #tpu.memory_space<vmem>> -> memref<1x112xi32, #tpu.memory_space<vmem>>
        %dma_start3A_239 = tpu.memref_squeeze %dma_start3A_238 : memref<1x112xi32, #tpu.memory_space<vmem>> -> memref<112xi32, #tpu.memory_space<vmem>>
        %dma_start3A_240 = arith.constant 0 : i32
        %dma_start3A_241 = arith.constant 0 : i32
        %dma_start3A_242 = tpu.memref_slice %arg12[%dma_start3A_240, %dma_start3A_241] : memref<10240x144xf32, #tpu.memory_space<vmem_shared>> -> memref<10240x144xf32, #tpu.memory_space<vmem_shared>>
        tpu.enqueue_indirect_dma source(%arg8 : memref<112x144xf32, #tpu.memory_space<vmem>>) target(%dma_start3A_242 : memref<10240x144xf32, #tpu.memory_space<vmem_shared>>) offsets(%dma_start3A_239 : memref<112xi32, #tpu.memory_space<vmem>>) semaphore(%run_scoped3A_236 : memref<!tpu.dma_semaphore, #tpu.memory_space<semaphore_mem>>) {add = true}
        %dma_wait3A_243 = arith.constant 0 : i32
        %dma_wait3A_244 = tpu.memref_slice %arg6[%run_scoped3A_175, %dma_wait3A_243] : memref<2x112xi32, #tpu.memory_space<vmem>> -> memref<1x112xi32, #tpu.memory_space<vmem>>
        %dma_wait3A_245 = tpu.memref_squeeze %dma_wait3A_244 : memref<1x112xi32, #tpu.memory_space<vmem>> -> memref<112xi32, #tpu.memory_space<vmem>>
        %dma_wait3A_246 = arith.constant 0 : i32
        %dma_wait3A_247 = arith.constant 0 : i32
        %dma_wait3A_248 = tpu.memref_slice %arg12[%dma_wait3A_246, %dma_wait3A_247] : memref<10240x144xf32, #tpu.memory_space<vmem_shared>> -> memref<10240x144xf32, #tpu.memory_space<vmem_shared>>
        tpu.wait_indirect_dma semaphore(%run_scoped3A_236 : memref<!tpu.dma_semaphore, #tpu.memory_space<semaphore_mem>>) src(%arg8 : memref<112x144xf32, #tpu.memory_space<vmem>>) dst(%dma_wait3A_248 : memref<10240x144xf32, #tpu.memory_space<vmem_shared>>)
        tpu.yield
      }) : () -> ()
      %add3A_176 = arith.constant 2 : i32
      %add3A_177 = arith.addi %mul3A_129, %add3A_176 : i32
      %add3A_178 = arith.addi %select_n3A, %add3A_177 : i32
      %dma_start3A_179 = arith.constant 0 : i32
      %dma_start3A_180 = arith.constant 0 : i32
      %dma_start3A_181 = tpu.memref_slice %arg4[%add3A_178, %dma_start3A_179, %dma_start3A_180] : memref<2912x2x112xi32, #tpu.memory_space<hbm>> -> memref<1x2x112xi32, #tpu.memory_space<hbm>>
      %dma_start3A_182 = tpu.memref_squeeze %dma_start3A_181 : memref<1x2x112xi32, #tpu.memory_space<hbm>> -> memref<2x112xi32, #tpu.memory_space<hbm>>
      %dma_start3A_183 = arith.constant 0 : i32
      %dma_start3A_184 = arith.constant 0 : i32
      %dma_start3A_185 = tpu.memref_slice %arg4[%add3A_178, %dma_start3A_183, %dma_start3A_184] : memref<2912x2x112xi32, #tpu.memory_space<hbm>> -> memref<1x2x112xi32, #tpu.memory_space<hbm>>
      %dma_start3A_186 = tpu.memref_squeeze %dma_start3A_185 : memref<1x2x112xi32, #tpu.memory_space<hbm>> -> memref<2x112xi32, #tpu.memory_space<hbm>>
      tpu.enqueue_dma source(%dma_start3A_186 : memref<2x112xi32, #tpu.memory_space<hbm>>) target(%arg6 : memref<2x112xi32, #tpu.memory_space<vmem>>) target_semaphore(%arg13 : memref<!tpu.dma_semaphore, #tpu.memory_space<semaphore_mem>>)
      %add3A_187 = arith.constant 2 : i32
      %add3A_188 = arith.addi %mul3A_129, %add3A_187 : i32
      %add3A_189 = arith.addi %select_n3A, %add3A_188 : i32
      %dma_wait3A_190 = arith.constant 0 : i32
      %dma_wait3A_191 = arith.constant 0 : i32
      %dma_wait3A_192 = tpu.memref_slice %arg4[%add3A_189, %dma_wait3A_190, %dma_wait3A_191] : memref<2912x2x112xi32, #tpu.memory_space<hbm>> -> memref<1x2x112xi32, #tpu.memory_space<hbm>>
      %dma_wait3A_193 = tpu.memref_squeeze %dma_wait3A_192 : memref<1x2x112xi32, #tpu.memory_space<hbm>> -> memref<2x112xi32, #tpu.memory_space<hbm>>
      %dma_wait3A_194 = arith.constant 0 : i32
      %dma_wait3A_195 = arith.constant 0 : i32
      %dma_wait3A_196 = tpu.memref_slice %arg4[%add3A_189, %dma_wait3A_194, %dma_wait3A_195] : memref<2912x2x112xi32, #tpu.memory_space<hbm>> -> memref<1x2x112xi32, #tpu.memory_space<hbm>>
      %dma_wait3A_197 = tpu.memref_squeeze %dma_wait3A_196 : memref<1x2x112xi32, #tpu.memory_space<hbm>> -> memref<2x112xi32, #tpu.memory_space<hbm>>
      tpu.wait_dma2 semaphore(%arg13 : memref<!tpu.dma_semaphore, #tpu.memory_space<semaphore_mem>>) src(%dma_wait3A_197 : memref<2x112xi32, #tpu.memory_space<hbm>>) dst(%arg6 : memref<2x112xi32, #tpu.memory_space<vmem>>)
      %dma_start3A_198 = arith.constant 0 : i32
      %dma_start3A_199 = arith.constant 0 : i32
      %dma_start3A_200 = tpu.memref_slice %arg6[%dma_start3A_198, %dma_start3A_199] : memref<2x112xi32, #tpu.memory_space<vmem>> -> memref<1x112xi32, #tpu.memory_space<vmem>>
      %dma_start3A_201 = tpu.memref_squeeze %dma_start3A_200 : memref<1x112xi32, #tpu.memory_space<vmem>> -> memref<112xi32, #tpu.memory_space<vmem>>
      %dma_start3A_202 = arith.constant 0 : i32
      %dma_start3A_203 = arith.constant 0 : i32
      %dma_start3A_204 = tpu.memref_slice %arg2[%dma_start3A_202, %dma_start3A_203] : memref<10240x144xf32, #tpu.memory_space<hbm>> -> memref<10240x144xf32, #tpu.memory_space<hbm>>
      tpu.enqueue_indirect_dma source(%dma_start3A_204 : memref<10240x144xf32, #tpu.memory_space<hbm>>) target(%arg8 : memref<112x144xf32, #tpu.memory_space<vmem>>) offsets(%dma_start3A_201 : memref<112xi32, #tpu.memory_space<vmem>>) semaphore(%arg15 : memref<!tpu.dma_semaphore, #tpu.memory_space<semaphore_mem>>)
      %dma_start3A_205 = arith.constant 1 : i32
      %dma_start3A_206 = arith.constant 0 : i32
      %dma_start3A_207 = tpu.memref_slice %arg6[%dma_start3A_205, %dma_start3A_206] : memref<2x112xi32, #tpu.memory_space<vmem>> -> memref<1x112xi32, #tpu.memory_space<vmem>>
      %dma_start3A_208 = tpu.memref_squeeze %dma_start3A_207 : memref<1x112xi32, #tpu.memory_space<vmem>> -> memref<112xi32, #tpu.memory_space<vmem>>
      %dma_start3A_209 = arith.constant 0 : i32
      %dma_start3A_210 = arith.constant 0 : i32
      %dma_start3A_211 = tpu.memref_slice %arg3[%dma_start3A_209, %dma_start3A_210] : memref<10240x16xf32, #tpu.memory_space<hbm>> -> memref<10240x16xf32, #tpu.memory_space<hbm>>
      tpu.enqueue_indirect_dma source(%dma_start3A_211 : memref<10240x16xf32, #tpu.memory_space<hbm>>) target(%arg10 : memref<112x16xf32, #tpu.memory_space<vmem>>) offsets(%dma_start3A_208 : memref<112xi32, #tpu.memory_space<vmem>>) semaphore(%arg17 : memref<!tpu.dma_semaphore, #tpu.memory_space<semaphore_mem>>)
      %dma_wait3A_212 = arith.constant 0 : i32
      %dma_wait3A_213 = arith.constant 0 : i32
      %dma_wait3A_214 = tpu.memref_slice %arg7[%dma_wait3A_212, %dma_wait3A_213] : memref<2x112xi32, #tpu.memory_space<vmem>> -> memref<1x112xi32, #tpu.memory_space<vmem>>
      %dma_wait3A_215 = tpu.memref_squeeze %dma_wait3A_214 : memref<1x112xi32, #tpu.memory_space<vmem>> -> memref<112xi32, #tpu.memory_space<vmem>>
      %dma_wait3A_216 = arith.constant 0 : i32
      %dma_wait3A_217 = arith.constant 0 : i32
      %dma_wait3A_218 = tpu.memref_slice %arg2[%dma_wait3A_216, %dma_wait3A_217] : memref<10240x144xf32, #tpu.memory_space<hbm>> -> memref<10240x144xf32, #tpu.memory_space<hbm>>
      tpu.wait_indirect_dma semaphore(%arg16 : memref<!tpu.dma_semaphore, #tpu.memory_space<semaphore_mem>>) src(%dma_wait3A_218 : memref<10240x144xf32, #tpu.memory_space<hbm>>) dst(%arg9 : memref<112x144xf32, #tpu.memory_space<vmem>>)
      %dma_wait3A_219 = arith.constant 1 : i32
      %dma_wait3A_220 = arith.constant 0 : i32
      %dma_wait3A_221 = tpu.memref_slice %arg7[%dma_wait3A_219, %dma_wait3A_220] : memref<2x112xi32, #tpu.memory_space<vmem>> -> memref<1x112xi32, #tpu.memory_space<vmem>>
      %dma_wait3A_222 = tpu.memref_squeeze %dma_wait3A_221 : memref<1x112xi32, #tpu.memory_space<vmem>> -> memref<112xi32, #tpu.memory_space<vmem>>
      %dma_wait3A_223 = arith.constant 0 : i32
      %dma_wait3A_224 = arith.constant 0 : i32
      %dma_wait3A_225 = tpu.memref_slice %arg3[%dma_wait3A_223, %dma_wait3A_224] : memref<10240x16xf32, #tpu.memory_space<hbm>> -> memref<10240x16xf32, #tpu.memory_space<hbm>>
      tpu.wait_indirect_dma semaphore(%arg18 : memref<!tpu.dma_semaphore, #tpu.memory_space<semaphore_mem>>) src(%dma_wait3A_225 : memref<10240x16xf32, #tpu.memory_space<hbm>>) dst(%arg11 : memref<112x16xf32, #tpu.memory_space<vmem>>)
      %scan3A_226 = arith.constant 0 : i32
      %scan3A_227 = arith.constant 0 : i32
      %scan3A_228 = arith.constant 112 : i32
      %scan3A_229 = arith.addi %scan3A_227, %scan3A_228 : i32
      %scan3A_230 = arith.constant 1 : i32
      scf.for %scan3A_236 = %scan3A_227 to %scan3A_229 step %scan3A_230  : i32 {
        %get3A = arith.index_cast %scan3A_236 : i32 to index
        %get3A_237 = arith.constant 128 : index
        %get3A_238 = tpu.vector_load %arg9[%get3A, %get3A_237] {strides = array<i32>} : memref<112x144xf32, #tpu.memory_space<vmem>>, vector<1x16xf32>,
        %get3A_239 = vector.shape_cast %get3A_238 : vector<1x16xf32> to vector<16xf32>
        %get3A_240 = arith.index_cast %scan3A_236 : i32 to index
        %get3A_241 = arith.constant 0 : index
        %get3A_242 = tpu.vector_load %arg11[%get3A_240, %get3A_241] {strides = array<i32>} : memref<112x16xf32, #tpu.memory_space<vmem>>, vector<1x16xf32>,
        %get3A_243 = vector.shape_cast %get3A_242 : vector<1x16xf32> to vector<16xf32>
        %add3A_244 = arith.addf %get3A_239, %get3A_243 : vector<16xf32>
        %mul3A_245 = arith.constant 2.000000e-01 : f32
        %mul3A_246 = vector.broadcast %mul3A_245 : f32 to vector<16xf32>
        %mul3A_247 = arith.mulf %add3A_244, %mul3A_246 : vector<16xf32>
        %max3A = arith.maximumf %add3A_244, %mul3A_247 : vector<16xf32>
        %exp3A = math.exp %max3A : vector<16xf32>
        %swap3A = arith.index_cast %scan3A_236 : i32 to index
        %swap3A_248 = arith.constant 128 : index
        %swap3A_249 = tpu.vector_load %arg9[%swap3A, %swap3A_248] {strides = array<i32>} : memref<112x144xf32, #tpu.memory_space<vmem>>, vector<1x16xf32>,
        %swap3A_250 = vector.shape_cast %swap3A_249 : vector<1x16xf32> to vector<16xf32>
        %swap3A_251 = vector.shape_cast %exp3A : vector<16xf32> to vector<1x16xf32>
        tpu.vector_store %arg9[%swap3A, %swap3A_248], %swap3A_251 {strides = array<i32>} : memref<112x144xf32, #tpu.memory_space<vmem>>, vector<1x16xf32>,
        %get3A_252 = arith.index_cast %scan3A_236 : i32 to index
        %get3A_253 = arith.constant 0 : index
        %get3A_254 = tpu.vector_load %arg9[%get3A_252, %get3A_253] {strides = array<i32>} : memref<112x144xf32, #tpu.memory_space<vmem>>, vector<1x16xf32>,
        %get3A_255 = vector.shape_cast %get3A_254 : vector<1x16xf32> to vector<16xf32>
        %slice3A = vector.extract_strided_slice %exp3A {offsets = [0], sizes = [1], strides = [1]} : vector<16xf32> to vector<1xf32>
        %squeeze3A = vector.extract %slice3A[0] : f32 from vector<1xf32>
        %mul3A_256 = vector.broadcast %squeeze3A : f32 to vector<16xf32>
        %mul3A_257 = arith.mulf %get3A_255, %mul3A_256 : vector<16xf32>
        %swap3A_258 = arith.index_cast %scan3A_236 : i32 to index
        %swap3A_259 = arith.constant 0 : index
        %swap3A_260 = tpu.vector_load %arg9[%swap3A_258, %swap3A_259] {strides = array<i32>} : memref<112x144xf32, #tpu.memory_space<vmem>>, vector<1x16xf32>,
        %swap3A_261 = vector.shape_cast %swap3A_260 : vector<1x16xf32> to vector<16xf32>
        %swap3A_262 = vector.shape_cast %mul3A_257 : vector<16xf32> to vector<1x16xf32>
        tpu.vector_store %arg9[%swap3A_258, %swap3A_259], %swap3A_262 {strides = array<i32>} : memref<112x144xf32, #tpu.memory_space<vmem>>, vector<1x16xf32>,
        %get3A_263 = arith.index_cast %scan3A_236 : i32 to index
        %get3A_264 = arith.constant 16 : index
        %get3A_265 = tpu.vector_load %arg9[%get3A_263, %get3A_264] {strides = array<i32>} : memref<112x144xf32, #tpu.memory_space<vmem>>, vector<1x16xf32>,
        %get3A_266 = vector.shape_cast %get3A_265 : vector<1x16xf32> to vector<16xf32>
        %slice3A_267 = vector.extract_strided_slice %exp3A {offsets = [1], sizes = [1], strides = [1]} : vector<16xf32> to vector<1xf32>
        %squeeze3A_268 = vector.extract %slice3A_267[0] : f32 from vector<1xf32>
        %mul3A_269 = vector.broadcast %squeeze3A_268 : f32 to vector<16xf32>
        %mul3A_270 = arith.mulf %get3A_266, %mul3A_269 : vector<16xf32>
        %swap3A_271 = arith.index_cast %scan3A_236 : i32 to index
        %swap3A_272 = arith.constant 16 : index
        %swap3A_273 = tpu.vector_load %arg9[%swap3A_271, %swap3A_272] {strides = array<i32>} : memref<112x144xf32, #tpu.memory_space<vmem>>, vector<1x16xf32>,
        %swap3A_274 = vector.shape_cast %swap3A_273 : vector<1x16xf32> to vector<16xf32>
        %swap3A_275 = vector.shape_cast %mul3A_270 : vector<16xf32> to vector<1x16xf32>
        tpu.vector_store %arg9[%swap3A_271, %swap3A_272], %swap3A_275 {strides = array<i32>} : memref<112x144xf32, #tpu.memory_space<vmem>>, vector<1x16xf32>,
        %get3A_276 = arith.index_cast %scan3A_236 : i32 to index
        %get3A_277 = arith.constant 32 : index
        %get3A_278 = tpu.vector_load %arg9[%get3A_276, %get3A_277] {strides = array<i32>} : memref<112x144xf32, #tpu.memory_space<vmem>>, vector<1x16xf32>,
        %get3A_279 = vector.shape_cast %get3A_278 : vector<1x16xf32> to vector<16xf32>
        %slice3A_280 = vector.extract_strided_slice %exp3A {offsets = [2], sizes = [1], strides = [1]} : vector<16xf32> to vector<1xf32>
        %squeeze3A_281 = vector.extract %slice3A_280[0] : f32 from vector<1xf32>
        %mul3A_282 = vector.broadcast %squeeze3A_281 : f32 to vector<16xf32>
        %mul3A_283 = arith.mulf %get3A_279, %mul3A_282 : vector<16xf32>
        %swap3A_284 = arith.index_cast %scan3A_236 : i32 to index
        %swap3A_285 = arith.constant 32 : index
        %swap3A_286 = tpu.vector_load %arg9[%swap3A_284, %swap3A_285] {strides = array<i32>} : memref<112x144xf32, #tpu.memory_space<vmem>>, vector<1x16xf32>,
        %swap3A_287 = vector.shape_cast %swap3A_286 : vector<1x16xf32> to vector<16xf32>
        %swap3A_288 = vector.shape_cast %mul3A_283 : vector<16xf32> to vector<1x16xf32>
        tpu.vector_store %arg9[%swap3A_284, %swap3A_285], %swap3A_288 {strides = array<i32>} : memref<112x144xf32, #tpu.memory_space<vmem>>, vector<1x16xf32>,
        %get3A_289 = arith.index_cast %scan3A_236 : i32 to index
        %get3A_290 = arith.constant 48 : index
        %get3A_291 = tpu.vector_load %arg9[%get3A_289, %get3A_290] {strides = array<i32>} : memref<112x144xf32, #tpu.memory_space<vmem>>, vector<1x16xf32>,
        %get3A_292 = vector.shape_cast %get3A_291 : vector<1x16xf32> to vector<16xf32>
        %slice3A_293 = vector.extract_strided_slice %exp3A {offsets = [3], sizes = [1], strides = [1]} : vector<16xf32> to vector<1xf32>
        %squeeze3A_294 = vector.extract %slice3A_293[0] : f32 from vector<1xf32>
        %mul3A_295 = vector.broadcast %squeeze3A_294 : f32 to vector<16xf32>
        %mul3A_296 = arith.mulf %get3A_292, %mul3A_295 : vector<16xf32>
        %swap3A_297 = arith.index_cast %scan3A_236 : i32 to index
        %swap3A_298 = arith.constant 48 : index
        %swap3A_299 = tpu.vector_load %arg9[%swap3A_297, %swap3A_298] {strides = array<i32>} : memref<112x144xf32, #tpu.memory_space<vmem>>, vector<1x16xf32>,
        %swap3A_300 = vector.shape_cast %swap3A_299 : vector<1x16xf32> to vector<16xf32>
        %swap3A_301 = vector.shape_cast %mul3A_296 : vector<16xf32> to vector<1x16xf32>
        tpu.vector_store %arg9[%swap3A_297, %swap3A_298], %swap3A_301 {strides = array<i32>} : memref<112x144xf32, #tpu.memory_space<vmem>>, vector<1x16xf32>,
        %get3A_302 = arith.index_cast %scan3A_236 : i32 to index
        %get3A_303 = arith.constant 64 : index
        %get3A_304 = tpu.vector_load %arg9[%get3A_302, %get3A_303] {strides = array<i32>} : memref<112x144xf32, #tpu.memory_space<vmem>>, vector<1x16xf32>,
        %get3A_305 = vector.shape_cast %get3A_304 : vector<1x16xf32> to vector<16xf32>
        %slice3A_306 = vector.extract_strided_slice %exp3A {offsets = [4], sizes = [1], strides = [1]} : vector<16xf32> to vector<1xf32>
        %squeeze3A_307 = vector.extract %slice3A_306[0] : f32 from vector<1xf32>
        %mul3A_308 = vector.broadcast %squeeze3A_307 : f32 to vector<16xf32>
        %mul3A_309 = arith.mulf %get3A_305, %mul3A_308 : vector<16xf32>
        %swap3A_310 = arith.index_cast %scan3A_236 : i32 to index
        %swap3A_311 = arith.constant 64 : index
        %swap3A_312 = tpu.vector_load %arg9[%swap3A_310, %swap3A_311] {strides = array<i32>} : memref<112x144xf32, #tpu.memory_space<vmem>>, vector<1x16xf32>,
        %swap3A_313 = vector.shape_cast %swap3A_312 : vector<1x16xf32> to vector<16xf32>
        %swap3A_314 = vector.shape_cast %mul3A_309 : vector<16xf32> to vector<1x16xf32>
        tpu.vector_store %arg9[%swap3A_310, %swap3A_311], %swap3A_314 {strides = array<i32>} : memref<112x144xf32, #tpu.memory_space<vmem>>, vector<1x16xf32>,
        %get3A_315 = arith.index_cast %scan3A_236 : i32 to index
        %get3A_316 = arith.constant 80 : index
        %get3A_317 = tpu.vector_load %arg9[%get3A_315, %get3A_316] {strides = array<i32>} : memref<112x144xf32, #tpu.memory_space<vmem>>, vector<1x16xf32>,
        %get3A_318 = vector.shape_cast %get3A_317 : vector<1x16xf32> to vector<16xf32>
        %slice3A_319 = vector.extract_strided_slice %exp3A {offsets = [5], sizes = [1], strides = [1]} : vector<16xf32> to vector<1xf32>
        %squeeze3A_320 = vector.extract %slice3A_319[0] : f32 from vector<1xf32>
        %mul3A_321 = vector.broadcast %squeeze3A_320 : f32 to vector<16xf32>
        %mul3A_322 = arith.mulf %get3A_318, %mul3A_321 : vector<16xf32>
        %swap3A_323 = arith.index_cast %scan3A_236 : i32 to index
        %swap3A_324 = arith.constant 80 : index
        %swap3A_325 = tpu.vector_load %arg9[%swap3A_323, %swap3A_324] {strides = array<i32>} : memref<112x144xf32, #tpu.memory_space<vmem>>, vector<1x16xf32>,
        %swap3A_326 = vector.shape_cast %swap3A_325 : vector<1x16xf32> to vector<16xf32>
        %swap3A_327 = vector.shape_cast %mul3A_322 : vector<16xf32> to vector<1x16xf32>
        tpu.vector_store %arg9[%swap3A_323, %swap3A_324], %swap3A_327 {strides = array<i32>} : memref<112x144xf32, #tpu.memory_space<vmem>>, vector<1x16xf32>,
        %get3A_328 = arith.index_cast %scan3A_236 : i32 to index
        %get3A_329 = arith.constant 96 : index
        %get3A_330 = tpu.vector_load %arg9[%get3A_328, %get3A_329] {strides = array<i32>} : memref<112x144xf32, #tpu.memory_space<vmem>>, vector<1x16xf32>,
        %get3A_331 = vector.shape_cast %get3A_330 : vector<1x16xf32> to vector<16xf32>
        %slice3A_332 = vector.extract_strided_slice %exp3A {offsets = [6], sizes = [1], strides = [1]} : vector<16xf32> to vector<1xf32>
        %squeeze3A_333 = vector.extract %slice3A_332[0] : f32 from vector<1xf32>
        %mul3A_334 = vector.broadcast %squeeze3A_333 : f32 to vector<16xf32>
        %mul3A_335 = arith.mulf %get3A_331, %mul3A_334 : vector<16xf32>
        %swap3A_336 = arith.index_cast %scan3A_236 : i32 to index
        %swap3A_337 = arith.constant 96 : index
        %swap3A_338 = tpu.vector_load %arg9[%swap3A_336, %swap3A_337] {strides = array<i32>} : memref<112x144xf32, #tpu.memory_space<vmem>>, vector<1x16xf32>,
        %swap3A_339 = vector.shape_cast %swap3A_338 : vector<1x16xf32> to vector<16xf32>
        %swap3A_340 = vector.shape_cast %mul3A_335 : vector<16xf32> to vector<1x16xf32>
        tpu.vector_store %arg9[%swap3A_336, %swap3A_337], %swap3A_340 {strides = array<i32>} : memref<112x144xf32, #tpu.memory_space<vmem>>, vector<1x16xf32>,
        %get3A_341 = arith.index_cast %scan3A_236 : i32 to index
        %get3A_342 = arith.constant 112 : index
        %get3A_343 = tpu.vector_load %arg9[%get3A_341, %get3A_342] {strides = array<i32>} : memref<112x144xf32, #tpu.memory_space<vmem>>, vector<1x16xf32>,
        %get3A_344 = vector.shape_cast %get3A_343 : vector<1x16xf32> to vector<16xf32>
        %slice3A_345 = vector.extract_strided_slice %exp3A {offsets = [7], sizes = [1], strides = [1]} : vector<16xf32> to vector<1xf32>
        %squeeze3A_346 = vector.extract %slice3A_345[0] : f32 from vector<1xf32>
        %mul3A_347 = vector.broadcast %squeeze3A_346 : f32 to vector<16xf32>
        %mul3A_348 = arith.mulf %get3A_344, %mul3A_347 : vector<16xf32>
        %swap3A_349 = arith.index_cast %scan3A_236 : i32 to index
        %swap3A_350 = arith.constant 112 : index
        %swap3A_351 = tpu.vector_load %arg9[%swap3A_349, %swap3A_350] {strides = array<i32>} : memref<112x144xf32, #tpu.memory_space<vmem>>, vector<1x16xf32>,
        %swap3A_352 = vector.shape_cast %swap3A_351 : vector<1x16xf32> to vector<16xf32>
        %swap3A_353 = vector.shape_cast %mul3A_348 : vector<16xf32> to vector<1x16xf32>
        tpu.vector_store %arg9[%swap3A_349, %swap3A_350], %swap3A_353 {strides = array<i32>} : memref<112x144xf32, #tpu.memory_space<vmem>>, vector<1x16xf32>,
      }
      %scan3A_231 = arith.constant 112 : i32
      %run_scoped3A_232 = arith.constant 1 : i32
      "tpu.region"() ({
        %run_scoped3A_236 = tpu.sem_alloc : memref<!tpu.dma_semaphore, #tpu.memory_space<semaphore_mem>>
        %dma_start3A_237 = arith.constant 0 : i32
        %dma_start3A_238 = tpu.memref_slice %arg7[%run_scoped3A_232, %dma_start3A_237] : memref<2x112xi32, #tpu.memory_space<vmem>> -> memref<1x112xi32, #tpu.memory_space<vmem>>
        %dma_start3A_239 = tpu.memref_squeeze %dma_start3A_238 : memref<1x112xi32, #tpu.memory_space<vmem>> -> memref<112xi32, #tpu.memory_space<vmem>>
        %dma_start3A_240 = arith.constant 0 : i32
        %dma_start3A_241 = arith.constant 0 : i32
        %dma_start3A_242 = tpu.memref_slice %arg12[%dma_start3A_240, %dma_start3A_241] : memref<10240x144xf32, #tpu.memory_space<vmem_shared>> -> memref<10240x144xf32, #tpu.memory_space<vmem_shared>>
        tpu.enqueue_indirect_dma source(%arg9 : memref<112x144xf32, #tpu.memory_space<vmem>>) target(%dma_start3A_242 : memref<10240x144xf32, #tpu.memory_space<vmem_shared>>) offsets(%dma_start3A_239 : memref<112xi32, #tpu.memory_space<vmem>>) semaphore(%run_scoped3A_236 : memref<!tpu.dma_semaphore, #tpu.memory_space<semaphore_mem>>) {add = true}
        %dma_wait3A_243 = arith.constant 0 : i32
        %dma_wait3A_244 = tpu.memref_slice %arg7[%run_scoped3A_232, %dma_wait3A_243] : memref<2x112xi32, #tpu.memory_space<vmem>> -> memref<1x112xi32, #tpu.memory_space<vmem>>
        %dma_wait3A_245 = tpu.memref_squeeze %dma_wait3A_244 : memref<1x112xi32, #tpu.memory_space<vmem>> -> memref<112xi32, #tpu.memory_space<vmem>>
        %dma_wait3A_246 = arith.constant 0 : i32
        %dma_wait3A_247 = arith.constant 0 : i32
        %dma_wait3A_248 = tpu.memref_slice %arg12[%dma_wait3A_246, %dma_wait3A_247] : memref<10240x144xf32, #tpu.memory_space<vmem_shared>> -> memref<10240x144xf32, #tpu.memory_space<vmem_shared>>
        tpu.wait_indirect_dma semaphore(%run_scoped3A_236 : memref<!tpu.dma_semaphore, #tpu.memory_space<semaphore_mem>>) src(%arg9 : memref<112x144xf32, #tpu.memory_space<vmem>>) dst(%dma_wait3A_248 : memref<10240x144xf32, #tpu.memory_space<vmem_shared>>)
        tpu.yield
      }) : () -> ()
      %sub3A_233 = arith.constant 1 : i32
      %sub3A_234 = arith.subi %select_n3A_92, %sub3A_233 : i32
      %lt3A = arith.cmpi slt, %while3A_127, %sub3A_234 : i32
      %convert_element_type3A = arith.extui %lt3A : i1 to i32
      %cond3A = arith.constant 0 : i32
      %cond3A_235 = arith.cmpi ne, %convert_element_type3A, %cond3A : i32
      scf.if %cond3A_235 {
        %add3A_236 = arith.constant 3 : i32
        %add3A_237 = arith.addi %mul3A_129, %add3A_236 : i32
        %add3A_238 = arith.addi %select_n3A, %add3A_237 : i32
        %dma_start3A_239 = arith.constant 0 : i32
        %dma_start3A_240 = arith.constant 0 : i32
        %dma_start3A_241 = tpu.memref_slice %arg4[%add3A_238, %dma_start3A_239, %dma_start3A_240] : memref<2912x2x112xi32, #tpu.memory_space<hbm>> -> memref<1x2x112xi32, #tpu.memory_space<hbm>>
        %dma_start3A_242 = tpu.memref_squeeze %dma_start3A_241 : memref<1x2x112xi32, #tpu.memory_space<hbm>> -> memref<2x112xi32, #tpu.memory_space<hbm>>
        %dma_start3A_243 = arith.constant 0 : i32
        %dma_start3A_244 = arith.constant 0 : i32
        %dma_start3A_245 = tpu.memref_slice %arg4[%add3A_238, %dma_start3A_243, %dma_start3A_244] : memref<2912x2x112xi32, #tpu.memory_space<hbm>> -> memref<1x2x112xi32, #tpu.memory_space<hbm>>
        %dma_start3A_246 = tpu.memref_squeeze %dma_start3A_245 : memref<1x2x112xi32, #tpu.memory_space<hbm>> -> memref<2x112xi32, #tpu.memory_space<hbm>>
        tpu.enqueue_dma source(%dma_start3A_246 : memref<2x112xi32, #tpu.memory_space<hbm>>) target(%arg7 : memref<2x112xi32, #tpu.memory_space<vmem>>) target_semaphore(%arg14 : memref<!tpu.dma_semaphore, #tpu.memory_space<semaphore_mem>>)
      } else {
      }
    }
    %dma_wait3A_102 = arith.constant 0 : i32
    %dma_wait3A_103 = arith.constant 0 : i32
    %dma_wait3A_104 = tpu.memref_slice %arg6[%dma_wait3A_102, %dma_wait3A_103] : memref<2x112xi32, #tpu.memory_space<vmem>> -> memref<1x112xi32, #tpu.memory_space<vmem>>
    %dma_wait3A_105 = tpu.memref_squeeze %dma_wait3A_104 : memref<1x112xi32, #tpu.memory_space<vmem>> -> memref<112xi32, #tpu.memory_space<vmem>>
    %dma_wait3A_106 = arith.constant 0 : i32
    %dma_wait3A_107 = arith.constant 0 : i32
    %dma_wait3A_108 = tpu.memref_slice %arg2[%dma_wait3A_106, %dma_wait3A_107] : memref<10240x144xf32, #tpu.memory_space<hbm>> -> memref<10240x144xf32, #tpu.memory_space<hbm>>
    tpu.wait_indirect_dma semaphore(%arg15 : memref<!tpu.dma_semaphore, #tpu.memory_space<semaphore_mem>>) src(%dma_wait3A_108 : memref<10240x144xf32, #tpu.memory_space<hbm>>) dst(%arg8 : memref<112x144xf32, #tpu.memory_space<vmem>>)
    %dma_wait3A_109 = arith.constant 1 : i32
    %dma_wait3A_110 = arith.constant 0 : i32
    %dma_wait3A_111 = tpu.memref_slice %arg6[%dma_wait3A_109, %dma_wait3A_110] : memref<2x112xi32, #tpu.memory_space<vmem>> -> memref<1x112xi32, #tpu.memory_space<vmem>>
    %dma_wait3A_112 = tpu.memref_squeeze %dma_wait3A_111 : memref<1x112xi32, #tpu.memory_space<vmem>> -> memref<112xi32, #tpu.memory_space<vmem>>
    %dma_wait3A_113 = arith.constant 0 : i32
    %dma_wait3A_114 = arith.constant 0 : i32
    %dma_wait3A_115 = tpu.memref_slice %arg3[%dma_wait3A_113, %dma_wait3A_114] : memref<10240x16xf32, #tpu.memory_space<hbm>> -> memref<10240x16xf32, #tpu.memory_space<hbm>>
    tpu.wait_indirect_dma semaphore(%arg17 : memref<!tpu.dma_semaphore, #tpu.memory_space<semaphore_mem>>) src(%dma_wait3A_115 : memref<10240x16xf32, #tpu.memory_space<hbm>>) dst(%arg10 : memref<112x16xf32, #tpu.memory_space<vmem>>)
    %scan3A_116 = arith.constant 0 : i32
    %scan3A_117 = arith.constant 0 : i32
    %scan3A_118 = arith.constant 112 : i32
    %scan3A_119 = arith.addi %scan3A_117, %scan3A_118 : i32
    %scan3A_120 = arith.constant 1 : i32
    scf.for %scan3A_127 = %scan3A_117 to %scan3A_119 step %scan3A_120  : i32 {
      %get3A = arith.index_cast %scan3A_127 : i32 to index
      %get3A_128 = arith.constant 128 : index
      %get3A_129 = tpu.vector_load %arg8[%get3A, %get3A_128] {strides = array<i32>} : memref<112x144xf32, #tpu.memory_space<vmem>>, vector<1x16xf32>,
      %get3A_130 = vector.shape_cast %get3A_129 : vector<1x16xf32> to vector<16xf32>
      %get3A_131 = arith.index_cast %scan3A_127 : i32 to index
      %get3A_132 = arith.constant 0 : index
      %get3A_133 = tpu.vector_load %arg10[%get3A_131, %get3A_132] {strides = array<i32>} : memref<112x16xf32, #tpu.memory_space<vmem>>, vector<1x16xf32>,
      %get3A_134 = vector.shape_cast %get3A_133 : vector<1x16xf32> to vector<16xf32>
      %add3A_135 = arith.addf %get3A_130, %get3A_134 : vector<16xf32>
      %mul3A_136 = arith.constant 2.000000e-01 : f32
      %mul3A_137 = vector.broadcast %mul3A_136 : f32 to vector<16xf32>
      %mul3A_138 = arith.mulf %add3A_135, %mul3A_137 : vector<16xf32>
      %max3A = arith.maximumf %add3A_135, %mul3A_138 : vector<16xf32>
      %exp3A = math.exp %max3A : vector<16xf32>
      %swap3A = arith.index_cast %scan3A_127 : i32 to index
      %swap3A_139 = arith.constant 128 : index
      %swap3A_140 = tpu.vector_load %arg8[%swap3A, %swap3A_139] {strides = array<i32>} : memref<112x144xf32, #tpu.memory_space<vmem>>, vector<1x16xf32>,
      %swap3A_141 = vector.shape_cast %swap3A_140 : vector<1x16xf32> to vector<16xf32>
      %swap3A_142 = vector.shape_cast %exp3A : vector<16xf32> to vector<1x16xf32>
      tpu.vector_store %arg8[%swap3A, %swap3A_139], %swap3A_142 {strides = array<i32>} : memref<112x144xf32, #tpu.memory_space<vmem>>, vector<1x16xf32>,
      %get3A_143 = arith.index_cast %scan3A_127 : i32 to index
      %get3A_144 = arith.constant 0 : index
      %get3A_145 = tpu.vector_load %arg8[%get3A_143, %get3A_144] {strides = array<i32>} : memref<112x144xf32, #tpu.memory_space<vmem>>, vector<1x16xf32>,
      %get3A_146 = vector.shape_cast %get3A_145 : vector<1x16xf32> to vector<16xf32>
      %slice3A = vector.extract_strided_slice %exp3A {offsets = [0], sizes = [1], strides = [1]} : vector<16xf32> to vector<1xf32>
      %squeeze3A = vector.extract %slice3A[0] : f32 from vector<1xf32>
      %mul3A_147 = vector.broadcast %squeeze3A : f32 to vector<16xf32>
      %mul3A_148 = arith.mulf %get3A_146, %mul3A_147 : vector<16xf32>
      %swap3A_149 = arith.index_cast %scan3A_127 : i32 to index
      %swap3A_150 = arith.constant 0 : index
      %swap3A_151 = tpu.vector_load %arg8[%swap3A_149, %swap3A_150] {strides = array<i32>} : memref<112x144xf32, #tpu.memory_space<vmem>>, vector<1x16xf32>,
      %swap3A_152 = vector.shape_cast %swap3A_151 : vector<1x16xf32> to vector<16xf32>
      %swap3A_153 = vector.shape_cast %mul3A_148 : vector<16xf32> to vector<1x16xf32>
      tpu.vector_store %arg8[%swap3A_149, %swap3A_150], %swap3A_153 {strides = array<i32>} : memref<112x144xf32, #tpu.memory_space<vmem>>, vector<1x16xf32>,
      %get3A_154 = arith.index_cast %scan3A_127 : i32 to index
      %get3A_155 = arith.constant 16 : index
      %get3A_156 = tpu.vector_load %arg8[%get3A_154, %get3A_155] {strides = array<i32>} : memref<112x144xf32, #tpu.memory_space<vmem>>, vector<1x16xf32>,
      %get3A_157 = vector.shape_cast %get3A_156 : vector<1x16xf32> to vector<16xf32>
      %slice3A_158 = vector.extract_strided_slice %exp3A {offsets = [1], sizes = [1], strides = [1]} : vector<16xf32> to vector<1xf32>
      %squeeze3A_159 = vector.extract %slice3A_158[0] : f32 from vector<1xf32>
      %mul3A_160 = vector.broadcast %squeeze3A_159 : f32 to vector<16xf32>
      %mul3A_161 = arith.mulf %get3A_157, %mul3A_160 : vector<16xf32>
      %swap3A_162 = arith.index_cast %scan3A_127 : i32 to index
      %swap3A_163 = arith.constant 16 : index
      %swap3A_164 = tpu.vector_load %arg8[%swap3A_162, %swap3A_163] {strides = array<i32>} : memref<112x144xf32, #tpu.memory_space<vmem>>, vector<1x16xf32>,
      %swap3A_165 = vector.shape_cast %swap3A_164 : vector<1x16xf32> to vector<16xf32>
      %swap3A_166 = vector.shape_cast %mul3A_161 : vector<16xf32> to vector<1x16xf32>
      tpu.vector_store %arg8[%swap3A_162, %swap3A_163], %swap3A_166 {strides = array<i32>} : memref<112x144xf32, #tpu.memory_space<vmem>>, vector<1x16xf32>,
      %get3A_167 = arith.index_cast %scan3A_127 : i32 to index
      %get3A_168 = arith.constant 32 : index
      %get3A_169 = tpu.vector_load %arg8[%get3A_167, %get3A_168] {strides = array<i32>} : memref<112x144xf32, #tpu.memory_space<vmem>>, vector<1x16xf32>,
      %get3A_170 = vector.shape_cast %get3A_169 : vector<1x16xf32> to vector<16xf32>
      %slice3A_171 = vector.extract_strided_slice %exp3A {offsets = [2], sizes = [1], strides = [1]} : vector<16xf32> to vector<1xf32>
      %squeeze3A_172 = vector.extract %slice3A_171[0] : f32 from vector<1xf32>
      %mul3A_173 = vector.broadcast %squeeze3A_172 : f32 to vector<16xf32>
      %mul3A_174 = arith.mulf %get3A_170, %mul3A_173 : vector<16xf32>
      %swap3A_175 = arith.index_cast %scan3A_127 : i32 to index
      %swap3A_176 = arith.constant 32 : index
      %swap3A_177 = tpu.vector_load %arg8[%swap3A_175, %swap3A_176] {strides = array<i32>} : memref<112x144xf32, #tpu.memory_space<vmem>>, vector<1x16xf32>,
      %swap3A_178 = vector.shape_cast %swap3A_177 : vector<1x16xf32> to vector<16xf32>
      %swap3A_179 = vector.shape_cast %mul3A_174 : vector<16xf32> to vector<1x16xf32>
      tpu.vector_store %arg8[%swap3A_175, %swap3A_176], %swap3A_179 {strides = array<i32>} : memref<112x144xf32, #tpu.memory_space<vmem>>, vector<1x16xf32>,
      %get3A_180 = arith.index_cast %scan3A_127 : i32 to index
      %get3A_181 = arith.constant 48 : index
      %get3A_182 = tpu.vector_load %arg8[%get3A_180, %get3A_181] {strides = array<i32>} : memref<112x144xf32, #tpu.memory_space<vmem>>, vector<1x16xf32>,
      %get3A_183 = vector.shape_cast %get3A_182 : vector<1x16xf32> to vector<16xf32>
      %slice3A_184 = vector.extract_strided_slice %exp3A {offsets = [3], sizes = [1], strides = [1]} : vector<16xf32> to vector<1xf32>
      %squeeze3A_185 = vector.extract %slice3A_184[0] : f32 from vector<1xf32>
      %mul3A_186 = vector.broadcast %squeeze3A_185 : f32 to vector<16xf32>
      %mul3A_187 = arith.mulf %get3A_183, %mul3A_186 : vector<16xf32>
      %swap3A_188 = arith.index_cast %scan3A_127 : i32 to index
      %swap3A_189 = arith.constant 48 : index
      %swap3A_190 = tpu.vector_load %arg8[%swap3A_188, %swap3A_189] {strides = array<i32>} : memref<112x144xf32, #tpu.memory_space<vmem>>, vector<1x16xf32>,
      %swap3A_191 = vector.shape_cast %swap3A_190 : vector<1x16xf32> to vector<16xf32>
      %swap3A_192 = vector.shape_cast %mul3A_187 : vector<16xf32> to vector<1x16xf32>
      tpu.vector_store %arg8[%swap3A_188, %swap3A_189], %swap3A_192 {strides = array<i32>} : memref<112x144xf32, #tpu.memory_space<vmem>>, vector<1x16xf32>,
      %get3A_193 = arith.index_cast %scan3A_127 : i32 to index
      %get3A_194 = arith.constant 64 : index
      %get3A_195 = tpu.vector_load %arg8[%get3A_193, %get3A_194] {strides = array<i32>} : memref<112x144xf32, #tpu.memory_space<vmem>>, vector<1x16xf32>,
      %get3A_196 = vector.shape_cast %get3A_195 : vector<1x16xf32> to vector<16xf32>
      %slice3A_197 = vector.extract_strided_slice %exp3A {offsets = [4], sizes = [1], strides = [1]} : vector<16xf32> to vector<1xf32>
      %squeeze3A_198 = vector.extract %slice3A_197[0] : f32 from vector<1xf32>
      %mul3A_199 = vector.broadcast %squeeze3A_198 : f32 to vector<16xf32>
      %mul3A_200 = arith.mulf %get3A_196, %mul3A_199 : vector<16xf32>
      %swap3A_201 = arith.index_cast %scan3A_127 : i32 to index
      %swap3A_202 = arith.constant 64 : index
      %swap3A_203 = tpu.vector_load %arg8[%swap3A_201, %swap3A_202] {strides = array<i32>} : memref<112x144xf32, #tpu.memory_space<vmem>>, vector<1x16xf32>,
      %swap3A_204 = vector.shape_cast %swap3A_203 : vector<1x16xf32> to vector<16xf32>
      %swap3A_205 = vector.shape_cast %mul3A_200 : vector<16xf32> to vector<1x16xf32>
      tpu.vector_store %arg8[%swap3A_201, %swap3A_202], %swap3A_205 {strides = array<i32>} : memref<112x144xf32, #tpu.memory_space<vmem>>, vector<1x16xf32>,
      %get3A_206 = arith.index_cast %scan3A_127 : i32 to index
      %get3A_207 = arith.constant 80 : index
      %get3A_208 = tpu.vector_load %arg8[%get3A_206, %get3A_207] {strides = array<i32>} : memref<112x144xf32, #tpu.memory_space<vmem>>, vector<1x16xf32>,
      %get3A_209 = vector.shape_cast %get3A_208 : vector<1x16xf32> to vector<16xf32>
      %slice3A_210 = vector.extract_strided_slice %exp3A {offsets = [5], sizes = [1], strides = [1]} : vector<16xf32> to vector<1xf32>
      %squeeze3A_211 = vector.extract %slice3A_210[0] : f32 from vector<1xf32>
      %mul3A_212 = vector.broadcast %squeeze3A_211 : f32 to vector<16xf32>
      %mul3A_213 = arith.mulf %get3A_209, %mul3A_212 : vector<16xf32>
      %swap3A_214 = arith.index_cast %scan3A_127 : i32 to index
      %swap3A_215 = arith.constant 80 : index
      %swap3A_216 = tpu.vector_load %arg8[%swap3A_214, %swap3A_215] {strides = array<i32>} : memref<112x144xf32, #tpu.memory_space<vmem>>, vector<1x16xf32>,
      %swap3A_217 = vector.shape_cast %swap3A_216 : vector<1x16xf32> to vector<16xf32>
      %swap3A_218 = vector.shape_cast %mul3A_213 : vector<16xf32> to vector<1x16xf32>
      tpu.vector_store %arg8[%swap3A_214, %swap3A_215], %swap3A_218 {strides = array<i32>} : memref<112x144xf32, #tpu.memory_space<vmem>>, vector<1x16xf32>,
      %get3A_219 = arith.index_cast %scan3A_127 : i32 to index
      %get3A_220 = arith.constant 96 : index
      %get3A_221 = tpu.vector_load %arg8[%get3A_219, %get3A_220] {strides = array<i32>} : memref<112x144xf32, #tpu.memory_space<vmem>>, vector<1x16xf32>,
      %get3A_222 = vector.shape_cast %get3A_221 : vector<1x16xf32> to vector<16xf32>
      %slice3A_223 = vector.extract_strided_slice %exp3A {offsets = [6], sizes = [1], strides = [1]} : vector<16xf32> to vector<1xf32>
      %squeeze3A_224 = vector.extract %slice3A_223[0] : f32 from vector<1xf32>
      %mul3A_225 = vector.broadcast %squeeze3A_224 : f32 to vector<16xf32>
      %mul3A_226 = arith.mulf %get3A_222, %mul3A_225 : vector<16xf32>
      %swap3A_227 = arith.index_cast %scan3A_127 : i32 to index
      %swap3A_228 = arith.constant 96 : index
      %swap3A_229 = tpu.vector_load %arg8[%swap3A_227, %swap3A_228] {strides = array<i32>} : memref<112x144xf32, #tpu.memory_space<vmem>>, vector<1x16xf32>,
      %swap3A_230 = vector.shape_cast %swap3A_229 : vector<1x16xf32> to vector<16xf32>
      %swap3A_231 = vector.shape_cast %mul3A_226 : vector<16xf32> to vector<1x16xf32>
      tpu.vector_store %arg8[%swap3A_227, %swap3A_228], %swap3A_231 {strides = array<i32>} : memref<112x144xf32, #tpu.memory_space<vmem>>, vector<1x16xf32>,
      %get3A_232 = arith.index_cast %scan3A_127 : i32 to index
      %get3A_233 = arith.constant 112 : index
      %get3A_234 = tpu.vector_load %arg8[%get3A_232, %get3A_233] {strides = array<i32>} : memref<112x144xf32, #tpu.memory_space<vmem>>, vector<1x16xf32>,
      %get3A_235 = vector.shape_cast %get3A_234 : vector<1x16xf32> to vector<16xf32>
      %slice3A_236 = vector.extract_strided_slice %exp3A {offsets = [7], sizes = [1], strides = [1]} : vector<16xf32> to vector<1xf32>
      %squeeze3A_237 = vector.extract %slice3A_236[0] : f32 from vector<1xf32>
      %mul3A_238 = vector.broadcast %squeeze3A_237 : f32 to vector<16xf32>
      %mul3A_239 = arith.mulf %get3A_235, %mul3A_238 : vector<16xf32>
      %swap3A_240 = arith.index_cast %scan3A_127 : i32 to index
      %swap3A_241 = arith.constant 112 : index
      %swap3A_242 = tpu.vector_load %arg8[%swap3A_240, %swap3A_241] {strides = array<i32>} : memref<112x144xf32, #tpu.memory_space<vmem>>, vector<1x16xf32>,
      %swap3A_243 = vector.shape_cast %swap3A_242 : vector<1x16xf32> to vector<16xf32>
      %swap3A_244 = vector.shape_cast %mul3A_239 : vector<16xf32> to vector<1x16xf32>
      tpu.vector_store %arg8[%swap3A_240, %swap3A_241], %swap3A_244 {strides = array<i32>} : memref<112x144xf32, #tpu.memory_space<vmem>>, vector<1x16xf32>,
    }
    %scan3A_121 = arith.constant 112 : i32
    %run_scoped3A = arith.constant 1 : i32
    "tpu.region"() ({
      %run_scoped3A_127 = tpu.sem_alloc : memref<!tpu.dma_semaphore, #tpu.memory_space<semaphore_mem>>
      %dma_start3A_128 = arith.constant 0 : i32
      %dma_start3A_129 = tpu.memref_slice %arg6[%run_scoped3A, %dma_start3A_128] : memref<2x112xi32, #tpu.memory_space<vmem>> -> memref<1x112xi32, #tpu.memory_space<vmem>>
      %dma_start3A_130 = tpu.memref_squeeze %dma_start3A_129 : memref<1x112xi32, #tpu.memory_space<vmem>> -> memref<112xi32, #tpu.memory_space<vmem>>
      %dma_start3A_131 = arith.constant 0 : i32
      %dma_start3A_132 = arith.constant 0 : i32
      %dma_start3A_133 = tpu.memref_slice %arg12[%dma_start3A_131, %dma_start3A_132] : memref<10240x144xf32, #tpu.memory_space<vmem_shared>> -> memref<10240x144xf32, #tpu.memory_space<vmem_shared>>
      tpu.enqueue_indirect_dma source(%arg8 : memref<112x144xf32, #tpu.memory_space<vmem>>) target(%dma_start3A_133 : memref<10240x144xf32, #tpu.memory_space<vmem_shared>>) offsets(%dma_start3A_130 : memref<112xi32, #tpu.memory_space<vmem>>) semaphore(%run_scoped3A_127 : memref<!tpu.dma_semaphore, #tpu.memory_space<semaphore_mem>>) {add = true}
      %dma_wait3A_134 = arith.constant 0 : i32
      %dma_wait3A_135 = tpu.memref_slice %arg6[%run_scoped3A, %dma_wait3A_134] : memref<2x112xi32, #tpu.memory_space<vmem>> -> memref<1x112xi32, #tpu.memory_space<vmem>>
      %dma_wait3A_136 = tpu.memref_squeeze %dma_wait3A_135 : memref<1x112xi32, #tpu.memory_space<vmem>> -> memref<112xi32, #tpu.memory_space<vmem>>
      %dma_wait3A_137 = arith.constant 0 : i32
      %dma_wait3A_138 = arith.constant 0 : i32
      %dma_wait3A_139 = tpu.memref_slice %arg12[%dma_wait3A_137, %dma_wait3A_138] : memref<10240x144xf32, #tpu.memory_space<vmem_shared>> -> memref<10240x144xf32, #tpu.memory_space<vmem_shared>>
      tpu.wait_indirect_dma semaphore(%run_scoped3A_127 : memref<!tpu.dma_semaphore, #tpu.memory_space<semaphore_mem>>) src(%arg8 : memref<112x144xf32, #tpu.memory_space<vmem>>) dst(%dma_wait3A_139 : memref<10240x144xf32, #tpu.memory_space<vmem_shared>>)
      tpu.yield
    }) : () -> ()
    %barrier3A_122 = arith.constant 0 : index
    tpu.barrier barrier_id(%barrier3A_122)
    %mul3A_123 = arith.constant 640 : i32
    %mul3A_124 = arith.muli %arg1, %mul3A_123 : i32
    %mul3A_125 = arith.constant 640 : i32
    %mul3A_126 = arith.muli %arg1, %mul3A_125 : i32
    "tpu.region"() ({
      %run_scoped3A_127 = tpu.sem_alloc : memref<!tpu.dma_semaphore, #tpu.memory_space<semaphore_mem>>
      %dma_start3A_128 = arith.constant 0 : i32
      %dma_start3A_129 = tpu.memref_slice %arg5[%arg0, %mul3A_126, %dma_start3A_128] : memref<2x10240x144xf32, #tpu.memory_space<hbm>> -> memref<1x640x144xf32, #tpu.memory_space<hbm>>
      %dma_start3A_130 = tpu.memref_squeeze %dma_start3A_129 : memref<1x640x144xf32, #tpu.memory_space<hbm>> -> memref<640x144xf32, #tpu.memory_space<hbm>>
      %dma_start3A_131 = arith.constant 0 : i32
      %dma_start3A_132 = tpu.memref_slice %arg12[%mul3A_124, %dma_start3A_131] : memref<10240x144xf32, #tpu.memory_space<vmem_shared>> -> memref<640x144xf32, #tpu.memory_space<vmem_shared>>
      tpu.enqueue_dma source(%dma_start3A_132 : memref<640x144xf32, #tpu.memory_space<vmem_shared>>) target(%dma_start3A_130 : memref<640x144xf32, #tpu.memory_space<hbm>>) target_semaphore(%run_scoped3A_127 : memref<!tpu.dma_semaphore, #tpu.memory_space<semaphore_mem>>)
      %dma_wait3A_133 = arith.constant 0 : i32
      %dma_wait3A_134 = tpu.memref_slice %arg5[%arg0, %mul3A_126, %dma_wait3A_133] : memref<2x10240x144xf32, #tpu.memory_space<hbm>> -> memref<1x640x144xf32, #tpu.memory_space<hbm>>
      %dma_wait3A_135 = tpu.memref_squeeze %dma_wait3A_134 : memref<1x640x144xf32, #tpu.memory_space<hbm>> -> memref<640x144xf32, #tpu.memory_space<hbm>>
      %dma_wait3A_136 = arith.constant 0 : i32
      %dma_wait3A_137 = tpu.memref_slice %arg12[%mul3A_124, %dma_wait3A_136] : memref<10240x144xf32, #tpu.memory_space<vmem_shared>> -> memref<640x144xf32, #tpu.memory_space<vmem_shared>>
      tpu.wait_dma2 semaphore(%run_scoped3A_127 : memref<!tpu.dma_semaphore, #tpu.memory_space<semaphore_mem>>) src(%dma_wait3A_137 : memref<640x144xf32, #tpu.memory_space<vmem_shared>>) dst(%dma_wait3A_135 : memref<640x144xf32, #tpu.memory_space<hbm>>)
      tpu.yield
    }) : () -> ()
    return
  }
}

#map = affine_map<(d0, d1) -> (0, 0)>
#map1 = affine_map<(d0, d1) -> (0, 0, 0)>
module attributes {stable_mosaic.version = 14 : i64} {
  func.func @k(%arg0: i32, %arg1: i32, %arg2: memref<10240x144xf32, #tpu.memory_space<hbm>>, %arg3: memref<10240x16xf32, #tpu.memory_space<hbm>>, %arg4: memref<2912x2x112xi32, #tpu.memory_space<hbm>>, %arg5: memref<2x10240x144xf32, #tpu.memory_space<hbm>>, %arg6: memref<2x112xi32, #tpu.memory_space<vmem>>, %arg7: memref<2x112xi32, #tpu.memory_space<vmem>>, %arg8: memref<112x144xf32, #tpu.memory_space<vmem>>, %arg9: memref<112x144xf32, #tpu.memory_space<vmem>>, %arg10: memref<112x16xf32, #tpu.memory_space<vmem>>, %arg11: memref<112x16xf32, #tpu.memory_space<vmem>>, %arg12: memref<10240x144xf32, #tpu.memory_space<vmem_shared>>, %arg13: memref<!tpu.dma_semaphore, #tpu.memory_space<semaphore_mem>>, %arg14: memref<!tpu.dma_semaphore, #tpu.memory_space<semaphore_mem>>, %arg15: memref<!tpu.dma_semaphore, #tpu.memory_space<semaphore_mem>>, %arg16: memref<!tpu.dma_semaphore, #tpu.memory_space<semaphore_mem>>, %arg17: memref<!tpu.dma_semaphore, #tpu.memory_space<semaphore_mem>>, %arg18: memref<!tpu.dma_semaphore, #tpu.memory_space<semaphore_mem>>) attributes {dimension_semantics = [#tpu.dimension_semantics<core_parallel>, #tpu.dimension_semantics<subcore_parallel>], iteration_bounds = array<i64: 2, 16>, scalar_prefetch = 0 : i64, scratch_operands = 13 : i64, tpu.core_type = #tpu.core_type<sc_vector_subcore>, window_params = [{transform_indices = #map}, {transform_indices = #map}, {transform_indices = #map1}, {transform_indices = #map1}]} {
    %eq3A = arith.constant 0 : i32
    %eq3A_0 = arith.cmpi eq, %arg0, %eq3A : i32
    %mul3A = arith.constant 111 : i32
    %mul3A_1 = arith.muli %arg1, %mul3A : i32
    %mul3A_2 = arith.constant 71 : i32
    %mul3A_3 = arith.muli %arg1, %mul3A_2 : i32
    %add3A = arith.constant 1776 : i32
    %add3A_4 = arith.addi %add3A, %mul3A_3 : i32
    %select_n3A = arith.select %eq3A_0, %mul3A_1, %add3A_4 : i32
    %eq3A_5 = arith.constant 0 : i32
    %eq3A_6 = arith.cmpi eq, %arg0, %eq3A_5 : i32
    %jit3A = arith.constant 111 : i32
    %jit3A_7 = arith.constant 71 : i32
    %select_n3A_8 = arith.select %eq3A_6, %jit3A, %jit3A_7 : i32
    %add3A_9 = arith.constant 0 : i32
    %add3A_10 = arith.addi %select_n3A, %add3A_9 : i32
    %dma_start3A = arith.constant 0 : i32
    %dma_start3A_11 = arith.constant 0 : i32
    %dma_start3A_12 = tpu.memref_slice %arg4[%add3A_10, %dma_start3A, %dma_start3A_11] : memref<2912x2x112xi32, #tpu.memory_space<hbm>> -> memref<1x2x112xi32, #tpu.memory_space<hbm>>
    %dma_start3A_13 = tpu.memref_squeeze %dma_start3A_12 : memref<1x2x112xi32, #tpu.memory_space<hbm>> -> memref<2x112xi32, #tpu.memory_space<hbm>>
    %dma_start3A_14 = arith.constant 0 : i32
    %dma_start3A_15 = arith.constant 0 : i32
    %dma_start3A_16 = tpu.memref_slice %arg4[%add3A_10, %dma_start3A_14, %dma_start3A_15] : memref<2912x2x112xi32, #tpu.memory_space<hbm>> -> memref<1x2x112xi32, #tpu.memory_space<hbm>>
    %dma_start3A_17 = tpu.memref_squeeze %dma_start3A_16 : memref<1x2x112xi32, #tpu.memory_space<hbm>> -> memref<2x112xi32, #tpu.memory_space<hbm>>
    tpu.enqueue_dma source(%dma_start3A_17 : memref<2x112xi32, #tpu.memory_space<hbm>>) target(%arg6 : memref<2x112xi32, #tpu.memory_space<vmem>>) target_semaphore(%arg13 : memref<!tpu.dma_semaphore, #tpu.memory_space<semaphore_mem>>)
    %add3A_18 = arith.constant 1 : i32
    %add3A_19 = arith.addi %select_n3A, %add3A_18 : i32
    %dma_start3A_20 = arith.constant 0 : i32
    %dma_start3A_21 = arith.constant 0 : i32
    %dma_start3A_22 = tpu.memref_slice %arg4[%add3A_19, %dma_start3A_20, %dma_start3A_21] : memref<2912x2x112xi32, #tpu.memory_space<hbm>> -> memref<1x2x112xi32, #tpu.memory_space<hbm>>
    %dma_start3A_23 = tpu.memref_squeeze %dma_start3A_22 : memref<1x2x112xi32, #tpu.memory_space<hbm>> -> memref<2x112xi32, #tpu.memory_space<hbm>>
    %dma_start3A_24 = arith.constant 0 : i32
    %dma_start3A_25 = arith.constant 0 : i32
    %dma_start3A_26 = tpu.memref_slice %arg4[%add3A_19, %dma_start3A_24, %dma_start3A_25] : memref<2912x2x112xi32, #tpu.memory_space<hbm>> -> memref<1x2x112xi32, #tpu.memory_space<hbm>>
    %dma_start3A_27 = tpu.memref_squeeze %dma_start3A_26 : memref<1x2x112xi32, #tpu.memory_space<hbm>> -> memref<2x112xi32, #tpu.memory_space<hbm>>
    tpu.enqueue_dma source(%dma_start3A_27 : memref<2x112xi32, #tpu.memory_space<hbm>>) target(%arg7 : memref<2x112xi32, #tpu.memory_space<vmem>>) target_semaphore(%arg14 : memref<!tpu.dma_semaphore, #tpu.memory_space<semaphore_mem>>)
    %broadcast_in_dim3A = arith.constant 0.000000e+00 : f32
    %broadcast_in_dim3A_28 = vector.broadcast %broadcast_in_dim3A : f32 to vector<16xf32>
    %scan3A = arith.constant 0 : i32
    %scan3A_29 = arith.constant 0 : i32
    %scan3A_30 = arith.constant 112 : i32
    %scan3A_31 = arith.addi %scan3A_29, %scan3A_30 : i32
    %scan3A_32 = arith.constant 1 : i32
    scf.for %scan3A_127 = %scan3A_29 to %scan3A_31 step %scan3A_32  : i32 {
      %swap3A = arith.index_cast %scan3A_127 : i32 to index
      %swap3A_128 = arith.constant 0 : index
      %swap3A_129 = tpu.vector_load %arg8[%swap3A, %swap3A_128] {strides = array<i32>} : memref<112x144xf32, #tpu.memory_space<vmem>>, vector<1x16xf32>,
      %swap3A_130 = vector.shape_cast %swap3A_129 : vector<1x16xf32> to vector<16xf32>
      %swap3A_131 = vector.shape_cast %broadcast_in_dim3A_28 : vector<16xf32> to vector<1x16xf32>
      tpu.vector_store %arg8[%swap3A, %swap3A_128], %swap3A_131 {strides = array<i32>} : memref<112x144xf32, #tpu.memory_space<vmem>>, vector<1x16xf32>,
      %swap3A_132 = arith.index_cast %scan3A_127 : i32 to index
      %swap3A_133 = arith.constant 16 : index
      %swap3A_134 = tpu.vector_load %arg8[%swap3A_132, %swap3A_133] {strides = array<i32>} : memref<112x144xf32, #tpu.memory_space<vmem>>, vector<1x16xf32>,
      %swap3A_135 = vector.shape_cast %swap3A_134 : vector<1x16xf32> to vector<16xf32>
      %swap3A_136 = vector.shape_cast %broadcast_in_dim3A_28 : vector<16xf32> to vector<1x16xf32>
      tpu.vector_store %arg8[%swap3A_132, %swap3A_133], %swap3A_136 {strides = array<i32>} : memref<112x144xf32, #tpu.memory_space<vmem>>, vector<1x16xf32>,
      %swap3A_137 = arith.index_cast %scan3A_127 : i32 to index
      %swap3A_138 = arith.constant 32 : index
      %swap3A_139 = tpu.vector_load %arg8[%swap3A_137, %swap3A_138] {strides = array<i32>} : memref<112x144xf32, #tpu.memory_space<vmem>>, vector<1x16xf32>,
      %swap3A_140 = vector.shape_cast %swap3A_139 : vector<1x16xf32> to vector<16xf32>
      %swap3A_141 = vector.shape_cast %broadcast_in_dim3A_28 : vector<16xf32> to vector<1x16xf32>
      tpu.vector_store %arg8[%swap3A_137, %swap3A_138], %swap3A_141 {strides = array<i32>} : memref<112x144xf32, #tpu.memory_space<vmem>>, vector<1x16xf32>,
      %swap3A_142 = arith.index_cast %scan3A_127 : i32 to index
      %swap3A_143 = arith.constant 48 : index
      %swap3A_144 = tpu.vector_load %arg8[%swap3A_142, %swap3A_143] {strides = array<i32>} : memref<112x144xf32, #tpu.memory_space<vmem>>, vector<1x16xf32>,
      %swap3A_145 = vector.shape_cast %swap3A_144 : vector<1x16xf32> to vector<16xf32>
      %swap3A_146 = vector.shape_cast %broadcast_in_dim3A_28 : vector<16xf32> to vector<1x16xf32>
      tpu.vector_store %arg8[%swap3A_142, %swap3A_143], %swap3A_146 {strides = array<i32>} : memref<112x144xf32, #tpu.memory_space<vmem>>, vector<1x16xf32>,
      %swap3A_147 = arith.index_cast %scan3A_127 : i32 to index
      %swap3A_148 = arith.constant 64 : index
      %swap3A_149 = tpu.vector_load %arg8[%swap3A_147, %swap3A_148] {strides = array<i32>} : memref<112x144xf32, #tpu.memory_space<vmem>>, vector<1x16xf32>,
      %swap3A_150 = vector.shape_cast %swap3A_149 : vector<1x16xf32> to vector<16xf32>
      %swap3A_151 = vector.shape_cast %broadcast_in_dim3A_28 : vector<16xf32> to vector<1x16xf32>
      tpu.vector_store %arg8[%swap3A_147, %swap3A_148], %swap3A_151 {strides = array<i32>} : memref<112x144xf32, #tpu.memory_space<vmem>>, vector<1x16xf32>,
      %swap3A_152 = arith.index_cast %scan3A_127 : i32 to index
      %swap3A_153 = arith.constant 80 : index
      %swap3A_154 = tpu.vector_load %arg8[%swap3A_152, %swap3A_153] {strides = array<i32>} : memref<112x144xf32, #tpu.memory_space<vmem>>, vector<1x16xf32>,
      %swap3A_155 = vector.shape_cast %swap3A_154 : vector<1x16xf32> to vector<16xf32>
      %swap3A_156 = vector.shape_cast %broadcast_in_dim3A_28 : vector<16xf32> to vector<1x16xf32>
      tpu.vector_store %arg8[%swap3A_152, %swap3A_153], %swap3A_156 {strides = array<i32>} : memref<112x144xf32, #tpu.memory_space<vmem>>, vector<1x16xf32>,
      %swap3A_157 = arith.index_cast %scan3A_127 : i32 to index
      %swap3A_158 = arith.constant 96 : index
      %swap3A_159 = tpu.vector_load %arg8[%swap3A_157, %swap3A_158] {strides = array<i32>} : memref<112x144xf32, #tpu.memory_space<vmem>>, vector<1x16xf32>,
      %swap3A_160 = vector.shape_cast %swap3A_159 : vector<1x16xf32> to vector<16xf32>
      %swap3A_161 = vector.shape_cast %broadcast_in_dim3A_28 : vector<16xf32> to vector<1x16xf32>
      tpu.vector_store %arg8[%swap3A_157, %swap3A_158], %swap3A_161 {strides = array<i32>} : memref<112x144xf32, #tpu.memory_space<vmem>>, vector<1x16xf32>,
      %swap3A_162 = arith.index_cast %scan3A_127 : i32 to index
      %swap3A_163 = arith.constant 112 : index
      %swap3A_164 = tpu.vector_load %arg8[%swap3A_162, %swap3A_163] {strides = array<i32>} : memref<112x144xf32, #tpu.memory_space<vmem>>, vector<1x16xf32>,
      %swap3A_165 = vector.shape_cast %swap3A_164 : vector<1x16xf32> to vector<16xf32>
      %swap3A_166 = vector.shape_cast %broadcast_in_dim3A_28 : vector<16xf32> to vector<1x16xf32>
      tpu.vector_store %arg8[%swap3A_162, %swap3A_163], %swap3A_166 {strides = array<i32>} : memref<112x144xf32, #tpu.memory_space<vmem>>, vector<1x16xf32>,
      %swap3A_167 = arith.index_cast %scan3A_127 : i32 to index
      %swap3A_168 = arith.constant 128 : index
      %swap3A_169 = tpu.vector_load %arg8[%swap3A_167, %swap3A_168] {strides = array<i32>} : memref<112x144xf32, #tpu.memory_space<vmem>>, vector<1x16xf32>,
      %swap3A_170 = vector.shape_cast %swap3A_169 : vector<1x16xf32> to vector<16xf32>
      %swap3A_171 = vector.shape_cast %broadcast_in_dim3A_28 : vector<16xf32> to vector<1x16xf32>
      tpu.vector_store %arg8[%swap3A_167, %swap3A_168], %swap3A_171 {strides = array<i32>} : memref<112x144xf32, #tpu.memory_space<vmem>>, vector<1x16xf32>,
    }
    %scan3A_33 = arith.constant 112 : i32
    %mul3A_34 = arith.constant 640 : i32
    %mul3A_35 = arith.muli %arg1, %mul3A_34 : i32
    %add3A_36 = arith.constant 0 : i32
    %add3A_37 = arith.addi %mul3A_35, %add3A_36 : i32
    "tpu.region"() ({
      %run_scoped3A_127 = tpu.sem_alloc : memref<!tpu.dma_semaphore, #tpu.memory_space<semaphore_mem>>
      %dma_start3A_128 = arith.constant 0 : i32
      %dma_start3A_129 = tpu.memref_slice %arg12[%add3A_37, %dma_start3A_128] : memref<10240x144xf32, #tpu.memory_space<vmem_shared>> -> memref<112x144xf32, #tpu.memory_space<vmem_shared>>
      %dma_start3A_130 = arith.constant 0 : i32
      %dma_start3A_131 = tpu.memref_slice %arg12[%add3A_37, %dma_start3A_130] : memref<10240x144xf32, #tpu.memory_space<vmem_shared>> -> memref<112x144xf32, #tpu.memory_space<vmem_shared>>
      tpu.enqueue_dma source(%arg8 : memref<112x144xf32, #tpu.memory_space<vmem>>) target(%dma_start3A_131 : memref<112x144xf32, #tpu.memory_space<vmem_shared>>) target_semaphore(%run_scoped3A_127 : memref<!tpu.dma_semaphore, #tpu.memory_space<semaphore_mem>>)
      %dma_wait3A_132 = arith.constant 0 : i32
      %dma_wait3A_133 = tpu.memref_slice %arg12[%add3A_37, %dma_wait3A_132] : memref<10240x144xf32, #tpu.memory_space<vmem_shared>> -> memref<112x144xf32, #tpu.memory_space<vmem_shared>>
      %dma_wait3A_134 = arith.constant 0 : i32
      %dma_wait3A_135 = tpu.memref_slice %arg12[%add3A_37, %dma_wait3A_134] : memref<10240x144xf32, #tpu.memory_space<vmem_shared>> -> memref<112x144xf32, #tpu.memory_space<vmem_shared>>
      tpu.wait_dma2 semaphore(%run_scoped3A_127 : memref<!tpu.dma_semaphore, #tpu.memory_space<semaphore_mem>>) src(%arg8 : memref<112x144xf32, #tpu.memory_space<vmem>>) dst(%dma_wait3A_135 : memref<112x144xf32, #tpu.memory_space<vmem_shared>>)
      tpu.yield
    }) : () -> ()
    %add3A_38 = arith.constant 112 : i32
    %add3A_39 = arith.addi %mul3A_35, %add3A_38 : i32
    "tpu.region"() ({
      %run_scoped3A_127 = tpu.sem_alloc : memref<!tpu.dma_semaphore, #tpu.memory_space<semaphore_mem>>
      %dma_start3A_128 = arith.constant 0 : i32
      %dma_start3A_129 = tpu.memref_slice %arg12[%add3A_39, %dma_start3A_128] : memref<10240x144xf32, #tpu.memory_space<vmem_shared>> -> memref<112x144xf32, #tpu.memory_space<vmem_shared>>
      %dma_start3A_130 = arith.constant 0 : i32
      %dma_start3A_131 = tpu.memref_slice %arg12[%add3A_39, %dma_start3A_130] : memref<10240x144xf32, #tpu.memory_space<vmem_shared>> -> memref<112x144xf32, #tpu.memory_space<vmem_shared>>
      tpu.enqueue_dma source(%arg8 : memref<112x144xf32, #tpu.memory_space<vmem>>) target(%dma_start3A_131 : memref<112x144xf32, #tpu.memory_space<vmem_shared>>) target_semaphore(%run_scoped3A_127 : memref<!tpu.dma_semaphore, #tpu.memory_space<semaphore_mem>>)
      %dma_wait3A_132 = arith.constant 0 : i32
      %dma_wait3A_133 = tpu.memref_slice %arg12[%add3A_39, %dma_wait3A_132] : memref<10240x144xf32, #tpu.memory_space<vmem_shared>> -> memref<112x144xf32, #tpu.memory_space<vmem_shared>>
      %dma_wait3A_134 = arith.constant 0 : i32
      %dma_wait3A_135 = tpu.memref_slice %arg12[%add3A_39, %dma_wait3A_134] : memref<10240x144xf32, #tpu.memory_space<vmem_shared>> -> memref<112x144xf32, #tpu.memory_space<vmem_shared>>
      tpu.wait_dma2 semaphore(%run_scoped3A_127 : memref<!tpu.dma_semaphore, #tpu.memory_space<semaphore_mem>>) src(%arg8 : memref<112x144xf32, #tpu.memory_space<vmem>>) dst(%dma_wait3A_135 : memref<112x144xf32, #tpu.memory_space<vmem_shared>>)
      tpu.yield
    }) : () -> ()
    %add3A_40 = arith.constant 224 : i32
    %add3A_41 = arith.addi %mul3A_35, %add3A_40 : i32
    "tpu.region"() ({
      %run_scoped3A_127 = tpu.sem_alloc : memref<!tpu.dma_semaphore, #tpu.memory_space<semaphore_mem>>
      %dma_start3A_128 = arith.constant 0 : i32
      %dma_start3A_129 = tpu.memref_slice %arg12[%add3A_41, %dma_start3A_128] : memref<10240x144xf32, #tpu.memory_space<vmem_shared>> -> memref<112x144xf32, #tpu.memory_space<vmem_shared>>
      %dma_start3A_130 = arith.constant 0 : i32
      %dma_start3A_131 = tpu.memref_slice %arg12[%add3A_41, %dma_start3A_130] : memref<10240x144xf32, #tpu.memory_space<vmem_shared>> -> memref<112x144xf32, #tpu.memory_space<vmem_shared>>
      tpu.enqueue_dma source(%arg8 : memref<112x144xf32, #tpu.memory_space<vmem>>) target(%dma_start3A_131 : memref<112x144xf32, #tpu.memory_space<vmem_shared>>) target_semaphore(%run_scoped3A_127 : memref<!tpu.dma_semaphore, #tpu.memory_space<semaphore_mem>>)
      %dma_wait3A_132 = arith.constant 0 : i32
      %dma_wait3A_133 = tpu.memref_slice %arg12[%add3A_41, %dma_wait3A_132] : memref<10240x144xf32, #tpu.memory_space<vmem_shared>> -> memref<112x144xf32, #tpu.memory_space<vmem_shared>>
      %dma_wait3A_134 = arith.constant 0 : i32
      %dma_wait3A_135 = tpu.memref_slice %arg12[%add3A_41, %dma_wait3A_134] : memref<10240x144xf32, #tpu.memory_space<vmem_shared>> -> memref<112x144xf32, #tpu.memory_space<vmem_shared>>
      tpu.wait_dma2 semaphore(%run_scoped3A_127 : memref<!tpu.dma_semaphore, #tpu.memory_space<semaphore_mem>>) src(%arg8 : memref<112x144xf32, #tpu.memory_space<vmem>>) dst(%dma_wait3A_135 : memref<112x144xf32, #tpu.memory_space<vmem_shared>>)
      tpu.yield
    }) : () -> ()
    %add3A_42 = arith.constant 336 : i32
    %add3A_43 = arith.addi %mul3A_35, %add3A_42 : i32
    "tpu.region"() ({
      %run_scoped3A_127 = tpu.sem_alloc : memref<!tpu.dma_semaphore, #tpu.memory_space<semaphore_mem>>
      %dma_start3A_128 = arith.constant 0 : i32
      %dma_start3A_129 = tpu.memref_slice %arg12[%add3A_43, %dma_start3A_128] : memref<10240x144xf32, #tpu.memory_space<vmem_shared>> -> memref<112x144xf32, #tpu.memory_space<vmem_shared>>
      %dma_start3A_130 = arith.constant 0 : i32
      %dma_start3A_131 = tpu.memref_slice %arg12[%add3A_43, %dma_start3A_130] : memref<10240x144xf32, #tpu.memory_space<vmem_shared>> -> memref<112x144xf32, #tpu.memory_space<vmem_shared>>
      tpu.enqueue_dma source(%arg8 : memref<112x144xf32, #tpu.memory_space<vmem>>) target(%dma_start3A_131 : memref<112x144xf32, #tpu.memory_space<vmem_shared>>) target_semaphore(%run_scoped3A_127 : memref<!tpu.dma_semaphore, #tpu.memory_space<semaphore_mem>>)
      %dma_wait3A_132 = arith.constant 0 : i32
      %dma_wait3A_133 = tpu.memref_slice %arg12[%add3A_43, %dma_wait3A_132] : memref<10240x144xf32, #tpu.memory_space<vmem_shared>> -> memref<112x144xf32, #tpu.memory_space<vmem_shared>>
      %dma_wait3A_134 = arith.constant 0 : i32
      %dma_wait3A_135 = tpu.memref_slice %arg12[%add3A_43, %dma_wait3A_134] : memref<10240x144xf32, #tpu.memory_space<vmem_shared>> -> memref<112x144xf32, #tpu.memory_space<vmem_shared>>
      tpu.wait_dma2 semaphore(%run_scoped3A_127 : memref<!tpu.dma_semaphore, #tpu.memory_space<semaphore_mem>>) src(%arg8 : memref<112x144xf32, #tpu.memory_space<vmem>>) dst(%dma_wait3A_135 : memref<112x144xf32, #tpu.memory_space<vmem_shared>>)
      tpu.yield
    }) : () -> ()
    %add3A_44 = arith.constant 448 : i32
    %add3A_45 = arith.addi %mul3A_35, %add3A_44 : i32
    "tpu.region"() ({
      %run_scoped3A_127 = tpu.sem_alloc : memref<!tpu.dma_semaphore, #tpu.memory_space<semaphore_mem>>
      %dma_start3A_128 = arith.constant 0 : i32
      %dma_start3A_129 = tpu.memref_slice %arg12[%add3A_45, %dma_start3A_128] : memref<10240x144xf32, #tpu.memory_space<vmem_shared>> -> memref<112x144xf32, #tpu.memory_space<vmem_shared>>
      %dma_start3A_130 = arith.constant 0 : i32
      %dma_start3A_131 = tpu.memref_slice %arg12[%add3A_45, %dma_start3A_130] : memref<10240x144xf32, #tpu.memory_space<vmem_shared>> -> memref<112x144xf32, #tpu.memory_space<vmem_shared>>
      tpu.enqueue_dma source(%arg8 : memref<112x144xf32, #tpu.memory_space<vmem>>) target(%dma_start3A_131 : memref<112x144xf32, #tpu.memory_space<vmem_shared>>) target_semaphore(%run_scoped3A_127 : memref<!tpu.dma_semaphore, #tpu.memory_space<semaphore_mem>>)
      %dma_wait3A_132 = arith.constant 0 : i32
      %dma_wait3A_133 = tpu.memref_slice %arg12[%add3A_45, %dma_wait3A_132] : memref<10240x144xf32, #tpu.memory_space<vmem_shared>> -> memref<112x144xf32, #tpu.memory_space<vmem_shared>>
      %dma_wait3A_134 = arith.constant 0 : i32
      %dma_wait3A_135 = tpu.memref_slice %arg12[%add3A_45, %dma_wait3A_134] : memref<10240x144xf32, #tpu.memory_space<vmem_shared>> -> memref<112x144xf32, #tpu.memory_space<vmem_shared>>
      tpu.wait_dma2 semaphore(%run_scoped3A_127 : memref<!tpu.dma_semaphore, #tpu.memory_space<semaphore_mem>>) src(%arg8 : memref<112x144xf32, #tpu.memory_space<vmem>>) dst(%dma_wait3A_135 : memref<112x144xf32, #tpu.memory_space<vmem_shared>>)
      tpu.yield
    }) : () -> ()
    %add3A_46 = arith.constant 640 : i32
    %add3A_47 = arith.addi %mul3A_35, %add3A_46 : i32
    %sub3A = arith.constant 80 : i32
    %sub3A_48 = arith.subi %add3A_47, %sub3A : i32
    "tpu.region"() ({
      %run_scoped3A_127 = tpu.sem_alloc : memref<!tpu.dma_semaphore, #tpu.memory_space<semaphore_mem>>
      %dma_start3A_128 = arith.constant 0 : i32
      %dma_start3A_129 = arith.constant 0 : i32
      %dma_start3A_130 = tpu.memref_slice %arg8[%dma_start3A_128, %dma_start3A_129] : memref<112x144xf32, #tpu.memory_space<vmem>> -> memref<80x144xf32, #tpu.memory_space<vmem>>
      %dma_start3A_131 = arith.constant 0 : i32
      %dma_start3A_132 = tpu.memref_slice %arg12[%sub3A_48, %dma_start3A_131] : memref<10240x144xf32, #tpu.memory_space<vmem_shared>> -> memref<80x144xf32, #tpu.memory_space<vmem_shared>>
      %dma_start3A_133 = arith.constant 0 : i32
      %dma_start3A_134 = tpu.memref_slice %arg12[%sub3A_48, %dma_start3A_133] : memref<10240x144xf32, #tpu.memory_space<vmem_shared>> -> memref<80x144xf32, #tpu.memory_space<vmem_shared>>
      %dma_start3A_135 = arith.constant 0 : i32
      %dma_start3A_136 = arith.constant 0 : i32
      %dma_start3A_137 = tpu.memref_slice %arg8[%dma_start3A_135, %dma_start3A_136] : memref<112x144xf32, #tpu.memory_space<vmem>> -> memref<80x144xf32, #tpu.memory_space<vmem>>
      tpu.enqueue_dma source(%dma_start3A_137 : memref<80x144xf32, #tpu.memory_space<vmem>>) target(%dma_start3A_134 : memref<80x144xf32, #tpu.memory_space<vmem_shared>>) target_semaphore(%run_scoped3A_127 : memref<!tpu.dma_semaphore, #tpu.memory_space<semaphore_mem>>)
      %dma_wait3A_138 = arith.constant 0 : i32
      %dma_wait3A_139 = arith.constant 0 : i32
      %dma_wait3A_140 = tpu.memref_slice %arg8[%dma_wait3A_138, %dma_wait3A_139] : memref<112x144xf32, #tpu.memory_space<vmem>> -> memref<80x144xf32, #tpu.memory_space<vmem>>
      %dma_wait3A_141 = arith.constant 0 : i32
      %dma_wait3A_142 = tpu.memref_slice %arg12[%sub3A_48, %dma_wait3A_141] : memref<10240x144xf32, #tpu.memory_space<vmem_shared>> -> memref<80x144xf32, #tpu.memory_space<vmem_shared>>
      %dma_wait3A_143 = arith.constant 0 : i32
      %dma_wait3A_144 = tpu.memref_slice %arg12[%sub3A_48, %dma_wait3A_143] : memref<10240x144xf32, #tpu.memory_space<vmem_shared>> -> memref<80x144xf32, #tpu.memory_space<vmem_shared>>
      %dma_wait3A_145 = arith.constant 0 : i32
      %dma_wait3A_146 = arith.constant 0 : i32
      %dma_wait3A_147 = tpu.memref_slice %arg8[%dma_wait3A_145, %dma_wait3A_146] : memref<112x144xf32, #tpu.memory_space<vmem>> -> memref<80x144xf32, #tpu.memory_space<vmem>>
      tpu.wait_dma2 semaphore(%run_scoped3A_127 : memref<!tpu.dma_semaphore, #tpu.memory_space<semaphore_mem>>) src(%dma_wait3A_147 : memref<80x144xf32, #tpu.memory_space<vmem>>) dst(%dma_wait3A_144 : memref<80x144xf32, #tpu.memory_space<vmem_shared>>)
      tpu.yield
    }) : () -> ()
    %barrier3A = arith.constant 0 : index
    tpu.barrier barrier_id(%barrier3A)
    %add3A_49 = arith.constant 0 : i32
    %add3A_50 = arith.addi %select_n3A, %add3A_49 : i32
    %dma_wait3A = arith.constant 0 : i32
    %dma_wait3A_51 = arith.constant 0 : i32
    %dma_wait3A_52 = tpu.memref_slice %arg4[%add3A_50, %dma_wait3A, %dma_wait3A_51] : memref<2912x2x112xi32, #tpu.memory_space<hbm>> -> memref<1x2x112xi32, #tpu.memory_space<hbm>>
    %dma_wait3A_53 = tpu.memref_squeeze %dma_wait3A_52 : memref<1x2x112xi32, #tpu.memory_space<hbm>> -> memref<2x112xi32, #tpu.memory_space<hbm>>
    %dma_wait3A_54 = arith.constant 0 : i32
    %dma_wait3A_55 = arith.constant 0 : i32
    %dma_wait3A_56 = tpu.memref_slice %arg4[%add3A_50, %dma_wait3A_54, %dma_wait3A_55] : memref<2912x2x112xi32, #tpu.memory_space<hbm>> -> memref<1x2x112xi32, #tpu.memory_space<hbm>>
    %dma_wait3A_57 = tpu.memref_squeeze %dma_wait3A_56 : memref<1x2x112xi32, #tpu.memory_space<hbm>> -> memref<2x112xi32, #tpu.memory_space<hbm>>
    tpu.wait_dma2 semaphore(%arg13 : memref<!tpu.dma_semaphore, #tpu.memory_space<semaphore_mem>>) src(%dma_wait3A_57 : memref<2x112xi32, #tpu.memory_space<hbm>>) dst(%arg6 : memref<2x112xi32, #tpu.memory_space<vmem>>)
    %dma_start3A_58 = arith.constant 0 : i32
    %dma_start3A_59 = arith.constant 0 : i32
    %dma_start3A_60 = tpu.memref_slice %arg6[%dma_start3A_58, %dma_start3A_59] : memref<2x112xi32, #tpu.memory_space<vmem>> -> memref<1x112xi32, #tpu.memory_space<vmem>>
    %dma_start3A_61 = tpu.memref_squeeze %dma_start3A_60 : memref<1x112xi32, #tpu.memory_space<vmem>> -> memref<112xi32, #tpu.memory_space<vmem>>
    %dma_start3A_62 = arith.constant 0 : i32
    %dma_start3A_63 = arith.constant 0 : i32
    %dma_start3A_64 = tpu.memref_slice %arg2[%dma_start3A_62, %dma_start3A_63] : memref<10240x144xf32, #tpu.memory_space<hbm>> -> memref<10240x144xf32, #tpu.memory_space<hbm>>
    tpu.enqueue_indirect_dma source(%dma_start3A_64 : memref<10240x144xf32, #tpu.memory_space<hbm>>) target(%arg8 : memref<112x144xf32, #tpu.memory_space<vmem>>) offsets(%dma_start3A_61 : memref<112xi32, #tpu.memory_space<vmem>>) semaphore(%arg15 : memref<!tpu.dma_semaphore, #tpu.memory_space<semaphore_mem>>)
    %dma_start3A_65 = arith.constant 1 : i32
    %dma_start3A_66 = arith.constant 0 : i32
    %dma_start3A_67 = tpu.memref_slice %arg6[%dma_start3A_65, %dma_start3A_66] : memref<2x112xi32, #tpu.memory_space<vmem>> -> memref<1x112xi32, #tpu.memory_space<vmem>>
    %dma_start3A_68 = tpu.memref_squeeze %dma_start3A_67 : memref<1x112xi32, #tpu.memory_space<vmem>> -> memref<112xi32, #tpu.memory_space<vmem>>
    %dma_start3A_69 = arith.constant 0 : i32
    %dma_start3A_70 = arith.constant 0 : i32
    %dma_start3A_71 = tpu.memref_slice %arg3[%dma_start3A_69, %dma_start3A_70] : memref<10240x16xf32, #tpu.memory_space<hbm>> -> memref<10240x16xf32, #tpu.memory_space<hbm>>
    tpu.enqueue_indirect_dma source(%dma_start3A_71 : memref<10240x16xf32, #tpu.memory_space<hbm>>) target(%arg10 : memref<112x16xf32, #tpu.memory_space<vmem>>) offsets(%dma_start3A_68 : memref<112xi32, #tpu.memory_space<vmem>>) semaphore(%arg17 : memref<!tpu.dma_semaphore, #tpu.memory_space<semaphore_mem>>)
    %sub3A_72 = arith.constant 1 : i32
    %sub3A_73 = arith.subi %select_n3A_8, %sub3A_72 : i32
    %jit3A_74 = arith.constant 2 : i32
    %div3A = arith.divsi %sub3A_73, %jit3A_74 : i32
    %sign3A = arith.constant 0 : i32
    %sign3A_75 = arith.cmpi sgt, %sub3A_73, %sign3A : i32
    %sign3A_76 = arith.extui %sign3A_75 : i1 to i32
    %sign3A_77 = arith.constant 0 : i32
    %sign3A_78 = arith.cmpi slt, %sub3A_73, %sign3A_77 : i32
    %sign3A_79 = arith.extui %sign3A_78 : i1 to i32
    %sign3A_80 = arith.subi %sign3A_76, %sign3A_79 : i32
    %sign3A_81 = arith.constant 0 : i32
    %sign3A_82 = arith.cmpi sgt, %jit3A_74, %sign3A_81 : i32
    %sign3A_83 = arith.extui %sign3A_82 : i1 to i32
    %sign3A_84 = arith.constant 0 : i32
    %sign3A_85 = arith.cmpi slt, %jit3A_74, %sign3A_84 : i32
    %sign3A_86 = arith.extui %sign3A_85 : i1 to i32
    %sign3A_87 = arith.subi %sign3A_83, %sign3A_86 : i32
    %ne3A = arith.cmpi ne, %sign3A_80, %sign3A_87 : i32
    %rem3A = arith.remsi %sub3A_73, %jit3A_74 : i32
    %ne3A_88 = arith.constant 0 : i32
    %ne3A_89 = arith.cmpi ne, %rem3A, %ne3A_88 : i32
    %and3A = arith.andi %ne3A, %ne3A_89 : i1
    %sub3A_90 = arith.constant 1 : i32
    %sub3A_91 = arith.subi %div3A, %sub3A_90 : i32
    %select_n3A_92 = arith.select %and3A, %sub3A_91, %div3A : i32
    %while3A = arith.constant 0 : i32
    %while3A_93 = arith.constant 0 : i32
    %while3A_94 = arith.subi %select_n3A_92, %while3A_93 : i32
    %while3A_95 = arith.addi %while3A_93, %while3A_94 : i32
    %while3A_96 = arith.constant 1 : i32
    %while3A_97 = arith.divsi %while3A_94, %while3A_96 : i32
    %while3A_98 = arith.muli %while3A_97, %while3A_96 : i32
    %while3A_99 = arith.addi %while3A_93, %while3A_98 : i32
    %while3A_100 = arith.constant 1 : i32
    scf.for %while3A_127 = %while3A_93 to %while3A_99 step %while3A_100  : i32 {
      %mul3A_128 = arith.constant 2 : i32
      %mul3A_129 = arith.muli %mul3A_128, %while3A_127 : i32
      %add3A_130 = arith.constant 1 : i32
      %add3A_131 = arith.addi %mul3A_129, %add3A_130 : i32
      %add3A_132 = arith.addi %select_n3A, %add3A_131 : i32
      %dma_wait3A_133 = arith.constant 0 : i32
      %dma_wait3A_134 = arith.constant 0 : i32
      %dma_wait3A_135 = tpu.memref_slice %arg4[%add3A_132, %dma_wait3A_133, %dma_wait3A_134] : memref<2912x2x112xi32, #tpu.memory_space<hbm>> -> memref<1x2x112xi32, #tpu.memory_space<hbm>>
      %dma_wait3A_136 = tpu.memref_squeeze %dma_wait3A_135 : memref<1x2x112xi32, #tpu.memory_space<hbm>> -> memref<2x112xi32, #tpu.memory_space<hbm>>
      %dma_wait3A_137 = arith.constant 0 : i32
      %dma_wait3A_138 = arith.constant 0 : i32
      %dma_wait3A_139 = tpu.memref_slice %arg4[%add3A_132, %dma_wait3A_137, %dma_wait3A_138] : memref<2912x2x112xi32, #tpu.memory_space<hbm>> -> memref<1x2x112xi32, #tpu.memory_space<hbm>>
      %dma_wait3A_140 = tpu.memref_squeeze %dma_wait3A_139 : memref<1x2x112xi32, #tpu.memory_space<hbm>> -> memref<2x112xi32, #tpu.memory_space<hbm>>
      tpu.wait_dma2 semaphore(%arg14 : memref<!tpu.dma_semaphore, #tpu.memory_space<semaphore_mem>>) src(%dma_wait3A_140 : memref<2x112xi32, #tpu.memory_space<hbm>>) dst(%arg7 : memref<2x112xi32, #tpu.memory_space<vmem>>)
      %dma_start3A_141 = arith.constant 0 : i32
      %dma_start3A_142 = arith.constant 0 : i32
      %dma_start3A_143 = tpu.memref_slice %arg7[%dma_start3A_141, %dma_start3A_142] : memref<2x112xi32, #tpu.memory_space<vmem>> -> memref<1x112xi32, #tpu.memory_space<vmem>>
      %dma_start3A_144 = tpu.memref_squeeze %dma_start3A_143 : memref<1x112xi32, #tpu.memory_space<vmem>> -> memref<112xi32, #tpu.memory_space<vmem>>
      %dma_start3A_145 = arith.constant 0 : i32
      %dma_start3A_146 = arith.constant 0 : i32
      %dma_start3A_147 = tpu.memref_slice %arg2[%dma_start3A_145, %dma_start3A_146] : memref<10240x144xf32, #tpu.memory_space<hbm>> -> memref<10240x144xf32, #tpu.memory_space<hbm>>
      tpu.enqueue_indirect_dma source(%dma_start3A_147 : memref<10240x144xf32, #tpu.memory_space<hbm>>) target(%arg9 : memref<112x144xf32, #tpu.memory_space<vmem>>) offsets(%dma_start3A_144 : memref<112xi32, #tpu.memory_space<vmem>>) semaphore(%arg16 : memref<!tpu.dma_semaphore, #tpu.memory_space<semaphore_mem>>)
      %dma_start3A_148 = arith.constant 1 : i32
      %dma_start3A_149 = arith.constant 0 : i32
      %dma_start3A_150 = tpu.memref_slice %arg7[%dma_start3A_148, %dma_start3A_149] : memref<2x112xi32, #tpu.memory_space<vmem>> -> memref<1x112xi32, #tpu.memory_space<vmem>>
      %dma_start3A_151 = tpu.memref_squeeze %dma_start3A_150 : memref<1x112xi32, #tpu.memory_space<vmem>> -> memref<112xi32, #tpu.memory_space<vmem>>
      %dma_start3A_152 = arith.constant 0 : i32
      %dma_start3A_153 = arith.constant 0 : i32
      %dma_start3A_154 = tpu.memref_slice %arg3[%dma_start3A_152, %dma_start3A_153] : memref<10240x16xf32, #tpu.memory_space<hbm>> -> memref<10240x16xf32, #tpu.memory_space<hbm>>
      tpu.enqueue_indirect_dma source(%dma_start3A_154 : memref<10240x16xf32, #tpu.memory_space<hbm>>) target(%arg11 : memref<112x16xf32, #tpu.memory_space<vmem>>) offsets(%dma_start3A_151 : memref<112xi32, #tpu.memory_space<vmem>>) semaphore(%arg18 : memref<!tpu.dma_semaphore, #tpu.memory_space<semaphore_mem>>)
      %dma_wait3A_155 = arith.constant 0 : i32
      %dma_wait3A_156 = arith.constant 0 : i32
      %dma_wait3A_157 = tpu.memref_slice %arg6[%dma_wait3A_155, %dma_wait3A_156] : memref<2x112xi32, #tpu.memory_space<vmem>> -> memref<1x112xi32, #tpu.memory_space<vmem>>
      %dma_wait3A_158 = tpu.memref_squeeze %dma_wait3A_157 : memref<1x112xi32, #tpu.memory_space<vmem>> -> memref<112xi32, #tpu.memory_space<vmem>>
      %dma_wait3A_159 = arith.constant 0 : i32
      %dma_wait3A_160 = arith.constant 0 : i32
      %dma_wait3A_161 = tpu.memref_slice %arg2[%dma_wait3A_159, %dma_wait3A_160] : memref<10240x144xf32, #tpu.memory_space<hbm>> -> memref<10240x144xf32, #tpu.memory_space<hbm>>
      tpu.wait_indirect_dma semaphore(%arg15 : memref<!tpu.dma_semaphore, #tpu.memory_space<semaphore_mem>>) src(%dma_wait3A_161 : memref<10240x144xf32, #tpu.memory_space<hbm>>) dst(%arg8 : memref<112x144xf32, #tpu.memory_space<vmem>>)
      %dma_wait3A_162 = arith.constant 1 : i32
      %dma_wait3A_163 = arith.constant 0 : i32
      %dma_wait3A_164 = tpu.memref_slice %arg6[%dma_wait3A_162, %dma_wait3A_163] : memref<2x112xi32, #tpu.memory_space<vmem>> -> memref<1x112xi32, #tpu.memory_space<vmem>>
      %dma_wait3A_165 = tpu.memref_squeeze %dma_wait3A_164 : memref<1x112xi32, #tpu.memory_space<vmem>> -> memref<112xi32, #tpu.memory_space<vmem>>
      %dma_wait3A_166 = arith.constant 0 : i32
      %dma_wait3A_167 = arith.constant 0 : i32
      %dma_wait3A_168 = tpu.memref_slice %arg3[%dma_wait3A_166, %dma_wait3A_167] : memref<10240x16xf32, #tpu.memory_space<hbm>> -> memref<10240x16xf32, #tpu.memory_space<hbm>>
      tpu.wait_indirect_dma semaphore(%arg17 : memref<!tpu.dma_semaphore, #tpu.memory_space<semaphore_mem>>) src(%dma_wait3A_168 : memref<10240x16xf32, #tpu.memory_space<hbm>>) dst(%arg10 : memref<112x16xf32, #tpu.memory_space<vmem>>)
      %scan3A_169 = arith.constant 0 : i32
      %scan3A_170 = arith.constant 0 : i32
      %scan3A_171 = arith.constant 112 : i32
      %scan3A_172 = arith.addi %scan3A_170, %scan3A_171 : i32
      %scan3A_173 = arith.constant 1 : i32
      scf.for %scan3A_236 = %scan3A_170 to %scan3A_172 step %scan3A_173  : i32 {
        %get3A = arith.index_cast %scan3A_236 : i32 to index
        %get3A_237 = arith.constant 128 : index
        %get3A_238 = tpu.vector_load %arg8[%get3A, %get3A_237] {strides = array<i32>} : memref<112x144xf32, #tpu.memory_space<vmem>>, vector<1x16xf32>,
        %get3A_239 = vector.shape_cast %get3A_238 : vector<1x16xf32> to vector<16xf32>
        %get3A_240 = arith.index_cast %scan3A_236 : i32 to index
        %get3A_241 = arith.constant 0 : index
        %get3A_242 = tpu.vector_load %arg10[%get3A_240, %get3A_241] {strides = array<i32>} : memref<112x16xf32, #tpu.memory_space<vmem>>, vector<1x16xf32>,
        %get3A_243 = vector.shape_cast %get3A_242 : vector<1x16xf32> to vector<16xf32>
        %add3A_244 = arith.addf %get3A_239, %get3A_243 : vector<16xf32>
        %mul3A_245 = arith.constant 2.000000e-01 : f32
        %mul3A_246 = vector.broadcast %mul3A_245 : f32 to vector<16xf32>
        %mul3A_247 = arith.mulf %add3A_244, %mul3A_246 : vector<16xf32>
        %max3A = arith.maximumf %add3A_244, %mul3A_247 : vector<16xf32>
        %exp3A = math.exp %max3A : vector<16xf32>
        %swap3A = arith.index_cast %scan3A_236 : i32 to index
        %swap3A_248 = arith.constant 128 : index
        %swap3A_249 = tpu.vector_load %arg8[%swap3A, %swap3A_248] {strides = array<i32>} : memref<112x144xf32, #tpu.memory_space<vmem>>, vector<1x16xf32>,
        %swap3A_250 = vector.shape_cast %swap3A_249 : vector<1x16xf32> to vector<16xf32>
        %swap3A_251 = vector.shape_cast %exp3A : vector<16xf32> to vector<1x16xf32>
        tpu.vector_store %arg8[%swap3A, %swap3A_248], %swap3A_251 {strides = array<i32>} : memref<112x144xf32, #tpu.memory_space<vmem>>, vector<1x16xf32>,
        %get3A_252 = arith.index_cast %scan3A_236 : i32 to index
        %get3A_253 = arith.constant 0 : index
        %get3A_254 = tpu.vector_load %arg8[%get3A_252, %get3A_253] {strides = array<i32>} : memref<112x144xf32, #tpu.memory_space<vmem>>, vector<1x16xf32>,
        %get3A_255 = vector.shape_cast %get3A_254 : vector<1x16xf32> to vector<16xf32>
        %slice3A = vector.extract_strided_slice %exp3A {offsets = [0], sizes = [1], strides = [1]} : vector<16xf32> to vector<1xf32>
        %squeeze3A = vector.extract %slice3A[0] : f32 from vector<1xf32>
        %mul3A_256 = vector.broadcast %squeeze3A : f32 to vector<16xf32>
        %mul3A_257 = arith.mulf %get3A_255, %mul3A_256 : vector<16xf32>
        %swap3A_258 = arith.index_cast %scan3A_236 : i32 to index
        %swap3A_259 = arith.constant 0 : index
        %swap3A_260 = tpu.vector_load %arg8[%swap3A_258, %swap3A_259] {strides = array<i32>} : memref<112x144xf32, #tpu.memory_space<vmem>>, vector<1x16xf32>,
        %swap3A_261 = vector.shape_cast %swap3A_260 : vector<1x16xf32> to vector<16xf32>
        %swap3A_262 = vector.shape_cast %mul3A_257 : vector<16xf32> to vector<1x16xf32>
        tpu.vector_store %arg8[%swap3A_258, %swap3A_259], %swap3A_262 {strides = array<i32>} : memref<112x144xf32, #tpu.memory_space<vmem>>, vector<1x16xf32>,
        %get3A_263 = arith.index_cast %scan3A_236 : i32 to index
        %get3A_264 = arith.constant 16 : index
        %get3A_265 = tpu.vector_load %arg8[%get3A_263, %get3A_264] {strides = array<i32>} : memref<112x144xf32, #tpu.memory_space<vmem>>, vector<1x16xf32>,
        %get3A_266 = vector.shape_cast %get3A_265 : vector<1x16xf32> to vector<16xf32>
        %slice3A_267 = vector.extract_strided_slice %exp3A {offsets = [1], sizes = [1], strides = [1]} : vector<16xf32> to vector<1xf32>
        %squeeze3A_268 = vector.extract %slice3A_267[0] : f32 from vector<1xf32>
        %mul3A_269 = vector.broadcast %squeeze3A_268 : f32 to vector<16xf32>
        %mul3A_270 = arith.mulf %get3A_266, %mul3A_269 : vector<16xf32>
        %swap3A_271 = arith.index_cast %scan3A_236 : i32 to index
        %swap3A_272 = arith.constant 16 : index
        %swap3A_273 = tpu.vector_load %arg8[%swap3A_271, %swap3A_272] {strides = array<i32>} : memref<112x144xf32, #tpu.memory_space<vmem>>, vector<1x16xf32>,
        %swap3A_274 = vector.shape_cast %swap3A_273 : vector<1x16xf32> to vector<16xf32>
        %swap3A_275 = vector.shape_cast %mul3A_270 : vector<16xf32> to vector<1x16xf32>
        tpu.vector_store %arg8[%swap3A_271, %swap3A_272], %swap3A_275 {strides = array<i32>} : memref<112x144xf32, #tpu.memory_space<vmem>>, vector<1x16xf32>,
        %get3A_276 = arith.index_cast %scan3A_236 : i32 to index
        %get3A_277 = arith.constant 32 : index
        %get3A_278 = tpu.vector_load %arg8[%get3A_276, %get3A_277] {strides = array<i32>} : memref<112x144xf32, #tpu.memory_space<vmem>>, vector<1x16xf32>,
        %get3A_279 = vector.shape_cast %get3A_278 : vector<1x16xf32> to vector<16xf32>
        %slice3A_280 = vector.extract_strided_slice %exp3A {offsets = [2], sizes = [1], strides = [1]} : vector<16xf32> to vector<1xf32>
        %squeeze3A_281 = vector.extract %slice3A_280[0] : f32 from vector<1xf32>
        %mul3A_282 = vector.broadcast %squeeze3A_281 : f32 to vector<16xf32>
        %mul3A_283 = arith.mulf %get3A_279, %mul3A_282 : vector<16xf32>
        %swap3A_284 = arith.index_cast %scan3A_236 : i32 to index
        %swap3A_285 = arith.constant 32 : index
        %swap3A_286 = tpu.vector_load %arg8[%swap3A_284, %swap3A_285] {strides = array<i32>} : memref<112x144xf32, #tpu.memory_space<vmem>>, vector<1x16xf32>,
        %swap3A_287 = vector.shape_cast %swap3A_286 : vector<1x16xf32> to vector<16xf32>
        %swap3A_288 = vector.shape_cast %mul3A_283 : vector<16xf32> to vector<1x16xf32>
        tpu.vector_store %arg8[%swap3A_284, %swap3A_285], %swap3A_288 {strides = array<i32>} : memref<112x144xf32, #tpu.memory_space<vmem>>, vector<1x16xf32>,
        %get3A_289 = arith.index_cast %scan3A_236 : i32 to index
        %get3A_290 = arith.constant 48 : index
        %get3A_291 = tpu.vector_load %arg8[%get3A_289, %get3A_290] {strides = array<i32>} : memref<112x144xf32, #tpu.memory_space<vmem>>, vector<1x16xf32>,
        %get3A_292 = vector.shape_cast %get3A_291 : vector<1x16xf32> to vector<16xf32>
        %slice3A_293 = vector.extract_strided_slice %exp3A {offsets = [3], sizes = [1], strides = [1]} : vector<16xf32> to vector<1xf32>
        %squeeze3A_294 = vector.extract %slice3A_293[0] : f32 from vector<1xf32>
        %mul3A_295 = vector.broadcast %squeeze3A_294 : f32 to vector<16xf32>
        %mul3A_296 = arith.mulf %get3A_292, %mul3A_295 : vector<16xf32>
        %swap3A_297 = arith.index_cast %scan3A_236 : i32 to index
        %swap3A_298 = arith.constant 48 : index
        %swap3A_299 = tpu.vector_load %arg8[%swap3A_297, %swap3A_298] {strides = array<i32>} : memref<112x144xf32, #tpu.memory_space<vmem>>, vector<1x16xf32>,
        %swap3A_300 = vector.shape_cast %swap3A_299 : vector<1x16xf32> to vector<16xf32>
        %swap3A_301 = vector.shape_cast %mul3A_296 : vector<16xf32> to vector<1x16xf32>
        tpu.vector_store %arg8[%swap3A_297, %swap3A_298], %swap3A_301 {strides = array<i32>} : memref<112x144xf32, #tpu.memory_space<vmem>>, vector<1x16xf32>,
        %get3A_302 = arith.index_cast %scan3A_236 : i32 to index
        %get3A_303 = arith.constant 64 : index
        %get3A_304 = tpu.vector_load %arg8[%get3A_302, %get3A_303] {strides = array<i32>} : memref<112x144xf32, #tpu.memory_space<vmem>>, vector<1x16xf32>,
        %get3A_305 = vector.shape_cast %get3A_304 : vector<1x16xf32> to vector<16xf32>
        %slice3A_306 = vector.extract_strided_slice %exp3A {offsets = [4], sizes = [1], strides = [1]} : vector<16xf32> to vector<1xf32>
        %squeeze3A_307 = vector.extract %slice3A_306[0] : f32 from vector<1xf32>
        %mul3A_308 = vector.broadcast %squeeze3A_307 : f32 to vector<16xf32>
        %mul3A_309 = arith.mulf %get3A_305, %mul3A_308 : vector<16xf32>
        %swap3A_310 = arith.index_cast %scan3A_236 : i32 to index
        %swap3A_311 = arith.constant 64 : index
        %swap3A_312 = tpu.vector_load %arg8[%swap3A_310, %swap3A_311] {strides = array<i32>} : memref<112x144xf32, #tpu.memory_space<vmem>>, vector<1x16xf32>,
        %swap3A_313 = vector.shape_cast %swap3A_312 : vector<1x16xf32> to vector<16xf32>
        %swap3A_314 = vector.shape_cast %mul3A_309 : vector<16xf32> to vector<1x16xf32>
        tpu.vector_store %arg8[%swap3A_310, %swap3A_311], %swap3A_314 {strides = array<i32>} : memref<112x144xf32, #tpu.memory_space<vmem>>, vector<1x16xf32>,
        %get3A_315 = arith.index_cast %scan3A_236 : i32 to index
        %get3A_316 = arith.constant 80 : index
        %get3A_317 = tpu.vector_load %arg8[%get3A_315, %get3A_316] {strides = array<i32>} : memref<112x144xf32, #tpu.memory_space<vmem>>, vector<1x16xf32>,
        %get3A_318 = vector.shape_cast %get3A_317 : vector<1x16xf32> to vector<16xf32>
        %slice3A_319 = vector.extract_strided_slice %exp3A {offsets = [5], sizes = [1], strides = [1]} : vector<16xf32> to vector<1xf32>
        %squeeze3A_320 = vector.extract %slice3A_319[0] : f32 from vector<1xf32>
        %mul3A_321 = vector.broadcast %squeeze3A_320 : f32 to vector<16xf32>
        %mul3A_322 = arith.mulf %get3A_318, %mul3A_321 : vector<16xf32>
        %swap3A_323 = arith.index_cast %scan3A_236 : i32 to index
        %swap3A_324 = arith.constant 80 : index
        %swap3A_325 = tpu.vector_load %arg8[%swap3A_323, %swap3A_324] {strides = array<i32>} : memref<112x144xf32, #tpu.memory_space<vmem>>, vector<1x16xf32>,
        %swap3A_326 = vector.shape_cast %swap3A_325 : vector<1x16xf32> to vector<16xf32>
        %swap3A_327 = vector.shape_cast %mul3A_322 : vector<16xf32> to vector<1x16xf32>
        tpu.vector_store %arg8[%swap3A_323, %swap3A_324], %swap3A_327 {strides = array<i32>} : memref<112x144xf32, #tpu.memory_space<vmem>>, vector<1x16xf32>,
        %get3A_328 = arith.index_cast %scan3A_236 : i32 to index
        %get3A_329 = arith.constant 96 : index
        %get3A_330 = tpu.vector_load %arg8[%get3A_328, %get3A_329] {strides = array<i32>} : memref<112x144xf32, #tpu.memory_space<vmem>>, vector<1x16xf32>,
        %get3A_331 = vector.shape_cast %get3A_330 : vector<1x16xf32> to vector<16xf32>
        %slice3A_332 = vector.extract_strided_slice %exp3A {offsets = [6], sizes = [1], strides = [1]} : vector<16xf32> to vector<1xf32>
        %squeeze3A_333 = vector.extract %slice3A_332[0] : f32 from vector<1xf32>
        %mul3A_334 = vector.broadcast %squeeze3A_333 : f32 to vector<16xf32>
        %mul3A_335 = arith.mulf %get3A_331, %mul3A_334 : vector<16xf32>
        %swap3A_336 = arith.index_cast %scan3A_236 : i32 to index
        %swap3A_337 = arith.constant 96 : index
        %swap3A_338 = tpu.vector_load %arg8[%swap3A_336, %swap3A_337] {strides = array<i32>} : memref<112x144xf32, #tpu.memory_space<vmem>>, vector<1x16xf32>,
        %swap3A_339 = vector.shape_cast %swap3A_338 : vector<1x16xf32> to vector<16xf32>
        %swap3A_340 = vector.shape_cast %mul3A_335 : vector<16xf32> to vector<1x16xf32>
        tpu.vector_store %arg8[%swap3A_336, %swap3A_337], %swap3A_340 {strides = array<i32>} : memref<112x144xf32, #tpu.memory_space<vmem>>, vector<1x16xf32>,
        %get3A_341 = arith.index_cast %scan3A_236 : i32 to index
        %get3A_342 = arith.constant 112 : index
        %get3A_343 = tpu.vector_load %arg8[%get3A_341, %get3A_342] {strides = array<i32>} : memref<112x144xf32, #tpu.memory_space<vmem>>, vector<1x16xf32>,
        %get3A_344 = vector.shape_cast %get3A_343 : vector<1x16xf32> to vector<16xf32>
        %slice3A_345 = vector.extract_strided_slice %exp3A {offsets = [7], sizes = [1], strides = [1]} : vector<16xf32> to vector<1xf32>
        %squeeze3A_346 = vector.extract %slice3A_345[0] : f32 from vector<1xf32>
        %mul3A_347 = vector.broadcast %squeeze3A_346 : f32 to vector<16xf32>
        %mul3A_348 = arith.mulf %get3A_344, %mul3A_347 : vector<16xf32>
        %swap3A_349 = arith.index_cast %scan3A_236 : i32 to index
        %swap3A_350 = arith.constant 112 : index
        %swap3A_351 = tpu.vector_load %arg8[%swap3A_349, %swap3A_350] {strides = array<i32>} : memref<112x144xf32, #tpu.memory_space<vmem>>, vector<1x16xf32>,
        %swap3A_352 = vector.shape_cast %swap3A_351 : vector<1x16xf32> to vector<16xf32>
        %swap3A_353 = vector.shape_cast %mul3A_348 : vector<16xf32> to vector<1x16xf32>
        tpu.vector_store %arg8[%swap3A_349, %swap3A_350], %swap3A_353 {strides = array<i32>} : memref<112x144xf32, #tpu.memory_space<vmem>>, vector<1x16xf32>,
      }
      %scan3A_174 = arith.constant 112 : i32
      %run_scoped3A_175 = arith.constant 1 : i32
      "tpu.region"() ({
        %run_scoped3A_236 = tpu.sem_alloc : memref<!tpu.dma_semaphore, #tpu.memory_space<semaphore_mem>>
        %dma_start3A_237 = arith.constant 0 : i32
        %dma_start3A_238 = tpu.memref_slice %arg6[%run_scoped3A_175, %dma_start3A_237] : memref<2x112xi32, #tpu.memory_space<vmem>> -> memref<1x112xi32, #tpu.memory_space<vmem>>
        %dma_start3A_239 = tpu.memref_squeeze %dma_start3A_238 : memref<1x112xi32, #tpu.memory_space<vmem>> -> memref<112xi32, #tpu.memory_space<vmem>>
        %dma_start3A_240 = arith.constant 0 : i32
        %dma_start3A_241 = arith.constant 0 : i32
        %dma_start3A_242 = tpu.memref_slice %arg12[%dma_start3A_240, %dma_start3A_241] : memref<10240x144xf32, #tpu.memory_space<vmem_shared>> -> memref<10240x144xf32, #tpu.memory_space<vmem_shared>>
        tpu.enqueue_indirect_dma source(%arg8 : memref<112x144xf32, #tpu.memory_space<vmem>>) target(%dma_start3A_242 : memref<10240x144xf32, #tpu.memory_space<vmem_shared>>) offsets(%dma_start3A_239 : memref<112xi32, #tpu.memory_space<vmem>>) semaphore(%run_scoped3A_236 : memref<!tpu.dma_semaphore, #tpu.memory_space<semaphore_mem>>) {add = true}
        %dma_wait3A_243 = arith.constant 0 : i32
        %dma_wait3A_244 = tpu.memref_slice %arg6[%run_scoped3A_175, %dma_wait3A_243] : memref<2x112xi32, #tpu.memory_space<vmem>> -> memref<1x112xi32, #tpu.memory_space<vmem>>
        %dma_wait3A_245 = tpu.memref_squeeze %dma_wait3A_244 : memref<1x112xi32, #tpu.memory_space<vmem>> -> memref<112xi32, #tpu.memory_space<vmem>>
        %dma_wait3A_246 = arith.constant 0 : i32
        %dma_wait3A_247 = arith.constant 0 : i32
        %dma_wait3A_248 = tpu.memref_slice %arg12[%dma_wait3A_246, %dma_wait3A_247] : memref<10240x144xf32, #tpu.memory_space<vmem_shared>> -> memref<10240x144xf32, #tpu.memory_space<vmem_shared>>
        tpu.wait_indirect_dma semaphore(%run_scoped3A_236 : memref<!tpu.dma_semaphore, #tpu.memory_space<semaphore_mem>>) src(%arg8 : memref<112x144xf32, #tpu.memory_space<vmem>>) dst(%dma_wait3A_248 : memref<10240x144xf32, #tpu.memory_space<vmem_shared>>)
        tpu.yield
      }) : () -> ()
      %add3A_176 = arith.constant 2 : i32
      %add3A_177 = arith.addi %mul3A_129, %add3A_176 : i32
      %add3A_178 = arith.addi %select_n3A, %add3A_177 : i32
      %dma_start3A_179 = arith.constant 0 : i32
      %dma_start3A_180 = arith.constant 0 : i32
      %dma_start3A_181 = tpu.memref_slice %arg4[%add3A_178, %dma_start3A_179, %dma_start3A_180] : memref<2912x2x112xi32, #tpu.memory_space<hbm>> -> memref<1x2x112xi32, #tpu.memory_space<hbm>>
      %dma_start3A_182 = tpu.memref_squeeze %dma_start3A_181 : memref<1x2x112xi32, #tpu.memory_space<hbm>> -> memref<2x112xi32, #tpu.memory_space<hbm>>
      %dma_start3A_183 = arith.constant 0 : i32
      %dma_start3A_184 = arith.constant 0 : i32
      %dma_start3A_185 = tpu.memref_slice %arg4[%add3A_178, %dma_start3A_183, %dma_start3A_184] : memref<2912x2x112xi32, #tpu.memory_space<hbm>> -> memref<1x2x112xi32, #tpu.memory_space<hbm>>
      %dma_start3A_186 = tpu.memref_squeeze %dma_start3A_185 : memref<1x2x112xi32, #tpu.memory_space<hbm>> -> memref<2x112xi32, #tpu.memory_space<hbm>>
      tpu.enqueue_dma source(%dma_start3A_186 : memref<2x112xi32, #tpu.memory_space<hbm>>) target(%arg6 : memref<2x112xi32, #tpu.memory_space<vmem>>) target_semaphore(%arg13 : memref<!tpu.dma_semaphore, #tpu.memory_space<semaphore_mem>>)
      %add3A_187 = arith.constant 2 : i32
      %add3A_188 = arith.addi %mul3A_129, %add3A_187 : i32
      %add3A_189 = arith.addi %select_n3A, %add3A_188 : i32
      %dma_wait3A_190 = arith.constant 0 : i32
      %dma_wait3A_191 = arith.constant 0 : i32
      %dma_wait3A_192 = tpu.memref_slice %arg4[%add3A_189, %dma_wait3A_190, %dma_wait3A_191] : memref<2912x2x112xi32, #tpu.memory_space<hbm>> -> memref<1x2x112xi32, #tpu.memory_space<hbm>>
      %dma_wait3A_193 = tpu.memref_squeeze %dma_wait3A_192 : memref<1x2x112xi32, #tpu.memory_space<hbm>> -> memref<2x112xi32, #tpu.memory_space<hbm>>
      %dma_wait3A_194 = arith.constant 0 : i32
      %dma_wait3A_195 = arith.constant 0 : i32
      %dma_wait3A_196 = tpu.memref_slice %arg4[%add3A_189, %dma_wait3A_194, %dma_wait3A_195] : memref<2912x2x112xi32, #tpu.memory_space<hbm>> -> memref<1x2x112xi32, #tpu.memory_space<hbm>>
      %dma_wait3A_197 = tpu.memref_squeeze %dma_wait3A_196 : memref<1x2x112xi32, #tpu.memory_space<hbm>> -> memref<2x112xi32, #tpu.memory_space<hbm>>
      tpu.wait_dma2 semaphore(%arg13 : memref<!tpu.dma_semaphore, #tpu.memory_space<semaphore_mem>>) src(%dma_wait3A_197 : memref<2x112xi32, #tpu.memory_space<hbm>>) dst(%arg6 : memref<2x112xi32, #tpu.memory_space<vmem>>)
      %dma_start3A_198 = arith.constant 0 : i32
      %dma_start3A_199 = arith.constant 0 : i32
      %dma_start3A_200 = tpu.memref_slice %arg6[%dma_start3A_198, %dma_start3A_199] : memref<2x112xi32, #tpu.memory_space<vmem>> -> memref<1x112xi32, #tpu.memory_space<vmem>>
      %dma_start3A_201 = tpu.memref_squeeze %dma_start3A_200 : memref<1x112xi32, #tpu.memory_space<vmem>> -> memref<112xi32, #tpu.memory_space<vmem>>
      %dma_start3A_202 = arith.constant 0 : i32
      %dma_start3A_203 = arith.constant 0 : i32
      %dma_start3A_204 = tpu.memref_slice %arg2[%dma_start3A_202, %dma_start3A_203] : memref<10240x144xf32, #tpu.memory_space<hbm>> -> memref<10240x144xf32, #tpu.memory_space<hbm>>
      tpu.enqueue_indirect_dma source(%dma_start3A_204 : memref<10240x144xf32, #tpu.memory_space<hbm>>) target(%arg8 : memref<112x144xf32, #tpu.memory_space<vmem>>) offsets(%dma_start3A_201 : memref<112xi32, #tpu.memory_space<vmem>>) semaphore(%arg15 : memref<!tpu.dma_semaphore, #tpu.memory_space<semaphore_mem>>)
      %dma_start3A_205 = arith.constant 1 : i32
      %dma_start3A_206 = arith.constant 0 : i32
      %dma_start3A_207 = tpu.memref_slice %arg6[%dma_start3A_205, %dma_start3A_206] : memref<2x112xi32, #tpu.memory_space<vmem>> -> memref<1x112xi32, #tpu.memory_space<vmem>>
      %dma_start3A_208 = tpu.memref_squeeze %dma_start3A_207 : memref<1x112xi32, #tpu.memory_space<vmem>> -> memref<112xi32, #tpu.memory_space<vmem>>
      %dma_start3A_209 = arith.constant 0 : i32
      %dma_start3A_210 = arith.constant 0 : i32
      %dma_start3A_211 = tpu.memref_slice %arg3[%dma_start3A_209, %dma_start3A_210] : memref<10240x16xf32, #tpu.memory_space<hbm>> -> memref<10240x16xf32, #tpu.memory_space<hbm>>
      tpu.enqueue_indirect_dma source(%dma_start3A_211 : memref<10240x16xf32, #tpu.memory_space<hbm>>) target(%arg10 : memref<112x16xf32, #tpu.memory_space<vmem>>) offsets(%dma_start3A_208 : memref<112xi32, #tpu.memory_space<vmem>>) semaphore(%arg17 : memref<!tpu.dma_semaphore, #tpu.memory_space<semaphore_mem>>)
      %dma_wait3A_212 = arith.constant 0 : i32
      %dma_wait3A_213 = arith.constant 0 : i32
      %dma_wait3A_214 = tpu.memref_slice %arg7[%dma_wait3A_212, %dma_wait3A_213] : memref<2x112xi32, #tpu.memory_space<vmem>> -> memref<1x112xi32, #tpu.memory_space<vmem>>
      %dma_wait3A_215 = tpu.memref_squeeze %dma_wait3A_214 : memref<1x112xi32, #tpu.memory_space<vmem>> -> memref<112xi32, #tpu.memory_space<vmem>>
      %dma_wait3A_216 = arith.constant 0 : i32
      %dma_wait3A_217 = arith.constant 0 : i32
      %dma_wait3A_218 = tpu.memref_slice %arg2[%dma_wait3A_216, %dma_wait3A_217] : memref<10240x144xf32, #tpu.memory_space<hbm>> -> memref<10240x144xf32, #tpu.memory_space<hbm>>
      tpu.wait_indirect_dma semaphore(%arg16 : memref<!tpu.dma_semaphore, #tpu.memory_space<semaphore_mem>>) src(%dma_wait3A_218 : memref<10240x144xf32, #tpu.memory_space<hbm>>) dst(%arg9 : memref<112x144xf32, #tpu.memory_space<vmem>>)
      %dma_wait3A_219 = arith.constant 1 : i32
      %dma_wait3A_220 = arith.constant 0 : i32
      %dma_wait3A_221 = tpu.memref_slice %arg7[%dma_wait3A_219, %dma_wait3A_220] : memref<2x112xi32, #tpu.memory_space<vmem>> -> memref<1x112xi32, #tpu.memory_space<vmem>>
      %dma_wait3A_222 = tpu.memref_squeeze %dma_wait3A_221 : memref<1x112xi32, #tpu.memory_space<vmem>> -> memref<112xi32, #tpu.memory_space<vmem>>
      %dma_wait3A_223 = arith.constant 0 : i32
      %dma_wait3A_224 = arith.constant 0 : i32
      %dma_wait3A_225 = tpu.memref_slice %arg3[%dma_wait3A_223, %dma_wait3A_224] : memref<10240x16xf32, #tpu.memory_space<hbm>> -> memref<10240x16xf32, #tpu.memory_space<hbm>>
      tpu.wait_indirect_dma semaphore(%arg18 : memref<!tpu.dma_semaphore, #tpu.memory_space<semaphore_mem>>) src(%dma_wait3A_225 : memref<10240x16xf32, #tpu.memory_space<hbm>>) dst(%arg11 : memref<112x16xf32, #tpu.memory_space<vmem>>)
      %scan3A_226 = arith.constant 0 : i32
      %scan3A_227 = arith.constant 0 : i32
      %scan3A_228 = arith.constant 112 : i32
      %scan3A_229 = arith.addi %scan3A_227, %scan3A_228 : i32
      %scan3A_230 = arith.constant 1 : i32
      scf.for %scan3A_236 = %scan3A_227 to %scan3A_229 step %scan3A_230  : i32 {
        %get3A = arith.index_cast %scan3A_236 : i32 to index
        %get3A_237 = arith.constant 128 : index
        %get3A_238 = tpu.vector_load %arg9[%get3A, %get3A_237] {strides = array<i32>} : memref<112x144xf32, #tpu.memory_space<vmem>>, vector<1x16xf32>,
        %get3A_239 = vector.shape_cast %get3A_238 : vector<1x16xf32> to vector<16xf32>
        %get3A_240 = arith.index_cast %scan3A_236 : i32 to index
        %get3A_241 = arith.constant 0 : index
        %get3A_242 = tpu.vector_load %arg11[%get3A_240, %get3A_241] {strides = array<i32>} : memref<112x16xf32, #tpu.memory_space<vmem>>, vector<1x16xf32>,
        %get3A_243 = vector.shape_cast %get3A_242 : vector<1x16xf32> to vector<16xf32>
        %add3A_244 = arith.addf %get3A_239, %get3A_243 : vector<16xf32>
        %mul3A_245 = arith.constant 2.000000e-01 : f32
        %mul3A_246 = vector.broadcast %mul3A_245 : f32 to vector<16xf32>
        %mul3A_247 = arith.mulf %add3A_244, %mul3A_246 : vector<16xf32>
        %max3A = arith.maximumf %add3A_244, %mul3A_247 : vector<16xf32>
        %exp3A = math.exp %max3A : vector<16xf32>
        %swap3A = arith.index_cast %scan3A_236 : i32 to index
        %swap3A_248 = arith.constant 128 : index
        %swap3A_249 = tpu.vector_load %arg9[%swap3A, %swap3A_248] {strides = array<i32>} : memref<112x144xf32, #tpu.memory_space<vmem>>, vector<1x16xf32>,
        %swap3A_250 = vector.shape_cast %swap3A_249 : vector<1x16xf32> to vector<16xf32>
        %swap3A_251 = vector.shape_cast %exp3A : vector<16xf32> to vector<1x16xf32>
        tpu.vector_store %arg9[%swap3A, %swap3A_248], %swap3A_251 {strides = array<i32>} : memref<112x144xf32, #tpu.memory_space<vmem>>, vector<1x16xf32>,
        %get3A_252 = arith.index_cast %scan3A_236 : i32 to index
        %get3A_253 = arith.constant 0 : index
        %get3A_254 = tpu.vector_load %arg9[%get3A_252, %get3A_253] {strides = array<i32>} : memref<112x144xf32, #tpu.memory_space<vmem>>, vector<1x16xf32>,
        %get3A_255 = vector.shape_cast %get3A_254 : vector<1x16xf32> to vector<16xf32>
        %slice3A = vector.extract_strided_slice %exp3A {offsets = [0], sizes = [1], strides = [1]} : vector<16xf32> to vector<1xf32>
        %squeeze3A = vector.extract %slice3A[0] : f32 from vector<1xf32>
        %mul3A_256 = vector.broadcast %squeeze3A : f32 to vector<16xf32>
        %mul3A_257 = arith.mulf %get3A_255, %mul3A_256 : vector<16xf32>
        %swap3A_258 = arith.index_cast %scan3A_236 : i32 to index
        %swap3A_259 = arith.constant 0 : index
        %swap3A_260 = tpu.vector_load %arg9[%swap3A_258, %swap3A_259] {strides = array<i32>} : memref<112x144xf32, #tpu.memory_space<vmem>>, vector<1x16xf32>,
        %swap3A_261 = vector.shape_cast %swap3A_260 : vector<1x16xf32> to vector<16xf32>
        %swap3A_262 = vector.shape_cast %mul3A_257 : vector<16xf32> to vector<1x16xf32>
        tpu.vector_store %arg9[%swap3A_258, %swap3A_259], %swap3A_262 {strides = array<i32>} : memref<112x144xf32, #tpu.memory_space<vmem>>, vector<1x16xf32>,
        %get3A_263 = arith.index_cast %scan3A_236 : i32 to index
        %get3A_264 = arith.constant 16 : index
        %get3A_265 = tpu.vector_load %arg9[%get3A_263, %get3A_264] {strides = array<i32>} : memref<112x144xf32, #tpu.memory_space<vmem>>, vector<1x16xf32>,
        %get3A_266 = vector.shape_cast %get3A_265 : vector<1x16xf32> to vector<16xf32>
        %slice3A_267 = vector.extract_strided_slice %exp3A {offsets = [1], sizes = [1], strides = [1]} : vector<16xf32> to vector<1xf32>
        %squeeze3A_268 = vector.extract %slice3A_267[0] : f32 from vector<1xf32>
        %mul3A_269 = vector.broadcast %squeeze3A_268 : f32 to vector<16xf32>
        %mul3A_270 = arith.mulf %get3A_266, %mul3A_269 : vector<16xf32>
        %swap3A_271 = arith.index_cast %scan3A_236 : i32 to index
        %swap3A_272 = arith.constant 16 : index
        %swap3A_273 = tpu.vector_load %arg9[%swap3A_271, %swap3A_272] {strides = array<i32>} : memref<112x144xf32, #tpu.memory_space<vmem>>, vector<1x16xf32>,
        %swap3A_274 = vector.shape_cast %swap3A_273 : vector<1x16xf32> to vector<16xf32>
        %swap3A_275 = vector.shape_cast %mul3A_270 : vector<16xf32> to vector<1x16xf32>
        tpu.vector_store %arg9[%swap3A_271, %swap3A_272], %swap3A_275 {strides = array<i32>} : memref<112x144xf32, #tpu.memory_space<vmem>>, vector<1x16xf32>,
        %get3A_276 = arith.index_cast %scan3A_236 : i32 to index
        %get3A_277 = arith.constant 32 : index
        %get3A_278 = tpu.vector_load %arg9[%get3A_276, %get3A_277] {strides = array<i32>} : memref<112x144xf32, #tpu.memory_space<vmem>>, vector<1x16xf32>,
        %get3A_279 = vector.shape_cast %get3A_278 : vector<1x16xf32> to vector<16xf32>
        %slice3A_280 = vector.extract_strided_slice %exp3A {offsets = [2], sizes = [1], strides = [1]} : vector<16xf32> to vector<1xf32>
        %squeeze3A_281 = vector.extract %slice3A_280[0] : f32 from vector<1xf32>
        %mul3A_282 = vector.broadcast %squeeze3A_281 : f32 to vector<16xf32>
        %mul3A_283 = arith.mulf %get3A_279, %mul3A_282 : vector<16xf32>
        %swap3A_284 = arith.index_cast %scan3A_236 : i32 to index
        %swap3A_285 = arith.constant 32 : index
        %swap3A_286 = tpu.vector_load %arg9[%swap3A_284, %swap3A_285] {strides = array<i32>} : memref<112x144xf32, #tpu.memory_space<vmem>>, vector<1x16xf32>,
        %swap3A_287 = vector.shape_cast %swap3A_286 : vector<1x16xf32> to vector<16xf32>
        %swap3A_288 = vector.shape_cast %mul3A_283 : vector<16xf32> to vector<1x16xf32>
        tpu.vector_store %arg9[%swap3A_284, %swap3A_285], %swap3A_288 {strides = array<i32>} : memref<112x144xf32, #tpu.memory_space<vmem>>, vector<1x16xf32>,
        %get3A_289 = arith.index_cast %scan3A_236 : i32 to index
        %get3A_290 = arith.constant 48 : index
        %get3A_291 = tpu.vector_load %arg9[%get3A_289, %get3A_290] {strides = array<i32>} : memref<112x144xf32, #tpu.memory_space<vmem>>, vector<1x16xf32>,
        %get3A_292 = vector.shape_cast %get3A_291 : vector<1x16xf32> to vector<16xf32>
        %slice3A_293 = vector.extract_strided_slice %exp3A {offsets = [3], sizes = [1], strides = [1]} : vector<16xf32> to vector<1xf32>
        %squeeze3A_294 = vector.extract %slice3A_293[0] : f32 from vector<1xf32>
        %mul3A_295 = vector.broadcast %squeeze3A_294 : f32 to vector<16xf32>
        %mul3A_296 = arith.mulf %get3A_292, %mul3A_295 : vector<16xf32>
        %swap3A_297 = arith.index_cast %scan3A_236 : i32 to index
        %swap3A_298 = arith.constant 48 : index
        %swap3A_299 = tpu.vector_load %arg9[%swap3A_297, %swap3A_298] {strides = array<i32>} : memref<112x144xf32, #tpu.memory_space<vmem>>, vector<1x16xf32>,
        %swap3A_300 = vector.shape_cast %swap3A_299 : vector<1x16xf32> to vector<16xf32>
        %swap3A_301 = vector.shape_cast %mul3A_296 : vector<16xf32> to vector<1x16xf32>
        tpu.vector_store %arg9[%swap3A_297, %swap3A_298], %swap3A_301 {strides = array<i32>} : memref<112x144xf32, #tpu.memory_space<vmem>>, vector<1x16xf32>,
        %get3A_302 = arith.index_cast %scan3A_236 : i32 to index
        %get3A_303 = arith.constant 64 : index
        %get3A_304 = tpu.vector_load %arg9[%get3A_302, %get3A_303] {strides = array<i32>} : memref<112x144xf32, #tpu.memory_space<vmem>>, vector<1x16xf32>,
        %get3A_305 = vector.shape_cast %get3A_304 : vector<1x16xf32> to vector<16xf32>
        %slice3A_306 = vector.extract_strided_slice %exp3A {offsets = [4], sizes = [1], strides = [1]} : vector<16xf32> to vector<1xf32>
        %squeeze3A_307 = vector.extract %slice3A_306[0] : f32 from vector<1xf32>
        %mul3A_308 = vector.broadcast %squeeze3A_307 : f32 to vector<16xf32>
        %mul3A_309 = arith.mulf %get3A_305, %mul3A_308 : vector<16xf32>
        %swap3A_310 = arith.index_cast %scan3A_236 : i32 to index
        %swap3A_311 = arith.constant 64 : index
        %swap3A_312 = tpu.vector_load %arg9[%swap3A_310, %swap3A_311] {strides = array<i32>} : memref<112x144xf32, #tpu.memory_space<vmem>>, vector<1x16xf32>,
        %swap3A_313 = vector.shape_cast %swap3A_312 : vector<1x16xf32> to vector<16xf32>
        %swap3A_314 = vector.shape_cast %mul3A_309 : vector<16xf32> to vector<1x16xf32>
        tpu.vector_store %arg9[%swap3A_310, %swap3A_311], %swap3A_314 {strides = array<i32>} : memref<112x144xf32, #tpu.memory_space<vmem>>, vector<1x16xf32>,
        %get3A_315 = arith.index_cast %scan3A_236 : i32 to index
        %get3A_316 = arith.constant 80 : index
        %get3A_317 = tpu.vector_load %arg9[%get3A_315, %get3A_316] {strides = array<i32>} : memref<112x144xf32, #tpu.memory_space<vmem>>, vector<1x16xf32>,
        %get3A_318 = vector.shape_cast %get3A_317 : vector<1x16xf32> to vector<16xf32>
        %slice3A_319 = vector.extract_strided_slice %exp3A {offsets = [5], sizes = [1], strides = [1]} : vector<16xf32> to vector<1xf32>
        %squeeze3A_320 = vector.extract %slice3A_319[0] : f32 from vector<1xf32>
        %mul3A_321 = vector.broadcast %squeeze3A_320 : f32 to vector<16xf32>
        %mul3A_322 = arith.mulf %get3A_318, %mul3A_321 : vector<16xf32>
        %swap3A_323 = arith.index_cast %scan3A_236 : i32 to index
        %swap3A_324 = arith.constant 80 : index
        %swap3A_325 = tpu.vector_load %arg9[%swap3A_323, %swap3A_324] {strides = array<i32>} : memref<112x144xf32, #tpu.memory_space<vmem>>, vector<1x16xf32>,
        %swap3A_326 = vector.shape_cast %swap3A_325 : vector<1x16xf32> to vector<16xf32>
        %swap3A_327 = vector.shape_cast %mul3A_322 : vector<16xf32> to vector<1x16xf32>
        tpu.vector_store %arg9[%swap3A_323, %swap3A_324], %swap3A_327 {strides = array<i32>} : memref<112x144xf32, #tpu.memory_space<vmem>>, vector<1x16xf32>,
        %get3A_328 = arith.index_cast %scan3A_236 : i32 to index
        %get3A_329 = arith.constant 96 : index
        %get3A_330 = tpu.vector_load %arg9[%get3A_328, %get3A_329] {strides = array<i32>} : memref<112x144xf32, #tpu.memory_space<vmem>>, vector<1x16xf32>,
        %get3A_331 = vector.shape_cast %get3A_330 : vector<1x16xf32> to vector<16xf32>
        %slice3A_332 = vector.extract_strided_slice %exp3A {offsets = [6], sizes = [1], strides = [1]} : vector<16xf32> to vector<1xf32>
        %squeeze3A_333 = vector.extract %slice3A_332[0] : f32 from vector<1xf32>
        %mul3A_334 = vector.broadcast %squeeze3A_333 : f32 to vector<16xf32>
        %mul3A_335 = arith.mulf %get3A_331, %mul3A_334 : vector<16xf32>
        %swap3A_336 = arith.index_cast %scan3A_236 : i32 to index
        %swap3A_337 = arith.constant 96 : index
        %swap3A_338 = tpu.vector_load %arg9[%swap3A_336, %swap3A_337] {strides = array<i32>} : memref<112x144xf32, #tpu.memory_space<vmem>>, vector<1x16xf32>,
        %swap3A_339 = vector.shape_cast %swap3A_338 : vector<1x16xf32> to vector<16xf32>
        %swap3A_340 = vector.shape_cast %mul3A_335 : vector<16xf32> to vector<1x16xf32>
        tpu.vector_store %arg9[%swap3A_336, %swap3A_337], %swap3A_340 {strides = array<i32>} : memref<112x144xf32, #tpu.memory_space<vmem>>, vector<1x16xf32>,
        %get3A_341 = arith.index_cast %scan3A_236 : i32 to index
        %get3A_342 = arith.constant 112 : index
        %get3A_343 = tpu.vector_load %arg9[%get3A_341, %get3A_342] {strides = array<i32>} : memref<112x144xf32, #tpu.memory_space<vmem>>, vector<1x16xf32>,
        %get3A_344 = vector.shape_cast %get3A_343 : vector<1x16xf32> to vector<16xf32>
        %slice3A_345 = vector.extract_strided_slice %exp3A {offsets = [7], sizes = [1], strides = [1]} : vector<16xf32> to vector<1xf32>
        %squeeze3A_346 = vector.extract %slice3A_345[0] : f32 from vector<1xf32>
        %mul3A_347 = vector.broadcast %squeeze3A_346 : f32 to vector<16xf32>
        %mul3A_348 = arith.mulf %get3A_344, %mul3A_347 : vector<16xf32>
        %swap3A_349 = arith.index_cast %scan3A_236 : i32 to index
        %swap3A_350 = arith.constant 112 : index
        %swap3A_351 = tpu.vector_load %arg9[%swap3A_349, %swap3A_350] {strides = array<i32>} : memref<112x144xf32, #tpu.memory_space<vmem>>, vector<1x16xf32>,
        %swap3A_352 = vector.shape_cast %swap3A_351 : vector<1x16xf32> to vector<16xf32>
        %swap3A_353 = vector.shape_cast %mul3A_348 : vector<16xf32> to vector<1x16xf32>
        tpu.vector_store %arg9[%swap3A_349, %swap3A_350], %swap3A_353 {strides = array<i32>} : memref<112x144xf32, #tpu.memory_space<vmem>>, vector<1x16xf32>,
      }
      %scan3A_231 = arith.constant 112 : i32
      %run_scoped3A_232 = arith.constant 1 : i32
      "tpu.region"() ({
        %run_scoped3A_236 = tpu.sem_alloc : memref<!tpu.dma_semaphore, #tpu.memory_space<semaphore_mem>>
        %dma_start3A_237 = arith.constant 0 : i32
        %dma_start3A_238 = tpu.memref_slice %arg7[%run_scoped3A_232, %dma_start3A_237] : memref<2x112xi32, #tpu.memory_space<vmem>> -> memref<1x112xi32, #tpu.memory_space<vmem>>
        %dma_start3A_239 = tpu.memref_squeeze %dma_start3A_238 : memref<1x112xi32, #tpu.memory_space<vmem>> -> memref<112xi32, #tpu.memory_space<vmem>>
        %dma_start3A_240 = arith.constant 0 : i32
        %dma_start3A_241 = arith.constant 0 : i32
        %dma_start3A_242 = tpu.memref_slice %arg12[%dma_start3A_240, %dma_start3A_241] : memref<10240x144xf32, #tpu.memory_space<vmem_shared>> -> memref<10240x144xf32, #tpu.memory_space<vmem_shared>>
        tpu.enqueue_indirect_dma source(%arg9 : memref<112x144xf32, #tpu.memory_space<vmem>>) target(%dma_start3A_242 : memref<10240x144xf32, #tpu.memory_space<vmem_shared>>) offsets(%dma_start3A_239 : memref<112xi32, #tpu.memory_space<vmem>>) semaphore(%run_scoped3A_236 : memref<!tpu.dma_semaphore, #tpu.memory_space<semaphore_mem>>) {add = true}
        %dma_wait3A_243 = arith.constant 0 : i32
        %dma_wait3A_244 = tpu.memref_slice %arg7[%run_scoped3A_232, %dma_wait3A_243] : memref<2x112xi32, #tpu.memory_space<vmem>> -> memref<1x112xi32, #tpu.memory_space<vmem>>
        %dma_wait3A_245 = tpu.memref_squeeze %dma_wait3A_244 : memref<1x112xi32, #tpu.memory_space<vmem>> -> memref<112xi32, #tpu.memory_space<vmem>>
        %dma_wait3A_246 = arith.constant 0 : i32
        %dma_wait3A_247 = arith.constant 0 : i32
        %dma_wait3A_248 = tpu.memref_slice %arg12[%dma_wait3A_246, %dma_wait3A_247] : memref<10240x144xf32, #tpu.memory_space<vmem_shared>> -> memref<10240x144xf32, #tpu.memory_space<vmem_shared>>
        tpu.wait_indirect_dma semaphore(%run_scoped3A_236 : memref<!tpu.dma_semaphore, #tpu.memory_space<semaphore_mem>>) src(%arg9 : memref<112x144xf32, #tpu.memory_space<vmem>>) dst(%dma_wait3A_248 : memref<10240x144xf32, #tpu.memory_space<vmem_shared>>)
        tpu.yield
      }) : () -> ()
      %sub3A_233 = arith.constant 1 : i32
      %sub3A_234 = arith.subi %select_n3A_92, %sub3A_233 : i32
      %lt3A = arith.cmpi slt, %while3A_127, %sub3A_234 : i32
      %convert_element_type3A = arith.extui %lt3A : i1 to i32
      %cond3A = arith.constant 0 : i32
      %cond3A_235 = arith.cmpi ne, %convert_element_type3A, %cond3A : i32
      scf.if %cond3A_235 {
        %add3A_236 = arith.constant 3 : i32
        %add3A_237 = arith.addi %mul3A_129, %add3A_236 : i32
        %add3A_238 = arith.addi %select_n3A, %add3A_237 : i32
        %dma_start3A_239 = arith.constant 0 : i32
        %dma_start3A_240 = arith.constant 0 : i32
        %dma_start3A_241 = tpu.memref_slice %arg4[%add3A_238, %dma_start3A_239, %dma_start3A_240] : memref<2912x2x112xi32, #tpu.memory_space<hbm>> -> memref<1x2x112xi32, #tpu.memory_space<hbm>>
        %dma_start3A_242 = tpu.memref_squeeze %dma_start3A_241 : memref<1x2x112xi32, #tpu.memory_space<hbm>> -> memref<2x112xi32, #tpu.memory_space<hbm>>
        %dma_start3A_243 = arith.constant 0 : i32
        %dma_start3A_244 = arith.constant 0 : i32
        %dma_start3A_245 = tpu.memref_slice %arg4[%add3A_238, %dma_start3A_243, %dma_start3A_244] : memref<2912x2x112xi32, #tpu.memory_space<hbm>> -> memref<1x2x112xi32, #tpu.memory_space<hbm>>
        %dma_start3A_246 = tpu.memref_squeeze %dma_start3A_245 : memref<1x2x112xi32, #tpu.memory_space<hbm>> -> memref<2x112xi32, #tpu.memory_space<hbm>>
        tpu.enqueue_dma source(%dma_start3A_246 : memref<2x112xi32, #tpu.memory_space<hbm>>) target(%arg7 : memref<2x112xi32, #tpu.memory_space<vmem>>) target_semaphore(%arg14 : memref<!tpu.dma_semaphore, #tpu.memory_space<semaphore_mem>>)
      } else {
      }
    }
    %while3A_101 = arith.constant 1 : i32
    scf.for %while3A_127 = %while3A_99 to %while3A_95 step %while3A_101  : i32 {
      %mul3A_128 = arith.constant 2 : i32
      %mul3A_129 = arith.muli %mul3A_128, %while3A_127 : i32
      %add3A_130 = arith.constant 1 : i32
      %add3A_131 = arith.addi %mul3A_129, %add3A_130 : i32
      %add3A_132 = arith.addi %select_n3A, %add3A_131 : i32
      %dma_wait3A_133 = arith.constant 0 : i32
      %dma_wait3A_134 = arith.constant 0 : i32
      %dma_wait3A_135 = tpu.memref_slice %arg4[%add3A_132, %dma_wait3A_133, %dma_wait3A_134] : memref<2912x2x112xi32, #tpu.memory_space<hbm>> -> memref<1x2x112xi32, #tpu.memory_space<hbm>>
      %dma_wait3A_136 = tpu.memref_squeeze %dma_wait3A_135 : memref<1x2x112xi32, #tpu.memory_space<hbm>> -> memref<2x112xi32, #tpu.memory_space<hbm>>
      %dma_wait3A_137 = arith.constant 0 : i32
      %dma_wait3A_138 = arith.constant 0 : i32
      %dma_wait3A_139 = tpu.memref_slice %arg4[%add3A_132, %dma_wait3A_137, %dma_wait3A_138] : memref<2912x2x112xi32, #tpu.memory_space<hbm>> -> memref<1x2x112xi32, #tpu.memory_space<hbm>>
      %dma_wait3A_140 = tpu.memref_squeeze %dma_wait3A_139 : memref<1x2x112xi32, #tpu.memory_space<hbm>> -> memref<2x112xi32, #tpu.memory_space<hbm>>
      tpu.wait_dma2 semaphore(%arg14 : memref<!tpu.dma_semaphore, #tpu.memory_space<semaphore_mem>>) src(%dma_wait3A_140 : memref<2x112xi32, #tpu.memory_space<hbm>>) dst(%arg7 : memref<2x112xi32, #tpu.memory_space<vmem>>)
      %dma_start3A_141 = arith.constant 0 : i32
      %dma_start3A_142 = arith.constant 0 : i32
      %dma_start3A_143 = tpu.memref_slice %arg7[%dma_start3A_141, %dma_start3A_142] : memref<2x112xi32, #tpu.memory_space<vmem>> -> memref<1x112xi32, #tpu.memory_space<vmem>>
      %dma_start3A_144 = tpu.memref_squeeze %dma_start3A_143 : memref<1x112xi32, #tpu.memory_space<vmem>> -> memref<112xi32, #tpu.memory_space<vmem>>
      %dma_start3A_145 = arith.constant 0 : i32
      %dma_start3A_146 = arith.constant 0 : i32
      %dma_start3A_147 = tpu.memref_slice %arg2[%dma_start3A_145, %dma_start3A_146] : memref<10240x144xf32, #tpu.memory_space<hbm>> -> memref<10240x144xf32, #tpu.memory_space<hbm>>
      tpu.enqueue_indirect_dma source(%dma_start3A_147 : memref<10240x144xf32, #tpu.memory_space<hbm>>) target(%arg9 : memref<112x144xf32, #tpu.memory_space<vmem>>) offsets(%dma_start3A_144 : memref<112xi32, #tpu.memory_space<vmem>>) semaphore(%arg16 : memref<!tpu.dma_semaphore, #tpu.memory_space<semaphore_mem>>)
      %dma_start3A_148 = arith.constant 1 : i32
      %dma_start3A_149 = arith.constant 0 : i32
      %dma_start3A_150 = tpu.memref_slice %arg7[%dma_start3A_148, %dma_start3A_149] : memref<2x112xi32, #tpu.memory_space<vmem>> -> memref<1x112xi32, #tpu.memory_space<vmem>>
      %dma_start3A_151 = tpu.memref_squeeze %dma_start3A_150 : memref<1x112xi32, #tpu.memory_space<vmem>> -> memref<112xi32, #tpu.memory_space<vmem>>
      %dma_start3A_152 = arith.constant 0 : i32
      %dma_start3A_153 = arith.constant 0 : i32
      %dma_start3A_154 = tpu.memref_slice %arg3[%dma_start3A_152, %dma_start3A_153] : memref<10240x16xf32, #tpu.memory_space<hbm>> -> memref<10240x16xf32, #tpu.memory_space<hbm>>
      tpu.enqueue_indirect_dma source(%dma_start3A_154 : memref<10240x16xf32, #tpu.memory_space<hbm>>) target(%arg11 : memref<112x16xf32, #tpu.memory_space<vmem>>) offsets(%dma_start3A_151 : memref<112xi32, #tpu.memory_space<vmem>>) semaphore(%arg18 : memref<!tpu.dma_semaphore, #tpu.memory_space<semaphore_mem>>)
      %dma_wait3A_155 = arith.constant 0 : i32
      %dma_wait3A_156 = arith.constant 0 : i32
      %dma_wait3A_157 = tpu.memref_slice %arg6[%dma_wait3A_155, %dma_wait3A_156] : memref<2x112xi32, #tpu.memory_space<vmem>> -> memref<1x112xi32, #tpu.memory_space<vmem>>
      %dma_wait3A_158 = tpu.memref_squeeze %dma_wait3A_157 : memref<1x112xi32, #tpu.memory_space<vmem>> -> memref<112xi32, #tpu.memory_space<vmem>>
      %dma_wait3A_159 = arith.constant 0 : i32
      %dma_wait3A_160 = arith.constant 0 : i32
      %dma_wait3A_161 = tpu.memref_slice %arg2[%dma_wait3A_159, %dma_wait3A_160] : memref<10240x144xf32, #tpu.memory_space<hbm>> -> memref<10240x144xf32, #tpu.memory_space<hbm>>
      tpu.wait_indirect_dma semaphore(%arg15 : memref<!tpu.dma_semaphore, #tpu.memory_space<semaphore_mem>>) src(%dma_wait3A_161 : memref<10240x144xf32, #tpu.memory_space<hbm>>) dst(%arg8 : memref<112x144xf32, #tpu.memory_space<vmem>>)
      %dma_wait3A_162 = arith.constant 1 : i32
      %dma_wait3A_163 = arith.constant 0 : i32
      %dma_wait3A_164 = tpu.memref_slice %arg6[%dma_wait3A_162, %dma_wait3A_163] : memref<2x112xi32, #tpu.memory_space<vmem>> -> memref<1x112xi32, #tpu.memory_space<vmem>>
      %dma_wait3A_165 = tpu.memref_squeeze %dma_wait3A_164 : memref<1x112xi32, #tpu.memory_space<vmem>> -> memref<112xi32, #tpu.memory_space<vmem>>
      %dma_wait3A_166 = arith.constant 0 : i32
      %dma_wait3A_167 = arith.constant 0 : i32
      %dma_wait3A_168 = tpu.memref_slice %arg3[%dma_wait3A_166, %dma_wait3A_167] : memref<10240x16xf32, #tpu.memory_space<hbm>> -> memref<10240x16xf32, #tpu.memory_space<hbm>>
      tpu.wait_indirect_dma semaphore(%arg17 : memref<!tpu.dma_semaphore, #tpu.memory_space<semaphore_mem>>) src(%dma_wait3A_168 : memref<10240x16xf32, #tpu.memory_space<hbm>>) dst(%arg10 : memref<112x16xf32, #tpu.memory_space<vmem>>)
      %scan3A_169 = arith.constant 0 : i32
      %scan3A_170 = arith.constant 0 : i32
      %scan3A_171 = arith.constant 112 : i32
      %scan3A_172 = arith.addi %scan3A_170, %scan3A_171 : i32
      %scan3A_173 = arith.constant 1 : i32
      scf.for %scan3A_236 = %scan3A_170 to %scan3A_172 step %scan3A_173  : i32 {
        %get3A = arith.index_cast %scan3A_236 : i32 to index
        %get3A_237 = arith.constant 128 : index
        %get3A_238 = tpu.vector_load %arg8[%get3A, %get3A_237] {strides = array<i32>} : memref<112x144xf32, #tpu.memory_space<vmem>>, vector<1x16xf32>,
        %get3A_239 = vector.shape_cast %get3A_238 : vector<1x16xf32> to vector<16xf32>
        %get3A_240 = arith.index_cast %scan3A_236 : i32 to index
        %get3A_241 = arith.constant 0 : index
        %get3A_242 = tpu.vector_load %arg10[%get3A_240, %get3A_241] {strides = array<i32>} : memref<112x16xf32, #tpu.memory_space<vmem>>, vector<1x16xf32>,
        %get3A_243 = vector.shape_cast %get3A_242 : vector<1x16xf32> to vector<16xf32>
        %add3A_244 = arith.addf %get3A_239, %get3A_243 : vector<16xf32>
        %mul3A_245 = arith.constant 2.000000e-01 : f32
        %mul3A_246 = vector.broadcast %mul3A_245 : f32 to vector<16xf32>
        %mul3A_247 = arith.mulf %add3A_244, %mul3A_246 : vector<16xf32>
        %max3A = arith.maximumf %add3A_244, %mul3A_247 : vector<16xf32>
        %exp3A = math.exp %max3A : vector<16xf32>
        %swap3A = arith.index_cast %scan3A_236 : i32 to index
        %swap3A_248 = arith.constant 128 : index
        %swap3A_249 = tpu.vector_load %arg8[%swap3A, %swap3A_248] {strides = array<i32>} : memref<112x144xf32, #tpu.memory_space<vmem>>, vector<1x16xf32>,
        %swap3A_250 = vector.shape_cast %swap3A_249 : vector<1x16xf32> to vector<16xf32>
        %swap3A_251 = vector.shape_cast %exp3A : vector<16xf32> to vector<1x16xf32>
        tpu.vector_store %arg8[%swap3A, %swap3A_248], %swap3A_251 {strides = array<i32>} : memref<112x144xf32, #tpu.memory_space<vmem>>, vector<1x16xf32>,
        %get3A_252 = arith.index_cast %scan3A_236 : i32 to index
        %get3A_253 = arith.constant 0 : index
        %get3A_254 = tpu.vector_load %arg8[%get3A_252, %get3A_253] {strides = array<i32>} : memref<112x144xf32, #tpu.memory_space<vmem>>, vector<1x16xf32>,
        %get3A_255 = vector.shape_cast %get3A_254 : vector<1x16xf32> to vector<16xf32>
        %slice3A = vector.extract_strided_slice %exp3A {offsets = [0], sizes = [1], strides = [1]} : vector<16xf32> to vector<1xf32>
        %squeeze3A = vector.extract %slice3A[0] : f32 from vector<1xf32>
        %mul3A_256 = vector.broadcast %squeeze3A : f32 to vector<16xf32>
        %mul3A_257 = arith.mulf %get3A_255, %mul3A_256 : vector<16xf32>
        %swap3A_258 = arith.index_cast %scan3A_236 : i32 to index
        %swap3A_259 = arith.constant 0 : index
        %swap3A_260 = tpu.vector_load %arg8[%swap3A_258, %swap3A_259] {strides = array<i32>} : memref<112x144xf32, #tpu.memory_space<vmem>>, vector<1x16xf32>,
        %swap3A_261 = vector.shape_cast %swap3A_260 : vector<1x16xf32> to vector<16xf32>
        %swap3A_262 = vector.shape_cast %mul3A_257 : vector<16xf32> to vector<1x16xf32>
        tpu.vector_store %arg8[%swap3A_258, %swap3A_259], %swap3A_262 {strides = array<i32>} : memref<112x144xf32, #tpu.memory_space<vmem>>, vector<1x16xf32>,
        %get3A_263 = arith.index_cast %scan3A_236 : i32 to index
        %get3A_264 = arith.constant 16 : index
        %get3A_265 = tpu.vector_load %arg8[%get3A_263, %get3A_264] {strides = array<i32>} : memref<112x144xf32, #tpu.memory_space<vmem>>, vector<1x16xf32>,
        %get3A_266 = vector.shape_cast %get3A_265 : vector<1x16xf32> to vector<16xf32>
        %slice3A_267 = vector.extract_strided_slice %exp3A {offsets = [1], sizes = [1], strides = [1]} : vector<16xf32> to vector<1xf32>
        %squeeze3A_268 = vector.extract %slice3A_267[0] : f32 from vector<1xf32>
        %mul3A_269 = vector.broadcast %squeeze3A_268 : f32 to vector<16xf32>
        %mul3A_270 = arith.mulf %get3A_266, %mul3A_269 : vector<16xf32>
        %swap3A_271 = arith.index_cast %scan3A_236 : i32 to index
        %swap3A_272 = arith.constant 16 : index
        %swap3A_273 = tpu.vector_load %arg8[%swap3A_271, %swap3A_272] {strides = array<i32>} : memref<112x144xf32, #tpu.memory_space<vmem>>, vector<1x16xf32>,
        %swap3A_274 = vector.shape_cast %swap3A_273 : vector<1x16xf32> to vector<16xf32>
        %swap3A_275 = vector.shape_cast %mul3A_270 : vector<16xf32> to vector<1x16xf32>
        tpu.vector_store %arg8[%swap3A_271, %swap3A_272], %swap3A_275 {strides = array<i32>} : memref<112x144xf32, #tpu.memory_space<vmem>>, vector<1x16xf32>,
        %get3A_276 = arith.index_cast %scan3A_236 : i32 to index
        %get3A_277 = arith.constant 32 : index
        %get3A_278 = tpu.vector_load %arg8[%get3A_276, %get3A_277] {strides = array<i32>} : memref<112x144xf32, #tpu.memory_space<vmem>>, vector<1x16xf32>,
        %get3A_279 = vector.shape_cast %get3A_278 : vector<1x16xf32> to vector<16xf32>
        %slice3A_280 = vector.extract_strided_slice %exp3A {offsets = [2], sizes = [1], strides = [1]} : vector<16xf32> to vector<1xf32>
        %squeeze3A_281 = vector.extract %slice3A_280[0] : f32 from vector<1xf32>
        %mul3A_282 = vector.broadcast %squeeze3A_281 : f32 to vector<16xf32>
        %mul3A_283 = arith.mulf %get3A_279, %mul3A_282 : vector<16xf32>
        %swap3A_284 = arith.index_cast %scan3A_236 : i32 to index
        %swap3A_285 = arith.constant 32 : index
        %swap3A_286 = tpu.vector_load %arg8[%swap3A_284, %swap3A_285] {strides = array<i32>} : memref<112x144xf32, #tpu.memory_space<vmem>>, vector<1x16xf32>,
        %swap3A_287 = vector.shape_cast %swap3A_286 : vector<1x16xf32> to vector<16xf32>
        %swap3A_288 = vector.shape_cast %mul3A_283 : vector<16xf32> to vector<1x16xf32>
        tpu.vector_store %arg8[%swap3A_284, %swap3A_285], %swap3A_288 {strides = array<i32>} : memref<112x144xf32, #tpu.memory_space<vmem>>, vector<1x16xf32>,
        %get3A_289 = arith.index_cast %scan3A_236 : i32 to index
        %get3A_290 = arith.constant 48 : index
        %get3A_291 = tpu.vector_load %arg8[%get3A_289, %get3A_290] {strides = array<i32>} : memref<112x144xf32, #tpu.memory_space<vmem>>, vector<1x16xf32>,
        %get3A_292 = vector.shape_cast %get3A_291 : vector<1x16xf32> to vector<16xf32>
        %slice3A_293 = vector.extract_strided_slice %exp3A {offsets = [3], sizes = [1], strides = [1]} : vector<16xf32> to vector<1xf32>
        %squeeze3A_294 = vector.extract %slice3A_293[0] : f32 from vector<1xf32>
        %mul3A_295 = vector.broadcast %squeeze3A_294 : f32 to vector<16xf32>
        %mul3A_296 = arith.mulf %get3A_292, %mul3A_295 : vector<16xf32>
        %swap3A_297 = arith.index_cast %scan3A_236 : i32 to index
        %swap3A_298 = arith.constant 48 : index
        %swap3A_299 = tpu.vector_load %arg8[%swap3A_297, %swap3A_298] {strides = array<i32>} : memref<112x144xf32, #tpu.memory_space<vmem>>, vector<1x16xf32>,
        %swap3A_300 = vector.shape_cast %swap3A_299 : vector<1x16xf32> to vector<16xf32>
        %swap3A_301 = vector.shape_cast %mul3A_296 : vector<16xf32> to vector<1x16xf32>
        tpu.vector_store %arg8[%swap3A_297, %swap3A_298], %swap3A_301 {strides = array<i32>} : memref<112x144xf32, #tpu.memory_space<vmem>>, vector<1x16xf32>,
        %get3A_302 = arith.index_cast %scan3A_236 : i32 to index
        %get3A_303 = arith.constant 64 : index
        %get3A_304 = tpu.vector_load %arg8[%get3A_302, %get3A_303] {strides = array<i32>} : memref<112x144xf32, #tpu.memory_space<vmem>>, vector<1x16xf32>,
        %get3A_305 = vector.shape_cast %get3A_304 : vector<1x16xf32> to vector<16xf32>
        %slice3A_306 = vector.extract_strided_slice %exp3A {offsets = [4], sizes = [1], strides = [1]} : vector<16xf32> to vector<1xf32>
        %squeeze3A_307 = vector.extract %slice3A_306[0] : f32 from vector<1xf32>
        %mul3A_308 = vector.broadcast %squeeze3A_307 : f32 to vector<16xf32>
        %mul3A_309 = arith.mulf %get3A_305, %mul3A_308 : vector<16xf32>
        %swap3A_310 = arith.index_cast %scan3A_236 : i32 to index
        %swap3A_311 = arith.constant 64 : index
        %swap3A_312 = tpu.vector_load %arg8[%swap3A_310, %swap3A_311] {strides = array<i32>} : memref<112x144xf32, #tpu.memory_space<vmem>>, vector<1x16xf32>,
        %swap3A_313 = vector.shape_cast %swap3A_312 : vector<1x16xf32> to vector<16xf32>
        %swap3A_314 = vector.shape_cast %mul3A_309 : vector<16xf32> to vector<1x16xf32>
        tpu.vector_store %arg8[%swap3A_310, %swap3A_311], %swap3A_314 {strides = array<i32>} : memref<112x144xf32, #tpu.memory_space<vmem>>, vector<1x16xf32>,
        %get3A_315 = arith.index_cast %scan3A_236 : i32 to index
        %get3A_316 = arith.constant 80 : index
        %get3A_317 = tpu.vector_load %arg8[%get3A_315, %get3A_316] {strides = array<i32>} : memref<112x144xf32, #tpu.memory_space<vmem>>, vector<1x16xf32>,
        %get3A_318 = vector.shape_cast %get3A_317 : vector<1x16xf32> to vector<16xf32>
        %slice3A_319 = vector.extract_strided_slice %exp3A {offsets = [5], sizes = [1], strides = [1]} : vector<16xf32> to vector<1xf32>
        %squeeze3A_320 = vector.extract %slice3A_319[0] : f32 from vector<1xf32>
        %mul3A_321 = vector.broadcast %squeeze3A_320 : f32 to vector<16xf32>
        %mul3A_322 = arith.mulf %get3A_318, %mul3A_321 : vector<16xf32>
        %swap3A_323 = arith.index_cast %scan3A_236 : i32 to index
        %swap3A_324 = arith.constant 80 : index
        %swap3A_325 = tpu.vector_load %arg8[%swap3A_323, %swap3A_324] {strides = array<i32>} : memref<112x144xf32, #tpu.memory_space<vmem>>, vector<1x16xf32>,
        %swap3A_326 = vector.shape_cast %swap3A_325 : vector<1x16xf32> to vector<16xf32>
        %swap3A_327 = vector.shape_cast %mul3A_322 : vector<16xf32> to vector<1x16xf32>
        tpu.vector_store %arg8[%swap3A_323, %swap3A_324], %swap3A_327 {strides = array<i32>} : memref<112x144xf32, #tpu.memory_space<vmem>>, vector<1x16xf32>,
        %get3A_328 = arith.index_cast %scan3A_236 : i32 to index
        %get3A_329 = arith.constant 96 : index
        %get3A_330 = tpu.vector_load %arg8[%get3A_328, %get3A_329] {strides = array<i32>} : memref<112x144xf32, #tpu.memory_space<vmem>>, vector<1x16xf32>,
        %get3A_331 = vector.shape_cast %get3A_330 : vector<1x16xf32> to vector<16xf32>
        %slice3A_332 = vector.extract_strided_slice %exp3A {offsets = [6], sizes = [1], strides = [1]} : vector<16xf32> to vector<1xf32>
        %squeeze3A_333 = vector.extract %slice3A_332[0] : f32 from vector<1xf32>
        %mul3A_334 = vector.broadcast %squeeze3A_333 : f32 to vector<16xf32>
        %mul3A_335 = arith.mulf %get3A_331, %mul3A_334 : vector<16xf32>
        %swap3A_336 = arith.index_cast %scan3A_236 : i32 to index
        %swap3A_337 = arith.constant 96 : index
        %swap3A_338 = tpu.vector_load %arg8[%swap3A_336, %swap3A_337] {strides = array<i32>} : memref<112x144xf32, #tpu.memory_space<vmem>>, vector<1x16xf32>,
        %swap3A_339 = vector.shape_cast %swap3A_338 : vector<1x16xf32> to vector<16xf32>
        %swap3A_340 = vector.shape_cast %mul3A_335 : vector<16xf32> to vector<1x16xf32>
        tpu.vector_store %arg8[%swap3A_336, %swap3A_337], %swap3A_340 {strides = array<i32>} : memref<112x144xf32, #tpu.memory_space<vmem>>, vector<1x16xf32>,
        %get3A_341 = arith.index_cast %scan3A_236 : i32 to index
        %get3A_342 = arith.constant 112 : index
        %get3A_343 = tpu.vector_load %arg8[%get3A_341, %get3A_342] {strides = array<i32>} : memref<112x144xf32, #tpu.memory_space<vmem>>, vector<1x16xf32>,
        %get3A_344 = vector.shape_cast %get3A_343 : vector<1x16xf32> to vector<16xf32>
        %slice3A_345 = vector.extract_strided_slice %exp3A {offsets = [7], sizes = [1], strides = [1]} : vector<16xf32> to vector<1xf32>
        %squeeze3A_346 = vector.extract %slice3A_345[0] : f32 from vector<1xf32>
        %mul3A_347 = vector.broadcast %squeeze3A_346 : f32 to vector<16xf32>
        %mul3A_348 = arith.mulf %get3A_344, %mul3A_347 : vector<16xf32>
        %swap3A_349 = arith.index_cast %scan3A_236 : i32 to index
        %swap3A_350 = arith.constant 112 : index
        %swap3A_351 = tpu.vector_load %arg8[%swap3A_349, %swap3A_350] {strides = array<i32>} : memref<112x144xf32, #tpu.memory_space<vmem>>, vector<1x16xf32>,
        %swap3A_352 = vector.shape_cast %swap3A_351 : vector<1x16xf32> to vector<16xf32>
        %swap3A_353 = vector.shape_cast %mul3A_348 : vector<16xf32> to vector<1x16xf32>
        tpu.vector_store %arg8[%swap3A_349, %swap3A_350], %swap3A_353 {strides = array<i32>} : memref<112x144xf32, #tpu.memory_space<vmem>>, vector<1x16xf32>,
      }
      %scan3A_174 = arith.constant 112 : i32
      %run_scoped3A_175 = arith.constant 1 : i32
      "tpu.region"() ({
        %run_scoped3A_236 = tpu.sem_alloc : memref<!tpu.dma_semaphore, #tpu.memory_space<semaphore_mem>>
        %dma_start3A_237 = arith.constant 0 : i32
        %dma_start3A_238 = tpu.memref_slice %arg6[%run_scoped3A_175, %dma_start3A_237] : memref<2x112xi32, #tpu.memory_space<vmem>> -> memref<1x112xi32, #tpu.memory_space<vmem>>
        %dma_start3A_239 = tpu.memref_squeeze %dma_start3A_238 : memref<1x112xi32, #tpu.memory_space<vmem>> -> memref<112xi32, #tpu.memory_space<vmem>>
        %dma_start3A_240 = arith.constant 0 : i32
        %dma_start3A_241 = arith.constant 0 : i32
        %dma_start3A_242 = tpu.memref_slice %arg12[%dma_start3A_240, %dma_start3A_241] : memref<10240x144xf32, #tpu.memory_space<vmem_shared>> -> memref<10240x144xf32, #tpu.memory_space<vmem_shared>>
        tpu.enqueue_indirect_dma source(%arg8 : memref<112x144xf32, #tpu.memory_space<vmem>>) target(%dma_start3A_242 : memref<10240x144xf32, #tpu.memory_space<vmem_shared>>) offsets(%dma_start3A_239 : memref<112xi32, #tpu.memory_space<vmem>>) semaphore(%run_scoped3A_236 : memref<!tpu.dma_semaphore, #tpu.memory_space<semaphore_mem>>) {add = true}
        %dma_wait3A_243 = arith.constant 0 : i32
        %dma_wait3A_244 = tpu.memref_slice %arg6[%run_scoped3A_175, %dma_wait3A_243] : memref<2x112xi32, #tpu.memory_space<vmem>> -> memref<1x112xi32, #tpu.memory_space<vmem>>
        %dma_wait3A_245 = tpu.memref_squeeze %dma_wait3A_244 : memref<1x112xi32, #tpu.memory_space<vmem>> -> memref<112xi32, #tpu.memory_space<vmem>>
        %dma_wait3A_246 = arith.constant 0 : i32
        %dma_wait3A_247 = arith.constant 0 : i32
        %dma_wait3A_248 = tpu.memref_slice %arg12[%dma_wait3A_246, %dma_wait3A_247] : memref<10240x144xf32, #tpu.memory_space<vmem_shared>> -> memref<10240x144xf32, #tpu.memory_space<vmem_shared>>
        tpu.wait_indirect_dma semaphore(%run_scoped3A_236 : memref<!tpu.dma_semaphore, #tpu.memory_space<semaphore_mem>>) src(%arg8 : memref<112x144xf32, #tpu.memory_space<vmem>>) dst(%dma_wait3A_248 : memref<10240x144xf32, #tpu.memory_space<vmem_shared>>)
        tpu.yield
      }) : () -> ()
      %add3A_176 = arith.constant 2 : i32
      %add3A_177 = arith.addi %mul3A_129, %add3A_176 : i32
      %add3A_178 = arith.addi %select_n3A, %add3A_177 : i32
      %dma_start3A_179 = arith.constant 0 : i32
      %dma_start3A_180 = arith.constant 0 : i32
      %dma_start3A_181 = tpu.memref_slice %arg4[%add3A_178, %dma_start3A_179, %dma_start3A_180] : memref<2912x2x112xi32, #tpu.memory_space<hbm>> -> memref<1x2x112xi32, #tpu.memory_space<hbm>>
      %dma_start3A_182 = tpu.memref_squeeze %dma_start3A_181 : memref<1x2x112xi32, #tpu.memory_space<hbm>> -> memref<2x112xi32, #tpu.memory_space<hbm>>
      %dma_start3A_183 = arith.constant 0 : i32
      %dma_start3A_184 = arith.constant 0 : i32
      %dma_start3A_185 = tpu.memref_slice %arg4[%add3A_178, %dma_start3A_183, %dma_start3A_184] : memref<2912x2x112xi32, #tpu.memory_space<hbm>> -> memref<1x2x112xi32, #tpu.memory_space<hbm>>
      %dma_start3A_186 = tpu.memref_squeeze %dma_start3A_185 : memref<1x2x112xi32, #tpu.memory_space<hbm>> -> memref<2x112xi32, #tpu.memory_space<hbm>>
      tpu.enqueue_dma source(%dma_start3A_186 : memref<2x112xi32, #tpu.memory_space<hbm>>) target(%arg6 : memref<2x112xi32, #tpu.memory_space<vmem>>) target_semaphore(%arg13 : memref<!tpu.dma_semaphore, #tpu.memory_space<semaphore_mem>>)
      %add3A_187 = arith.constant 2 : i32
      %add3A_188 = arith.addi %mul3A_129, %add3A_187 : i32
      %add3A_189 = arith.addi %select_n3A, %add3A_188 : i32
      %dma_wait3A_190 = arith.constant 0 : i32
      %dma_wait3A_191 = arith.constant 0 : i32
      %dma_wait3A_192 = tpu.memref_slice %arg4[%add3A_189, %dma_wait3A_190, %dma_wait3A_191] : memref<2912x2x112xi32, #tpu.memory_space<hbm>> -> memref<1x2x112xi32, #tpu.memory_space<hbm>>
      %dma_wait3A_193 = tpu.memref_squeeze %dma_wait3A_192 : memref<1x2x112xi32, #tpu.memory_space<hbm>> -> memref<2x112xi32, #tpu.memory_space<hbm>>
      %dma_wait3A_194 = arith.constant 0 : i32
      %dma_wait3A_195 = arith.constant 0 : i32
      %dma_wait3A_196 = tpu.memref_slice %arg4[%add3A_189, %dma_wait3A_194, %dma_wait3A_195] : memref<2912x2x112xi32, #tpu.memory_space<hbm>> -> memref<1x2x112xi32, #tpu.memory_space<hbm>>
      %dma_wait3A_197 = tpu.memref_squeeze %dma_wait3A_196 : memref<1x2x112xi32, #tpu.memory_space<hbm>> -> memref<2x112xi32, #tpu.memory_space<hbm>>
      tpu.wait_dma2 semaphore(%arg13 : memref<!tpu.dma_semaphore, #tpu.memory_space<semaphore_mem>>) src(%dma_wait3A_197 : memref<2x112xi32, #tpu.memory_space<hbm>>) dst(%arg6 : memref<2x112xi32, #tpu.memory_space<vmem>>)
      %dma_start3A_198 = arith.constant 0 : i32
      %dma_start3A_199 = arith.constant 0 : i32
      %dma_start3A_200 = tpu.memref_slice %arg6[%dma_start3A_198, %dma_start3A_199] : memref<2x112xi32, #tpu.memory_space<vmem>> -> memref<1x112xi32, #tpu.memory_space<vmem>>
      %dma_start3A_201 = tpu.memref_squeeze %dma_start3A_200 : memref<1x112xi32, #tpu.memory_space<vmem>> -> memref<112xi32, #tpu.memory_space<vmem>>
      %dma_start3A_202 = arith.constant 0 : i32
      %dma_start3A_203 = arith.constant 0 : i32
      %dma_start3A_204 = tpu.memref_slice %arg2[%dma_start3A_202, %dma_start3A_203] : memref<10240x144xf32, #tpu.memory_space<hbm>> -> memref<10240x144xf32, #tpu.memory_space<hbm>>
      tpu.enqueue_indirect_dma source(%dma_start3A_204 : memref<10240x144xf32, #tpu.memory_space<hbm>>) target(%arg8 : memref<112x144xf32, #tpu.memory_space<vmem>>) offsets(%dma_start3A_201 : memref<112xi32, #tpu.memory_space<vmem>>) semaphore(%arg15 : memref<!tpu.dma_semaphore, #tpu.memory_space<semaphore_mem>>)
      %dma_start3A_205 = arith.constant 1 : i32
      %dma_start3A_206 = arith.constant 0 : i32
      %dma_start3A_207 = tpu.memref_slice %arg6[%dma_start3A_205, %dma_start3A_206] : memref<2x112xi32, #tpu.memory_space<vmem>> -> memref<1x112xi32, #tpu.memory_space<vmem>>
      %dma_start3A_208 = tpu.memref_squeeze %dma_start3A_207 : memref<1x112xi32, #tpu.memory_space<vmem>> -> memref<112xi32, #tpu.memory_space<vmem>>
      %dma_start3A_209 = arith.constant 0 : i32
      %dma_start3A_210 = arith.constant 0 : i32
      %dma_start3A_211 = tpu.memref_slice %arg3[%dma_start3A_209, %dma_start3A_210] : memref<10240x16xf32, #tpu.memory_space<hbm>> -> memref<10240x16xf32, #tpu.memory_space<hbm>>
      tpu.enqueue_indirect_dma source(%dma_start3A_211 : memref<10240x16xf32, #tpu.memory_space<hbm>>) target(%arg10 : memref<112x16xf32, #tpu.memory_space<vmem>>) offsets(%dma_start3A_208 : memref<112xi32, #tpu.memory_space<vmem>>) semaphore(%arg17 : memref<!tpu.dma_semaphore, #tpu.memory_space<semaphore_mem>>)
      %dma_wait3A_212 = arith.constant 0 : i32
      %dma_wait3A_213 = arith.constant 0 : i32
      %dma_wait3A_214 = tpu.memref_slice %arg7[%dma_wait3A_212, %dma_wait3A_213] : memref<2x112xi32, #tpu.memory_space<vmem>> -> memref<1x112xi32, #tpu.memory_space<vmem>>
      %dma_wait3A_215 = tpu.memref_squeeze %dma_wait3A_214 : memref<1x112xi32, #tpu.memory_space<vmem>> -> memref<112xi32, #tpu.memory_space<vmem>>
      %dma_wait3A_216 = arith.constant 0 : i32
      %dma_wait3A_217 = arith.constant 0 : i32
      %dma_wait3A_218 = tpu.memref_slice %arg2[%dma_wait3A_216, %dma_wait3A_217] : memref<10240x144xf32, #tpu.memory_space<hbm>> -> memref<10240x144xf32, #tpu.memory_space<hbm>>
      tpu.wait_indirect_dma semaphore(%arg16 : memref<!tpu.dma_semaphore, #tpu.memory_space<semaphore_mem>>) src(%dma_wait3A_218 : memref<10240x144xf32, #tpu.memory_space<hbm>>) dst(%arg9 : memref<112x144xf32, #tpu.memory_space<vmem>>)
      %dma_wait3A_219 = arith.constant 1 : i32
      %dma_wait3A_220 = arith.constant 0 : i32
      %dma_wait3A_221 = tpu.memref_slice %arg7[%dma_wait3A_219, %dma_wait3A_220] : memref<2x112xi32, #tpu.memory_space<vmem>> -> memref<1x112xi32, #tpu.memory_space<vmem>>
      %dma_wait3A_222 = tpu.memref_squeeze %dma_wait3A_221 : memref<1x112xi32, #tpu.memory_space<vmem>> -> memref<112xi32, #tpu.memory_space<vmem>>
      %dma_wait3A_223 = arith.constant 0 : i32
      %dma_wait3A_224 = arith.constant 0 : i32
      %dma_wait3A_225 = tpu.memref_slice %arg3[%dma_wait3A_223, %dma_wait3A_224] : memref<10240x16xf32, #tpu.memory_space<hbm>> -> memref<10240x16xf32, #tpu.memory_space<hbm>>
      tpu.wait_indirect_dma semaphore(%arg18 : memref<!tpu.dma_semaphore, #tpu.memory_space<semaphore_mem>>) src(%dma_wait3A_225 : memref<10240x16xf32, #tpu.memory_space<hbm>>) dst(%arg11 : memref<112x16xf32, #tpu.memory_space<vmem>>)
      %scan3A_226 = arith.constant 0 : i32
      %scan3A_227 = arith.constant 0 : i32
      %scan3A_228 = arith.constant 112 : i32
      %scan3A_229 = arith.addi %scan3A_227, %scan3A_228 : i32
      %scan3A_230 = arith.constant 1 : i32
      scf.for %scan3A_236 = %scan3A_227 to %scan3A_229 step %scan3A_230  : i32 {
        %get3A = arith.index_cast %scan3A_236 : i32 to index
        %get3A_237 = arith.constant 128 : index
        %get3A_238 = tpu.vector_load %arg9[%get3A, %get3A_237] {strides = array<i32>} : memref<112x144xf32, #tpu.memory_space<vmem>>, vector<1x16xf32>,
        %get3A_239 = vector.shape_cast %get3A_238 : vector<1x16xf32> to vector<16xf32>
        %get3A_240 = arith.index_cast %scan3A_236 : i32 to index
        %get3A_241 = arith.constant 0 : index
        %get3A_242 = tpu.vector_load %arg11[%get3A_240, %get3A_241] {strides = array<i32>} : memref<112x16xf32, #tpu.memory_space<vmem>>, vector<1x16xf32>,
        %get3A_243 = vector.shape_cast %get3A_242 : vector<1x16xf32> to vector<16xf32>
        %add3A_244 = arith.addf %get3A_239, %get3A_243 : vector<16xf32>
        %mul3A_245 = arith.constant 2.000000e-01 : f32
        %mul3A_246 = vector.broadcast %mul3A_245 : f32 to vector<16xf32>
        %mul3A_247 = arith.mulf %add3A_244, %mul3A_246 : vector<16xf32>
        %max3A = arith.maximumf %add3A_244, %mul3A_247 : vector<16xf32>
        %exp3A = math.exp %max3A : vector<16xf32>
        %swap3A = arith.index_cast %scan3A_236 : i32 to index
        %swap3A_248 = arith.constant 128 : index
        %swap3A_249 = tpu.vector_load %arg9[%swap3A, %swap3A_248] {strides = array<i32>} : memref<112x144xf32, #tpu.memory_space<vmem>>, vector<1x16xf32>,
        %swap3A_250 = vector.shape_cast %swap3A_249 : vector<1x16xf32> to vector<16xf32>
        %swap3A_251 = vector.shape_cast %exp3A : vector<16xf32> to vector<1x16xf32>
        tpu.vector_store %arg9[%swap3A, %swap3A_248], %swap3A_251 {strides = array<i32>} : memref<112x144xf32, #tpu.memory_space<vmem>>, vector<1x16xf32>,
        %get3A_252 = arith.index_cast %scan3A_236 : i32 to index
        %get3A_253 = arith.constant 0 : index
        %get3A_254 = tpu.vector_load %arg9[%get3A_252, %get3A_253] {strides = array<i32>} : memref<112x144xf32, #tpu.memory_space<vmem>>, vector<1x16xf32>,
        %get3A_255 = vector.shape_cast %get3A_254 : vector<1x16xf32> to vector<16xf32>
        %slice3A = vector.extract_strided_slice %exp3A {offsets = [0], sizes = [1], strides = [1]} : vector<16xf32> to vector<1xf32>
        %squeeze3A = vector.extract %slice3A[0] : f32 from vector<1xf32>
        %mul3A_256 = vector.broadcast %squeeze3A : f32 to vector<16xf32>
        %mul3A_257 = arith.mulf %get3A_255, %mul3A_256 : vector<16xf32>
        %swap3A_258 = arith.index_cast %scan3A_236 : i32 to index
        %swap3A_259 = arith.constant 0 : index
        %swap3A_260 = tpu.vector_load %arg9[%swap3A_258, %swap3A_259] {strides = array<i32>} : memref<112x144xf32, #tpu.memory_space<vmem>>, vector<1x16xf32>,
        %swap3A_261 = vector.shape_cast %swap3A_260 : vector<1x16xf32> to vector<16xf32>
        %swap3A_262 = vector.shape_cast %mul3A_257 : vector<16xf32> to vector<1x16xf32>
        tpu.vector_store %arg9[%swap3A_258, %swap3A_259], %swap3A_262 {strides = array<i32>} : memref<112x144xf32, #tpu.memory_space<vmem>>, vector<1x16xf32>,
        %get3A_263 = arith.index_cast %scan3A_236 : i32 to index
        %get3A_264 = arith.constant 16 : index
        %get3A_265 = tpu.vector_load %arg9[%get3A_263, %get3A_264] {strides = array<i32>} : memref<112x144xf32, #tpu.memory_space<vmem>>, vector<1x16xf32>,
        %get3A_266 = vector.shape_cast %get3A_265 : vector<1x16xf32> to vector<16xf32>
        %slice3A_267 = vector.extract_strided_slice %exp3A {offsets = [1], sizes = [1], strides = [1]} : vector<16xf32> to vector<1xf32>
        %squeeze3A_268 = vector.extract %slice3A_267[0] : f32 from vector<1xf32>
        %mul3A_269 = vector.broadcast %squeeze3A_268 : f32 to vector<16xf32>
        %mul3A_270 = arith.mulf %get3A_266, %mul3A_269 : vector<16xf32>
        %swap3A_271 = arith.index_cast %scan3A_236 : i32 to index
        %swap3A_272 = arith.constant 16 : index
        %swap3A_273 = tpu.vector_load %arg9[%swap3A_271, %swap3A_272] {strides = array<i32>} : memref<112x144xf32, #tpu.memory_space<vmem>>, vector<1x16xf32>,
        %swap3A_274 = vector.shape_cast %swap3A_273 : vector<1x16xf32> to vector<16xf32>
        %swap3A_275 = vector.shape_cast %mul3A_270 : vector<16xf32> to vector<1x16xf32>
        tpu.vector_store %arg9[%swap3A_271, %swap3A_272], %swap3A_275 {strides = array<i32>} : memref<112x144xf32, #tpu.memory_space<vmem>>, vector<1x16xf32>,
        %get3A_276 = arith.index_cast %scan3A_236 : i32 to index
        %get3A_277 = arith.constant 32 : index
        %get3A_278 = tpu.vector_load %arg9[%get3A_276, %get3A_277] {strides = array<i32>} : memref<112x144xf32, #tpu.memory_space<vmem>>, vector<1x16xf32>,
        %get3A_279 = vector.shape_cast %get3A_278 : vector<1x16xf32> to vector<16xf32>
        %slice3A_280 = vector.extract_strided_slice %exp3A {offsets = [2], sizes = [1], strides = [1]} : vector<16xf32> to vector<1xf32>
        %squeeze3A_281 = vector.extract %slice3A_280[0] : f32 from vector<1xf32>
        %mul3A_282 = vector.broadcast %squeeze3A_281 : f32 to vector<16xf32>
        %mul3A_283 = arith.mulf %get3A_279, %mul3A_282 : vector<16xf32>
        %swap3A_284 = arith.index_cast %scan3A_236 : i32 to index
        %swap3A_285 = arith.constant 32 : index
        %swap3A_286 = tpu.vector_load %arg9[%swap3A_284, %swap3A_285] {strides = array<i32>} : memref<112x144xf32, #tpu.memory_space<vmem>>, vector<1x16xf32>,
        %swap3A_287 = vector.shape_cast %swap3A_286 : vector<1x16xf32> to vector<16xf32>
        %swap3A_288 = vector.shape_cast %mul3A_283 : vector<16xf32> to vector<1x16xf32>
        tpu.vector_store %arg9[%swap3A_284, %swap3A_285], %swap3A_288 {strides = array<i32>} : memref<112x144xf32, #tpu.memory_space<vmem>>, vector<1x16xf32>,
        %get3A_289 = arith.index_cast %scan3A_236 : i32 to index
        %get3A_290 = arith.constant 48 : index
        %get3A_291 = tpu.vector_load %arg9[%get3A_289, %get3A_290] {strides = array<i32>} : memref<112x144xf32, #tpu.memory_space<vmem>>, vector<1x16xf32>,
        %get3A_292 = vector.shape_cast %get3A_291 : vector<1x16xf32> to vector<16xf32>
        %slice3A_293 = vector.extract_strided_slice %exp3A {offsets = [3], sizes = [1], strides = [1]} : vector<16xf32> to vector<1xf32>
        %squeeze3A_294 = vector.extract %slice3A_293[0] : f32 from vector<1xf32>
        %mul3A_295 = vector.broadcast %squeeze3A_294 : f32 to vector<16xf32>
        %mul3A_296 = arith.mulf %get3A_292, %mul3A_295 : vector<16xf32>
        %swap3A_297 = arith.index_cast %scan3A_236 : i32 to index
        %swap3A_298 = arith.constant 48 : index
        %swap3A_299 = tpu.vector_load %arg9[%swap3A_297, %swap3A_298] {strides = array<i32>} : memref<112x144xf32, #tpu.memory_space<vmem>>, vector<1x16xf32>,
        %swap3A_300 = vector.shape_cast %swap3A_299 : vector<1x16xf32> to vector<16xf32>
        %swap3A_301 = vector.shape_cast %mul3A_296 : vector<16xf32> to vector<1x16xf32>
        tpu.vector_store %arg9[%swap3A_297, %swap3A_298], %swap3A_301 {strides = array<i32>} : memref<112x144xf32, #tpu.memory_space<vmem>>, vector<1x16xf32>,
        %get3A_302 = arith.index_cast %scan3A_236 : i32 to index
        %get3A_303 = arith.constant 64 : index
        %get3A_304 = tpu.vector_load %arg9[%get3A_302, %get3A_303] {strides = array<i32>} : memref<112x144xf32, #tpu.memory_space<vmem>>, vector<1x16xf32>,
        %get3A_305 = vector.shape_cast %get3A_304 : vector<1x16xf32> to vector<16xf32>
        %slice3A_306 = vector.extract_strided_slice %exp3A {offsets = [4], sizes = [1], strides = [1]} : vector<16xf32> to vector<1xf32>
        %squeeze3A_307 = vector.extract %slice3A_306[0] : f32 from vector<1xf32>
        %mul3A_308 = vector.broadcast %squeeze3A_307 : f32 to vector<16xf32>
        %mul3A_309 = arith.mulf %get3A_305, %mul3A_308 : vector<16xf32>
        %swap3A_310 = arith.index_cast %scan3A_236 : i32 to index
        %swap3A_311 = arith.constant 64 : index
        %swap3A_312 = tpu.vector_load %arg9[%swap3A_310, %swap3A_311] {strides = array<i32>} : memref<112x144xf32, #tpu.memory_space<vmem>>, vector<1x16xf32>,
        %swap3A_313 = vector.shape_cast %swap3A_312 : vector<1x16xf32> to vector<16xf32>
        %swap3A_314 = vector.shape_cast %mul3A_309 : vector<16xf32> to vector<1x16xf32>
        tpu.vector_store %arg9[%swap3A_310, %swap3A_311], %swap3A_314 {strides = array<i32>} : memref<112x144xf32, #tpu.memory_space<vmem>>, vector<1x16xf32>,
        %get3A_315 = arith.index_cast %scan3A_236 : i32 to index
        %get3A_316 = arith.constant 80 : index
        %get3A_317 = tpu.vector_load %arg9[%get3A_315, %get3A_316] {strides = array<i32>} : memref<112x144xf32, #tpu.memory_space<vmem>>, vector<1x16xf32>,
        %get3A_318 = vector.shape_cast %get3A_317 : vector<1x16xf32> to vector<16xf32>
        %slice3A_319 = vector.extract_strided_slice %exp3A {offsets = [5], sizes = [1], strides = [1]} : vector<16xf32> to vector<1xf32>
        %squeeze3A_320 = vector.extract %slice3A_319[0] : f32 from vector<1xf32>
        %mul3A_321 = vector.broadcast %squeeze3A_320 : f32 to vector<16xf32>
        %mul3A_322 = arith.mulf %get3A_318, %mul3A_321 : vector<16xf32>
        %swap3A_323 = arith.index_cast %scan3A_236 : i32 to index
        %swap3A_324 = arith.constant 80 : index
        %swap3A_325 = tpu.vector_load %arg9[%swap3A_323, %swap3A_324] {strides = array<i32>} : memref<112x144xf32, #tpu.memory_space<vmem>>, vector<1x16xf32>,
        %swap3A_326 = vector.shape_cast %swap3A_325 : vector<1x16xf32> to vector<16xf32>
        %swap3A_327 = vector.shape_cast %mul3A_322 : vector<16xf32> to vector<1x16xf32>
        tpu.vector_store %arg9[%swap3A_323, %swap3A_324], %swap3A_327 {strides = array<i32>} : memref<112x144xf32, #tpu.memory_space<vmem>>, vector<1x16xf32>,
        %get3A_328 = arith.index_cast %scan3A_236 : i32 to index
        %get3A_329 = arith.constant 96 : index
        %get3A_330 = tpu.vector_load %arg9[%get3A_328, %get3A_329] {strides = array<i32>} : memref<112x144xf32, #tpu.memory_space<vmem>>, vector<1x16xf32>,
        %get3A_331 = vector.shape_cast %get3A_330 : vector<1x16xf32> to vector<16xf32>
        %slice3A_332 = vector.extract_strided_slice %exp3A {offsets = [6], sizes = [1], strides = [1]} : vector<16xf32> to vector<1xf32>
        %squeeze3A_333 = vector.extract %slice3A_332[0] : f32 from vector<1xf32>
        %mul3A_334 = vector.broadcast %squeeze3A_333 : f32 to vector<16xf32>
        %mul3A_335 = arith.mulf %get3A_331, %mul3A_334 : vector<16xf32>
        %swap3A_336 = arith.index_cast %scan3A_236 : i32 to index
        %swap3A_337 = arith.constant 96 : index
        %swap3A_338 = tpu.vector_load %arg9[%swap3A_336, %swap3A_337] {strides = array<i32>} : memref<112x144xf32, #tpu.memory_space<vmem>>, vector<1x16xf32>,
        %swap3A_339 = vector.shape_cast %swap3A_338 : vector<1x16xf32> to vector<16xf32>
        %swap3A_340 = vector.shape_cast %mul3A_335 : vector<16xf32> to vector<1x16xf32>
        tpu.vector_store %arg9[%swap3A_336, %swap3A_337], %swap3A_340 {strides = array<i32>} : memref<112x144xf32, #tpu.memory_space<vmem>>, vector<1x16xf32>,
        %get3A_341 = arith.index_cast %scan3A_236 : i32 to index
        %get3A_342 = arith.constant 112 : index
        %get3A_343 = tpu.vector_load %arg9[%get3A_341, %get3A_342] {strides = array<i32>} : memref<112x144xf32, #tpu.memory_space<vmem>>, vector<1x16xf32>,
        %get3A_344 = vector.shape_cast %get3A_343 : vector<1x16xf32> to vector<16xf32>
        %slice3A_345 = vector.extract_strided_slice %exp3A {offsets = [7], sizes = [1], strides = [1]} : vector<16xf32> to vector<1xf32>
        %squeeze3A_346 = vector.extract %slice3A_345[0] : f32 from vector<1xf32>
        %mul3A_347 = vector.broadcast %squeeze3A_346 : f32 to vector<16xf32>
        %mul3A_348 = arith.mulf %get3A_344, %mul3A_347 : vector<16xf32>
        %swap3A_349 = arith.index_cast %scan3A_236 : i32 to index
        %swap3A_350 = arith.constant 112 : index
        %swap3A_351 = tpu.vector_load %arg9[%swap3A_349, %swap3A_350] {strides = array<i32>} : memref<112x144xf32, #tpu.memory_space<vmem>>, vector<1x16xf32>,
        %swap3A_352 = vector.shape_cast %swap3A_351 : vector<1x16xf32> to vector<16xf32>
        %swap3A_353 = vector.shape_cast %mul3A_348 : vector<16xf32> to vector<1x16xf32>
        tpu.vector_store %arg9[%swap3A_349, %swap3A_350], %swap3A_353 {strides = array<i32>} : memref<112x144xf32, #tpu.memory_space<vmem>>, vector<1x16xf32>,
      }
      %scan3A_231 = arith.constant 112 : i32
      %run_scoped3A_232 = arith.constant 1 : i32
      "tpu.region"() ({
        %run_scoped3A_236 = tpu.sem_alloc : memref<!tpu.dma_semaphore, #tpu.memory_space<semaphore_mem>>
        %dma_start3A_237 = arith.constant 0 : i32
        %dma_start3A_238 = tpu.memref_slice %arg7[%run_scoped3A_232, %dma_start3A_237] : memref<2x112xi32, #tpu.memory_space<vmem>> -> memref<1x112xi32, #tpu.memory_space<vmem>>
        %dma_start3A_239 = tpu.memref_squeeze %dma_start3A_238 : memref<1x112xi32, #tpu.memory_space<vmem>> -> memref<112xi32, #tpu.memory_space<vmem>>
        %dma_start3A_240 = arith.constant 0 : i32
        %dma_start3A_241 = arith.constant 0 : i32
        %dma_start3A_242 = tpu.memref_slice %arg12[%dma_start3A_240, %dma_start3A_241] : memref<10240x144xf32, #tpu.memory_space<vmem_shared>> -> memref<10240x144xf32, #tpu.memory_space<vmem_shared>>
        tpu.enqueue_indirect_dma source(%arg9 : memref<112x144xf32, #tpu.memory_space<vmem>>) target(%dma_start3A_242 : memref<10240x144xf32, #tpu.memory_space<vmem_shared>>) offsets(%dma_start3A_239 : memref<112xi32, #tpu.memory_space<vmem>>) semaphore(%run_scoped3A_236 : memref<!tpu.dma_semaphore, #tpu.memory_space<semaphore_mem>>) {add = true}
        %dma_wait3A_243 = arith.constant 0 : i32
        %dma_wait3A_244 = tpu.memref_slice %arg7[%run_scoped3A_232, %dma_wait3A_243] : memref<2x112xi32, #tpu.memory_space<vmem>> -> memref<1x112xi32, #tpu.memory_space<vmem>>
        %dma_wait3A_245 = tpu.memref_squeeze %dma_wait3A_244 : memref<1x112xi32, #tpu.memory_space<vmem>> -> memref<112xi32, #tpu.memory_space<vmem>>
        %dma_wait3A_246 = arith.constant 0 : i32
        %dma_wait3A_247 = arith.constant 0 : i32
        %dma_wait3A_248 = tpu.memref_slice %arg12[%dma_wait3A_246, %dma_wait3A_247] : memref<10240x144xf32, #tpu.memory_space<vmem_shared>> -> memref<10240x144xf32, #tpu.memory_space<vmem_shared>>
        tpu.wait_indirect_dma semaphore(%run_scoped3A_236 : memref<!tpu.dma_semaphore, #tpu.memory_space<semaphore_mem>>) src(%arg9 : memref<112x144xf32, #tpu.memory_space<vmem>>) dst(%dma_wait3A_248 : memref<10240x144xf32, #tpu.memory_space<vmem_shared>>)
        tpu.yield
      }) : () -> ()
      %sub3A_233 = arith.constant 1 : i32
      %sub3A_234 = arith.subi %select_n3A_92, %sub3A_233 : i32
      %lt3A = arith.cmpi slt, %while3A_127, %sub3A_234 : i32
      %convert_element_type3A = arith.extui %lt3A : i1 to i32
      %cond3A = arith.constant 0 : i32
      %cond3A_235 = arith.cmpi ne, %convert_element_type3A, %cond3A : i32
      scf.if %cond3A_235 {
        %add3A_236 = arith.constant 3 : i32
        %add3A_237 = arith.addi %mul3A_129, %add3A_236 : i32
        %add3A_238 = arith.addi %select_n3A, %add3A_237 : i32
        %dma_start3A_239 = arith.constant 0 : i32
        %dma_start3A_240 = arith.constant 0 : i32
        %dma_start3A_241 = tpu.memref_slice %arg4[%add3A_238, %dma_start3A_239, %dma_start3A_240] : memref<2912x2x112xi32, #tpu.memory_space<hbm>> -> memref<1x2x112xi32, #tpu.memory_space<hbm>>
        %dma_start3A_242 = tpu.memref_squeeze %dma_start3A_241 : memref<1x2x112xi32, #tpu.memory_space<hbm>> -> memref<2x112xi32, #tpu.memory_space<hbm>>
        %dma_start3A_243 = arith.constant 0 : i32
        %dma_start3A_244 = arith.constant 0 : i32
        %dma_start3A_245 = tpu.memref_slice %arg4[%add3A_238, %dma_start3A_243, %dma_start3A_244] : memref<2912x2x112xi32, #tpu.memory_space<hbm>> -> memref<1x2x112xi32, #tpu.memory_space<hbm>>
        %dma_start3A_246 = tpu.memref_squeeze %dma_start3A_245 : memref<1x2x112xi32, #tpu.memory_space<hbm>> -> memref<2x112xi32, #tpu.memory_space<hbm>>
        tpu.enqueue_dma source(%dma_start3A_246 : memref<2x112xi32, #tpu.memory_space<hbm>>) target(%arg7 : memref<2x112xi32, #tpu.memory_space<vmem>>) target_semaphore(%arg14 : memref<!tpu.dma_semaphore, #tpu.memory_space<semaphore_mem>>)
      } else {
      }
    }
    %dma_wait3A_102 = arith.constant 0 : i32
    %dma_wait3A_103 = arith.constant 0 : i32
    %dma_wait3A_104 = tpu.memref_slice %arg6[%dma_wait3A_102, %dma_wait3A_103] : memref<2x112xi32, #tpu.memory_space<vmem>> -> memref<1x112xi32, #tpu.memory_space<vmem>>
    %dma_wait3A_105 = tpu.memref_squeeze %dma_wait3A_104 : memref<1x112xi32, #tpu.memory_space<vmem>> -> memref<112xi32, #tpu.memory_space<vmem>>
    %dma_wait3A_106 = arith.constant 0 : i32
    %dma_wait3A_107 = arith.constant 0 : i32
    %dma_wait3A_108 = tpu.memref_slice %arg2[%dma_wait3A_106, %dma_wait3A_107] : memref<10240x144xf32, #tpu.memory_space<hbm>> -> memref<10240x144xf32, #tpu.memory_space<hbm>>
    tpu.wait_indirect_dma semaphore(%arg15 : memref<!tpu.dma_semaphore, #tpu.memory_space<semaphore_mem>>) src(%dma_wait3A_108 : memref<10240x144xf32, #tpu.memory_space<hbm>>) dst(%arg8 : memref<112x144xf32, #tpu.memory_space<vmem>>)
    %dma_wait3A_109 = arith.constant 1 : i32
    %dma_wait3A_110 = arith.constant 0 : i32
    %dma_wait3A_111 = tpu.memref_slice %arg6[%dma_wait3A_109, %dma_wait3A_110] : memref<2x112xi32, #tpu.memory_space<vmem>> -> memref<1x112xi32, #tpu.memory_space<vmem>>
    %dma_wait3A_112 = tpu.memref_squeeze %dma_wait3A_111 : memref<1x112xi32, #tpu.memory_space<vmem>> -> memref<112xi32, #tpu.memory_space<vmem>>
    %dma_wait3A_113 = arith.constant 0 : i32
    %dma_wait3A_114 = arith.constant 0 : i32
    %dma_wait3A_115 = tpu.memref_slice %arg3[%dma_wait3A_113, %dma_wait3A_114] : memref<10240x16xf32, #tpu.memory_space<hbm>> -> memref<10240x16xf32, #tpu.memory_space<hbm>>
    tpu.wait_indirect_dma semaphore(%arg17 : memref<!tpu.dma_semaphore, #tpu.memory_space<semaphore_mem>>) src(%dma_wait3A_115 : memref<10240x16xf32, #tpu.memory_space<hbm>>) dst(%arg10 : memref<112x16xf32, #tpu.memory_space<vmem>>)
    %scan3A_116 = arith.constant 0 : i32
    %scan3A_117 = arith.constant 0 : i32
    %scan3A_118 = arith.constant 112 : i32
    %scan3A_119 = arith.addi %scan3A_117, %scan3A_118 : i32
    %scan3A_120 = arith.constant 1 : i32
    scf.for %scan3A_127 = %scan3A_117 to %scan3A_119 step %scan3A_120  : i32 {
      %get3A = arith.index_cast %scan3A_127 : i32 to index
      %get3A_128 = arith.constant 128 : index
      %get3A_129 = tpu.vector_load %arg8[%get3A, %get3A_128] {strides = array<i32>} : memref<112x144xf32, #tpu.memory_space<vmem>>, vector<1x16xf32>,
      %get3A_130 = vector.shape_cast %get3A_129 : vector<1x16xf32> to vector<16xf32>
      %get3A_131 = arith.index_cast %scan3A_127 : i32 to index
      %get3A_132 = arith.constant 0 : index
      %get3A_133 = tpu.vector_load %arg10[%get3A_131, %get3A_132] {strides = array<i32>} : memref<112x16xf32, #tpu.memory_space<vmem>>, vector<1x16xf32>,
      %get3A_134 = vector.shape_cast %get3A_133 : vector<1x16xf32> to vector<16xf32>
      %add3A_135 = arith.addf %get3A_130, %get3A_134 : vector<16xf32>
      %mul3A_136 = arith.constant 2.000000e-01 : f32
      %mul3A_137 = vector.broadcast %mul3A_136 : f32 to vector<16xf32>
      %mul3A_138 = arith.mulf %add3A_135, %mul3A_137 : vector<16xf32>
      %max3A = arith.maximumf %add3A_135, %mul3A_138 : vector<16xf32>
      %exp3A = math.exp %max3A : vector<16xf32>
      %swap3A = arith.index_cast %scan3A_127 : i32 to index
      %swap3A_139 = arith.constant 128 : index
      %swap3A_140 = tpu.vector_load %arg8[%swap3A, %swap3A_139] {strides = array<i32>} : memref<112x144xf32, #tpu.memory_space<vmem>>, vector<1x16xf32>,
      %swap3A_141 = vector.shape_cast %swap3A_140 : vector<1x16xf32> to vector<16xf32>
      %swap3A_142 = vector.shape_cast %exp3A : vector<16xf32> to vector<1x16xf32>
      tpu.vector_store %arg8[%swap3A, %swap3A_139], %swap3A_142 {strides = array<i32>} : memref<112x144xf32, #tpu.memory_space<vmem>>, vector<1x16xf32>,
      %get3A_143 = arith.index_cast %scan3A_127 : i32 to index
      %get3A_144 = arith.constant 0 : index
      %get3A_145 = tpu.vector_load %arg8[%get3A_143, %get3A_144] {strides = array<i32>} : memref<112x144xf32, #tpu.memory_space<vmem>>, vector<1x16xf32>,
      %get3A_146 = vector.shape_cast %get3A_145 : vector<1x16xf32> to vector<16xf32>
      %slice3A = vector.extract_strided_slice %exp3A {offsets = [0], sizes = [1], strides = [1]} : vector<16xf32> to vector<1xf32>
      %squeeze3A = vector.extract %slice3A[0] : f32 from vector<1xf32>
      %mul3A_147 = vector.broadcast %squeeze3A : f32 to vector<16xf32>
      %mul3A_148 = arith.mulf %get3A_146, %mul3A_147 : vector<16xf32>
      %swap3A_149 = arith.index_cast %scan3A_127 : i32 to index
      %swap3A_150 = arith.constant 0 : index
      %swap3A_151 = tpu.vector_load %arg8[%swap3A_149, %swap3A_150] {strides = array<i32>} : memref<112x144xf32, #tpu.memory_space<vmem>>, vector<1x16xf32>,
      %swap3A_152 = vector.shape_cast %swap3A_151 : vector<1x16xf32> to vector<16xf32>
      %swap3A_153 = vector.shape_cast %mul3A_148 : vector<16xf32> to vector<1x16xf32>
      tpu.vector_store %arg8[%swap3A_149, %swap3A_150], %swap3A_153 {strides = array<i32>} : memref<112x144xf32, #tpu.memory_space<vmem>>, vector<1x16xf32>,
      %get3A_154 = arith.index_cast %scan3A_127 : i32 to index
      %get3A_155 = arith.constant 16 : index
      %get3A_156 = tpu.vector_load %arg8[%get3A_154, %get3A_155] {strides = array<i32>} : memref<112x144xf32, #tpu.memory_space<vmem>>, vector<1x16xf32>,
      %get3A_157 = vector.shape_cast %get3A_156 : vector<1x16xf32> to vector<16xf32>
      %slice3A_158 = vector.extract_strided_slice %exp3A {offsets = [1], sizes = [1], strides = [1]} : vector<16xf32> to vector<1xf32>
      %squeeze3A_159 = vector.extract %slice3A_158[0] : f32 from vector<1xf32>
      %mul3A_160 = vector.broadcast %squeeze3A_159 : f32 to vector<16xf32>
      %mul3A_161 = arith.mulf %get3A_157, %mul3A_160 : vector<16xf32>
      %swap3A_162 = arith.index_cast %scan3A_127 : i32 to index
      %swap3A_163 = arith.constant 16 : index
      %swap3A_164 = tpu.vector_load %arg8[%swap3A_162, %swap3A_163] {strides = array<i32>} : memref<112x144xf32, #tpu.memory_space<vmem>>, vector<1x16xf32>,
      %swap3A_165 = vector.shape_cast %swap3A_164 : vector<1x16xf32> to vector<16xf32>
      %swap3A_166 = vector.shape_cast %mul3A_161 : vector<16xf32> to vector<1x16xf32>
      tpu.vector_store %arg8[%swap3A_162, %swap3A_163], %swap3A_166 {strides = array<i32>} : memref<112x144xf32, #tpu.memory_space<vmem>>, vector<1x16xf32>,
      %get3A_167 = arith.index_cast %scan3A_127 : i32 to index
      %get3A_168 = arith.constant 32 : index
      %get3A_169 = tpu.vector_load %arg8[%get3A_167, %get3A_168] {strides = array<i32>} : memref<112x144xf32, #tpu.memory_space<vmem>>, vector<1x16xf32>,
      %get3A_170 = vector.shape_cast %get3A_169 : vector<1x16xf32> to vector<16xf32>
      %slice3A_171 = vector.extract_strided_slice %exp3A {offsets = [2], sizes = [1], strides = [1]} : vector<16xf32> to vector<1xf32>
      %squeeze3A_172 = vector.extract %slice3A_171[0] : f32 from vector<1xf32>
      %mul3A_173 = vector.broadcast %squeeze3A_172 : f32 to vector<16xf32>
      %mul3A_174 = arith.mulf %get3A_170, %mul3A_173 : vector<16xf32>
      %swap3A_175 = arith.index_cast %scan3A_127 : i32 to index
      %swap3A_176 = arith.constant 32 : index
      %swap3A_177 = tpu.vector_load %arg8[%swap3A_175, %swap3A_176] {strides = array<i32>} : memref<112x144xf32, #tpu.memory_space<vmem>>, vector<1x16xf32>,
      %swap3A_178 = vector.shape_cast %swap3A_177 : vector<1x16xf32> to vector<16xf32>
      %swap3A_179 = vector.shape_cast %mul3A_174 : vector<16xf32> to vector<1x16xf32>
      tpu.vector_store %arg8[%swap3A_175, %swap3A_176], %swap3A_179 {strides = array<i32>} : memref<112x144xf32, #tpu.memory_space<vmem>>, vector<1x16xf32>,
      %get3A_180 = arith.index_cast %scan3A_127 : i32 to index
      %get3A_181 = arith.constant 48 : index
      %get3A_182 = tpu.vector_load %arg8[%get3A_180, %get3A_181] {strides = array<i32>} : memref<112x144xf32, #tpu.memory_space<vmem>>, vector<1x16xf32>,
      %get3A_183 = vector.shape_cast %get3A_182 : vector<1x16xf32> to vector<16xf32>
      %slice3A_184 = vector.extract_strided_slice %exp3A {offsets = [3], sizes = [1], strides = [1]} : vector<16xf32> to vector<1xf32>
      %squeeze3A_185 = vector.extract %slice3A_184[0] : f32 from vector<1xf32>
      %mul3A_186 = vector.broadcast %squeeze3A_185 : f32 to vector<16xf32>
      %mul3A_187 = arith.mulf %get3A_183, %mul3A_186 : vector<16xf32>
      %swap3A_188 = arith.index_cast %scan3A_127 : i32 to index
      %swap3A_189 = arith.constant 48 : index
      %swap3A_190 = tpu.vector_load %arg8[%swap3A_188, %swap3A_189] {strides = array<i32>} : memref<112x144xf32, #tpu.memory_space<vmem>>, vector<1x16xf32>,
      %swap3A_191 = vector.shape_cast %swap3A_190 : vector<1x16xf32> to vector<16xf32>
      %swap3A_192 = vector.shape_cast %mul3A_187 : vector<16xf32> to vector<1x16xf32>
      tpu.vector_store %arg8[%swap3A_188, %swap3A_189], %swap3A_192 {strides = array<i32>} : memref<112x144xf32, #tpu.memory_space<vmem>>, vector<1x16xf32>,
      %get3A_193 = arith.index_cast %scan3A_127 : i32 to index
      %get3A_194 = arith.constant 64 : index
      %get3A_195 = tpu.vector_load %arg8[%get3A_193, %get3A_194] {strides = array<i32>} : memref<112x144xf32, #tpu.memory_space<vmem>>, vector<1x16xf32>,
      %get3A_196 = vector.shape_cast %get3A_195 : vector<1x16xf32> to vector<16xf32>
      %slice3A_197 = vector.extract_strided_slice %exp3A {offsets = [4], sizes = [1], strides = [1]} : vector<16xf32> to vector<1xf32>
      %squeeze3A_198 = vector.extract %slice3A_197[0] : f32 from vector<1xf32>
      %mul3A_199 = vector.broadcast %squeeze3A_198 : f32 to vector<16xf32>
      %mul3A_200 = arith.mulf %get3A_196, %mul3A_199 : vector<16xf32>
      %swap3A_201 = arith.index_cast %scan3A_127 : i32 to index
      %swap3A_202 = arith.constant 64 : index
      %swap3A_203 = tpu.vector_load %arg8[%swap3A_201, %swap3A_202] {strides = array<i32>} : memref<112x144xf32, #tpu.memory_space<vmem>>, vector<1x16xf32>,
      %swap3A_204 = vector.shape_cast %swap3A_203 : vector<1x16xf32> to vector<16xf32>
      %swap3A_205 = vector.shape_cast %mul3A_200 : vector<16xf32> to vector<1x16xf32>
      tpu.vector_store %arg8[%swap3A_201, %swap3A_202], %swap3A_205 {strides = array<i32>} : memref<112x144xf32, #tpu.memory_space<vmem>>, vector<1x16xf32>,
      %get3A_206 = arith.index_cast %scan3A_127 : i32 to index
      %get3A_207 = arith.constant 80 : index
      %get3A_208 = tpu.vector_load %arg8[%get3A_206, %get3A_207] {strides = array<i32>} : memref<112x144xf32, #tpu.memory_space<vmem>>, vector<1x16xf32>,
      %get3A_209 = vector.shape_cast %get3A_208 : vector<1x16xf32> to vector<16xf32>
      %slice3A_210 = vector.extract_strided_slice %exp3A {offsets = [5], sizes = [1], strides = [1]} : vector<16xf32> to vector<1xf32>
      %squeeze3A_211 = vector.extract %slice3A_210[0] : f32 from vector<1xf32>
      %mul3A_212 = vector.broadcast %squeeze3A_211 : f32 to vector<16xf32>
      %mul3A_213 = arith.mulf %get3A_209, %mul3A_212 : vector<16xf32>
      %swap3A_214 = arith.index_cast %scan3A_127 : i32 to index
      %swap3A_215 = arith.constant 80 : index
      %swap3A_216 = tpu.vector_load %arg8[%swap3A_214, %swap3A_215] {strides = array<i32>} : memref<112x144xf32, #tpu.memory_space<vmem>>, vector<1x16xf32>,
      %swap3A_217 = vector.shape_cast %swap3A_216 : vector<1x16xf32> to vector<16xf32>
      %swap3A_218 = vector.shape_cast %mul3A_213 : vector<16xf32> to vector<1x16xf32>
      tpu.vector_store %arg8[%swap3A_214, %swap3A_215], %swap3A_218 {strides = array<i32>} : memref<112x144xf32, #tpu.memory_space<vmem>>, vector<1x16xf32>,
      %get3A_219 = arith.index_cast %scan3A_127 : i32 to index
      %get3A_220 = arith.constant 96 : index
      %get3A_221 = tpu.vector_load %arg8[%get3A_219, %get3A_220] {strides = array<i32>} : memref<112x144xf32, #tpu.memory_space<vmem>>, vector<1x16xf32>,
      %get3A_222 = vector.shape_cast %get3A_221 : vector<1x16xf32> to vector<16xf32>
      %slice3A_223 = vector.extract_strided_slice %exp3A {offsets = [6], sizes = [1], strides = [1]} : vector<16xf32> to vector<1xf32>
      %squeeze3A_224 = vector.extract %slice3A_223[0] : f32 from vector<1xf32>
      %mul3A_225 = vector.broadcast %squeeze3A_224 : f32 to vector<16xf32>
      %mul3A_226 = arith.mulf %get3A_222, %mul3A_225 : vector<16xf32>
      %swap3A_227 = arith.index_cast %scan3A_127 : i32 to index
      %swap3A_228 = arith.constant 96 : index
      %swap3A_229 = tpu.vector_load %arg8[%swap3A_227, %swap3A_228] {strides = array<i32>} : memref<112x144xf32, #tpu.memory_space<vmem>>, vector<1x16xf32>,
      %swap3A_230 = vector.shape_cast %swap3A_229 : vector<1x16xf32> to vector<16xf32>
      %swap3A_231 = vector.shape_cast %mul3A_226 : vector<16xf32> to vector<1x16xf32>
      tpu.vector_store %arg8[%swap3A_227, %swap3A_228], %swap3A_231 {strides = array<i32>} : memref<112x144xf32, #tpu.memory_space<vmem>>, vector<1x16xf32>,
      %get3A_232 = arith.index_cast %scan3A_127 : i32 to index
      %get3A_233 = arith.constant 112 : index
      %get3A_234 = tpu.vector_load %arg8[%get3A_232, %get3A_233] {strides = array<i32>} : memref<112x144xf32, #tpu.memory_space<vmem>>, vector<1x16xf32>,
      %get3A_235 = vector.shape_cast %get3A_234 : vector<1x16xf32> to vector<16xf32>
      %slice3A_236 = vector.extract_strided_slice %exp3A {offsets = [7], sizes = [1], strides = [1]} : vector<16xf32> to vector<1xf32>
      %squeeze3A_237 = vector.extract %slice3A_236[0] : f32 from vector<1xf32>
      %mul3A_238 = vector.broadcast %squeeze3A_237 : f32 to vector<16xf32>
      %mul3A_239 = arith.mulf %get3A_235, %mul3A_238 : vector<16xf32>
      %swap3A_240 = arith.index_cast %scan3A_127 : i32 to index
      %swap3A_241 = arith.constant 112 : index
      %swap3A_242 = tpu.vector_load %arg8[%swap3A_240, %swap3A_241] {strides = array<i32>} : memref<112x144xf32, #tpu.memory_space<vmem>>, vector<1x16xf32>,
      %swap3A_243 = vector.shape_cast %swap3A_242 : vector<1x16xf32> to vector<16xf32>
      %swap3A_244 = vector.shape_cast %mul3A_239 : vector<16xf32> to vector<1x16xf32>
      tpu.vector_store %arg8[%swap3A_240, %swap3A_241], %swap3A_244 {strides = array<i32>} : memref<112x144xf32, #tpu.memory_space<vmem>>, vector<1x16xf32>,
    }
    %scan3A_121 = arith.constant 112 : i32
    %run_scoped3A = arith.constant 1 : i32
    "tpu.region"() ({
      %run_scoped3A_127 = tpu.sem_alloc : memref<!tpu.dma_semaphore, #tpu.memory_space<semaphore_mem>>
      %dma_start3A_128 = arith.constant 0 : i32
      %dma_start3A_129 = tpu.memref_slice %arg6[%run_scoped3A, %dma_start3A_128] : memref<2x112xi32, #tpu.memory_space<vmem>> -> memref<1x112xi32, #tpu.memory_space<vmem>>
      %dma_start3A_130 = tpu.memref_squeeze %dma_start3A_129 : memref<1x112xi32, #tpu.memory_space<vmem>> -> memref<112xi32, #tpu.memory_space<vmem>>
      %dma_start3A_131 = arith.constant 0 : i32
      %dma_start3A_132 = arith.constant 0 : i32
      %dma_start3A_133 = tpu.memref_slice %arg12[%dma_start3A_131, %dma_start3A_132] : memref<10240x144xf32, #tpu.memory_space<vmem_shared>> -> memref<10240x144xf32, #tpu.memory_space<vmem_shared>>
      tpu.enqueue_indirect_dma source(%arg8 : memref<112x144xf32, #tpu.memory_space<vmem>>) target(%dma_start3A_133 : memref<10240x144xf32, #tpu.memory_space<vmem_shared>>) offsets(%dma_start3A_130 : memref<112xi32, #tpu.memory_space<vmem>>) semaphore(%run_scoped3A_127 : memref<!tpu.dma_semaphore, #tpu.memory_space<semaphore_mem>>) {add = true}
      %dma_wait3A_134 = arith.constant 0 : i32
      %dma_wait3A_135 = tpu.memref_slice %arg6[%run_scoped3A, %dma_wait3A_134] : memref<2x112xi32, #tpu.memory_space<vmem>> -> memref<1x112xi32, #tpu.memory_space<vmem>>
      %dma_wait3A_136 = tpu.memref_squeeze %dma_wait3A_135 : memref<1x112xi32, #tpu.memory_space<vmem>> -> memref<112xi32, #tpu.memory_space<vmem>>
      %dma_wait3A_137 = arith.constant 0 : i32
      %dma_wait3A_138 = arith.constant 0 : i32
      %dma_wait3A_139 = tpu.memref_slice %arg12[%dma_wait3A_137, %dma_wait3A_138] : memref<10240x144xf32, #tpu.memory_space<vmem_shared>> -> memref<10240x144xf32, #tpu.memory_space<vmem_shared>>
      tpu.wait_indirect_dma semaphore(%run_scoped3A_127 : memref<!tpu.dma_semaphore, #tpu.memory_space<semaphore_mem>>) src(%arg8 : memref<112x144xf32, #tpu.memory_space<vmem>>) dst(%dma_wait3A_139 : memref<10240x144xf32, #tpu.memory_space<vmem_shared>>)
      tpu.yield
    }) : () -> ()
    %barrier3A_122 = arith.constant 0 : index
    tpu.barrier barrier_id(%barrier3A_122)
    %mul3A_123 = arith.constant 640 : i32
    %mul3A_124 = arith.muli %arg1, %mul3A_123 : i32
    %mul3A_125 = arith.constant 640 : i32
    %mul3A_126 = arith.muli %arg1, %mul3A_125 : i32
    "tpu.region"() ({
      %run_scoped3A_127 = tpu.sem_alloc : memref<!tpu.dma_semaphore, #tpu.memory_space<semaphore_mem>>
      %dma_start3A_128 = arith.constant 0 : i32
      %dma_start3A_129 = tpu.memref_slice %arg5[%arg0, %mul3A_126, %dma_start3A_128] : memref<2x10240x144xf32, #tpu.memory_space<hbm>> -> memref<1x640x144xf32, #tpu.memory_space<hbm>>
      %dma_start3A_130 = tpu.memref_squeeze %dma_start3A_129 : memref<1x640x144xf32, #tpu.memory_space<hbm>> -> memref<640x144xf32, #tpu.memory_space<hbm>>
      %dma_start3A_131 = arith.constant 0 : i32
      %dma_start3A_132 = tpu.memref_slice %arg12[%mul3A_124, %dma_start3A_131] : memref<10240x144xf32, #tpu.memory_space<vmem_shared>> -> memref<640x144xf32, #tpu.memory_space<vmem_shared>>
      tpu.enqueue_dma source(%dma_start3A_132 : memref<640x144xf32, #tpu.memory_space<vmem_shared>>) target(%dma_start3A_130 : memref<640x144xf32, #tpu.memory_space<hbm>>) target_semaphore(%run_scoped3A_127 : memref<!tpu.dma_semaphore, #tpu.memory_space<semaphore_mem>>)
      %dma_wait3A_133 = arith.constant 0 : i32
      %dma_wait3A_134 = tpu.memref_slice %arg5[%arg0, %mul3A_126, %dma_wait3A_133] : memref<2x10240x144xf32, #tpu.memory_space<hbm>> -> memref<1x640x144xf32, #tpu.memory_space<hbm>>
      %dma_wait3A_135 = tpu.memref_squeeze %dma_wait3A_134 : memref<1x640x144xf32, #tpu.memory_space<hbm>> -> memref<640x144xf32, #tpu.memory_space<hbm>>
      %dma_wait3A_136 = arith.constant 0 : i32
      %dma_wait3A_137 = tpu.memref_slice %arg12[%mul3A_124, %dma_wait3A_136] : memref<10240x144xf32, #tpu.memory_space<vmem_shared>> -> memref<640x144xf32, #tpu.memory_space<vmem_shared>>
      tpu.wait_dma2 semaphore(%run_scoped3A_127 : memref<!tpu.dma_semaphore, #tpu.memory_space<semaphore_mem>>) src(%dma_wait3A_137 : memref<640x144xf32, #tpu.memory_space<vmem_shared>>) dst(%dma_wait3A_135 : memref<640x144xf32, #tpu.memory_space<hbm>>)
      tpu.yield
    }) : () -> ()
    return
  }
}

module attributes {stable_mosaic.version = 14 : i64} {
  func.func @body(%arg0: i32, %arg1: memref<256x128xf32, #tpu.memory_space<vmem>>, %arg2: memref<128x144xf32, #tpu.memory_space<vmem>>, %arg3: memref<128x16xf32, #tpu.memory_space<vmem>>, %arg4: memref<256x144xf32, #tpu.memory_space<vmem>>, %arg5: memref<256x16xf32, #tpu.memory_space<vmem>>) attributes {dimension_semantics = [#tpu.dimension_semantics<arbitrary>], iteration_bounds = array<i64: 40>, scalar_prefetch = 0 : i64, scratch_operands = 0 : i64, tpu.core_type = #tpu.core_type<tc>, window_params = [{transform_indices = @transform_0, window_bounds = array<i64: 256, 128>}, {pipeline_mode = #tpu.pipeline_mode<synchronous>, transform_indices = @transform_1, window_bounds = array<i64: 128, 144>}, {pipeline_mode = #tpu.pipeline_mode<synchronous>, transform_indices = @transform_2, window_bounds = array<i64: 128, 16>}, {transform_indices = @transform_3, window_bounds = array<i64: 256, 144>}, {transform_indices = @transform_4, window_bounds = array<i64: 256, 16>}]} {
    %get3A = arith.constant 0 : index
    %get3A_0 = arith.constant 0 : index
    %get3A_1 = vector.load %arg1[%get3A, %get3A_0] : memref<256x128xf32, #tpu.memory_space<vmem>>, vector<256x128xf32>
    %get3A_2 = arith.constant 0 : index
    %get3A_3 = arith.constant 0 : index
    %get3A_4 = vector.load %arg2[%get3A_2, %get3A_3] : memref<128x144xf32, #tpu.memory_space<vmem>>, vector<128x144xf32>
    %dot_general3A = arith.constant dense<0.000000e+00> : vector<256x144xf32>
    %dot_general3A_5 = tpu.matmul %get3A_1, %get3A_4, %dot_general3A {dimension_numbers = #tpu.dot_dimension_numbers<[1], [0], [0], [1], [0, 0, 1, 1], [], []>, transpose_lhs_hint = false} : vector<256x128xf32>, vector<128x144xf32>, vector<256x144xf32> -> vector<256x144xf32>
    %swap3A = arith.constant 0 : index
    %swap3A_6 = arith.constant 0 : index
    %swap3A_7 = vector.load %arg4[%swap3A, %swap3A_6] : memref<256x144xf32, #tpu.memory_space<vmem>>, vector<256x144xf32>
    tpu.vector_store %arg4[%swap3A, %swap3A_6], %dot_general3A_5 {strides = array<i32>} : memref<256x144xf32, #tpu.memory_space<vmem>>, vector<256x144xf32>,
    %get3A_8 = arith.constant 0 : index
    %get3A_9 = arith.constant 0 : index
    %get3A_10 = vector.load %arg3[%get3A_8, %get3A_9] : memref<128x16xf32, #tpu.memory_space<vmem>>, vector<128x16xf32>
    %dot_general3A_11 = arith.constant dense<0.000000e+00> : vector<256x16xf32>
    %dot_general3A_12 = tpu.matmul %get3A_1, %get3A_10, %dot_general3A_11 {dimension_numbers = #tpu.dot_dimension_numbers<[1], [0], [0], [1], [0, 0, 1, 1], [], []>, transpose_lhs_hint = false} : vector<256x128xf32>, vector<128x16xf32>, vector<256x16xf32> -> vector<256x16xf32>
    %swap3A_13 = arith.constant 0 : index
    %swap3A_14 = arith.constant 0 : index
    %swap3A_15 = vector.load %arg5[%swap3A_13, %swap3A_14] : memref<256x16xf32, #tpu.memory_space<vmem>>, vector<256x16xf32>
    tpu.vector_store %arg5[%swap3A_13, %swap3A_14], %dot_general3A_12 {strides = array<i32>} : memref<256x16xf32, #tpu.memory_space<vmem>>, vector<256x16xf32>,
    return
  }
  func.func @transform_0(%arg0: i32) -> (i32, i32) {
    %c0_i32 = arith.constant 0 : i32
    %c0_i32_0 = arith.constant 0 : i32
    return %arg0, %c0_i32 : i32, i32
  }
  func.func @transform_1(%arg0: i32) -> (i32, i32) {
    %c0_i32 = arith.constant 0 : i32
    %c0_i32_0 = arith.constant 0 : i32
    %c0_i32_1 = arith.constant 0 : i32
    return %c0_i32, %c0_i32_0 : i32, i32
  }
  func.func @transform_2(%arg0: i32) -> (i32, i32) {
    %c0_i32 = arith.constant 0 : i32
    %c0_i32_0 = arith.constant 0 : i32
    %c0_i32_1 = arith.constant 0 : i32
    return %c0_i32, %c0_i32_0 : i32, i32
  }
  func.func @transform_3(%arg0: i32) -> (i32, i32) {
    %c0_i32 = arith.constant 0 : i32
    %c0_i32_0 = arith.constant 0 : i32
    return %arg0, %c0_i32 : i32, i32
  }
  func.func @transform_4(%arg0: i32) -> (i32, i32) {
    %c0_i32 = arith.constant 0 : i32
    %c0_i32_0 = arith.constant 0 : i32
    return %arg0, %c0_i32 : i32, i32
  }
}

module attributes {stable_mosaic.version = 14 : i64} {
  func.func @body(%arg0: i32, %arg1: memref<1x256x144xf32, #tpu.memory_space<vmem>>, %arg2: memref<1x256x144xf32, #tpu.memory_space<vmem>>, %arg3: memref<8x128xf32, #tpu.memory_space<vmem>>, %arg4: memref<128x144xf32, #tpu.memory_space<vmem>>, %arg5: memref<128x16xf32, #tpu.memory_space<vmem>>, %arg6: memref<256x144xf32, #tpu.memory_space<vmem>>, %arg7: memref<256x16xf32, #tpu.memory_space<vmem>>) attributes {dimension_semantics = [#tpu.dimension_semantics<arbitrary>], iteration_bounds = array<i64: 40>, scalar_prefetch = 0 : i64, scratch_operands = 0 : i64, tpu.core_type = #tpu.core_type<tc>, window_params = [{transform_indices = @transform_0, window_bounds = array<i64: 1, 256, 144>}, {transform_indices = @transform_1, window_bounds = array<i64: 1, 256, 144>}, {pipeline_mode = #tpu.pipeline_mode<synchronous>, transform_indices = @transform_2, window_bounds = array<i64: 8, 128>}, {pipeline_mode = #tpu.pipeline_mode<synchronous>, transform_indices = @transform_3, window_bounds = array<i64: 128, 144>}, {pipeline_mode = #tpu.pipeline_mode<synchronous>, transform_indices = @transform_4, window_bounds = array<i64: 128, 16>}, {transform_indices = @transform_5, window_bounds = array<i64: 256, 144>}, {transform_indices = @transform_6, window_bounds = array<i64: 256, 16>}]} {
    %get3A = arith.constant 0 : index
    %get3A_0 = arith.constant 0 : index
    %get3A_1 = arith.constant 0 : index
    %get3A_2 = vector.load %arg1[%get3A, %get3A_0, %get3A_1] : memref<1x256x144xf32, #tpu.memory_space<vmem>>, vector<1x256x144xf32>
    %get3A_3 = vector.shape_cast %get3A_2 : vector<1x256x144xf32> to vector<256x144xf32>
    %get3A_4 = arith.constant 0 : index
    %get3A_5 = arith.constant 0 : index
    %get3A_6 = arith.constant 0 : index
    %get3A_7 = vector.load %arg2[%get3A_4, %get3A_5, %get3A_6] : memref<1x256x144xf32, #tpu.memory_space<vmem>>, vector<1x256x144xf32>
    %get3A_8 = vector.shape_cast %get3A_7 : vector<1x256x144xf32> to vector<256x144xf32>
    %slice3A = vector.extract_strided_slice %get3A_3 {offsets = [0, 0], sizes = [256, 128], strides = [1, 1]} : vector<256x144xf32> to vector<256x128xf32>
    %slice3A_9 = vector.extract_strided_slice %get3A_8 {offsets = [0, 0], sizes = [256, 128], strides = [1, 1]} : vector<256x144xf32> to vector<256x128xf32>
    %add3A = arith.addf %slice3A, %slice3A_9 : vector<256x128xf32>
    %slice3A_10 = vector.extract_strided_slice %get3A_3 {offsets = [0, 128], sizes = [256, 8], strides = [1, 1]} : vector<256x144xf32> to vector<256x8xf32>
    %slice3A_11 = vector.extract_strided_slice %get3A_8 {offsets = [0, 128], sizes = [256, 8], strides = [1, 1]} : vector<256x144xf32> to vector<256x8xf32>
    %add3A_12 = arith.addf %slice3A_10, %slice3A_11 : vector<256x8xf32>
    %add3A_13 = arith.constant 1.000000e-16 : f32
    %add3A_14 = vector.broadcast %add3A_13 : f32 to vector<256x8xf32>
    %add3A_15 = arith.addf %add3A_12, %add3A_14 : vector<256x8xf32>
    %get3A_16 = arith.constant 0 : index
    %get3A_17 = arith.constant 0 : index
    %get3A_18 = vector.load %arg3[%get3A_16, %get3A_17] : memref<8x128xf32, #tpu.memory_space<vmem>>, vector<8x128xf32>
    %dot_general3A = arith.constant dense<0.000000e+00> : vector<256x128xf32>
    %dot_general3A_19 = tpu.matmul %add3A_15, %get3A_18, %dot_general3A {dimension_numbers = #tpu.dot_dimension_numbers<[1], [0], [0], [1], [0, 0, 1, 1], [], []>, transpose_lhs_hint = false} : vector<256x8xf32>, vector<8x128xf32>, vector<256x128xf32> -> vector<256x128xf32>
    %div3A = arith.divf %add3A, %dot_general3A_19 : vector<256x128xf32>
    %max3A = arith.constant 0.000000e+00 : f32
    %max3A_20 = vector.broadcast %max3A : f32 to vector<256x128xf32>
    %max3A_21 = arith.maximumf %div3A, %max3A_20 : vector<256x128xf32>
    %get3A_22 = arith.constant 0 : index
    %get3A_23 = arith.constant 0 : index
    %get3A_24 = vector.load %arg4[%get3A_22, %get3A_23] : memref<128x144xf32, #tpu.memory_space<vmem>>, vector<128x144xf32>
    %dot_general3A_25 = arith.constant dense<0.000000e+00> : vector<256x144xf32>
    %dot_general3A_26 = tpu.matmul %max3A_21, %get3A_24, %dot_general3A_25 {dimension_numbers = #tpu.dot_dimension_numbers<[1], [0], [0], [1], [0, 0, 1, 1], [], []>, transpose_lhs_hint = false} : vector<256x128xf32>, vector<128x144xf32>, vector<256x144xf32> -> vector<256x144xf32>
    %swap3A = arith.constant 0 : index
    %swap3A_27 = arith.constant 0 : index
    %swap3A_28 = vector.load %arg6[%swap3A, %swap3A_27] : memref<256x144xf32, #tpu.memory_space<vmem>>, vector<256x144xf32>
    tpu.vector_store %arg6[%swap3A, %swap3A_27], %dot_general3A_26 {strides = array<i32>} : memref<256x144xf32, #tpu.memory_space<vmem>>, vector<256x144xf32>,
    %get3A_29 = arith.constant 0 : index
    %get3A_30 = arith.constant 0 : index
    %get3A_31 = vector.load %arg5[%get3A_29, %get3A_30] : memref<128x16xf32, #tpu.memory_space<vmem>>, vector<128x16xf32>
    %dot_general3A_32 = arith.constant dense<0.000000e+00> : vector<256x16xf32>
    %dot_general3A_33 = tpu.matmul %max3A_21, %get3A_31, %dot_general3A_32 {dimension_numbers = #tpu.dot_dimension_numbers<[1], [0], [0], [1], [0, 0, 1, 1], [], []>, transpose_lhs_hint = false} : vector<256x128xf32>, vector<128x16xf32>, vector<256x16xf32> -> vector<256x16xf32>
    %swap3A_34 = arith.constant 0 : index
    %swap3A_35 = arith.constant 0 : index
    %swap3A_36 = vector.load %arg7[%swap3A_34, %swap3A_35] : memref<256x16xf32, #tpu.memory_space<vmem>>, vector<256x16xf32>
    tpu.vector_store %arg7[%swap3A_34, %swap3A_35], %dot_general3A_33 {strides = array<i32>} : memref<256x16xf32, #tpu.memory_space<vmem>>, vector<256x16xf32>,
    return
  }
  func.func @transform_0(%arg0: i32) -> (i32, i32, i32) {
    %c0_i32 = arith.constant 0 : i32
    %c0_i32_0 = arith.constant 0 : i32
    %c0_i32_1 = arith.constant 0 : i32
    return %c0_i32, %arg0, %c0_i32_0 : i32, i32, i32
  }
  func.func @transform_1(%arg0: i32) -> (i32, i32, i32) {
    %c1_i32 = arith.constant 1 : i32
    %c0_i32 = arith.constant 0 : i32
    %c0_i32_0 = arith.constant 0 : i32
    return %c1_i32, %arg0, %c0_i32 : i32, i32, i32
  }
  func.func @transform_2(%arg0: i32) -> (i32, i32) {
    %c0_i32 = arith.constant 0 : i32
    %c0_i32_0 = arith.constant 0 : i32
    %c0_i32_1 = arith.constant 0 : i32
    return %c0_i32, %c0_i32_0 : i32, i32
  }
  func.func @transform_3(%arg0: i32) -> (i32, i32) {
    %c0_i32 = arith.constant 0 : i32
    %c0_i32_0 = arith.constant 0 : i32
    %c0_i32_1 = arith.constant 0 : i32
    return %c0_i32, %c0_i32_0 : i32, i32
  }
  func.func @transform_4(%arg0: i32) -> (i32, i32) {
    %c0_i32 = arith.constant 0 : i32
    %c0_i32_0 = arith.constant 0 : i32
    %c0_i32_1 = arith.constant 0 : i32
    return %c0_i32, %c0_i32_0 : i32, i32
  }
  func.func @transform_5(%arg0: i32) -> (i32, i32) {
    %c0_i32 = arith.constant 0 : i32
    %c0_i32_0 = arith.constant 0 : i32
    return %arg0, %c0_i32 : i32, i32
  }
  func.func @transform_6(%arg0: i32) -> (i32, i32) {
    %c0_i32 = arith.constant 0 : i32
    %c0_i32_0 = arith.constant 0 : i32
    return %arg0, %c0_i32 : i32, i32
  }
}

module attributes {stable_mosaic.version = 14 : i64} {
  func.func @body(%arg0: i32, %arg1: memref<1x256x144xf32, #tpu.memory_space<vmem>>, %arg2: memref<1x256x144xf32, #tpu.memory_space<vmem>>, %arg3: memref<8x128xf32, #tpu.memory_space<vmem>>, %arg4: memref<128x40xf32, #tpu.memory_space<vmem>>, %arg5: memref<1x40xf32, #tpu.memory_space<vmem>>, %arg6: memref<256x40xf32, #tpu.memory_space<vmem>>) attributes {dimension_semantics = [#tpu.dimension_semantics<arbitrary>], iteration_bounds = array<i64: 40>, scalar_prefetch = 0 : i64, scratch_operands = 0 : i64, tpu.core_type = #tpu.core_type<tc>, window_params = [{transform_indices = @transform_0, window_bounds = array<i64: 1, 256, 144>}, {transform_indices = @transform_1, window_bounds = array<i64: 1, 256, 144>}, {pipeline_mode = #tpu.pipeline_mode<synchronous>, transform_indices = @transform_2, window_bounds = array<i64: 8, 128>}, {pipeline_mode = #tpu.pipeline_mode<synchronous>, transform_indices = @transform_3, window_bounds = array<i64: 128, 40>}, {pipeline_mode = #tpu.pipeline_mode<synchronous>, transform_indices = @transform_4, window_bounds = array<i64: 1, 40>}, {transform_indices = @transform_5, window_bounds = array<i64: 256, 40>}]} {
    %get3A = arith.constant 0 : index
    %get3A_0 = arith.constant 0 : index
    %get3A_1 = arith.constant 0 : index
    %get3A_2 = vector.load %arg1[%get3A, %get3A_0, %get3A_1] : memref<1x256x144xf32, #tpu.memory_space<vmem>>, vector<1x256x144xf32>
    %get3A_3 = vector.shape_cast %get3A_2 : vector<1x256x144xf32> to vector<256x144xf32>
    %get3A_4 = arith.constant 0 : index
    %get3A_5 = arith.constant 0 : index
    %get3A_6 = arith.constant 0 : index
    %get3A_7 = vector.load %arg2[%get3A_4, %get3A_5, %get3A_6] : memref<1x256x144xf32, #tpu.memory_space<vmem>>, vector<1x256x144xf32>
    %get3A_8 = vector.shape_cast %get3A_7 : vector<1x256x144xf32> to vector<256x144xf32>
    %slice3A = vector.extract_strided_slice %get3A_3 {offsets = [0, 0], sizes = [256, 128], strides = [1, 1]} : vector<256x144xf32> to vector<256x128xf32>
    %slice3A_9 = vector.extract_strided_slice %get3A_8 {offsets = [0, 0], sizes = [256, 128], strides = [1, 1]} : vector<256x144xf32> to vector<256x128xf32>
    %add3A = arith.addf %slice3A, %slice3A_9 : vector<256x128xf32>
    %slice3A_10 = vector.extract_strided_slice %get3A_3 {offsets = [0, 128], sizes = [256, 8], strides = [1, 1]} : vector<256x144xf32> to vector<256x8xf32>
    %slice3A_11 = vector.extract_strided_slice %get3A_8 {offsets = [0, 128], sizes = [256, 8], strides = [1, 1]} : vector<256x144xf32> to vector<256x8xf32>
    %add3A_12 = arith.addf %slice3A_10, %slice3A_11 : vector<256x8xf32>
    %add3A_13 = arith.constant 1.000000e-16 : f32
    %add3A_14 = vector.broadcast %add3A_13 : f32 to vector<256x8xf32>
    %add3A_15 = arith.addf %add3A_12, %add3A_14 : vector<256x8xf32>
    %get3A_16 = arith.constant 0 : index
    %get3A_17 = arith.constant 0 : index
    %get3A_18 = vector.load %arg3[%get3A_16, %get3A_17] : memref<8x128xf32, #tpu.memory_space<vmem>>, vector<8x128xf32>
    %dot_general3A = arith.constant dense<0.000000e+00> : vector<256x128xf32>
    %dot_general3A_19 = tpu.matmul %add3A_15, %get3A_18, %dot_general3A {dimension_numbers = #tpu.dot_dimension_numbers<[1], [0], [0], [1], [0, 0, 1, 1], [], []>, transpose_lhs_hint = false} : vector<256x8xf32>, vector<8x128xf32>, vector<256x128xf32> -> vector<256x128xf32>
    %div3A = arith.divf %add3A, %dot_general3A_19 : vector<256x128xf32>
    %max3A = arith.constant 0.000000e+00 : f32
    %max3A_20 = vector.broadcast %max3A : f32 to vector<256x128xf32>
    %max3A_21 = arith.maximumf %div3A, %max3A_20 : vector<256x128xf32>
    %get3A_22 = arith.constant 0 : index
    %get3A_23 = arith.constant 0 : index
    %get3A_24 = vector.load %arg4[%get3A_22, %get3A_23] : memref<128x40xf32, #tpu.memory_space<vmem>>, vector<128x40xf32>
    %dot_general3A_25 = arith.constant dense<0.000000e+00> : vector<256x40xf32>
    %dot_general3A_26 = tpu.matmul %max3A_21, %get3A_24, %dot_general3A_25 {dimension_numbers = #tpu.dot_dimension_numbers<[1], [0], [0], [1], [0, 0, 1, 1], [], []>, transpose_lhs_hint = false} : vector<256x128xf32>, vector<128x40xf32>, vector<256x40xf32> -> vector<256x40xf32>
    %get3A_27 = arith.constant 0 : index
    %get3A_28 = arith.constant 0 : index
    %get3A_29 = vector.load %arg5[%get3A_27, %get3A_28] : memref<1x40xf32, #tpu.memory_space<vmem>>, vector<1x40xf32>
    %add3A_30 = vector.broadcast %get3A_29 : vector<1x40xf32> to vector<256x40xf32>
    %add3A_31 = arith.addf %dot_general3A_26, %add3A_30 : vector<256x40xf32>
    %reduce_max3A = arith.constant dense<0xFF800000> : vector<256xf32>
    %reduce_max3A_32 = vector.multi_reduction <maximumf>, %add3A_31, %reduce_max3A [1] : vector<256x40xf32> to vector<256xf32>
    %broadcast_in_dim3A = vector.shape_cast %reduce_max3A_32 : vector<256xf32> to vector<256x1xf32>
    %sub3A = vector.broadcast %broadcast_in_dim3A : vector<256x1xf32> to vector<256x40xf32>
    %sub3A_33 = arith.subf %add3A_31, %sub3A : vector<256x40xf32>
    %exp3A = math.exp %sub3A_33 : vector<256x40xf32>
    %reduce_sum3A = arith.constant dense<0.000000e+00> : vector<256xf32>
    %reduce_sum3A_34 = vector.multi_reduction <add>, %exp3A, %reduce_sum3A [1] : vector<256x40xf32> to vector<256xf32>
    %broadcast_in_dim3A_35 = vector.shape_cast %reduce_sum3A_34 : vector<256xf32> to vector<256x1xf32>
    %log3A = math.log %broadcast_in_dim3A_35 : vector<256x1xf32>
    %add3A_36 = arith.addf %log3A, %broadcast_in_dim3A : vector<256x1xf32>
    %sub3A_37 = vector.broadcast %add3A_36 : vector<256x1xf32> to vector<256x40xf32>
    %sub3A_38 = arith.subf %add3A_31, %sub3A_37 : vector<256x40xf32>
    %swap3A = arith.constant 0 : index
    %swap3A_39 = arith.constant 0 : index
    %swap3A_40 = vector.load %arg6[%swap3A, %swap3A_39] : memref<256x40xf32, #tpu.memory_space<vmem>>, vector<256x40xf32>
    tpu.vector_store %arg6[%swap3A, %swap3A_39], %sub3A_38 {strides = array<i32>} : memref<256x40xf32, #tpu.memory_space<vmem>>, vector<256x40xf32>,
    return
  }
  func.func @transform_0(%arg0: i32) -> (i32, i32, i32) {
    %c0_i32 = arith.constant 0 : i32
    %c0_i32_0 = arith.constant 0 : i32
    %c0_i32_1 = arith.constant 0 : i32
    return %c0_i32, %arg0, %c0_i32_0 : i32, i32, i32
  }
  func.func @transform_1(%arg0: i32) -> (i32, i32, i32) {
    %c1_i32 = arith.constant 1 : i32
    %c0_i32 = arith.constant 0 : i32
    %c0_i32_0 = arith.constant 0 : i32
    return %c1_i32, %arg0, %c0_i32 : i32, i32, i32
  }
  func.func @transform_2(%arg0: i32) -> (i32, i32) {
    %c0_i32 = arith.constant 0 : i32
    %c0_i32_0 = arith.constant 0 : i32
    %c0_i32_1 = arith.constant 0 : i32
    return %c0_i32, %c0_i32_0 : i32, i32
  }
  func.func @transform_3(%arg0: i32) -> (i32, i32) {
    %c0_i32 = arith.constant 0 : i32
    %c0_i32_0 = arith.constant 0 : i32
    %c0_i32_1 = arith.constant 0 : i32
    return %c0_i32, %c0_i32_0 : i32, i32
  }
  func.func @transform_4(%arg0: i32) -> (i32, i32) {
    %c0_i32 = arith.constant 0 : i32
    %c0_i32_0 = arith.constant 0 : i32
    %c0_i32_1 = arith.constant 0 : i32
    return %c0_i32, %c0_i32_0 : i32, i32
  }
  func.func @transform_5(%arg0: i32) -> (i32, i32) {
    %c0_i32 = arith.constant 0 : i32
    %c0_i32_0 = arith.constant 0 : i32
    return %arg0, %c0_i32 : i32, i32
  }
}

</mosaic_0001>

<sc_bundles>
// kernel: kernel.10.cloned.1.call-start
scs
__scs_entry_jumppad:
0x0: {  	(pc) =	sbr.rel $0x88, $3  }
0x1: {  	(tag) =	ssettag $0x0;
	lr =	simm.s32 $0x1  }
0x2: {  	[smem:$0x3F97] =	sst lr;
	_ =	strace $0xD0000000  }
0x3: {  	_ = 	snop  }
0x4: {  	_ = 	snop  }
0x5: {  	_ = 	snop  }
0x6: {  	_ = 	snop  }
0x7: {  	_ = 	snop  }
__scs_overlays_trampoline_lowered:
0x8: {  	[smem:$0x3FA6] =	sst s0  }
0x9: {  	[smem:$0x3FA7] =	sst s1  }
0xa: {  	[smem:$0x3FA8] =	sst s2  }
0xb: {  	[smem:$0x3FA9] =	sst s3  }
0xc: {  	[smem:$0x3FAA] =	sst s4  }
0xd: {  	[smem:$0x3FAB] =	sst s5  }
0xe: {  	[smem:$0x3FAC] =	sst s6  }
0xf: {  	[smem:$0x3FAD] =	sst s7  }
0x10: {  	[smem:$0x3FAE] =	sst s8  }
0x11: {  	[smem:$0x3FAF] =	sst s9;
	s0 =	simm.s32 @!p0 $0x0  }
0x12: {  	s1 =	sld [smem:$0x3F95];
	s0 =	simm.s32 @p0 $0x1  }
0x13: {  	[smem:$0x3FB0] =	sst s0;
	s0 =	simm.s32 @!p1 $0x0  }
0x14: {  	s2 =	sld [smem:$0x3F94];
	s0 =	simm.s32 @p1 $0x1  }
0x15: {  	[smem:$0x3FB1] =	sst s0;
	s0 =	simm.s32 @!p2 $0x0  }
0x16: {  	s3 =	sld [smem:$0x3FDB];
	s0 =	simm.s32 @p2 $0x1  }
0x17: {  	s4 =	simm.s32 $0x1BF5;
	[smem:$0x3FB3] =	sst s0  }
0x18: {  	s0 =	sld [smem:$0x3F96];
	_ =	swait.ge [sflag:s4], $0x0  }
0x19: {  	s7 =	sld [smem:$0x3F97]  }
0x1a: {  	s8 =	sadd.s32 $0xFFFFE003, lr  }
0x1b: {  	s9 =	sadd.s32 $0xFFFFFEF7, lr;
	s5 =	simm.s32 $0xFFFFFFFF;
	p2 =	slt.u32 s8, $0xFFFFF086  }
0x1c: {  	p1 =	slt.u32 s9, $0xF7A;
	s5 =	simm.s32 @!p2 $0x0  }
0x1d: {  	s5 =	simm.s32 @p1 $0x1;
	p0 =	seq.s32 s7, s2  }
0x1e: {  	s7 =	smul.u32 @!p0 $0xF7A, s2;
	p2 =	seq.s32 @!p0 s5, $0x0  }
0x1f: {  	s9 =	smul.u32 $0xF7A, s1;
	s8 =	simm.s32 @!p0 $0x1BF5;
	p2 =	por !p2, p0  }
0x20: {  	[sflag:s8] =	ssyncset.s32 @!p0 $0xFFFFF086;
	s6 =	sadd.s32 @!p0 s3, s7;
	s7 =	simm.s32 @!p0 $0x108  }
0x21: {  	s3 =	sadd.s32 s3, s9;
	s6 =	sadd.s32 @!p0 $0x88, s6;
	s7 =	simm.s32 @p2 $0x1082  }
0x22: {  	[simem:s7], [sflag:s8] =	dma.local @!p0 [hbm:s6], $0xF7A  }
0x23: {  	s9 =	sor.u32 $0xD0000000, s2;
	s6 =	simm.s32 $0x108;
	_ =	swait.ge @!p0 [sflag:s8], $0x0  }
0x24: {  	s3 =	sadd.s32 $0x88, s3;
	s6 =	simm.s32 @!p1 $0x1082;
	[sflag:s4] =	ssyncset.s32 $0xFFFFF086  }
0x25: {  	[simem:s6], [sflag:s4] =	dma.local [hbm:s3], $0xF7A  }
0x26: {  	[smem:$0x3F97] =	sst s1;
	(tag) =	ssettag s2;
	_ =	strace s9  }
0x27: {  	s1 =	sld [smem:$0x3FA7]  }
0x28: {  	s2 =	sld [smem:$0x3FA8]  }
0x29: {  	s4 =	sld [smem:$0x3FAA]  }
0x2a: {  	p0 =	seq.s32 s5, $0x0;
	s5 =	sld [smem:$0x3FAB]  }
0x2b: {  	s6 =	sld [smem:$0x3FAC]  }
0x2c: {  	s7 =	sld [smem:$0x3FAD]  }
0x2d: {  	s3 =	simm.s32 $0x108;
	s8 =	sld [smem:$0x3FAE]  }
0x2e: {  	s3 =	simm.s32 @!p0 $0x1082;
	s9 =	sld [smem:$0x3FAF]  }
0x2f: {  	lr =	sadd.s32 s0, s3;
	s0 =	sld [smem:$0x3FA6]  }
0x30: {  	s3 =	sld [smem:$0x3FA9]  }
0x31: {  	[smem:$0x3FB2] =	sst s10  }
0x32: {  	s10 =	sld [smem:$0x3FB0];
	_ =	sdelay $0x3  }
0x33: {  	p0 =	seq.s32 s10, $0x1;
	s10 =	sld [smem:$0x3FB2];
	_ =	sdelay $0x3  }
0x34: {  	[smem:$0x3FB2] =	sst s10  }
0x35: {  	s10 =	sld [smem:$0x3FB1];
	_ =	sdelay $0x3  }
0x36: {  	p1 =	seq.s32 s10, $0x1;
	s10 =	sld [smem:$0x3FB2];
	_ =	sdelay $0x3  }
0x37: {  	[smem:$0x3FB2] =	sst s10  }
0x38: {  	s10 =	sld [smem:$0x3FB3]  }
0x39: {  	_ = 	snop;
	(pc) =	sbr.ind lr, $3  }
0x3a: {  	_ = 	snop  }
0x3b: {  	_ = 	snop  }
0x3c: {  	p2 =	seq.s32 s10, $0x1;
	s10 =	sld [smem:$0x3FB2]  }
0x3d: {  	_ =	shalt  }
0x3e: {  	_ =	shalt  }
0x3f: {  	_ =	shalt  }
0x40: {  	_ =	shalt  }
0x41: {  	_ =	shalt  }
0x42: {  	_ =	shalt  }
0x43: {  	_ =	shalt  }
0x44: {  	_ =	shalt  }
0x45: {  	_ =	shalt  }
0x46: {  	_ =	shalt  }
0x47: {  	_ =	shalt  }
0x48: {  	_ =	shalt  }
0x49: {  	_ =	shalt  }
0x4a: {  	_ =	shalt  }
0x4b: {  	_ =	shalt  }
0x4c: {  	_ =	shalt  }
0x4d: {  	_ =	shalt  }
0x4e: {  	_ =	shalt  }
0x4f: {  	_ =	shalt  }
0x50: {  	_ =	shalt  }
0x51: {  	_ =	shalt  }
0x52: {  	_ =	shalt  }
0x53: {  	_ =	shalt  }
0x54: {  	_ =	shalt  }
0x55: {  	_ =	shalt  }
0x56: {  	_ =	shalt  }
0x57: {  	_ =	shalt  }
0x58: {  	_ =	shalt  }
0x59: {  	_ =	shalt  }
0x5a: {  	_ =	shalt  }
0x5b: {  	_ =	shalt  }
0x5c: {  	_ =	shalt  }
0x5d: {  	_ =	shalt  }
0x5e: {  	_ =	shalt  }
0x5f: {  	_ =	shalt  }
0x60: {  	_ =	shalt  }
0x61: {  	_ =	shalt  }
0x62: {  	_ =	shalt  }
0x63: {  	_ =	shalt  }
0x64: {  	_ =	shalt  }
0x65: {  	_ =	shalt  }
0x66: {  	_ =	shalt  }
0x67: {  	_ =	shalt  }
0x68: {  	_ =	shalt  }
0x69: {  	_ =	shalt  }
0x6a: {  	_ =	shalt  }
0x6b: {  	_ =	shalt  }
0x6c: {  	_ =	shalt  }
0x6d: {  	_ =	shalt  }
0x6e: {  	_ =	shalt  }
0x6f: {  	_ =	shalt  }
0x70: {  	_ =	shalt  }
0x71: {  	_ =	shalt  }
0x72: {  	_ =	shalt  }
0x73: {  	_ =	shalt  }
0x74: {  	_ =	shalt  }
0x75: {  	_ =	shalt  }
0x76: {  	_ =	shalt  }
0x77: {  	_ =	shalt  }
0x78: {  	_ =	shalt  }
0x79: {  	_ =	shalt  }
0x7a: {  	_ =	shalt  }
0x7b: {  	_ =	shalt  }
0x7c: {  	_ =	shalt  }
0x7d: {  	_ =	shalt  }
0x7e: {  	_ =	shalt  }
0x7f: {  	_ =	shalt  }
0x80: {  	_ =	shalt  }
0x81: {  	_ =	shalt  }
0x82: {  	_ =	shalt  }
0x83: {  	_ =	shalt  }
0x84: {  	_ =	shalt  }
0x85: {  	_ =	shalt  }
0x86: {  	_ =	shalt  }
0x87: {  	_ =	shalt  }
.Lfunc_end0:
.L_simem_size_0:
called_computation.1_lowered:
.L_overlay_start_0:
0x88: {  	s2 =	sld [smem:$0x3FD9]  }
0x89: {  	s3 =	sld [smem:$0x3FFE];
	_ =	sdelay $0x1  }
0x8a: {  	s1 =	srdreg.scid  }
0x8b: {  	s0 =	sand.u32 $0x1, s1  }
0x8c: {  	s17 =	sshll.u32 s0, $0xA;
	s2 =	sadd.s32 s3, s2  }
0x8d: {  	s2 =	sadd.s32 s2, s17  }
0x8e: {  	[smem:$0x3FBE] =	sst s2  }
0x8f: {  	_ = 	snop  }
0x90: {  	s2 =	sld [smem:$0x3FD0];
	(tm) =	ssettm $0x1  }
0x91: {  	s18 =	sld [smem:$0x3FFB];
	_ =	sdelay $0x3  }
0x92: {  	_ =	strace s18  }
0x93: {  	s3 =	sld [smem:$0x3FFC];
	_ =	sdelay $0x3  }
0x94: {  	_ =	strace s3  }
0x95: {  	s3 =	sld [smem:$0x3FFD];
	_ =	sdelay $0x3  }
0x96: {  	_ =	strace s3  }
0x97: {  	_ =	strace $0x8FFFFFFF  }
0x98: {  	s19 =	sld [smem:$0x3FDB];
	_ =	sdelay $0x1  }
0x99: {  	s4 =	simm.s32 $_scs_section_size  }
0x9a: {  	s5 =	simm.s32 $_size__tile_overlayer_lowered;
	s6 =	simm.s32 $_tile_overlayer_lowered  }
0x9b: {  	s22 =	simm.s32 $0x1BFF;
	s21 =	sshll.u32 s6, $0x1;
	s3 =	sadd.s32 s4, s19  }
0x9c: {  	s7 =	simm.s32 $0x0;
	s20 =	sshll.u32 s5, $0x1;
	s5 =	sadd.s32 s21, s3  }
0x9d: {  	[timem:s7], [sflag:s22] =	dma.local [hbm:s5], s20  }
0x9e: {  	_ =	swait.ge [sflag:s22], s20  }
0x9f: {  	s4 =	ssub.s32 $0x0, s20;
	[sflag:s22] =	ssyncset.done $0x0  }
0xa0: {  	[sflag:s22] =	ssyncadd.s32 s4;
	_ =	sdelay $0x1  }
0xa1: {  	s23 =	simm.s32 $0x1B8B  }
0xa2: {  	_ =	swait.ge [sflag:s23], $0x1  }
0xa3: {  	[sflag:s23] =	ssyncset.done $0x0  }
0xa4: {  	s25 =	simm.s32 $0x1B8E;
	s24 =	sld [smem:$0x3FFE];
	[sflag:s23] =	ssyncadd.s32 $0xFFFFFFFF  }
0xa5: {  	s26 =	simm.s32 $execute0_lowered;
	[smem:$0x3FD2] =	sst s25  }
0xa6: {  	s5 =	sshll.u32 s26, $0x1;
	_ =	strace $0x80000049;
	[dreg:$0x1] =	wrdreg $0xFFFFFFFF  }
0xa7: {  	s28 =	simm.s32 $_size_execute0_lowered;
	s3 =	sadd.s32 s3, s5;
	[dreg:$0x0] =	wrdreg $0x0  }
0xa8: {  	s5 =	sshll.u32 s28, $0x1;
	[dreg:$0x2] =	wrdreg s3  }
0xa9: {  	[dreg:$0x3] =	wrdreg s5  }
0xaa: {  	[dreg:$0x4] =	wrdreg $0xC0  }
0xab: {  	_ =	task [dreg:s7], $0x5FFFF  }
0xac: {  	[dreg:$0x1] =	wrdreg $0xFFFFFFFF  }
0xad: {  	[dreg:$0x0] =	wrdreg $0x60  }
0xae: {  	[dreg:$0x2] =	wrdreg s24  }
0xaf: {  	[dreg:$0x3] =	wrdreg s2  }
0xb0: {  	[dreg:$0x4] =	wrdreg $0x8DC00  }
0xb1: {  	[dreg:$0x5] =	wrdreg $0x9  }
0xb2: {  	_ =	task.clear_ibuf [dreg:s7], $0x6FFFF;
	_ =	strace $0x90000049  }
0xb3: {  	s29 =	simm.s32 $0x9;
	_ =	strace $0x8000004B  }
0xb4: {  	_ =	swait.ge [sflag:s29], $0x1  }
0xb5: {  	[sflag:s29] =	ssyncadd.s32 $0xFFFFFFFF  }
0xb6: {  	_ =	strace $0x9000004B  }
0xb7: {  	_ =	sfence  }
0xb8: {  	s30 =	sld [smem:$0x0];
	_ =	sdelay $0x2  }
0xb9: {  	s31 =	sshll.u32 s1, $0xD;
	s1 =	sshrl.u32 s1, $0x2  }
0xba: {  	s3 =	sand.u32 $0x4000, s31;
	s1 =	sadd.s32 s1, s30  }
0xbb: {  	s0 =	sor.u32 s3, s0;
	s1 =	sshll.u32 s1, $0x11  }
0xbc: {  	s0 =	sor.u32 s1, s0  }
0xbd: {  	s0 =	sadd.s32 $0x8F2B, s0  }
0xbe: {  	[sflag:s0] =	ssyncadd.remote.s32 $0x1  }
0xbf: {  	_ =	sfence.sel $0xFFFF  }
0xc0: {  	[dreg:$0x0] =	wrdreg $0xFFFFFFFF;
	(pc) =	sbr.abs _section_cstart, $3  }
0xc1: {  	[dreg:$0x1] =	wrdreg $0xFFFFFFFF  }
0xc2: {  	_ =	task.clear_ibuf [dreg:s7], $0x2FFFF;
	_ =	strace $0x9FFFFFFF  }
0xc3: {  	(tm) =	ssettm $0x7FFFFFFF  }
tec
execute0_lowered:
.L_overlay_start_1:
0x0: {  	(tag) =	ssettag $0x1  }
0x1: {  	s0 =	rddreg [dreg:$0x0]  }
0x2: {  	s2 =	rddreg [dreg:$0x1]  }
0x3: {  	s3 =	rddreg [dreg:$0x2]  }
0x4: {  	s12 =	stileid.u32;
	s5 =	simm.s32 $0x0;
	s1 =	srdreg.scid  }
0x5: {  	s28 =	simm.s32 $0x2;
	s29 =	simm.s32 $0x40C0;
	s4 =	smul.u32 $0x47, s12  }
0x6: {  	s30 =	simm.s32 $0x150;
	[smem:$0x7FF] =	sst s5;
	s5 =	smul.u32 $0x6F, s12  }
0x7: {  	s31 =	simm.s32 $0x86C0;
	s1 =	sand.u32 $0x1, s1;
	s7 =	smul.u32 $0x16800, s12  }
0x8: {  	s6 =	sadd.s32 $0x2E200, s0;
	s12 =	smul.u32 $0x5A000, s12;
	p0 =	seq.s32 s1, $0x0  }
0x9: {  	_ =	strace $0x8000004A;
	s8 =	smul.u32 $0x168000, s1;
	s1 =	ssub.s32 $0x2, s1  }
0xa: {  	s4 =	sadd.s32 $0x6F0, s4;
	s11 =	sshrl.u32 s1, $0x1;
	s21 =	sshrl.u32 s12, $0x2  }
0xb: {  	s12 =	simm.s32 $0x37;
	s4 =	smov.u32 @p0 s5;
	s5 =	sadd.s32 $0x1200, s0  }
0xc: {  	s8 =	sadd.s32 s7, s8;
	s1 =	ssub.s32 s1, s11;
	s22 =	sadd.s32 s21, s3  }
0xd: {  	s12 =	simm.s32 @!p0 $0x23;
	s21 =	simm.s32 $0xE0;
	s9 =	smul.u32 $0x1C, s4  }
0xe: {  	s10 =	smul.u32 $0xE0, s4;
	s8 =	sshrl.u32 s8, $0x3;
	s23 =	sadd.s32 $0x3F00, s22  }
0xf: {  	s24 =	sadd.s32 $0x7E00, s22;
	s25 =	sadd.s32 $0xBD00, s22;
	[dreg:$0x6] =	wrdreg s23  }
0x10: {  	s26 =	sadd.s32 $0xFC00, s22;
	s16 =	sadd.s32 $0xFFFFFFFF, s12;
	[dreg:$0x7] =	wrdreg s24  }
0x11: {  	s17 =	sadd.s32 $0x2, s4;
	s18 =	sadd.s32 $0x3, s4;
	[dreg:$0x8] =	wrdreg s25  }
0x12: {  	s4 =	simm.s32 $0x4;
	s0 =	sadd.s32 s8, s0;
	[dreg:$0x9] =	wrdreg s26  }
0x13: {  	s23 =	simm.s32 $0x7;
	s24 =	simm.s32 $0x1;
	s25 =	simm.s32 $0x70  }
0x14: {  	s26 =	simm.s32 $0x7FC0;
	s20 =	sshrl.u32 s10, $0x3;
	s9 =	sadd.s32 s6, s9  }
0x15: {  	s0 =	sadd.s32 $0x42200, s0;
	[dreg:$0x4] =	wrdreg s9;
	s8 =	sadd.s32 s6, s20  }
0x16: {  	s9 =	sadd.s32 s7, s3;
	s7 =	sadd.s32 $0x13B00, s22;
	[dreg:$0xb] =	wrdreg s0  }
0x17: {  	s20 =	smax.u32 s1, $0x1;
	s22 =	simm.s32 $0x1C0;
	s0 =	simm.s32 $0x3  }
0x18: {  	s1 =	simm.s32 $0x5;
	s8 =	sadd.s32 $0x1C, s8;
	[dreg:$0xa] =	wrdreg s7  }
0x19: {  	v0 =	vimm.f32 $0.0e+00;
	s7 =	simm.s32 $0x6;
	[dreg:$0x5] =	wrdreg s8;
	s8 =	simm.s32 $0x0  }
.LBB2_1:
0x1a: {  	s10 =	simm.s32 $0x0;
	s11 =	rddreg [dreg:$0x4]  }
0x1b: {  	[tilespmem:s10], [sflag:$0x1] =	stream.linear.gather [hbm4b:s11+s10], $0xE0, $0x38;
	[tilespmem:$0x1F5C0] =	vst v63  }
0x1c: {  	s19 =	rddreg [dreg:$0x5]  }
0x1d: {  	[tilespmem:s21], [sflag:$0x2] =	stream.linear.gather [hbm4b:s19+s10], $0xE0, $0x38;
	[tilespmem:$0x1F5C0] =	vst v63  }
0x1e: {  	s11 =	simm.s32 $0x240;
	s10 =	simm.s32 $0x0  }
.LBB2_2:
0x1f: {  	p0 =	sne.s32 s11, $0xF9C0;
	[tilespmem:s10+$0x240] =	vst v0  }
0x20: {  	[tilespmem:s10+$0x1C0] =	vst v0  }
0x21: {  	[tilespmem:s10+$0x1D0] =	vst v0  }
0x22: {  	[tilespmem:s10+$0x1E0] =	vst v0  }
.Ltmp0:
0x23: {  	[tilespmem:s10+$0x1F0] =	vst v0;
	(pc) =	sbr.rel @p0 .LBB2_2-.Ltmp0, $4  }
0x24: {  	[tilespmem:s10+$0x200] =	vst v0  }
0x25: {  	[tilespmem:s10+$0x210] =	vst v0  }
0x26: {  	[tilespmem:s10+$0x220] =	vst v0  }
0x27: {  	[tilespmem:s10+$0x230] =	vst v0;
	s10 =	sshra.s32 s11, $0x2;
	s11 =	sadd.s32 $0x240, s11  }
0x28: {  	[tilespmem:s10+$0x240] =	vst v0  }
0x29: {  	[tilespmem:s10+$0x1C0] =	vst v0  }
0x2a: {  	[tilespmem:s10+$0x1D0] =	vst v0  }
0x2b: {  	[tilespmem:s10+$0x1E0] =	vst v0  }
0x2c: {  	[tilespmem:s10+$0x1F0] =	vst v0  }
0x2d: {  	[tilespmem:s10+$0x200] =	vst v0  }
0x2e: {  	[tilespmem:s10+$0x210] =	vst v0  }
0x2f: {  	[tilespmem:s10+$0x220] =	vst v0  }
0x30: {  	[tilespmem:s10+$0x230] =	vst v0  }
0x31: {  	[spmem:s9] =	stream.linear.scatter [tilespmem:s22], [sflag:$0x7], $0x3F00, $0x38;
	[tilespmem:$0x1F5C0] =	vst v63  }
0x32: {  	_ =	swait.ge [sflag:s23], $0x3F00  }
0x33: {  	[sflag:s23] =	ssyncset.done $0x0  }
0x34: {  	s11 =	rddreg [dreg:$0x6];
	[sflag:s23] =	ssyncadd.s32 $0xFFFFC100  }
0x35: {  	[spmem:s11] =	stream.linear.scatter [tilespmem:s22], [sflag:$0x7], $0x3F00, $0x38;
	[tilespmem:$0x1F5C0] =	vst v63  }
0x36: {  	_ =	swait.ge [sflag:s23], $0x3F00  }
0x37: {  	[sflag:s23] =	ssyncset.done $0x0  }
0x38: {  	s13 =	rddreg [dreg:$0x7];
	[sflag:s23] =	ssyncadd.s32 $0xFFFFC100  }
0x39: {  	[spmem:s13] =	stream.linear.scatter [tilespmem:s22], [sflag:$0x7], $0x3F00, $0x38;
	[tilespmem:$0x1F5C0] =	vst v63  }
0x3a: {  	_ =	swait.ge [sflag:s23], $0x3F00  }
0x3b: {  	[sflag:s23] =	ssyncset.done $0x0  }
0x3c: {  	s14 =	rddreg [dreg:$0x8];
	[sflag:s23] =	ssyncadd.s32 $0xFFFFC100  }
0x3d: {  	[spmem:s14] =	stream.linear.scatter [tilespmem:s22], [sflag:$0x7], $0x3F00, $0x38;
	[tilespmem:$0x1F5C0] =	vst v63  }
0x3e: {  	_ =	swait.ge [sflag:s23], $0x3F00  }
0x3f: {  	[sflag:s23] =	ssyncset.done $0x0  }
0x40: {  	s15 =	rddreg [dreg:$0x9];
	[sflag:s23] =	ssyncadd.s32 $0xFFFFC100  }
0x41: {  	[spmem:s15] =	stream.linear.scatter [tilespmem:s22], [sflag:$0x7], $0x3F00, $0x38;
	[tilespmem:$0x1F5C0] =	vst v63  }
0x42: {  	_ =	swait.ge [sflag:s23], $0x3F00  }
0x43: {  	[sflag:s23] =	ssyncset.done $0x0  }
0x44: {  	s19 =	rddreg [dreg:$0xa];
	[sflag:s23] =	ssyncadd.s32 $0xFFFFC100  }
0x45: {  	[spmem:s19] =	stream.linear.scatter [tilespmem:s22], [sflag:$0x7], $0x2D00, $0x38;
	[tilespmem:$0x1F5C0] =	vst v63  }
0x46: {  	_ =	swait.ge [sflag:s23], $0x2D00  }
0x47: {  	[sflag:s23] =	ssyncset.done $0x0  }
0x48: {  	[sflag:s23] =	ssyncadd.s32 $0xFFFFD300  }
0x49: {  	[bflag:$0x0] =	sbarrier.arrive $0xFFFF  }
0x4a: {  	_ =	swait.ge [sflag:s24], $0xE0  }
0x4b: {  	[sflag:s24] =	ssyncset.done $0x0  }
0x4c: {  	s10 =	simm.s32 $0x0;
	[sflag:s24] =	ssyncadd.s32 $0xFFFFFF20  }
0x4d: {  	[tilespmem:s22], [sflag:$0x3] =	stream.indirect.gather [hbm4b:s5+s25], $0x90, s10, s25, $0xb8;
	[tilespmem:$0x1F5C0] =	vst v63  }
0x4e: {  	_ = 	snop  }
0x4f: {  	[tilespmem:s26], [sflag:$0x5] =	stream.indirect.gather [hbm4b:s2+s25], $0x10, s25, s25, $0xb8;
	[tilespmem:$0x1F5C0] =	vst v63  }
.LBB2_4:
0x50: {  	_ =	swait.ge [sflag:s28], $0xE0  }
0x51: {  	[sflag:s28] =	ssyncset.done $0x0  }
0x52: {  	[sflag:s28] =	ssyncadd.s32 $0xFFFFFF20  }
0x53: {  	[tilespmem:s29], [sflag:$0x4] =	stream.indirect.gather [hbm4b:s5+s25], $0x90, s21, s25, $0xb8;
	[tilespmem:$0x1F5C0] =	vst v63  }
0x54: {  	_ = 	snop  }
0x55: {  	[tilespmem:s31], [sflag:$0x6] =	stream.indirect.gather [hbm4b:s2+s25], $0x10, s30, s25, $0xb8;
	[tilespmem:$0x1F5C0] =	vst v63  }
0x56: {  	_ =	swait.ge [sflag:s0], $0x3F00  }
0x57: {  	[sflag:s0] =	ssyncset.done $0x0  }
0x58: {  	[sflag:s0] =	ssyncadd.s32 $0xFFFFC100  }
0x59: {  	_ =	swait.ge [sflag:s1], $0x700  }
0x5a: {  	[sflag:s1] =	ssyncset.done $0x0  }
0x5b: {  	s11 =	simm.s32 $0x200;
	[sflag:s1] =	ssyncadd.s32 $0xFFFFF900  }
0x5c: {  	s15 =	simm.s32 $0x0;
	s14 =	simm.s32 $0x40;
	s13 =	simm.s32 $0x200;
	v1 =	vld [tilespmem:s11+$0x40]  }
.LBB2_5:
0x5d: {  	p0 =	sne.s32 s14, $0x1BC0;
	v2 =	vld [tilespmem:s15+$0x7FC0];
	_ =	sdelay $0x4  }
0x5e: {  	v1 =	vadd.f32 v2, v1;
	_ =	sdelay $0x1  }
0x5f: {  	v2 =	vmul.f32 $2.000000030e-01, v1;
	_ =	sdelay $0x1  }
0x60: {  	v1 =	vmax.f32 v1, v2  }
0x61: {  	v1 =	vmul.f32 $1.442695020e+00, v1;
	_ =	sdelay $0x1  }
0x62: {  	(erf) = vpow2.f32 v1;
	_ =	sdelay $0x4  }
0x63: {  	v1 =	vld [tilespmem:s11+$0xFFFFFFF0]  }
0x64: {  	v2 =	vld [tilespmem:s11+$0xFFFFFFD0]  }
0x65: {  	v3 =	vld [tilespmem:s11+$0xFFFFFFC0]  }
0x66: {  	v4 =	vld [tilespmem:s11+$0xFFFFFFE0]  }
0x67: {  	v5 =	vld [tilespmem:s11+$0x30];
	v6 =	vpop (erf)  }
0x68: {  	[tilespmem:s11+$0x40] =	vst v6;
	v7 =	vbroadcast v6, $0x0;
	v8 =	vbroadcast v6, $0x1;
	v9 =	vld [tilespmem:s11+$0x10]  }
0x69: {  	v10 =	vbroadcast v6, $0x2;
	v11 =	vbroadcast v6, $0x3;
	v12 =	vld [tilespmem:s11+$0x0]  }
0x6a: {  	v3 =	vmul.f32 v7, v3;
	v2 =	vmul.f32 v8, v2;
	v7 =	vld [tilespmem:s11+$0x20]  }
0x6b: {  	v1 =	vmul.f32 v1, v11;
	v4 =	vmul.f32 v10, v4  }
0x6c: {  	v8 =	vbroadcast v6, $0x5;
	[tilespmem:s11+$0xFFFFFFC0] =	vst v3;
	v3 =	vbroadcast v6, $0x4  }
0x6d: {  	[tilespmem:s11+$0xFFFFFFD0] =	vst v2;
	v2 =	vbroadcast v6, $0x6;
	v6 =	vbroadcast v6, $0x7  }
0x6e: {  	[tilespmem:s11+$0xFFFFFFE0] =	vst v4;
	v3 =	vmul.f32 v12, v3;
	v4 =	vmul.f32 v9, v8  }
.Ltmp1:
0x6f: {  	[tilespmem:s11+$0xFFFFFFF0] =	vst v1;
	v1 =	vmul.f32 v7, v2;
	v2 =	vmul.f32 v5, v6;
	(pc) =	sbr.rel @p0 .LBB2_5-.Ltmp1, $4  }
0x70: {  	[tilespmem:s11+$0x0] =	vst v3  }
0x71: {  	[tilespmem:s11+$0x10] =	vst v4  }
0x72: {  	s11 =	sadd.s32 $0x90, s11;
	[tilespmem:s13+$0x20] =	vst v1  }
0x73: {  	s15 =	sshra.s32 s14, $0x2;
	s14 =	sadd.s32 $0x40, s14;
	v1 =	vld [tilespmem:s11+$0x40];
	[tilespmem:s13+$0x30] =	vst v2;
	s13 =	smov.u32 s11  }
0x74: {  	v2 =	vld [tilespmem:s15+$0x7FC0];
	_ =	sdelay $0x4  }
0x75: {  	v1 =	vadd.f32 v2, v1;
	_ =	sdelay $0x1  }
0x76: {  	v2 =	vmul.f32 $2.000000030e-01, v1;
	_ =	sdelay $0x1  }
0x77: {  	v1 =	vmax.f32 v1, v2  }
0x78: {  	v1 =	vmul.f32 $1.442695020e+00, v1;
	_ =	sdelay $0x1  }
0x79: {  	(erf) = vpow2.f32 v1;
	_ =	sdelay $0x6  }
0x7a: {  	v2 =	vld [tilespmem:s11+$0xFFFFFFC0]  }
0x7b: {  	v3 =	vld [tilespmem:s11+$0xFFFFFFD0]  }
0x7c: {  	v4 =	vld [tilespmem:s11+$0xFFFFFFE0];
	v5 =	vpop (erf)  }
0x7d: {  	v1 =	vld [tilespmem:s11+$0xFFFFFFF0];
	v7 =	vbroadcast v5, $0x0  }
0x7e: {  	v10 =	vld [tilespmem:s11+$0x10];
	v8 =	vbroadcast v5, $0x1  }
0x7f: {  	v9 =	vld [tilespmem:s11+$0x0];
	v11 =	vbroadcast v5, $0x2;
	v2 =	vmul.f32 v7, v2  }
0x80: {  	v60 =	vld [tilespmem:s11+$0x20];
	[tilespmem:s11+$0x40] =	vst v5;
	v59 =	vbroadcast v5, $0x3;
	v3 =	vmul.f32 v8, v3  }
0x81: {  	v6 =	vld [tilespmem:s11+$0x30];
	v61 =	vbroadcast v5, $0x5;
	v4 =	vmul.f32 v11, v4;
	[tilespmem:s11+$0xFFFFFFC0] =	vst v2  }
0x82: {  	v1 =	vmul.f32 v1, v59;
	v2 =	vbroadcast v5, $0x4;
	[tilespmem:s11+$0xFFFFFFD0] =	vst v3  }
0x83: {  	v63 =	vmul.f32 v10, v61;
	v3 =	vbroadcast v5, $0x6;
	[tilespmem:s11+$0xFFFFFFE0] =	vst v4  }
0x84: {  	v62 =	vbroadcast v5, $0x7;
	[tilespmem:s11+$0xFFFFFFF0] =	vst v1;
	v2 =	vmul.f32 v9, v2  }
0x85: {  	[tilespmem:s11+$0x10] =	vst v63;
	v1 =	vmul.f32 v60, v3  }
0x86: {  	[tilespmem:s11+$0x0] =	vst v2;
	v2 =	vmul.f32 v6, v62  }
0x87: {  	s11 =	sshll.u32 s10, $0x1;
	[tilespmem:s13+$0x20] =	vst v1  }
0x88: {  	s19 =	sadd.s32 s11, s17;
	[tilespmem:s13+$0x30] =	vst v2  }
0x89: {  	[spmem:s3] =	stream.indirect.scatter.add.f32 [tilespmem:s22], [sflag:$0x7], $0x90, s25, s25, $0xb8;
	[tilespmem:$0x1F5C0] =	vst v63  }
0x8a: {  	s13 =	smul.u32 $0x1C, s19;
	_ =	swait.ge [sflag:s23], $0x3F00  }
0x8b: {  	[sflag:s23] =	ssyncset.done $0x0  }
0x8c: {  	s14 =	simm.s32 $0x0;
	s13 =	sadd.s32 s6, s13;
	[sflag:s23] =	ssyncadd.s32 $0xFFFFC100  }
0x8d: {  	[tilespmem:s14], [sflag:$0x1] =	stream.linear.gather [hbm4b:s13+s14], $0xE0, $0x38;
	[tilespmem:$0x1F5C0] =	vst v63  }
0x8e: {  	_ =	swait.ge [sflag:s24], $0xE0  }
0x8f: {  	[sflag:s24] =	ssyncset.done $0x0  }
0x90: {  	[sflag:s24] =	ssyncadd.s32 $0xFFFFFF20  }
0x91: {  	[tilespmem:s22], [sflag:$0x3] =	stream.indirect.gather [hbm4b:s5+s25], $0x90, s14, s25, $0xb8;
	[tilespmem:$0x1F5C0] =	vst v63  }
0x92: {  	_ = 	snop  }
0x93: {  	[tilespmem:s26], [sflag:$0x5] =	stream.indirect.gather [hbm4b:s2+s25], $0x10, s25, s25, $0xb8;
	[tilespmem:$0x1F5C0] =	vst v63  }
0x94: {  	_ =	swait.ge [sflag:s4], $0x3F00  }
0x95: {  	[sflag:s4] =	ssyncset.done $0x0  }
0x96: {  	[sflag:s4] =	ssyncadd.s32 $0xFFFFC100  }
0x97: {  	_ =	swait.ge [sflag:s7], $0x700  }
0x98: {  	[sflag:s7] =	ssyncset.done $0x0  }
0x99: {  	s13 =	simm.s32 $0x4100;
	[sflag:s7] =	ssyncadd.s32 $0xFFFFF900  }
0x9a: {  	s15 =	simm.s32 $0x40;
	s19 =	simm.s32 $0x0;
	s14 =	simm.s32 $0x4100;
	v1 =	vld [tilespmem:s13+$0x40]  }
.LBB2_7:
0x9b: {  	p0 =	sne.s32 s15, $0x1BC0;
	v2 =	vld [tilespmem:s19+$0x86C0];
	_ =	sdelay $0x4  }
0x9c: {  	v1 =	vadd.f32 v2, v1;
	_ =	sdelay $0x1  }
0x9d: {  	v2 =	vmul.f32 $2.000000030e-01, v1;
	_ =	sdelay $0x1  }
0x9e: {  	v1 =	vmax.f32 v1, v2  }
0x9f: {  	v1 =	vmul.f32 $1.442695020e+00, v1;
	_ =	sdelay $0x1  }
0xa0: {  	(erf) = vpow2.f32 v1;
	_ =	sdelay $0x4  }
0xa1: {  	v1 =	vld [tilespmem:s13+$0xFFFFFFF0]  }
0xa2: {  	v2 =	vld [tilespmem:s13+$0xFFFFFFD0]  }
0xa3: {  	v3 =	vld [tilespmem:s13+$0xFFFFFFC0]  }
0xa4: {  	v4 =	vld [tilespmem:s13+$0xFFFFFFE0]  }
0xa5: {  	v5 =	vld [tilespmem:s13+$0x30];
	v6 =	vpop (erf)  }
0xa6: {  	[tilespmem:s13+$0x40] =	vst v6;
	v7 =	vbroadcast v6, $0x0;
	v8 =	vbroadcast v6, $0x1;
	v9 =	vld [tilespmem:s13+$0x10]  }
0xa7: {  	v10 =	vbroadcast v6, $0x2;
	v11 =	vbroadcast v6, $0x3;
	v12 =	vld [tilespmem:s13+$0x0]  }
0xa8: {  	v3 =	vmul.f32 v7, v3;
	v2 =	vmul.f32 v8, v2;
	v7 =	vld [tilespmem:s13+$0x20]  }
0xa9: {  	v1 =	vmul.f32 v1, v11;
	v4 =	vmul.f32 v10, v4  }
0xaa: {  	v8 =	vbroadcast v6, $0x5;
	[tilespmem:s13+$0xFFFFFFC0] =	vst v3;
	v3 =	vbroadcast v6, $0x4  }
0xab: {  	[tilespmem:s13+$0xFFFFFFD0] =	vst v2;
	v2 =	vbroadcast v6, $0x6;
	v6 =	vbroadcast v6, $0x7  }
0xac: {  	[tilespmem:s13+$0xFFFFFFE0] =	vst v4;
	v3 =	vmul.f32 v12, v3;
	v4 =	vmul.f32 v9, v8  }
.Ltmp2:
0xad: {  	[tilespmem:s13+$0xFFFFFFF0] =	vst v1;
	v1 =	vmul.f32 v7, v2;
	v2 =	vmul.f32 v5, v6;
	(pc) =	sbr.rel @p0 .LBB2_7-.Ltmp2, $4  }
0xae: {  	[tilespmem:s13+$0x0] =	vst v3  }
0xaf: {  	[tilespmem:s13+$0x10] =	vst v4  }
0xb0: {  	s13 =	sadd.s32 $0x90, s13;
	[tilespmem:s14+$0x20] =	vst v1  }
0xb1: {  	s19 =	sshra.s32 s15, $0x2;
	s15 =	sadd.s32 $0x40, s15;
	v1 =	vld [tilespmem:s13+$0x40];
	[tilespmem:s14+$0x30] =	vst v2;
	s14 =	smov.u32 s13  }
0xb2: {  	v2 =	vld [tilespmem:s19+$0x86C0];
	_ =	sdelay $0x4  }
0xb3: {  	v1 =	vadd.f32 v2, v1;
	_ =	sdelay $0x1  }
0xb4: {  	v2 =	vmul.f32 $2.000000030e-01, v1;
	_ =	sdelay $0x1  }
0xb5: {  	v1 =	vmax.f32 v1, v2  }
0xb6: {  	v1 =	vmul.f32 $1.442695020e+00, v1;
	_ =	sdelay $0x1  }
0xb7: {  	(erf) = vpow2.f32 v1;
	_ =	sdelay $0x6  }
0xb8: {  	v2 =	vld [tilespmem:s13+$0xFFFFFFC0]  }
0xb9: {  	v3 =	vld [tilespmem:s13+$0xFFFFFFD0]  }
0xba: {  	v4 =	vld [tilespmem:s13+$0xFFFFFFE0];
	v5 =	vpop (erf)  }
0xbb: {  	v1 =	vld [tilespmem:s13+$0xFFFFFFF0];
	v7 =	vbroadcast v5, $0x0  }
0xbc: {  	v10 =	vld [tilespmem:s13+$0x10];
	v8 =	vbroadcast v5, $0x1  }
0xbd: {  	v9 =	vld [tilespmem:s13+$0x0];
	v11 =	vbroadcast v5, $0x2;
	v2 =	vmul.f32 v7, v2  }
0xbe: {  	v60 =	vld [tilespmem:s13+$0x20];
	[tilespmem:s13+$0x40] =	vst v5;
	v59 =	vbroadcast v5, $0x3;
	v3 =	vmul.f32 v8, v3  }
0xbf: {  	v6 =	vld [tilespmem:s13+$0x30];
	v61 =	vbroadcast v5, $0x5;
	v4 =	vmul.f32 v11, v4;
	[tilespmem:s13+$0xFFFFFFC0] =	vst v2  }
0xc0: {  	v1 =	vmul.f32 v1, v59;
	v2 =	vbroadcast v5, $0x4;
	[tilespmem:s13+$0xFFFFFFD0] =	vst v3  }
0xc1: {  	v63 =	vmul.f32 v10, v61;
	v3 =	vbroadcast v5, $0x6;
	[tilespmem:s13+$0xFFFFFFE0] =	vst v4  }
0xc2: {  	v62 =	vbroadcast v5, $0x7;
	[tilespmem:s13+$0xFFFFFFF0] =	vst v1;
	v2 =	vmul.f32 v9, v2  }
0xc3: {  	[tilespmem:s13+$0x10] =	vst v63;
	v1 =	vmul.f32 v60, v3  }
0xc4: {  	p0 =	sge.u32 s10, s16;
	[tilespmem:s13+$0x0] =	vst v2;
	v2 =	vmul.f32 v6, v62  }
0xc5: {  	s11 =	sadd.s32 @!p0 s11, s18;
	[tilespmem:s14+$0x20] =	vst v1  }
0xc6: {  	s11 =	smul.u32 @!p0 $0x1C, s11;
	[tilespmem:s14+$0x30] =	vst v2  }
0xc7: {  	[spmem:s3] =	stream.indirect.scatter.add.f32 [tilespmem:s29], [sflag:$0x7], $0x90, s30, s25, $0xb8;
	[tilespmem:$0x1F5C0] =	vst v63  }
0xc8: {  	_ =	swait.ge [sflag:s23], $0x3F00  }
0xc9: {  	s10 =	sadd.s32 $0x1, s10;
	s11 =	sadd.s32 @!p0 s6, s11;
	[sflag:s23] =	ssyncset.done $0x0  }
0xca: {  	s13 =	simm.s32 @!p0 $0x0;
	s14 =	simm.s32 @!p0 $0xE0;
	[sflag:s23] =	ssyncadd.s32 $0xFFFFC100  }
0xcb: {  	[tilespmem:s14], [sflag:$0x2] =	stream.linear.gather @!p0 [hbm4b:s11+s13], $0xE0, $0x38;
	[tilespmem:$0x1F5C0] =	vst v63  }
0xcc: {  	p0 =	sne.s32 s10, s12  }
.Ltmp3:
0xcd: {  	_ = 	snop;
	(pc) =	sbr.rel @p0 .LBB2_4-.Ltmp3, $1  }
0xce: {  	_ =	sdelay $0x3  }
0xcf: {  	_ =	swait.ge [sflag:s0], $0x3F00  }
0xd0: {  	[sflag:s0] =	ssyncset.done $0x0  }
0xd1: {  	[sflag:s0] =	ssyncadd.s32 $0xFFFFC100  }
0xd2: {  	_ =	swait.ge [sflag:s1], $0x700  }
0xd3: {  	[sflag:s1] =	ssyncset.done $0x0  }
0xd4: {  	s10 =	simm.s32 $0x200;
	[sflag:s1] =	ssyncadd.s32 $0xFFFFF900  }
0xd5: {  	s14 =	simm.s32 $0x0;
	s13 =	simm.s32 $0x40;
	s11 =	simm.s32 $0x200;
	v1 =	vld [tilespmem:s10+$0x40]  }
.LBB2_10:
0xd6: {  	p0 =	sne.s32 s13, $0x1BC0;
	v2 =	vld [tilespmem:s14+$0x7FC0];
	_ =	sdelay $0x4  }
0xd7: {  	v1 =	vadd.f32 v2, v1;
	_ =	sdelay $0x1  }
0xd8: {  	v2 =	vmul.f32 $2.000000030e-01, v1;
	_ =	sdelay $0x1  }
0xd9: {  	v1 =	vmax.f32 v1, v2  }
0xda: {  	v1 =	vmul.f32 $1.442695020e+00, v1;
	_ =	sdelay $0x1  }
0xdb: {  	(erf) = vpow2.f32 v1;
	_ =	sdelay $0x4  }
0xdc: {  	v1 =	vld [tilespmem:s10+$0xFFFFFFF0]  }
0xdd: {  	v2 =	vld [tilespmem:s10+$0xFFFFFFD0]  }
0xde: {  	v3 =	vld [tilespmem:s10+$0xFFFFFFC0]  }
0xdf: {  	v4 =	vld [tilespmem:s10+$0xFFFFFFE0]  }
0xe0: {  	v5 =	vld [tilespmem:s10+$0x30];
	v6 =	vpop (erf)  }
0xe1: {  	[tilespmem:s10+$0x40] =	vst v6;
	v7 =	vbroadcast v6, $0x0;
	v8 =	vbroadcast v6, $0x1;
	v9 =	vld [tilespmem:s10+$0x10]  }
0xe2: {  	v10 =	vbroadcast v6, $0x2;
	v11 =	vbroadcast v6, $0x3;
	v12 =	vld [tilespmem:s10+$0x0]  }
0xe3: {  	v3 =	vmul.f32 v7, v3;
	v2 =	vmul.f32 v8, v2;
	v7 =	vld [tilespmem:s10+$0x20]  }
0xe4: {  	v1 =	vmul.f32 v1, v11;
	v4 =	vmul.f32 v10, v4  }
0xe5: {  	v8 =	vbroadcast v6, $0x5;
	[tilespmem:s10+$0xFFFFFFC0] =	vst v3;
	v3 =	vbroadcast v6, $0x4  }
0xe6: {  	[tilespmem:s10+$0xFFFFFFD0] =	vst v2;
	v2 =	vbroadcast v6, $0x6;
	v6 =	vbroadcast v6, $0x7  }
0xe7: {  	[tilespmem:s10+$0xFFFFFFE0] =	vst v4;
	v3 =	vmul.f32 v12, v3;
	v4 =	vmul.f32 v9, v8  }
.Ltmp4:
0xe8: {  	[tilespmem:s10+$0xFFFFFFF0] =	vst v1;
	v1 =	vmul.f32 v7, v2;
	v2 =	vmul.f32 v5, v6;
	(pc) =	sbr.rel @p0 .LBB2_10-.Ltmp4, $4  }
0xe9: {  	[tilespmem:s10+$0x0] =	vst v3  }
0xea: {  	[tilespmem:s10+$0x10] =	vst v4  }
0xeb: {  	s10 =	sadd.s32 $0x90, s10;
	[tilespmem:s11+$0x20] =	vst v1  }
0xec: {  	s14 =	sshra.s32 s13, $0x2;
	s13 =	sadd.s32 $0x40, s13;
	v1 =	vld [tilespmem:s10+$0x40];
	[tilespmem:s11+$0x30] =	vst v2;
	s11 =	smov.u32 s10  }
0xed: {  	v2 =	vld [tilespmem:s14+$0x7FC0];
	_ =	sdelay $0x4  }
0xee: {  	v1 =	vadd.f32 v2, v1;
	_ =	sdelay $0x1  }
0xef: {  	v2 =	vmul.f32 $2.000000030e-01, v1;
	_ =	sdelay $0x1  }
0xf0: {  	v1 =	vmax.f32 v1, v2  }
0xf1: {  	v1 =	vmul.f32 $1.442695020e+00, v1;
	_ =	sdelay $0x1  }
0xf2: {  	(erf) = vpow2.f32 v1;
	_ =	sdelay $0x6  }
0xf3: {  	v2 =	vld [tilespmem:s10+$0xFFFFFFC0]  }
0xf4: {  	v3 =	vld [tilespmem:s10+$0xFFFFFFD0]  }
0xf5: {  	v4 =	vld [tilespmem:s10+$0xFFFFFFE0];
	v5 =	vpop (erf)  }
0xf6: {  	v1 =	vld [tilespmem:s10+$0xFFFFFFF0];
	v7 =	vbroadcast v5, $0x0  }
0xf7: {  	v10 =	vld [tilespmem:s10+$0x10];
	v8 =	vbroadcast v5, $0x1  }
0xf8: {  	v9 =	vld [tilespmem:s10+$0x0];
	v11 =	vbroadcast v5, $0x2;
	v2 =	vmul.f32 v7, v2  }
0xf9: {  	v60 =	vld [tilespmem:s10+$0x20];
	[tilespmem:s10+$0x40] =	vst v5;
	v59 =	vbroadcast v5, $0x3;
	v3 =	vmul.f32 v8, v3  }
0xfa: {  	v6 =	vld [tilespmem:s10+$0x30];
	v61 =	vbroadcast v5, $0x5;
	v4 =	vmul.f32 v11, v4;
	[tilespmem:s10+$0xFFFFFFC0] =	vst v2  }
0xfb: {  	v1 =	vmul.f32 v1, v59;
	v2 =	vbroadcast v5, $0x4;
	[tilespmem:s10+$0xFFFFFFD0] =	vst v3  }
0xfc: {  	v63 =	vmul.f32 v10, v61;
	v3 =	vbroadcast v5, $0x6;
	[tilespmem:s10+$0xFFFFFFE0] =	vst v4  }
0xfd: {  	v62 =	vbroadcast v5, $0x7;
	[tilespmem:s10+$0xFFFFFFF0] =	vst v1;
	v2 =	vmul.f32 v9, v2  }
0xfe: {  	[tilespmem:s10+$0x10] =	vst v63;
	v1 =	vmul.f32 v60, v3  }
0xff: {  	[tilespmem:s10+$0x0] =	vst v2;
	v2 =	vmul.f32 v6, v62  }
0x100: {  	[tilespmem:s11+$0x20] =	vst v1  }
0x101: {  	[tilespmem:s11+$0x30] =	vst v2  }
0x102: {  	[spmem:s3] =	stream.indirect.scatter.add.f32 [tilespmem:s22], [sflag:$0x7], $0x90, s25, s25, $0xb8;
	[tilespmem:$0x1F5C0] =	vst v63  }
0x103: {  	_ =	swait.ge [sflag:s23], $0x3F00  }
0x104: {  	s15 =	stileid.u32;
	[sflag:s23] =	ssyncset.done $0x0  }
0x105: {  	s19 =	sshrl.u32 s9, $0x3;
	s8 =	sadd.s32 $0x1, s8;
	[sflag:s23] =	ssyncadd.s32 $0xFFFFC100  }
0x106: {  	p0 =	sne.s32 s8, s20;
	s10 =	sshll.u32 s15, $0x6;
	[bflag:$0x0] =	sbarrier.arrive $0xFFFF  }
.Ltmp5:
0x107: {  	s10 =	sor.u32 $0x1C07, s10;
	s13 =	rddreg [dreg:$0xb];
	(pc) =	sbr.rel @p0 .LBB2_1-.Ltmp5, $4  }
0x108: {  	[hbm:s13], [sflag:s10] =	dma.local [spmem:s19], $0x2D00  }
0x109: {  	_ =	swait.ge [sflag:s23], $0x2D00  }
0x10a: {  	[sflag:s23] =	ssyncset.done $0x0  }
0x10b: {  	[sflag:s23] =	ssyncadd.s32 $0xFFFFD300  }
0x10c: {  	_ =	sfence.sel $0x180000  }
0x10d: {  	[bflag:$0x0] =	sbarrier.arrive $0xFFFF  }
0x10e: {  	_ =	strace $0x9000004A  }
0x10f: {  	s0 =	stileid.u32;
	[bflag:$0x2] =	sbarrier.arrive $0xFFFF  }
0x110: {  	p0 =	sne.s32 s0, $0x0;
	s0 =	rddreg [dreg:$0x3]  }
0x111: {  	s0 =	sadd.s32 @!p0 $0x100000, s0  }
0x112: {  	[sflag:s0] =	ssyncadd.tile.s32 @!p0 $0x1;
	_ =	shalt  }
.Lfunc_end2:
_tile_overlayer_lowered:
.L_overlay_start_2:
0x113: {  	(tag) =	ssettag $0x2  }
0x114: {  	s0 =	rddreg [dreg:$0x0];
	s2 =	stileid.u32  }
0x115: {  	s1 =	rddreg [dreg:$0x1];
	p0 =	sne.s32 s2, $0x0  }
0x116: {  	s3 =	rddreg [dreg:$0x2];
	[bflag:$0x3] =	sbarrier.arrive $0xFFFF;
	s2 =	simm.s32 @!p0 $0x1C07  }
0x117: {  	[timem:s3], [sflag:s2] =	dma.local @!p0 [hbm:s0], s1  }
0x118: {  	s0 =	simm.s32 @!p0 $0x7  }
0x119: {  	_ =	swait.ge @!p0 [sflag:s0], s1  }
0x11a: {  	s1 =	ssub.s32 @!p0 $0x0, s1;
	[sflag:s0] =	ssyncset.done @!p0 $0x0  }
0x11b: {  	[sflag:s0] =	ssyncadd.s32 @!p0 s1  }
0x11c: {  	[bflag:$0x3] =	sbarrier.arrive $0xFFFF  }
0x11d: {  	_ =	shalt  }

// kernel: kernel.7.cloned.1.call-start
scs
__scs_entry_jumppad:
0x0: {  	(pc) =	sbr.rel $0x88, $3  }
0x1: {  	(tag) =	ssettag $0x0;
	lr =	simm.s32 $0x1  }
0x2: {  	[smem:$0x3F97] =	sst lr;
	_ =	strace $0xD0000000  }
0x3: {  	_ = 	snop  }
0x4: {  	_ = 	snop  }
0x5: {  	_ = 	snop  }
0x6: {  	_ = 	snop  }
0x7: {  	_ = 	snop  }
__scs_overlays_trampoline_lowered:
0x8: {  	[smem:$0x3FA6] =	sst s0  }
0x9: {  	[smem:$0x3FA7] =	sst s1  }
0xa: {  	[smem:$0x3FA8] =	sst s2  }
0xb: {  	[smem:$0x3FA9] =	sst s3  }
0xc: {  	[smem:$0x3FAA] =	sst s4  }
0xd: {  	[smem:$0x3FAB] =	sst s5  }
0xe: {  	[smem:$0x3FAC] =	sst s6  }
0xf: {  	[smem:$0x3FAD] =	sst s7  }
0x10: {  	[smem:$0x3FAE] =	sst s8  }
0x11: {  	[smem:$0x3FAF] =	sst s9;
	s0 =	simm.s32 @!p0 $0x0  }
0x12: {  	s1 =	sld [smem:$0x3F95];
	s0 =	simm.s32 @p0 $0x1  }
0x13: {  	[smem:$0x3FB0] =	sst s0;
	s0 =	simm.s32 @!p1 $0x0  }
0x14: {  	s2 =	sld [smem:$0x3F94];
	s0 =	simm.s32 @p1 $0x1  }
0x15: {  	[smem:$0x3FB1] =	sst s0;
	s0 =	simm.s32 @!p2 $0x0  }
0x16: {  	s3 =	sld [smem:$0x3FDB];
	s0 =	simm.s32 @p2 $0x1  }
0x17: {  	s4 =	simm.s32 $0x1BF5;
	[smem:$0x3FB3] =	sst s0  }
0x18: {  	s0 =	sld [smem:$0x3F96];
	_ =	swait.ge [sflag:s4], $0x0  }
0x19: {  	s7 =	sld [smem:$0x3F97]  }
0x1a: {  	s8 =	sadd.s32 $0xFFFFE003, lr  }
0x1b: {  	s9 =	sadd.s32 $0xFFFFFEF7, lr;
	s5 =	simm.s32 $0xFFFFFFFF;
	p2 =	slt.u32 s8, $0xFFFFF086  }
0x1c: {  	p1 =	slt.u32 s9, $0xF7A;
	s5 =	simm.s32 @!p2 $0x0  }
0x1d: {  	s5 =	simm.s32 @p1 $0x1;
	p0 =	seq.s32 s7, s2  }
0x1e: {  	s7 =	smul.u32 @!p0 $0xF7A, s2;
	p2 =	seq.s32 @!p0 s5, $0x0  }
0x1f: {  	s9 =	smul.u32 $0xF7A, s1;
	s8 =	simm.s32 @!p0 $0x1BF5;
	p2 =	por !p2, p0  }
0x20: {  	[sflag:s8] =	ssyncset.s32 @!p0 $0xFFFFF086;
	s6 =	sadd.s32 @!p0 s3, s7;
	s7 =	simm.s32 @!p0 $0x108  }
0x21: {  	s3 =	sadd.s32 s3, s9;
	s6 =	sadd.s32 @!p0 $0x88, s6;
	s7 =	simm.s32 @p2 $0x1082  }
0x22: {  	[simem:s7], [sflag:s8] =	dma.local @!p0 [hbm:s6], $0xF7A  }
0x23: {  	s9 =	sor.u32 $0xD0000000, s2;
	s6 =	simm.s32 $0x108;
	_ =	swait.ge @!p0 [sflag:s8], $0x0  }
0x24: {  	s3 =	sadd.s32 $0x88, s3;
	s6 =	simm.s32 @!p1 $0x1082;
	[sflag:s4] =	ssyncset.s32 $0xFFFFF086  }
0x25: {  	[simem:s6], [sflag:s4] =	dma.local [hbm:s3], $0xF7A  }
0x26: {  	[smem:$0x3F97] =	sst s1;
	(tag) =	ssettag s2;
	_ =	strace s9  }
0x27: {  	s1 =	sld [smem:$0x3FA7]  }
0x28: {  	s2 =	sld [smem:$0x3FA8]  }
0x29: {  	s4 =	sld [smem:$0x3FAA]  }
0x2a: {  	p0 =	seq.s32 s5, $0x0;
	s5 =	sld [smem:$0x3FAB]  }
0x2b: {  	s6 =	sld [smem:$0x3FAC]  }
0x2c: {  	s7 =	sld [smem:$0x3FAD]  }
0x2d: {  	s3 =	simm.s32 $0x108;
	s8 =	sld [smem:$0x3FAE]  }
0x2e: {  	s3 =	simm.s32 @!p0 $0x1082;
	s9 =	sld [smem:$0x3FAF]  }
0x2f: {  	lr =	sadd.s32 s0, s3;
	s0 =	sld [smem:$0x3FA6]  }
0x30: {  	s3 =	sld [smem:$0x3FA9]  }
0x31: {  	[smem:$0x3FB2] =	sst s10  }
0x32: {  	s10 =	sld [smem:$0x3FB0];
	_ =	sdelay $0x3  }
0x33: {  	p0 =	seq.s32 s10, $0x1;
	s10 =	sld [smem:$0x3FB2];
	_ =	sdelay $0x3  }
0x34: {  	[smem:$0x3FB2] =	sst s10  }
0x35: {  	s10 =	sld [smem:$0x3FB1];
	_ =	sdelay $0x3  }
0x36: {  	p1 =	seq.s32 s10, $0x1;
	s10 =	sld [smem:$0x3FB2];
	_ =	sdelay $0x3  }
0x37: {  	[smem:$0x3FB2] =	sst s10  }
0x38: {  	s10 =	sld [smem:$0x3FB3]  }
0x39: {  	_ = 	snop;
	(pc) =	sbr.ind lr, $3  }
0x3a: {  	_ = 	snop  }
0x3b: {  	_ = 	snop  }
0x3c: {  	p2 =	seq.s32 s10, $0x1;
	s10 =	sld [smem:$0x3FB2]  }
0x3d: {  	_ =	shalt  }
0x3e: {  	_ =	shalt  }
0x3f: {  	_ =	shalt  }
0x40: {  	_ =	shalt  }
0x41: {  	_ =	shalt  }
0x42: {  	_ =	shalt  }
0x43: {  	_ =	shalt  }
0x44: {  	_ =	shalt  }
0x45: {  	_ =	shalt  }
0x46: {  	_ =	shalt  }
0x47: {  	_ =	shalt  }
0x48: {  	_ =	shalt  }
0x49: {  	_ =	shalt  }
0x4a: {  	_ =	shalt  }
0x4b: {  	_ =	shalt  }
0x4c: {  	_ =	shalt  }
0x4d: {  	_ =	shalt  }
0x4e: {  	_ =	shalt  }
0x4f: {  	_ =	shalt  }
0x50: {  	_ =	shalt  }
0x51: {  	_ =	shalt  }
0x52: {  	_ =	shalt  }
0x53: {  	_ =	shalt  }
0x54: {  	_ =	shalt  }
0x55: {  	_ =	shalt  }
0x56: {  	_ =	shalt  }
0x57: {  	_ =	shalt  }
0x58: {  	_ =	shalt  }
0x59: {  	_ =	shalt  }
0x5a: {  	_ =	shalt  }
0x5b: {  	_ =	shalt  }
0x5c: {  	_ =	shalt  }
0x5d: {  	_ =	shalt  }
0x5e: {  	_ =	shalt  }
0x5f: {  	_ =	shalt  }
0x60: {  	_ =	shalt  }
0x61: {  	_ =	shalt  }
0x62: {  	_ =	shalt  }
0x63: {  	_ =	shalt  }
0x64: {  	_ =	shalt  }
0x65: {  	_ =	shalt  }
0x66: {  	_ =	shalt  }
0x67: {  	_ =	shalt  }
0x68: {  	_ =	shalt  }
0x69: {  	_ =	shalt  }
0x6a: {  	_ =	shalt  }
0x6b: {  	_ =	shalt  }
0x6c: {  	_ =	shalt  }
0x6d: {  	_ =	shalt  }
0x6e: {  	_ =	shalt  }
0x6f: {  	_ =	shalt  }
0x70: {  	_ =	shalt  }
0x71: {  	_ =	shalt  }
0x72: {  	_ =	shalt  }
0x73: {  	_ =	shalt  }
0x74: {  	_ =	shalt  }
0x75: {  	_ =	shalt  }
0x76: {  	_ =	shalt  }
0x77: {  	_ =	shalt  }
0x78: {  	_ =	shalt  }
0x79: {  	_ =	shalt  }
0x7a: {  	_ =	shalt  }
0x7b: {  	_ =	shalt  }
0x7c: {  	_ =	shalt  }
0x7d: {  	_ =	shalt  }
0x7e: {  	_ =	shalt  }
0x7f: {  	_ =	shalt  }
0x80: {  	_ =	shalt  }
0x81: {  	_ =	shalt  }
0x82: {  	_ =	shalt  }
0x83: {  	_ =	shalt  }
0x84: {  	_ =	shalt  }
0x85: {  	_ =	shalt  }
0x86: {  	_ =	shalt  }
0x87: {  	_ =	shalt  }
.Lfunc_end0:
.L_simem_size_0:
called_computation_lowered:
.L_overlay_start_0:
0x88: {  	s2 =	sld [smem:$0x3FD9]  }
0x89: {  	s3 =	sld [smem:$0x3FFE];
	_ =	sdelay $0x1  }
0x8a: {  	s1 =	srdreg.scid  }
0x8b: {  	s0 =	sand.u32 $0x1, s1  }
0x8c: {  	s17 =	sshll.u32 s0, $0xA;
	s2 =	sadd.s32 s3, s2  }
0x8d: {  	s2 =	sadd.s32 s2, s17  }
0x8e: {  	[smem:$0x3FBE] =	sst s2  }
0x8f: {  	_ = 	snop  }
0x90: {  	s2 =	sld [smem:$0x3FD0];
	(tm) =	ssettm $0x1  }
0x91: {  	s18 =	sld [smem:$0x3FFB];
	_ =	sdelay $0x3  }
0x92: {  	_ =	strace s18  }
0x93: {  	s3 =	sld [smem:$0x3FFC];
	_ =	sdelay $0x3  }
0x94: {  	_ =	strace s3  }
0x95: {  	s3 =	sld [smem:$0x3FFD];
	_ =	sdelay $0x3  }
0x96: {  	_ =	strace s3  }
0x97: {  	_ =	strace $0x8FFFFFFF  }
0x98: {  	s19 =	sld [smem:$0x3FDB];
	_ =	sdelay $0x1  }
0x99: {  	s4 =	simm.s32 $_scs_section_size  }
0x9a: {  	s5 =	simm.s32 $_size__tile_overlayer_lowered;
	s6 =	simm.s32 $_tile_overlayer_lowered  }
0x9b: {  	s22 =	simm.s32 $0x1BFF;
	s21 =	sshll.u32 s6, $0x1;
	s3 =	sadd.s32 s4, s19  }
0x9c: {  	s7 =	simm.s32 $0x0;
	s20 =	sshll.u32 s5, $0x1;
	s5 =	sadd.s32 s21, s3  }
0x9d: {  	[timem:s7], [sflag:s22] =	dma.local [hbm:s5], s20  }
0x9e: {  	_ =	swait.ge [sflag:s22], s20  }
0x9f: {  	s4 =	ssub.s32 $0x0, s20;
	[sflag:s22] =	ssyncset.done $0x0  }
0xa0: {  	[sflag:s22] =	ssyncadd.s32 s4;
	_ =	sdelay $0x1  }
0xa1: {  	s23 =	simm.s32 $0x1B8B  }
0xa2: {  	_ =	swait.ge [sflag:s23], $0x1  }
0xa3: {  	[sflag:s23] =	ssyncset.done $0x0  }
0xa4: {  	s25 =	simm.s32 $0x1B8E;
	s24 =	sld [smem:$0x3FFE];
	[sflag:s23] =	ssyncadd.s32 $0xFFFFFFFF  }
0xa5: {  	s26 =	simm.s32 $execute0_lowered;
	[smem:$0x3FD2] =	sst s25  }
0xa6: {  	s5 =	sshll.u32 s26, $0x1;
	_ =	strace $0x80000046;
	[dreg:$0x1] =	wrdreg $0xFFFFFFFF  }
0xa7: {  	s28 =	simm.s32 $_size_execute0_lowered;
	s3 =	sadd.s32 s3, s5;
	[dreg:$0x0] =	wrdreg $0x0  }
0xa8: {  	s5 =	sshll.u32 s28, $0x1;
	[dreg:$0x2] =	wrdreg s3  }
0xa9: {  	[dreg:$0x3] =	wrdreg s5  }
0xaa: {  	[dreg:$0x4] =	wrdreg $0xC0  }
0xab: {  	_ =	task [dreg:s7], $0x5FFFF  }
0xac: {  	[dreg:$0x1] =	wrdreg $0xFFFFFFFF  }
0xad: {  	[dreg:$0x0] =	wrdreg $0x60  }
0xae: {  	[dreg:$0x2] =	wrdreg s24  }
0xaf: {  	[dreg:$0x3] =	wrdreg s2  }
0xb0: {  	[dreg:$0x4] =	wrdreg $0x8DC00  }
0xb1: {  	[dreg:$0x5] =	wrdreg $0x9  }
0xb2: {  	_ =	task.clear_ibuf [dreg:s7], $0x6FFFF;
	_ =	strace $0x90000046  }
0xb3: {  	s29 =	simm.s32 $0x9;
	_ =	strace $0x80000048  }
0xb4: {  	_ =	swait.ge [sflag:s29], $0x1  }
0xb5: {  	[sflag:s29] =	ssyncadd.s32 $0xFFFFFFFF  }
0xb6: {  	_ =	strace $0x90000048  }
0xb7: {  	_ =	sfence  }
0xb8: {  	s30 =	sld [smem:$0x0];
	_ =	sdelay $0x2  }
0xb9: {  	s31 =	sshll.u32 s1, $0xD;
	s1 =	sshrl.u32 s1, $0x2  }
0xba: {  	s3 =	sand.u32 $0x4000, s31;
	s1 =	sadd.s32 s1, s30  }
0xbb: {  	s0 =	sor.u32 s3, s0;
	s1 =	sshll.u32 s1, $0x11  }
0xbc: {  	s0 =	sor.u32 s1, s0  }
0xbd: {  	s0 =	sadd.s32 $0x8F2B, s0  }
0xbe: {  	[sflag:s0] =	ssyncadd.remote.s32 $0x1  }
0xbf: {  	_ =	sfence.sel $0xFFFF  }
0xc0: {  	[dreg:$0x0] =	wrdreg $0xFFFFFFFF;
	(pc) =	sbr.abs _section_cstart, $3  }
0xc1: {  	[dreg:$0x1] =	wrdreg $0xFFFFFFFF  }
0xc2: {  	_ =	task.clear_ibuf [dreg:s7], $0x2FFFF;
	_ =	strace $0x9FFFFFFF  }
0xc3: {  	(tm) =	ssettm $0x7FFFFFFF  }
tec
execute0_lowered:
.L_overlay_start_1:
0x0: {  	(tag) =	ssettag $0x1  }
0x1: {  	s0 =	rddreg [dreg:$0x0]  }
0x2: {  	s2 =	rddreg [dreg:$0x1]  }
0x3: {  	s3 =	rddreg [dreg:$0x2]  }
0x4: {  	s12 =	stileid.u32;
	s5 =	simm.s32 $0x0;
	s1 =	srdreg.scid  }
0x5: {  	s28 =	simm.s32 $0x2;
	s29 =	simm.s32 $0x40C0;
	s4 =	smul.u32 $0x47, s12  }
0x6: {  	s30 =	simm.s32 $0x150;
	[smem:$0x7FF] =	sst s5;
	s5 =	smul.u32 $0x6F, s12  }
0x7: {  	s31 =	simm.s32 $0x86C0;
	s1 =	sand.u32 $0x1, s1;
	s7 =	smul.u32 $0x16800, s12  }
0x8: {  	s6 =	sadd.s32 $0x2E200, s0;
	s12 =	smul.u32 $0x5A000, s12;
	p0 =	seq.s32 s1, $0x0  }
0x9: {  	_ =	strace $0x80000047;
	s8 =	smul.u32 $0x168000, s1;
	s1 =	ssub.s32 $0x2, s1  }
0xa: {  	s4 =	sadd.s32 $0x6F0, s4;
	s11 =	sshrl.u32 s1, $0x1;
	s21 =	sshrl.u32 s12, $0x2  }
0xb: {  	s12 =	simm.s32 $0x37;
	s4 =	smov.u32 @p0 s5;
	s5 =	sadd.s32 $0x1200, s0  }
0xc: {  	s8 =	sadd.s32 s7, s8;
	s1 =	ssub.s32 s1, s11;
	s22 =	sadd.s32 s21, s3  }
0xd: {  	s12 =	simm.s32 @!p0 $0x23;
	s21 =	simm.s32 $0xE0;
	s9 =	smul.u32 $0x1C, s4  }
0xe: {  	s10 =	smul.u32 $0xE0, s4;
	s8 =	sshrl.u32 s8, $0x3;
	s23 =	sadd.s32 $0x3F00, s22  }
0xf: {  	s24 =	sadd.s32 $0x7E00, s22;
	s25 =	sadd.s32 $0xBD00, s22;
	[dreg:$0x6] =	wrdreg s23  }
0x10: {  	s26 =	sadd.s32 $0xFC00, s22;
	s16 =	sadd.s32 $0xFFFFFFFF, s12;
	[dreg:$0x7] =	wrdreg s24  }
0x11: {  	s17 =	sadd.s32 $0x2, s4;
	s18 =	sadd.s32 $0x3, s4;
	[dreg:$0x8] =	wrdreg s25  }
0x12: {  	s4 =	simm.s32 $0x4;
	s0 =	sadd.s32 s8, s0;
	[dreg:$0x9] =	wrdreg s26  }
0x13: {  	s23 =	simm.s32 $0x7;
	s24 =	simm.s32 $0x1;
	s25 =	simm.s32 $0x70  }
0x14: {  	s26 =	simm.s32 $0x7FC0;
	s20 =	sshrl.u32 s10, $0x3;
	s9 =	sadd.s32 s6, s9  }
0x15: {  	s0 =	sadd.s32 $0x42200, s0;
	[dreg:$0x4] =	wrdreg s9;
	s8 =	sadd.s32 s6, s20  }
0x16: {  	s9 =	sadd.s32 s7, s3;
	s7 =	sadd.s32 $0x13B00, s22;
	[dreg:$0xb] =	wrdreg s0  }
0x17: {  	s20 =	smax.u32 s1, $0x1;
	s22 =	simm.s32 $0x1C0;
	s0 =	simm.s32 $0x3  }
0x18: {  	s1 =	simm.s32 $0x5;
	s8 =	sadd.s32 $0x1C, s8;
	[dreg:$0xa] =	wrdreg s7  }
0x19: {  	v0 =	vimm.f32 $0.0e+00;
	s7 =	simm.s32 $0x6;
	[dreg:$0x5] =	wrdreg s8;
	s8 =	simm.s32 $0x0  }
.LBB2_1:
0x1a: {  	s10 =	simm.s32 $0x0;
	s11 =	rddreg [dreg:$0x4]  }
0x1b: {  	[tilespmem:s10], [sflag:$0x1] =	stream.linear.gather [hbm4b:s11+s10], $0xE0, $0x38;
	[tilespmem:$0x1F5C0] =	vst v63  }
0x1c: {  	s19 =	rddreg [dreg:$0x5]  }
0x1d: {  	[tilespmem:s21], [sflag:$0x2] =	stream.linear.gather [hbm4b:s19+s10], $0xE0, $0x38;
	[tilespmem:$0x1F5C0] =	vst v63  }
0x1e: {  	s11 =	simm.s32 $0x240;
	s10 =	simm.s32 $0x0  }
.LBB2_2:
0x1f: {  	p0 =	sne.s32 s11, $0xF9C0;
	[tilespmem:s10+$0x240] =	vst v0  }
0x20: {  	[tilespmem:s10+$0x1C0] =	vst v0  }
0x21: {  	[tilespmem:s10+$0x1D0] =	vst v0  }
0x22: {  	[tilespmem:s10+$0x1E0] =	vst v0  }
.Ltmp0:
0x23: {  	[tilespmem:s10+$0x1F0] =	vst v0;
	(pc) =	sbr.rel @p0 .LBB2_2-.Ltmp0, $4  }
0x24: {  	[tilespmem:s10+$0x200] =	vst v0  }
0x25: {  	[tilespmem:s10+$0x210] =	vst v0  }
0x26: {  	[tilespmem:s10+$0x220] =	vst v0  }
0x27: {  	[tilespmem:s10+$0x230] =	vst v0;
	s10 =	sshra.s32 s11, $0x2;
	s11 =	sadd.s32 $0x240, s11  }
0x28: {  	[tilespmem:s10+$0x240] =	vst v0  }
0x29: {  	[tilespmem:s10+$0x1C0] =	vst v0  }
0x2a: {  	[tilespmem:s10+$0x1D0] =	vst v0  }
0x2b: {  	[tilespmem:s10+$0x1E0] =	vst v0  }
0x2c: {  	[tilespmem:s10+$0x1F0] =	vst v0  }
0x2d: {  	[tilespmem:s10+$0x200] =	vst v0  }
0x2e: {  	[tilespmem:s10+$0x210] =	vst v0  }
0x2f: {  	[tilespmem:s10+$0x220] =	vst v0  }
0x30: {  	[tilespmem:s10+$0x230] =	vst v0  }
0x31: {  	[spmem:s9] =	stream.linear.scatter [tilespmem:s22], [sflag:$0x7], $0x3F00, $0x38;
	[tilespmem:$0x1F5C0] =	vst v63  }
0x32: {  	_ =	swait.ge [sflag:s23], $0x3F00  }
0x33: {  	[sflag:s23] =	ssyncset.done $0x0  }
0x34: {  	s11 =	rddreg [dreg:$0x6];
	[sflag:s23] =	ssyncadd.s32 $0xFFFFC100  }
0x35: {  	[spmem:s11] =	stream.linear.scatter [tilespmem:s22], [sflag:$0x7], $0x3F00, $0x38;
	[tilespmem:$0x1F5C0] =	vst v63  }
0x36: {  	_ =	swait.ge [sflag:s23], $0x3F00  }
0x37: {  	[sflag:s23] =	ssyncset.done $0x0  }
0x38: {  	s13 =	rddreg [dreg:$0x7];
	[sflag:s23] =	ssyncadd.s32 $0xFFFFC100  }
0x39: {  	[spmem:s13] =	stream.linear.scatter [tilespmem:s22], [sflag:$0x7], $0x3F00, $0x38;
	[tilespmem:$0x1F5C0] =	vst v63  }
0x3a: {  	_ =	swait.ge [sflag:s23], $0x3F00  }
0x3b: {  	[sflag:s23] =	ssyncset.done $0x0  }
0x3c: {  	s14 =	rddreg [dreg:$0x8];
	[sflag:s23] =	ssyncadd.s32 $0xFFFFC100  }
0x3d: {  	[spmem:s14] =	stream.linear.scatter [tilespmem:s22], [sflag:$0x7], $0x3F00, $0x38;
	[tilespmem:$0x1F5C0] =	vst v63  }
0x3e: {  	_ =	swait.ge [sflag:s23], $0x3F00  }
0x3f: {  	[sflag:s23] =	ssyncset.done $0x0  }
0x40: {  	s15 =	rddreg [dreg:$0x9];
	[sflag:s23] =	ssyncadd.s32 $0xFFFFC100  }
0x41: {  	[spmem:s15] =	stream.linear.scatter [tilespmem:s22], [sflag:$0x7], $0x3F00, $0x38;
	[tilespmem:$0x1F5C0] =	vst v63  }
0x42: {  	_ =	swait.ge [sflag:s23], $0x3F00  }
0x43: {  	[sflag:s23] =	ssyncset.done $0x0  }
0x44: {  	s19 =	rddreg [dreg:$0xa];
	[sflag:s23] =	ssyncadd.s32 $0xFFFFC100  }
0x45: {  	[spmem:s19] =	stream.linear.scatter [tilespmem:s22], [sflag:$0x7], $0x2D00, $0x38;
	[tilespmem:$0x1F5C0] =	vst v63  }
0x46: {  	_ =	swait.ge [sflag:s23], $0x2D00  }
0x47: {  	[sflag:s23] =	ssyncset.done $0x0  }
0x48: {  	[sflag:s23] =	ssyncadd.s32 $0xFFFFD300  }
0x49: {  	[bflag:$0x0] =	sbarrier.arrive $0xFFFF  }
0x4a: {  	_ =	swait.ge [sflag:s24], $0xE0  }
0x4b: {  	[sflag:s24] =	ssyncset.done $0x0  }
0x4c: {  	s10 =	simm.s32 $0x0;
	[sflag:s24] =	ssyncadd.s32 $0xFFFFFF20  }
0x4d: {  	[tilespmem:s22], [sflag:$0x3] =	stream.indirect.gather [hbm4b:s5+s25], $0x90, s10, s25, $0xb8;
	[tilespmem:$0x1F5C0] =	vst v63  }
0x4e: {  	_ = 	snop  }
0x4f: {  	[tilespmem:s26], [sflag:$0x5] =	stream.indirect.gather [hbm4b:s2+s25], $0x10, s25, s25, $0xb8;
	[tilespmem:$0x1F5C0] =	vst v63  }
.LBB2_4:
0x50: {  	_ =	swait.ge [sflag:s28], $0xE0  }
0x51: {  	[sflag:s28] =	ssyncset.done $0x0  }
0x52: {  	[sflag:s28] =	ssyncadd.s32 $0xFFFFFF20  }
0x53: {  	[tilespmem:s29], [sflag:$0x4] =	stream.indirect.gather [hbm4b:s5+s25], $0x90, s21, s25, $0xb8;
	[tilespmem:$0x1F5C0] =	vst v63  }
0x54: {  	_ = 	snop  }
0x55: {  	[tilespmem:s31], [sflag:$0x6] =	stream.indirect.gather [hbm4b:s2+s25], $0x10, s30, s25, $0xb8;
	[tilespmem:$0x1F5C0] =	vst v63  }
0x56: {  	_ =	swait.ge [sflag:s0], $0x3F00  }
0x57: {  	[sflag:s0] =	ssyncset.done $0x0  }
0x58: {  	[sflag:s0] =	ssyncadd.s32 $0xFFFFC100  }
0x59: {  	_ =	swait.ge [sflag:s1], $0x700  }
0x5a: {  	[sflag:s1] =	ssyncset.done $0x0  }
0x5b: {  	s11 =	simm.s32 $0x200;
	[sflag:s1] =	ssyncadd.s32 $0xFFFFF900  }
0x5c: {  	s15 =	simm.s32 $0x0;
	s14 =	simm.s32 $0x40;
	s13 =	simm.s32 $0x200;
	v1 =	vld [tilespmem:s11+$0x40]  }
.LBB2_5:
0x5d: {  	p0 =	sne.s32 s14, $0x1BC0;
	v2 =	vld [tilespmem:s15+$0x7FC0];
	_ =	sdelay $0x4  }
0x5e: {  	v1 =	vadd.f32 v2, v1;
	_ =	sdelay $0x1  }
0x5f: {  	v2 =	vmul.f32 $2.000000030e-01, v1;
	_ =	sdelay $0x1  }
0x60: {  	v1 =	vmax.f32 v1, v2  }
0x61: {  	v1 =	vmul.f32 $1.442695020e+00, v1;
	_ =	sdelay $0x1  }
0x62: {  	(erf) = vpow2.f32 v1;
	_ =	sdelay $0x4  }
0x63: {  	v1 =	vld [tilespmem:s11+$0xFFFFFFF0]  }
0x64: {  	v2 =	vld [tilespmem:s11+$0xFFFFFFD0]  }
0x65: {  	v3 =	vld [tilespmem:s11+$0xFFFFFFC0]  }
0x66: {  	v4 =	vld [tilespmem:s11+$0xFFFFFFE0]  }
0x67: {  	v5 =	vld [tilespmem:s11+$0x30];
	v6 =	vpop (erf)  }
0x68: {  	[tilespmem:s11+$0x40] =	vst v6;
	v7 =	vbroadcast v6, $0x0;
	v8 =	vbroadcast v6, $0x1;
	v9 =	vld [tilespmem:s11+$0x10]  }
0x69: {  	v10 =	vbroadcast v6, $0x2;
	v11 =	vbroadcast v6, $0x3;
	v12 =	vld [tilespmem:s11+$0x0]  }
0x6a: {  	v3 =	vmul.f32 v7, v3;
	v2 =	vmul.f32 v8, v2;
	v7 =	vld [tilespmem:s11+$0x20]  }
0x6b: {  	v1 =	vmul.f32 v1, v11;
	v4 =	vmul.f32 v10, v4  }
0x6c: {  	v8 =	vbroadcast v6, $0x5;
	[tilespmem:s11+$0xFFFFFFC0] =	vst v3;
	v3 =	vbroadcast v6, $0x4  }
0x6d: {  	[tilespmem:s11+$0xFFFFFFD0] =	vst v2;
	v2 =	vbroadcast v6, $0x6;
	v6 =	vbroadcast v6, $0x7  }
0x6e: {  	[tilespmem:s11+$0xFFFFFFE0] =	vst v4;
	v3 =	vmul.f32 v12, v3;
	v4 =	vmul.f32 v9, v8  }
.Ltmp1:
0x6f: {  	[tilespmem:s11+$0xFFFFFFF0] =	vst v1;
	v1 =	vmul.f32 v7, v2;
	v2 =	vmul.f32 v5, v6;
	(pc) =	sbr.rel @p0 .LBB2_5-.Ltmp1, $4  }
0x70: {  	[tilespmem:s11+$0x0] =	vst v3  }
0x71: {  	[tilespmem:s11+$0x10] =	vst v4  }
0x72: {  	s11 =	sadd.s32 $0x90, s11;
	[tilespmem:s13+$0x20] =	vst v1  }
0x73: {  	s15 =	sshra.s32 s14, $0x2;
	s14 =	sadd.s32 $0x40, s14;
	v1 =	vld [tilespmem:s11+$0x40];
	[tilespmem:s13+$0x30] =	vst v2;
	s13 =	smov.u32 s11  }
0x74: {  	v2 =	vld [tilespmem:s15+$0x7FC0];
	_ =	sdelay $0x4  }
0x75: {  	v1 =	vadd.f32 v2, v1;
	_ =	sdelay $0x1  }
0x76: {  	v2 =	vmul.f32 $2.000000030e-01, v1;
	_ =	sdelay $0x1  }
0x77: {  	v1 =	vmax.f32 v1, v2  }
0x78: {  	v1 =	vmul.f32 $1.442695020e+00, v1;
	_ =	sdelay $0x1  }
0x79: {  	(erf) = vpow2.f32 v1;
	_ =	sdelay $0x6  }
0x7a: {  	v2 =	vld [tilespmem:s11+$0xFFFFFFC0]  }
0x7b: {  	v3 =	vld [tilespmem:s11+$0xFFFFFFD0]  }
0x7c: {  	v4 =	vld [tilespmem:s11+$0xFFFFFFE0];
	v5 =	vpop (erf)  }
0x7d: {  	v1 =	vld [tilespmem:s11+$0xFFFFFFF0];
	v7 =	vbroadcast v5, $0x0  }
0x7e: {  	v10 =	vld [tilespmem:s11+$0x10];
	v8 =	vbroadcast v5, $0x1  }
0x7f: {  	v9 =	vld [tilespmem:s11+$0x0];
	v11 =	vbroadcast v5, $0x2;
	v2 =	vmul.f32 v7, v2  }
0x80: {  	v60 =	vld [tilespmem:s11+$0x20];
	[tilespmem:s11+$0x40] =	vst v5;
	v59 =	vbroadcast v5, $0x3;
	v3 =	vmul.f32 v8, v3  }
0x81: {  	v6 =	vld [tilespmem:s11+$0x30];
	v61 =	vbroadcast v5, $0x5;
	v4 =	vmul.f32 v11, v4;
	[tilespmem:s11+$0xFFFFFFC0] =	vst v2  }
0x82: {  	v1 =	vmul.f32 v1, v59;
	v2 =	vbroadcast v5, $0x4;
	[tilespmem:s11+$0xFFFFFFD0] =	vst v3  }
0x83: {  	v63 =	vmul.f32 v10, v61;
	v3 =	vbroadcast v5, $0x6;
	[tilespmem:s11+$0xFFFFFFE0] =	vst v4  }
0x84: {  	v62 =	vbroadcast v5, $0x7;
	[tilespmem:s11+$0xFFFFFFF0] =	vst v1;
	v2 =	vmul.f32 v9, v2  }
0x85: {  	[tilespmem:s11+$0x10] =	vst v63;
	v1 =	vmul.f32 v60, v3  }
0x86: {  	[tilespmem:s11+$0x0] =	vst v2;
	v2 =	vmul.f32 v6, v62  }
0x87: {  	s11 =	sshll.u32 s10, $0x1;
	[tilespmem:s13+$0x20] =	vst v1  }
0x88: {  	s19 =	sadd.s32 s11, s17;
	[tilespmem:s13+$0x30] =	vst v2  }
0x89: {  	[spmem:s3] =	stream.indirect.scatter.add.f32 [tilespmem:s22], [sflag:$0x7], $0x90, s25, s25, $0xb8;
	[tilespmem:$0x1F5C0] =	vst v63  }
0x8a: {  	s13 =	smul.u32 $0x1C, s19;
	_ =	swait.ge [sflag:s23], $0x3F00  }
0x8b: {  	[sflag:s23] =	ssyncset.done $0x0  }
0x8c: {  	s14 =	simm.s32 $0x0;
	s13 =	sadd.s32 s6, s13;
	[sflag:s23] =	ssyncadd.s32 $0xFFFFC100  }
0x8d: {  	[tilespmem:s14], [sflag:$0x1] =	stream.linear.gather [hbm4b:s13+s14], $0xE0, $0x38;
	[tilespmem:$0x1F5C0] =	vst v63  }
0x8e: {  	_ =	swait.ge [sflag:s24], $0xE0  }
0x8f: {  	[sflag:s24] =	ssyncset.done $0x0  }
0x90: {  	[sflag:s24] =	ssyncadd.s32 $0xFFFFFF20  }
0x91: {  	[tilespmem:s22], [sflag:$0x3] =	stream.indirect.gather [hbm4b:s5+s25], $0x90, s14, s25, $0xb8;
	[tilespmem:$0x1F5C0] =	vst v63  }
0x92: {  	_ = 	snop  }
0x93: {  	[tilespmem:s26], [sflag:$0x5] =	stream.indirect.gather [hbm4b:s2+s25], $0x10, s25, s25, $0xb8;
	[tilespmem:$0x1F5C0] =	vst v63  }
0x94: {  	_ =	swait.ge [sflag:s4], $0x3F00  }
0x95: {  	[sflag:s4] =	ssyncset.done $0x0  }
0x96: {  	[sflag:s4] =	ssyncadd.s32 $0xFFFFC100  }
0x97: {  	_ =	swait.ge [sflag:s7], $0x700  }
0x98: {  	[sflag:s7] =	ssyncset.done $0x0  }
0x99: {  	s13 =	simm.s32 $0x4100;
	[sflag:s7] =	ssyncadd.s32 $0xFFFFF900  }
0x9a: {  	s15 =	simm.s32 $0x40;
	s19 =	simm.s32 $0x0;
	s14 =	simm.s32 $0x4100;
	v1 =	vld [tilespmem:s13+$0x40]  }
.LBB2_7:
0x9b: {  	p0 =	sne.s32 s15, $0x1BC0;
	v2 =	vld [tilespmem:s19+$0x86C0];
	_ =	sdelay $0x4  }
0x9c: {  	v1 =	vadd.f32 v2, v1;
	_ =	sdelay $0x1  }
0x9d: {  	v2 =	vmul.f32 $2.000000030e-01, v1;
	_ =	sdelay $0x1  }
0x9e: {  	v1 =	vmax.f32 v1, v2  }
0x9f: {  	v1 =	vmul.f32 $1.442695020e+00, v1;
	_ =	sdelay $0x1  }
0xa0: {  	(erf) = vpow2.f32 v1;
	_ =	sdelay $0x4  }
0xa1: {  	v1 =	vld [tilespmem:s13+$0xFFFFFFF0]  }
0xa2: {  	v2 =	vld [tilespmem:s13+$0xFFFFFFD0]  }
0xa3: {  	v3 =	vld [tilespmem:s13+$0xFFFFFFC0]  }
0xa4: {  	v4 =	vld [tilespmem:s13+$0xFFFFFFE0]  }
0xa5: {  	v5 =	vld [tilespmem:s13+$0x30];
	v6 =	vpop (erf)  }
0xa6: {  	[tilespmem:s13+$0x40] =	vst v6;
	v7 =	vbroadcast v6, $0x0;
	v8 =	vbroadcast v6, $0x1;
	v9 =	vld [tilespmem:s13+$0x10]  }
0xa7: {  	v10 =	vbroadcast v6, $0x2;
	v11 =	vbroadcast v6, $0x3;
	v12 =	vld [tilespmem:s13+$0x0]  }
0xa8: {  	v3 =	vmul.f32 v7, v3;
	v2 =	vmul.f32 v8, v2;
	v7 =	vld [tilespmem:s13+$0x20]  }
0xa9: {  	v1 =	vmul.f32 v1, v11;
	v4 =	vmul.f32 v10, v4  }
0xaa: {  	v8 =	vbroadcast v6, $0x5;
	[tilespmem:s13+$0xFFFFFFC0] =	vst v3;
	v3 =	vbroadcast v6, $0x4  }
0xab: {  	[tilespmem:s13+$0xFFFFFFD0] =	vst v2;
	v2 =	vbroadcast v6, $0x6;
	v6 =	vbroadcast v6, $0x7  }
0xac: {  	[tilespmem:s13+$0xFFFFFFE0] =	vst v4;
	v3 =	vmul.f32 v12, v3;
	v4 =	vmul.f32 v9, v8  }
.Ltmp2:
0xad: {  	[tilespmem:s13+$0xFFFFFFF0] =	vst v1;
	v1 =	vmul.f32 v7, v2;
	v2 =	vmul.f32 v5, v6;
	(pc) =	sbr.rel @p0 .LBB2_7-.Ltmp2, $4  }
0xae: {  	[tilespmem:s13+$0x0] =	vst v3  }
0xaf: {  	[tilespmem:s13+$0x10] =	vst v4  }
0xb0: {  	s13 =	sadd.s32 $0x90, s13;
	[tilespmem:s14+$0x20] =	vst v1  }
0xb1: {  	s19 =	sshra.s32 s15, $0x2;
	s15 =	sadd.s32 $0x40, s15;
	v1 =	vld [tilespmem:s13+$0x40];
	[tilespmem:s14+$0x30] =	vst v2;
	s14 =	smov.u32 s13  }
0xb2: {  	v2 =	vld [tilespmem:s19+$0x86C0];
	_ =	sdelay $0x4  }
0xb3: {  	v1 =	vadd.f32 v2, v1;
	_ =	sdelay $0x1  }
0xb4: {  	v2 =	vmul.f32 $2.000000030e-01, v1;
	_ =	sdelay $0x1  }
0xb5: {  	v1 =	vmax.f32 v1, v2  }
0xb6: {  	v1 =	vmul.f32 $1.442695020e+00, v1;
	_ =	sdelay $0x1  }
0xb7: {  	(erf) = vpow2.f32 v1;
	_ =	sdelay $0x6  }
0xb8: {  	v2 =	vld [tilespmem:s13+$0xFFFFFFC0]  }
0xb9: {  	v3 =	vld [tilespmem:s13+$0xFFFFFFD0]  }
0xba: {  	v4 =	vld [tilespmem:s13+$0xFFFFFFE0];
	v5 =	vpop (erf)  }
0xbb: {  	v1 =	vld [tilespmem:s13+$0xFFFFFFF0];
	v7 =	vbroadcast v5, $0x0  }
0xbc: {  	v10 =	vld [tilespmem:s13+$0x10];
	v8 =	vbroadcast v5, $0x1  }
0xbd: {  	v9 =	vld [tilespmem:s13+$0x0];
	v11 =	vbroadcast v5, $0x2;
	v2 =	vmul.f32 v7, v2  }
0xbe: {  	v60 =	vld [tilespmem:s13+$0x20];
	[tilespmem:s13+$0x40] =	vst v5;
	v59 =	vbroadcast v5, $0x3;
	v3 =	vmul.f32 v8, v3  }
0xbf: {  	v6 =	vld [tilespmem:s13+$0x30];
	v61 =	vbroadcast v5, $0x5;
	v4 =	vmul.f32 v11, v4;
	[tilespmem:s13+$0xFFFFFFC0] =	vst v2  }
0xc0: {  	v1 =	vmul.f32 v1, v59;
	v2 =	vbroadcast v5, $0x4;
	[tilespmem:s13+$0xFFFFFFD0] =	vst v3  }
0xc1: {  	v63 =	vmul.f32 v10, v61;
	v3 =	vbroadcast v5, $0x6;
	[tilespmem:s13+$0xFFFFFFE0] =	vst v4  }
0xc2: {  	v62 =	vbroadcast v5, $0x7;
	[tilespmem:s13+$0xFFFFFFF0] =	vst v1;
	v2 =	vmul.f32 v9, v2  }
0xc3: {  	[tilespmem:s13+$0x10] =	vst v63;
	v1 =	vmul.f32 v60, v3  }
0xc4: {  	p0 =	sge.u32 s10, s16;
	[tilespmem:s13+$0x0] =	vst v2;
	v2 =	vmul.f32 v6, v62  }
0xc5: {  	s11 =	sadd.s32 @!p0 s11, s18;
	[tilespmem:s14+$0x20] =	vst v1  }
0xc6: {  	s11 =	smul.u32 @!p0 $0x1C, s11;
	[tilespmem:s14+$0x30] =	vst v2  }
0xc7: {  	[spmem:s3] =	stream.indirect.scatter.add.f32 [tilespmem:s29], [sflag:$0x7], $0x90, s30, s25, $0xb8;
	[tilespmem:$0x1F5C0] =	vst v63  }
0xc8: {  	_ =	swait.ge [sflag:s23], $0x3F00  }
0xc9: {  	s10 =	sadd.s32 $0x1, s10;
	s11 =	sadd.s32 @!p0 s6, s11;
	[sflag:s23] =	ssyncset.done $0x0  }
0xca: {  	s13 =	simm.s32 @!p0 $0x0;
	s14 =	simm.s32 @!p0 $0xE0;
	[sflag:s23] =	ssyncadd.s32 $0xFFFFC100  }
0xcb: {  	[tilespmem:s14], [sflag:$0x2] =	stream.linear.gather @!p0 [hbm4b:s11+s13], $0xE0, $0x38;
	[tilespmem:$0x1F5C0] =	vst v63  }
0xcc: {  	p0 =	sne.s32 s10, s12  }
.Ltmp3:
0xcd: {  	_ = 	snop;
	(pc) =	sbr.rel @p0 .LBB2_4-.Ltmp3, $1  }
0xce: {  	_ =	sdelay $0x3  }
0xcf: {  	_ =	swait.ge [sflag:s0], $0x3F00  }
0xd0: {  	[sflag:s0] =	ssyncset.done $0x0  }
0xd1: {  	[sflag:s0] =	ssyncadd.s32 $0xFFFFC100  }
0xd2: {  	_ =	swait.ge [sflag:s1], $0x700  }
0xd3: {  	[sflag:s1] =	ssyncset.done $0x0  }
0xd4: {  	s10 =	simm.s32 $0x200;
	[sflag:s1] =	ssyncadd.s32 $0xFFFFF900  }
0xd5: {  	s14 =	simm.s32 $0x0;
	s13 =	simm.s32 $0x40;
	s11 =	simm.s32 $0x200;
	v1 =	vld [tilespmem:s10+$0x40]  }
.LBB2_10:
0xd6: {  	p0 =	sne.s32 s13, $0x1BC0;
	v2 =	vld [tilespmem:s14+$0x7FC0];
	_ =	sdelay $0x4  }
0xd7: {  	v1 =	vadd.f32 v2, v1;
	_ =	sdelay $0x1  }
0xd8: {  	v2 =	vmul.f32 $2.000000030e-01, v1;
	_ =	sdelay $0x1  }
0xd9: {  	v1 =	vmax.f32 v1, v2  }
0xda: {  	v1 =	vmul.f32 $1.442695020e+00, v1;
	_ =	sdelay $0x1  }
0xdb: {  	(erf) = vpow2.f32 v1;
	_ =	sdelay $0x4  }
0xdc: {  	v1 =	vld [tilespmem:s10+$0xFFFFFFF0]  }
0xdd: {  	v2 =	vld [tilespmem:s10+$0xFFFFFFD0]  }
0xde: {  	v3 =	vld [tilespmem:s10+$0xFFFFFFC0]  }
0xdf: {  	v4 =	vld [tilespmem:s10+$0xFFFFFFE0]  }
0xe0: {  	v5 =	vld [tilespmem:s10+$0x30];
	v6 =	vpop (erf)  }
0xe1: {  	[tilespmem:s10+$0x40] =	vst v6;
	v7 =	vbroadcast v6, $0x0;
	v8 =	vbroadcast v6, $0x1;
	v9 =	vld [tilespmem:s10+$0x10]  }
0xe2: {  	v10 =	vbroadcast v6, $0x2;
	v11 =	vbroadcast v6, $0x3;
	v12 =	vld [tilespmem:s10+$0x0]  }
0xe3: {  	v3 =	vmul.f32 v7, v3;
	v2 =	vmul.f32 v8, v2;
	v7 =	vld [tilespmem:s10+$0x20]  }
0xe4: {  	v1 =	vmul.f32 v1, v11;
	v4 =	vmul.f32 v10, v4  }
0xe5: {  	v8 =	vbroadcast v6, $0x5;
	[tilespmem:s10+$0xFFFFFFC0] =	vst v3;
	v3 =	vbroadcast v6, $0x4  }
0xe6: {  	[tilespmem:s10+$0xFFFFFFD0] =	vst v2;
	v2 =	vbroadcast v6, $0x6;
	v6 =	vbroadcast v6, $0x7  }
0xe7: {  	[tilespmem:s10+$0xFFFFFFE0] =	vst v4;
	v3 =	vmul.f32 v12, v3;
	v4 =	vmul.f32 v9, v8  }
.Ltmp4:
0xe8: {  	[tilespmem:s10+$0xFFFFFFF0] =	vst v1;
	v1 =	vmul.f32 v7, v2;
	v2 =	vmul.f32 v5, v6;
	(pc) =	sbr.rel @p0 .LBB2_10-.Ltmp4, $4  }
0xe9: {  	[tilespmem:s10+$0x0] =	vst v3  }
0xea: {  	[tilespmem:s10+$0x10] =	vst v4  }
0xeb: {  	s10 =	sadd.s32 $0x90, s10;
	[tilespmem:s11+$0x20] =	vst v1  }
0xec: {  	s14 =	sshra.s32 s13, $0x2;
	s13 =	sadd.s32 $0x40, s13;
	v1 =	vld [tilespmem:s10+$0x40];
	[tilespmem:s11+$0x30] =	vst v2;
	s11 =	smov.u32 s10  }
0xed: {  	v2 =	vld [tilespmem:s14+$0x7FC0];
	_ =	sdelay $0x4  }
0xee: {  	v1 =	vadd.f32 v2, v1;
	_ =	sdelay $0x1  }
0xef: {  	v2 =	vmul.f32 $2.000000030e-01, v1;
	_ =	sdelay $0x1  }
0xf0: {  	v1 =	vmax.f32 v1, v2  }
0xf1: {  	v1 =	vmul.f32 $1.442695020e+00, v1;
	_ =	sdelay $0x1  }
0xf2: {  	(erf) = vpow2.f32 v1;
	_ =	sdelay $0x6  }
0xf3: {  	v2 =	vld [tilespmem:s10+$0xFFFFFFC0]  }
0xf4: {  	v3 =	vld [tilespmem:s10+$0xFFFFFFD0]  }
0xf5: {  	v4 =	vld [tilespmem:s10+$0xFFFFFFE0];
	v5 =	vpop (erf)  }
0xf6: {  	v1 =	vld [tilespmem:s10+$0xFFFFFFF0];
	v7 =	vbroadcast v5, $0x0  }
0xf7: {  	v10 =	vld [tilespmem:s10+$0x10];
	v8 =	vbroadcast v5, $0x1  }
0xf8: {  	v9 =	vld [tilespmem:s10+$0x0];
	v11 =	vbroadcast v5, $0x2;
	v2 =	vmul.f32 v7, v2  }
0xf9: {  	v60 =	vld [tilespmem:s10+$0x20];
	[tilespmem:s10+$0x40] =	vst v5;
	v59 =	vbroadcast v5, $0x3;
	v3 =	vmul.f32 v8, v3  }
0xfa: {  	v6 =	vld [tilespmem:s10+$0x30];
	v61 =	vbroadcast v5, $0x5;
	v4 =	vmul.f32 v11, v4;
	[tilespmem:s10+$0xFFFFFFC0] =	vst v2  }
0xfb: {  	v1 =	vmul.f32 v1, v59;
	v2 =	vbroadcast v5, $0x4;
	[tilespmem:s10+$0xFFFFFFD0] =	vst v3  }
0xfc: {  	v63 =	vmul.f32 v10, v61;
	v3 =	vbroadcast v5, $0x6;
	[tilespmem:s10+$0xFFFFFFE0] =	vst v4  }
0xfd: {  	v62 =	vbroadcast v5, $0x7;
	[tilespmem:s10+$0xFFFFFFF0] =	vst v1;
	v2 =	vmul.f32 v9, v2  }
0xfe: {  	[tilespmem:s10+$0x10] =	vst v63;
	v1 =	vmul.f32 v60, v3  }
0xff: {  	[tilespmem:s10+$0x0] =	vst v2;
	v2 =	vmul.f32 v6, v62  }
0x100: {  	[tilespmem:s11+$0x20] =	vst v1  }
0x101: {  	[tilespmem:s11+$0x30] =	vst v2  }
0x102: {  	[spmem:s3] =	stream.indirect.scatter.add.f32 [tilespmem:s22], [sflag:$0x7], $0x90, s25, s25, $0xb8;
	[tilespmem:$0x1F5C0] =	vst v63  }
0x103: {  	_ =	swait.ge [sflag:s23], $0x3F00  }
0x104: {  	s15 =	stileid.u32;
	[sflag:s23] =	ssyncset.done $0x0  }
0x105: {  	s19 =	sshrl.u32 s9, $0x3;
	s8 =	sadd.s32 $0x1, s8;
	[sflag:s23] =	ssyncadd.s32 $0xFFFFC100  }
0x106: {  	p0 =	sne.s32 s8, s20;
	s10 =	sshll.u32 s15, $0x6;
	[bflag:$0x0] =	sbarrier.arrive $0xFFFF  }
.Ltmp5:
0x107: {  	s10 =	sor.u32 $0x1C07, s10;
	s13 =	rddreg [dreg:$0xb];
	(pc) =	sbr.rel @p0 .LBB2_1-.Ltmp5, $4  }
0x108: {  	[hbm:s13], [sflag:s10] =	dma.local [spmem:s19], $0x2D00  }
0x109: {  	_ =	swait.ge [sflag:s23], $0x2D00  }
0x10a: {  	[sflag:s23] =	ssyncset.done $0x0  }
0x10b: {  	[sflag:s23] =	ssyncadd.s32 $0xFFFFD300  }
0x10c: {  	_ =	sfence.sel $0x180000  }
0x10d: {  	[bflag:$0x0] =	sbarrier.arrive $0xFFFF  }
0x10e: {  	_ =	strace $0x90000047  }
0x10f: {  	s0 =	stileid.u32;
	[bflag:$0x2] =	sbarrier.arrive $0xFFFF  }
0x110: {  	p0 =	sne.s32 s0, $0x0;
	s0 =	rddreg [dreg:$0x3]  }
0x111: {  	s0 =	sadd.s32 @!p0 $0x100000, s0  }
0x112: {  	[sflag:s0] =	ssyncadd.tile.s32 @!p0 $0x1;
	_ =	shalt  }
.Lfunc_end2:
_tile_overlayer_lowered:
.L_overlay_start_2:
0x113: {  	(tag) =	ssettag $0x2  }
0x114: {  	s0 =	rddreg [dreg:$0x0];
	s2 =	stileid.u32  }
0x115: {  	s1 =	rddreg [dreg:$0x1];
	p0 =	sne.s32 s2, $0x0  }
0x116: {  	s3 =	rddreg [dreg:$0x2];
	[bflag:$0x3] =	sbarrier.arrive $0xFFFF;
	s2 =	simm.s32 @!p0 $0x1C07  }
0x117: {  	[timem:s3], [sflag:s2] =	dma.local @!p0 [hbm:s0], s1  }
0x118: {  	s0 =	simm.s32 @!p0 $0x7  }
0x119: {  	_ =	swait.ge @!p0 [sflag:s0], s1  }
0x11a: {  	s1 =	ssub.s32 @!p0 $0x0, s1;
	[sflag:s0] =	ssyncset.done @!p0 $0x0  }
0x11b: {  	[sflag:s0] =	ssyncadd.s32 @!p0 s1  }
0x11c: {  	[bflag:$0x3] =	sbarrier.arrive $0xFFFF  }
0x11d: {  	_ =	shalt  }

</sc_bundles>
